<compile_context>
chip_gen: v7x
topology: tpu7x:2x2x1
jax: 0.10.2.dev20260603
libtpu: 0.0.44.dev20260713+nightly
codegen_flags: <defaults>
</compile_context>

<pallas_src>
import functools

import jax
import jax.numpy as jnp
from jax import lax
from jax.experimental import pallas as pl
from jax.experimental.pallas import tpu as pltpu, tpu_sc as plsc

N = 10000
D = 128
C = 64
E = 320000
NC = 2
NS = 16
P = 10240
SLICE = P // NS
EPAD = 327680
EROWS = EPAD // 128
CH = 4
BR = 1024
GRID = P // BR
R0_ROWS = 2432

EC = 1024
ET_FULL = EPAD // NS
ET_HALF = EPAD // (NC * NS)
NIT_DF = ET_FULL // EC
NIT_AH = ET_HALF // EC

_MESH = plsc.VectorSubcoreMesh(core_axis_name="c", subcore_axis_name="s")


def _tca_body(feat, attn, lr, lab0, laboh, maskf, W1, b1, W2, b2,
              el_o, expel_o, sa_o, keep_o, base_o, g0_o, madd_o):
    x = feat[...]
    el = jnp.sum(x * attn[...], axis=1, keepdims=True)
    expel = jnp.exp(el)
    lrv = lr[...]
    sa = 1.0 / (1.0 + jnp.exp(-lrv))
    sna = 1.0 / (1.0 + jnp.exp(lrv))
    h1 = jnp.maximum(jnp.dot(x, W1[...], preferred_element_type=jnp.float32)
                     + b1[...], 0.0)
    mlp = jnp.dot(h1, W2[...], preferred_element_type=jnp.float32) + b2[...]
    m = maskf[...]
    el_o[...] = el
    expel_o[...] = expel
    sa_o[...] = sa
    keep_o[...] = 1.0 - m
    base_o[...] = sna * mlp
    g0_o[...] = expel * lab0[...]
    madd_o[...] = laboh[...] * m


def _tca(feat, attn, lr, lab0, laboh, maskf, W1, b1, W2, b2):
    f32 = jnp.float32
    col = jax.ShapeDtypeStruct((P, 1), f32)
    mat = jax.ShapeDtypeStruct((P, C), f32)
    return pl.pallas_call(
        _tca_body,
        grid=(GRID,),
        in_specs=[
            pl.BlockSpec((BR, D), lambda i: (i, 0)),
            pl.BlockSpec((1, D), lambda i: (0, 0)),
            pl.BlockSpec((BR, 1), lambda i: (i, 0)),
            pl.BlockSpec((BR, C), lambda i: (i, 0)),
            pl.BlockSpec((BR, C), lambda i: (i, 0)),
            pl.BlockSpec((BR, 1), lambda i: (i, 0)),
            pl.BlockSpec((D, D), lambda i: (0, 0)),
            pl.BlockSpec((1, D), lambda i: (0, 0)),
            pl.BlockSpec((D, C), lambda i: (0, 0)),
            pl.BlockSpec((1, C), lambda i: (0, 0)),
        ],
        out_specs=[
            pl.BlockSpec((BR, 1), lambda i: (i, 0)),
            pl.BlockSpec((BR, 1), lambda i: (i, 0)),
            pl.BlockSpec((BR, 1), lambda i: (i, 0)),
            pl.BlockSpec((BR, 1), lambda i: (i, 0)),
            pl.BlockSpec((BR, C), lambda i: (i, 0)),
            pl.BlockSpec((BR, C), lambda i: (i, 0)),
            pl.BlockSpec((BR, C), lambda i: (i, 0)),
        ],
        out_shape=[col, col, col, col, mat, mat, mat],
    )(feat, attn, lr, lab0, laboh, maskf, W1, b1, W2, b2)


def _tcc_body(p0, p1, denom, sa, keep, base, madd, expel, h_o, g_o):
    d = jnp.maximum(denom[...], 1e-37)
    agg = (p0[...] + p1[...]) / d
    h = (sa[...] * agg + base[...]) * keep[...] + madd[...]
    h_o[...] = h
    g_o[...] = expel[...] * h


def _tcc(p0, p1, denom, sa, keep, base, madd, expel):
    f32 = jnp.float32
    mat = jax.ShapeDtypeStruct((P, C), f32)
    blk_m = pl.BlockSpec((BR, C), lambda i: (i, 0))
    blk_c = pl.BlockSpec((BR, 1), lambda i: (i, 0))
    return pl.pallas_call(
        _tcc_body,
        grid=(GRID,),
        in_specs=[blk_m, blk_m, blk_c, blk_c, blk_c, blk_m, blk_m, blk_c],
        out_specs=[blk_m, blk_m],
        out_shape=[mat, mat],
    )(p0, p1, denom, sa, keep, base, madd, expel)


@functools.partial(
    pl.kernel,
    out_type=(jax.ShapeDtypeStruct((P,), jnp.float32),
              jax.ShapeDtypeStruct((EPAD,), jnp.float32)),
    mesh=_MESH,
    compiler_params=pltpu.CompilerParams(use_tc_tiling_on_sc=False,
                                         needs_layout_passes=False),
    scratch_types=[
        pltpu.VMEM((EC,), jnp.int32),
        pltpu.VMEM((EC,), jnp.int32),
        pltpu.VMEM((EC,), jnp.float32),
        pltpu.VMEM((P,), jnp.float32),
        pltpu.VMEM((P,), jnp.float32),
        pltpu.VMEM((SLICE,), jnp.float32),
        pltpu.VMEM((SLICE,), jnp.float32),
        pltpu.VMEM_SHARED((NS, P), jnp.float32),
        pltpu.VMEM_SHARED((P,), jnp.float32),
        pltpu.SemaphoreType.DMA,
    ],
)
def _sc1(src1d, dst1d, expel1d, denom_o, a_o,
         sidx, didx, av, expel_v, denom_v, acc_v, tmp_v,
         parts_sh, denom_sh, sem):
    c = lax.axis_index("c")
    s = lax.axis_index("s")
    off = pl.multiple_of(s * SLICE, 8)
    z16 = jnp.zeros((16,), jnp.float32)

    pltpu.sync_copy(expel1d, expel_v)

    def zbody(i, carry):
        denom_v[pl.ds(pl.multiple_of(i * 16, 8), 16)] = z16
        return carry

    lax.fori_loop(0, P // 16, zbody, 0)

    def dbody(j, carry):
        base = pl.multiple_of(s * ET_FULL + j * EC, 8)
        pltpu.sync_copy(src1d.at[pl.ds(base, EC)], sidx)
        pltpu.sync_copy(dst1d.at[pl.ds(base, EC)], didx)

        def ebody(k, carry2):
            o = pl.multiple_of(k * 16, 8)
            si = sidx[pl.ds(o, 16)]
            di = didx[pl.ds(o, 16)]
            ev = plsc.load_gather(expel_v, [si])
            plsc.addupdate_scatter(denom_v, [di], ev)
            return carry2

        lax.fori_loop(0, EC // 16, ebody, 0)
        return carry

    lax.fori_loop(0, NIT_DF, dbody, 0)

    pltpu.sync_copy(denom_v, parts_sh.at[s])
    plsc.subcore_barrier()

    def zacc(i, carry):
        acc_v[pl.ds(pl.multiple_of(i * 16, 8), 16)] = z16
        return carry

    lax.fori_loop(0, SLICE // 16, zacc, 0)

    def mbody(t, carry):
        pltpu.sync_copy(parts_sh.at[t, pl.ds(off, SLICE)], tmp_v)

        def addb(i, carry2):
            o = pl.multiple_of(i * 16, 8)
            acc_v[pl.ds(o, 16)] = acc_v[pl.ds(o, 16)] + tmp_v[pl.ds(o, 16)]
            return carry2

        lax.fori_loop(0, SLICE // 16, addb, 0)
        return carry

    lax.fori_loop(0, NS, mbody, 0)

    pltpu.sync_copy(acc_v, denom_sh.at[pl.ds(off, SLICE)])

    @pl.when(c == 0)
    def _():
        pltpu.sync_copy(acc_v, denom_o.at[pl.ds(off, SLICE)])

    plsc.subcore_barrier()
    pltpu.sync_copy(denom_sh, denom_v)

    def abody(j, carry):
        base = pl.multiple_of((c * NS + s) * ET_HALF + j * EC, 8)
        pltpu.sync_copy(src1d.at[pl.ds(base, EC)], sidx)
        pltpu.sync_copy(dst1d.at[pl.ds(base, EC)], didx)

        def ebody(k, carry2):
            o = pl.multiple_of(k * 16, 8)
            si = sidx[pl.ds(o, 16)]
            di = didx[pl.ds(o, 16)]
            ev = plsc.load_gather(expel_v, [si])
            dv = plsc.load_gather(denom_v, [di])
            av[pl.ds(o, 16)] = ev / dv
            return carry2

        lax.fori_loop(0, EC // 16, ebody, 0)
        pltpu.sync_copy(av, a_o.at[pl.ds(base, EC)])
        return carry

    lax.fori_loop(0, NIT_AH, abody, 0)


@functools.partial(
    pl.kernel,
    out_type=jax.ShapeDtypeStruct((NC, P, C), jnp.float32),
    mesh=_MESH,
    compiler_params=pltpu.CompilerParams(use_tc_tiling_on_sc=False,
                                         needs_layout_passes=False),
    scratch_types=[
        pltpu.VMEM((2 * CH, 128), jnp.int32),
        pltpu.VMEM((2 * CH, 128), jnp.int32),
        pltpu.VMEM((2 * CH * 128, C), jnp.float32),
        pltpu.VMEM_SHARED((P, C), jnp.float32),
        pltpu.SemaphoreType.DMA,
        pltpu.SemaphoreType.DMA,
        pltpu.SemaphoreType.DMA,
        pltpu.SemaphoreType.DMA,
    ],
)
def _sc_layer(src2d, dst2d, g_hbm, zeros2d, parts_o,
              sidx, didx, rows, agg_sh, smga, smgb, smsa, smsb):
    c = lax.axis_index("c")
    s = lax.axis_index("s")
    off = pl.multiple_of(s * SLICE, 8)
    pltpu.sync_copy(zeros2d.at[pl.ds(off, SLICE)], agg_sh.at[pl.ds(off, SLICE)])
    plsc.subcore_barrier()

    rpt = jnp.where(c == 0, R0_ROWS // NS, (EROWS - R0_ROWS) // NS)
    start_c = jnp.where(c == 0, 0, R0_ROWS)
    nit = rpt // (2 * CH)

    def body(i, carry):
        row0 = pl.multiple_of(start_c + s * rpt + i * (2 * CH), 8)
        pltpu.sync_copy(src2d.at[pl.ds(row0, 2 * CH)], sidx)
        pltpu.sync_copy(dst2d.at[pl.ds(row0, 2 * CH)], didx)
        ga = [pltpu.async_copy(g_hbm.at[sidx.at[b]],
                               rows.at[pl.ds(b * 128, 128)], smga)
              for b in range(CH)]
        for cp in ga:
            cp.wait()
        sa = [pltpu.async_copy(rows.at[pl.ds(b * 128, 128)],
                               agg_sh.at[didx.at[b]], smsa, add=True)
              for b in range(CH)]
        gb = [pltpu.async_copy(g_hbm.at[sidx.at[CH + b]],
                               rows.at[pl.ds((CH + b) * 128, 128)], smgb)
              for b in range(CH)]
        for cp in gb:
            cp.wait()
        sb = [pltpu.async_copy(rows.at[pl.ds((CH + b) * 128, 128)],
                               agg_sh.at[didx.at[CH + b]], smsb, add=True)
              for b in range(CH)]
        for cp in sa + sb:
            cp.wait()
        return carry

    lax.fori_loop(0, nit, body, 0)
    plsc.subcore_barrier()

    @pl.when(c == 0)
    def _():
        pltpu.sync_copy(agg_sh.at[pl.ds(off, SLICE)],
                        parts_o.at[0].at[pl.ds(off, SLICE)])

    @pl.when(c == 1)
    def _():
        pltpu.sync_copy(agg_sh.at[pl.ds(off, SLICE)],
                        parts_o.at[1].at[pl.ds(off, SLICE)])


def kernel(features, label_init, edge_index, byte_idx_train, labels_one_hot,
           attn_l, lr_alpha, W1, b1, W2, b2):
    f32 = jnp.float32
    src = edge_index[0]
    dst = edge_index[1]
    padn = P - N
    pade = EPAD - E
    srcp = jnp.concatenate([src, jnp.zeros((pade,), jnp.int32)])
    pad_dst = N + (jnp.arange(pade, dtype=jnp.int32) % (P - N))
    dstp = jnp.concatenate([dst, pad_dst])
    src2d = srcp.reshape(EROWS, 128)
    dst2d = dstp.reshape(EROWS, 128)

    featp = jnp.pad(features, ((0, padn), (0, 0)))
    lab0p = jnp.pad(label_init, ((0, padn), (0, 0)))
    labohp = jnp.pad(labels_one_hot, ((0, padn), (0, 0)))
    maskp = jnp.pad(byte_idx_train.astype(f32), ((0, padn), (0, 0)),
                    constant_values=1.0)
    lrp = jnp.pad(lr_alpha, ((0, padn), (0, 0)))
    zeros2d = jnp.zeros((P, C), f32)

    el2, expel2, sa2, keep2, base, g0, madd = _tca(
        featp, attn_l, lrp, lab0p, labohp, maskp,
        W1, b1.reshape(1, D), W2, b2.reshape(1, C))

    expel1d = expel2.reshape(P)
    denom1d, a_pad = _sc1(srcp, dstp, expel1d)
    denom2 = denom1d.reshape(P, 1)

    parts1 = _sc_layer(src2d, dst2d, g0, zeros2d)
    _h1, g1 = _tcc(parts1[0], parts1[1], denom2, sa2, keep2, base, madd, expel2)
    parts2 = _sc_layer(src2d, dst2d, g1, zeros2d)
    h2, _g2 = _tcc(parts2[0], parts2[1], denom2, sa2, keep2, base, madd, expel2)

    logits = h2[:N]
    a = a_pad[:E]
    sa_out = sa2[:N, 0]
    el_out = el2[:N, 0]
    er = jnp.zeros((N,), f32)
    return (logits, a, sa_out, el_out, er)

# --- scband reference (transcript-rebuilt; emitter-appended) ---
"""Pipeline reference for scband-plp-1211180777627 (READ-ONLY COPY).

The authoritative reference and input builder live on the scoring server;
editing this copy changes nothing except your own understanding.
"""

import jax, jax.numpy as jnp
import numpy as np

N = 10000
E = 320000
D = 128
H = 128
C = 64
NUM_LAYERS = 2


def setup_inputs(seed: int = 0):
    key = jax.random.key(seed)
    ks = jax.random.split(key, 10)
    src = jax.random.randint(ks[0], (E - N,), 0, N)
    dst = jax.random.randint(ks[1], (E - N,), 0, N)
    loops = jnp.arange(N)
    edge_index = jnp.stack([jnp.concatenate([src, loops]), jnp.concatenate([dst, loops])]).astype(jnp.int32)
    features = jax.random.normal(ks[2], (N, D), dtype=jnp.float32)
    label_init = jax.nn.softmax(jax.random.normal(ks[3], (N, C), dtype=jnp.float32), axis=-1)
    byte_idx_train = jax.random.bernoulli(ks[4], 0.5, (N, 1))
    labels_one_hot = jax.nn.one_hot(jax.random.randint(ks[5], (N,), 0, C), C, dtype=jnp.float32)
    attn_l = jax.random.normal(ks[6], (1, D), dtype=jnp.float32) * 0.1
    lr_alpha = jnp.zeros((N, 1), dtype=jnp.float32)
    W1 = jax.random.normal(ks[7], (D, H), dtype=jnp.float32) * (1.0 / np.sqrt(D))
    b1 = jnp.zeros((H,), dtype=jnp.float32)
    W2 = jax.random.normal(ks[8], (H, C), dtype=jnp.float32) * (1.0 / np.sqrt(H))
    b2 = jnp.zeros((C,), dtype=jnp.float32)
    return {"features": features, "label_init": label_init, "edge_index": edge_index,
            "byte_idx_train": byte_idx_train, "labels_one_hot": labels_one_hot,
            "attn_l": attn_l, "lr_alpha": lr_alpha, "W1": W1, "b1": b1, "W2": W2, "b2": b2}


def reference(features, label_init, edge_index, byte_idx_train, labels_one_hot, attn_l, lr_alpha, W1, b1, W2, b2):
    n = features.shape[0]
    src = edge_index[0]
    dst = edge_index[1]
    # ptype == 'ind': el = (feat * attn_l).sum(-1, keepdim); er = zeros over dst nodes
    el = jnp.sum(features * attn_l, axis=-1, keepdims=True)  # [N, 1]
    er = jnp.zeros((n,), dtype=features.dtype)  # [N]
    # u_add_v -> per-edge logits, then edge_softmax normalized over incoming edges of each dst
    e = el[src] + er[dst][:, None]  # [E, 1]
    emax = jax.ops.segment_max(e, dst, num_segments=n)
    ee = jnp.exp(e - emax[dst])
    denom = jax.ops.segment_sum(ee, dst, num_segments=n)
    a = ee / denom[dst]  # [E, 1]
    sa = jax.nn.sigmoid(lr_alpha)
    sna = jax.nn.sigmoid(-lr_alpha)
    # MLP2 with num_layers=2 (dropout is identity in eval)
    mlp_out = jnp.maximum(features @ W1 + b1, 0.0) @ W2 + b2  # [N, C]
    maskf = byte_idx_train.astype(features.dtype)  # [N, 1]
    masked_labels = labels_one_hot * maskf
    h = label_init
    for _ in range(NUM_LAYERS):
        # u_mul_e then sum-aggregate by dst: propagate soft labels weighted by attention
        m = h[src] * a  # [E, C]
        agg = jax.ops.segment_sum(m, dst, num_segments=n)  # [N, C]
        rst = sa * agg + sna * mlp_out
        h = rst * (1.0 - maskf) + masked_labels
    logits = h * (1.0 - maskf) + masked_labels
    return (logits, a[:, 0], sa[:, 0], el[:, 0], er)

if __name__ == "__main__":
    import jax
    _d = setup_inputs()
    print(jax.jit(kernel)(*tuple(_d.values())))

</pallas_src>

<mosaic_0001>
#map = affine_map<(d0, d1) -> (0, 0)>
#map1 = affine_map<(d0, d1) -> (0, 0, 0)>
module attributes {stable_mosaic.version = 14 : i64} {
  func.func @_sc_layer(%arg0: i32, %arg1: i32, %arg2: memref<2560x128xi32, #tpu.memory_space<hbm>>, %arg3: memref<2560x128xi32, #tpu.memory_space<hbm>>, %arg4: memref<10240x64xf32, #tpu.memory_space<hbm>>, %arg5: memref<10240x64xf32, #tpu.memory_space<hbm>>, %arg6: memref<2x10240x64xf32, #tpu.memory_space<hbm>>, %arg7: memref<8x128xi32, #tpu.memory_space<vmem>>, %arg8: memref<8x128xi32, #tpu.memory_space<vmem>>, %arg9: memref<1024x64xf32, #tpu.memory_space<vmem>>, %arg10: memref<10240x64xf32, #tpu.memory_space<vmem_shared>>, %arg11: memref<!tpu.dma_semaphore, #tpu.memory_space<semaphore_mem>>, %arg12: memref<!tpu.dma_semaphore, #tpu.memory_space<semaphore_mem>>, %arg13: memref<!tpu.dma_semaphore, #tpu.memory_space<semaphore_mem>>, %arg14: memref<!tpu.dma_semaphore, #tpu.memory_space<semaphore_mem>>) attributes {dimension_semantics = [#tpu.dimension_semantics<core_parallel>, #tpu.dimension_semantics<subcore_parallel>], iteration_bounds = array<i64: 2, 16>, scalar_prefetch = 0 : i64, scratch_operands = 8 : i64, tpu.core_type = #tpu.core_type<sc_vector_subcore>, window_params = [{transform_indices = #map}, {transform_indices = #map}, {transform_indices = #map}, {transform_indices = #map}, {transform_indices = #map1}]} {
    %mul3A = arith.constant 640 : i32
    %mul3A_0 = arith.muli %arg1, %mul3A : i32
    %multiple_of3A = tpu.assume_multiple %mul3A_0, 8 : i32
    "tpu.region"() ({
      %run_scoped3A = tpu.sem_alloc : memref<!tpu.dma_semaphore, #tpu.memory_space<semaphore_mem>>
      %dma_start3A = arith.constant 0 : i32
      %dma_start3A_44 = tpu.memref_slice %arg10[%multiple_of3A, %dma_start3A] : memref<10240x64xf32, #tpu.memory_space<vmem_shared>> -> memref<640x64xf32, #tpu.memory_space<vmem_shared>>
      %dma_start3A_45 = arith.constant 0 : i32
      %dma_start3A_46 = tpu.memref_slice %arg5[%multiple_of3A, %dma_start3A_45] : memref<10240x64xf32, #tpu.memory_space<hbm>> -> memref<640x64xf32, #tpu.memory_space<hbm>>
      tpu.enqueue_dma source(%dma_start3A_46 : memref<640x64xf32, #tpu.memory_space<hbm>>) target(%dma_start3A_44 : memref<640x64xf32, #tpu.memory_space<vmem_shared>>) target_semaphore(%run_scoped3A : memref<!tpu.dma_semaphore, #tpu.memory_space<semaphore_mem>>)
      %dma_wait3A = arith.constant 0 : i32
      %dma_wait3A_47 = tpu.memref_slice %arg10[%multiple_of3A, %dma_wait3A] : memref<10240x64xf32, #tpu.memory_space<vmem_shared>> -> memref<640x64xf32, #tpu.memory_space<vmem_shared>>
      %dma_wait3A_48 = arith.constant 0 : i32
      %dma_wait3A_49 = tpu.memref_slice %arg5[%multiple_of3A, %dma_wait3A_48] : memref<10240x64xf32, #tpu.memory_space<hbm>> -> memref<640x64xf32, #tpu.memory_space<hbm>>
      tpu.wait_dma2 semaphore(%run_scoped3A : memref<!tpu.dma_semaphore, #tpu.memory_space<semaphore_mem>>) src(%dma_wait3A_49 : memref<640x64xf32, #tpu.memory_space<hbm>>) dst(%dma_wait3A_47 : memref<640x64xf32, #tpu.memory_space<vmem_shared>>)
      tpu.yield
    }) : () -> ()
    %barrier3A = arith.constant 0 : index
    tpu.barrier barrier_id(%barrier3A)
    %eq3A = arith.constant 0 : i32
    %eq3A_1 = arith.cmpi eq, %arg0, %eq3A : i32
    %jit3A = arith.constant 152 : i32
    %jit3A_2 = arith.constant 8 : i32
    %select_n3A = arith.select %eq3A_1, %jit3A, %jit3A_2 : i32
    %eq3A_3 = arith.constant 0 : i32
    %eq3A_4 = arith.cmpi eq, %arg0, %eq3A_3 : i32
    %jit3A_5 = arith.constant 0 : i32
    %jit3A_6 = arith.constant 2432 : i32
    %select_n3A_7 = arith.select %eq3A_4, %jit3A_5, %jit3A_6 : i32
    %jit3A_8 = arith.constant 8 : i32
    %div3A = arith.divsi %select_n3A, %jit3A_8 : i32
    %sign3A = arith.constant 0 : i32
    %sign3A_9 = arith.cmpi sgt, %select_n3A, %sign3A : i32
    %sign3A_10 = arith.extui %sign3A_9 : i1 to i32
    %sign3A_11 = arith.constant 0 : i32
    %sign3A_12 = arith.cmpi slt, %select_n3A, %sign3A_11 : i32
    %sign3A_13 = arith.extui %sign3A_12 : i1 to i32
    %sign3A_14 = arith.subi %sign3A_10, %sign3A_13 : i32
    %sign3A_15 = arith.constant 0 : i32
    %sign3A_16 = arith.cmpi sgt, %jit3A_8, %sign3A_15 : i32
    %sign3A_17 = arith.extui %sign3A_16 : i1 to i32
    %sign3A_18 = arith.constant 0 : i32
    %sign3A_19 = arith.cmpi slt, %jit3A_8, %sign3A_18 : i32
    %sign3A_20 = arith.extui %sign3A_19 : i1 to i32
    %sign3A_21 = arith.subi %sign3A_17, %sign3A_20 : i32
    %ne3A = arith.cmpi ne, %sign3A_14, %sign3A_21 : i32
    %rem3A = arith.remsi %select_n3A, %jit3A_8 : i32
    %ne3A_22 = arith.constant 0 : i32
    %ne3A_23 = arith.cmpi ne, %rem3A, %ne3A_22 : i32
    %and3A = arith.andi %ne3A, %ne3A_23 : i1
    %sub3A = arith.constant 1 : i32
    %sub3A_24 = arith.subi %div3A, %sub3A : i32
    %select_n3A_25 = arith.select %and3A, %sub3A_24, %div3A : i32
    %while3A = arith.constant 0 : i32
    %while3A_26 = arith.constant 0 : i32
    %while3A_27 = arith.subi %select_n3A_25, %while3A_26 : i32
    %while3A_28 = arith.addi %while3A_26, %while3A_27 : i32
    %while3A_29 = arith.constant 1 : i32
    %while3A_30 = arith.divsi %while3A_27, %while3A_29 : i32
    %while3A_31 = arith.muli %while3A_30, %while3A_29 : i32
    %while3A_32 = arith.addi %while3A_26, %while3A_31 : i32
    %while3A_33 = arith.constant 1 : i32
    scf.for %while3A_44 = %while3A_26 to %while3A_32 step %while3A_33  : i32 {
      %mul3A_45 = arith.muli %arg1, %select_n3A : i32
      %add3A = arith.addi %select_n3A_7, %mul3A_45 : i32
      %mul3A_46 = arith.constant 8 : i32
      %mul3A_47 = arith.muli %while3A_44, %mul3A_46 : i32
      %add3A_48 = arith.addi %add3A, %mul3A_47 : i32
      %multiple_of3A_49 = tpu.assume_multiple %add3A_48, 8 : i32
      "tpu.region"() ({
        %run_scoped3A = tpu.sem_alloc : memref<!tpu.dma_semaphore, #tpu.memory_space<semaphore_mem>>
        %dma_start3A_368 = arith.constant 0 : i32
        %dma_start3A_369 = tpu.memref_slice %arg2[%multiple_of3A_49, %dma_start3A_368] : memref<2560x128xi32, #tpu.memory_space<hbm>> -> memref<8x128xi32, #tpu.memory_space<hbm>>
        %dma_start3A_370 = arith.constant 0 : i32
        %dma_start3A_371 = tpu.memref_slice %arg2[%multiple_of3A_49, %dma_start3A_370] : memref<2560x128xi32, #tpu.memory_space<hbm>> -> memref<8x128xi32, #tpu.memory_space<hbm>>
        tpu.enqueue_dma source(%dma_start3A_371 : memref<8x128xi32, #tpu.memory_space<hbm>>) target(%arg7 : memref<8x128xi32, #tpu.memory_space<vmem>>) target_semaphore(%run_scoped3A : memref<!tpu.dma_semaphore, #tpu.memory_space<semaphore_mem>>)
        %dma_wait3A_372 = arith.constant 0 : i32
        %dma_wait3A_373 = tpu.memref_slice %arg2[%multiple_of3A_49, %dma_wait3A_372] : memref<2560x128xi32, #tpu.memory_space<hbm>> -> memref<8x128xi32, #tpu.memory_space<hbm>>
        %dma_wait3A_374 = arith.constant 0 : i32
        %dma_wait3A_375 = tpu.memref_slice %arg2[%multiple_of3A_49, %dma_wait3A_374] : memref<2560x128xi32, #tpu.memory_space<hbm>> -> memref<8x128xi32, #tpu.memory_space<hbm>>
        tpu.wait_dma2 semaphore(%run_scoped3A : memref<!tpu.dma_semaphore, #tpu.memory_space<semaphore_mem>>) src(%dma_wait3A_375 : memref<8x128xi32, #tpu.memory_space<hbm>>) dst(%arg7 : memref<8x128xi32, #tpu.memory_space<vmem>>)
        tpu.yield
      }) : () -> ()
      "tpu.region"() ({
        %run_scoped3A = tpu.sem_alloc : memref<!tpu.dma_semaphore, #tpu.memory_space<semaphore_mem>>
        %dma_start3A_368 = arith.constant 0 : i32
        %dma_start3A_369 = tpu.memref_slice %arg3[%multiple_of3A_49, %dma_start3A_368] : memref<2560x128xi32, #tpu.memory_space<hbm>> -> memref<8x128xi32, #tpu.memory_space<hbm>>
        %dma_start3A_370 = arith.constant 0 : i32
        %dma_start3A_371 = tpu.memref_slice %arg3[%multiple_of3A_49, %dma_start3A_370] : memref<2560x128xi32, #tpu.memory_space<hbm>> -> memref<8x128xi32, #tpu.memory_space<hbm>>
        tpu.enqueue_dma source(%dma_start3A_371 : memref<8x128xi32, #tpu.memory_space<hbm>>) target(%arg8 : memref<8x128xi32, #tpu.memory_space<vmem>>) target_semaphore(%run_scoped3A : memref<!tpu.dma_semaphore, #tpu.memory_space<semaphore_mem>>)
        %dma_wait3A_372 = arith.constant 0 : i32
        %dma_wait3A_373 = tpu.memref_slice %arg3[%multiple_of3A_49, %dma_wait3A_372] : memref<2560x128xi32, #tpu.memory_space<hbm>> -> memref<8x128xi32, #tpu.memory_space<hbm>>
        %dma_wait3A_374 = arith.constant 0 : i32
        %dma_wait3A_375 = tpu.memref_slice %arg3[%multiple_of3A_49, %dma_wait3A_374] : memref<2560x128xi32, #tpu.memory_space<hbm>> -> memref<8x128xi32, #tpu.memory_space<hbm>>
        tpu.wait_dma2 semaphore(%run_scoped3A : memref<!tpu.dma_semaphore, #tpu.memory_space<semaphore_mem>>) src(%dma_wait3A_375 : memref<8x128xi32, #tpu.memory_space<hbm>>) dst(%arg8 : memref<8x128xi32, #tpu.memory_space<vmem>>)
        tpu.yield
      }) : () -> ()
      %dma_start3A = arith.constant 0 : i32
      %dma_start3A_50 = arith.constant 0 : i32
      %dma_start3A_51 = arith.constant 0 : i32
      %dma_start3A_52 = tpu.memref_slice %arg9[%dma_start3A_50, %dma_start3A_51] : memref<1024x64xf32, #tpu.memory_space<vmem>> -> memref<128x64xf32, #tpu.memory_space<vmem>>
      %dma_start3A_53 = arith.constant 0 : i32
      %dma_start3A_54 = tpu.memref_slice %arg7[%dma_start3A, %dma_start3A_53] : memref<8x128xi32, #tpu.memory_space<vmem>> -> memref<1x128xi32, #tpu.memory_space<vmem>>
      %dma_start3A_55 = tpu.memref_squeeze %dma_start3A_54 : memref<1x128xi32, #tpu.memory_space<vmem>> -> memref<128xi32, #tpu.memory_space<vmem>>
      %dma_start3A_56 = arith.constant 0 : i32
      %dma_start3A_57 = arith.constant 0 : i32
      %dma_start3A_58 = tpu.memref_slice %arg4[%dma_start3A_56, %dma_start3A_57] : memref<10240x64xf32, #tpu.memory_space<hbm>> -> memref<10240x64xf32, #tpu.memory_space<hbm>>
      tpu.enqueue_indirect_dma source(%dma_start3A_58 : memref<10240x64xf32, #tpu.memory_space<hbm>>) target(%dma_start3A_52 : memref<128x64xf32, #tpu.memory_space<vmem>>) offsets(%dma_start3A_55 : memref<128xi32, #tpu.memory_space<vmem>>) semaphore(%arg11 : memref<!tpu.dma_semaphore, #tpu.memory_space<semaphore_mem>>)
      %dma_start3A_59 = arith.constant 1 : i32
      %dma_start3A_60 = arith.constant 128 : i32
      %dma_start3A_61 = arith.constant 0 : i32
      %dma_start3A_62 = tpu.memref_slice %arg9[%dma_start3A_60, %dma_start3A_61] : memref<1024x64xf32, #tpu.memory_space<vmem>> -> memref<128x64xf32, #tpu.memory_space<vmem>>
      %dma_start3A_63 = arith.constant 0 : i32
      %dma_start3A_64 = tpu.memref_slice %arg7[%dma_start3A_59, %dma_start3A_63] : memref<8x128xi32, #tpu.memory_space<vmem>> -> memref<1x128xi32, #tpu.memory_space<vmem>>
      %dma_start3A_65 = tpu.memref_squeeze %dma_start3A_64 : memref<1x128xi32, #tpu.memory_space<vmem>> -> memref<128xi32, #tpu.memory_space<vmem>>
      %dma_start3A_66 = arith.constant 0 : i32
      %dma_start3A_67 = arith.constant 0 : i32
      %dma_start3A_68 = tpu.memref_slice %arg4[%dma_start3A_66, %dma_start3A_67] : memref<10240x64xf32, #tpu.memory_space<hbm>> -> memref<10240x64xf32, #tpu.memory_space<hbm>>
      tpu.enqueue_indirect_dma source(%dma_start3A_68 : memref<10240x64xf32, #tpu.memory_space<hbm>>) target(%dma_start3A_62 : memref<128x64xf32, #tpu.memory_space<vmem>>) offsets(%dma_start3A_65 : memref<128xi32, #tpu.memory_space<vmem>>) semaphore(%arg11 : memref<!tpu.dma_semaphore, #tpu.memory_space<semaphore_mem>>)
      %dma_start3A_69 = arith.constant 2 : i32
      %dma_start3A_70 = arith.constant 256 : i32
      %dma_start3A_71 = arith.constant 0 : i32
      %dma_start3A_72 = tpu.memref_slice %arg9[%dma_start3A_70, %dma_start3A_71] : memref<1024x64xf32, #tpu.memory_space<vmem>> -> memref<128x64xf32, #tpu.memory_space<vmem>>
      %dma_start3A_73 = arith.constant 0 : i32
      %dma_start3A_74 = tpu.memref_slice %arg7[%dma_start3A_69, %dma_start3A_73] : memref<8x128xi32, #tpu.memory_space<vmem>> -> memref<1x128xi32, #tpu.memory_space<vmem>>
      %dma_start3A_75 = tpu.memref_squeeze %dma_start3A_74 : memref<1x128xi32, #tpu.memory_space<vmem>> -> memref<128xi32, #tpu.memory_space<vmem>>
      %dma_start3A_76 = arith.constant 0 : i32
      %dma_start3A_77 = arith.constant 0 : i32
      %dma_start3A_78 = tpu.memref_slice %arg4[%dma_start3A_76, %dma_start3A_77] : memref<10240x64xf32, #tpu.memory_space<hbm>> -> memref<10240x64xf32, #tpu.memory_space<hbm>>
      tpu.enqueue_indirect_dma source(%dma_start3A_78 : memref<10240x64xf32, #tpu.memory_space<hbm>>) target(%dma_start3A_72 : memref<128x64xf32, #tpu.memory_space<vmem>>) offsets(%dma_start3A_75 : memref<128xi32, #tpu.memory_space<vmem>>) semaphore(%arg11 : memref<!tpu.dma_semaphore, #tpu.memory_space<semaphore_mem>>)
      %dma_start3A_79 = arith.constant 3 : i32
      %dma_start3A_80 = arith.constant 384 : i32
      %dma_start3A_81 = arith.constant 0 : i32
      %dma_start3A_82 = tpu.memref_slice %arg9[%dma_start3A_80, %dma_start3A_81] : memref<1024x64xf32, #tpu.memory_space<vmem>> -> memref<128x64xf32, #tpu.memory_space<vmem>>
      %dma_start3A_83 = arith.constant 0 : i32
      %dma_start3A_84 = tpu.memref_slice %arg7[%dma_start3A_79, %dma_start3A_83] : memref<8x128xi32, #tpu.memory_space<vmem>> -> memref<1x128xi32, #tpu.memory_space<vmem>>
      %dma_start3A_85 = tpu.memref_squeeze %dma_start3A_84 : memref<1x128xi32, #tpu.memory_space<vmem>> -> memref<128xi32, #tpu.memory_space<vmem>>
      %dma_start3A_86 = arith.constant 0 : i32
      %dma_start3A_87 = arith.constant 0 : i32
      %dma_start3A_88 = tpu.memref_slice %arg4[%dma_start3A_86, %dma_start3A_87] : memref<10240x64xf32, #tpu.memory_space<hbm>> -> memref<10240x64xf32, #tpu.memory_space<hbm>>
      tpu.enqueue_indirect_dma source(%dma_start3A_88 : memref<10240x64xf32, #tpu.memory_space<hbm>>) target(%dma_start3A_82 : memref<128x64xf32, #tpu.memory_space<vmem>>) offsets(%dma_start3A_85 : memref<128xi32, #tpu.memory_space<vmem>>) semaphore(%arg11 : memref<!tpu.dma_semaphore, #tpu.memory_space<semaphore_mem>>)
      %dma_wait3A = arith.constant 0 : i32
      %dma_wait3A_89 = arith.constant 0 : i32
      %dma_wait3A_90 = arith.constant 0 : i32
      %dma_wait3A_91 = tpu.memref_slice %arg9[%dma_wait3A_89, %dma_wait3A_90] : memref<1024x64xf32, #tpu.memory_space<vmem>> -> memref<128x64xf32, #tpu.memory_space<vmem>>
      %dma_wait3A_92 = arith.constant 0 : i32
      %dma_wait3A_93 = tpu.memref_slice %arg7[%dma_wait3A, %dma_wait3A_92] : memref<8x128xi32, #tpu.memory_space<vmem>> -> memref<1x128xi32, #tpu.memory_space<vmem>>
      %dma_wait3A_94 = tpu.memref_squeeze %dma_wait3A_93 : memref<1x128xi32, #tpu.memory_space<vmem>> -> memref<128xi32, #tpu.memory_space<vmem>>
      %dma_wait3A_95 = arith.constant 0 : i32
      %dma_wait3A_96 = arith.constant 0 : i32
      %dma_wait3A_97 = tpu.memref_slice %arg4[%dma_wait3A_95, %dma_wait3A_96] : memref<10240x64xf32, #tpu.memory_space<hbm>> -> memref<10240x64xf32, #tpu.memory_space<hbm>>
      tpu.wait_indirect_dma semaphore(%arg11 : memref<!tpu.dma_semaphore, #tpu.memory_space<semaphore_mem>>) src(%dma_wait3A_97 : memref<10240x64xf32, #tpu.memory_space<hbm>>) dst(%dma_wait3A_91 : memref<128x64xf32, #tpu.memory_space<vmem>>)
      %dma_wait3A_98 = arith.constant 1 : i32
      %dma_wait3A_99 = arith.constant 128 : i32
      %dma_wait3A_100 = arith.constant 0 : i32
      %dma_wait3A_101 = tpu.memref_slice %arg9[%dma_wait3A_99, %dma_wait3A_100] : memref<1024x64xf32, #tpu.memory_space<vmem>> -> memref<128x64xf32, #tpu.memory_space<vmem>>
      %dma_wait3A_102 = arith.constant 0 : i32
      %dma_wait3A_103 = tpu.memref_slice %arg7[%dma_wait3A_98, %dma_wait3A_102] : memref<8x128xi32, #tpu.memory_space<vmem>> -> memref<1x128xi32, #tpu.memory_space<vmem>>
      %dma_wait3A_104 = tpu.memref_squeeze %dma_wait3A_103 : memref<1x128xi32, #tpu.memory_space<vmem>> -> memref<128xi32, #tpu.memory_space<vmem>>
      %dma_wait3A_105 = arith.constant 0 : i32
      %dma_wait3A_106 = arith.constant 0 : i32
      %dma_wait3A_107 = tpu.memref_slice %arg4[%dma_wait3A_105, %dma_wait3A_106] : memref<10240x64xf32, #tpu.memory_space<hbm>> -> memref<10240x64xf32, #tpu.memory_space<hbm>>
      tpu.wait_indirect_dma semaphore(%arg11 : memref<!tpu.dma_semaphore, #tpu.memory_space<semaphore_mem>>) src(%dma_wait3A_107 : memref<10240x64xf32, #tpu.memory_space<hbm>>) dst(%dma_wait3A_101 : memref<128x64xf32, #tpu.memory_space<vmem>>)
      %dma_wait3A_108 = arith.constant 2 : i32
      %dma_wait3A_109 = arith.constant 256 : i32
      %dma_wait3A_110 = arith.constant 0 : i32
      %dma_wait3A_111 = tpu.memref_slice %arg9[%dma_wait3A_109, %dma_wait3A_110] : memref<1024x64xf32, #tpu.memory_space<vmem>> -> memref<128x64xf32, #tpu.memory_space<vmem>>
      %dma_wait3A_112 = arith.constant 0 : i32
      %dma_wait3A_113 = tpu.memref_slice %arg7[%dma_wait3A_108, %dma_wait3A_112] : memref<8x128xi32, #tpu.memory_space<vmem>> -> memref<1x128xi32, #tpu.memory_space<vmem>>
      %dma_wait3A_114 = tpu.memref_squeeze %dma_wait3A_113 : memref<1x128xi32, #tpu.memory_space<vmem>> -> memref<128xi32, #tpu.memory_space<vmem>>
      %dma_wait3A_115 = arith.constant 0 : i32
      %dma_wait3A_116 = arith.constant 0 : i32
      %dma_wait3A_117 = tpu.memref_slice %arg4[%dma_wait3A_115, %dma_wait3A_116] : memref<10240x64xf32, #tpu.memory_space<hbm>> -> memref<10240x64xf32, #tpu.memory_space<hbm>>
      tpu.wait_indirect_dma semaphore(%arg11 : memref<!tpu.dma_semaphore, #tpu.memory_space<semaphore_mem>>) src(%dma_wait3A_117 : memref<10240x64xf32, #tpu.memory_space<hbm>>) dst(%dma_wait3A_111 : memref<128x64xf32, #tpu.memory_space<vmem>>)
      %dma_wait3A_118 = arith.constant 3 : i32
      %dma_wait3A_119 = arith.constant 384 : i32
      %dma_wait3A_120 = arith.constant 0 : i32
      %dma_wait3A_121 = tpu.memref_slice %arg9[%dma_wait3A_119, %dma_wait3A_120] : memref<1024x64xf32, #tpu.memory_space<vmem>> -> memref<128x64xf32, #tpu.memory_space<vmem>>
      %dma_wait3A_122 = arith.constant 0 : i32
      %dma_wait3A_123 = tpu.memref_slice %arg7[%dma_wait3A_118, %dma_wait3A_122] : memref<8x128xi32, #tpu.memory_space<vmem>> -> memref<1x128xi32, #tpu.memory_space<vmem>>
      %dma_wait3A_124 = tpu.memref_squeeze %dma_wait3A_123 : memref<1x128xi32, #tpu.memory_space<vmem>> -> memref<128xi32, #tpu.memory_space<vmem>>
      %dma_wait3A_125 = arith.constant 0 : i32
      %dma_wait3A_126 = arith.constant 0 : i32
      %dma_wait3A_127 = tpu.memref_slice %arg4[%dma_wait3A_125, %dma_wait3A_126] : memref<10240x64xf32, #tpu.memory_space<hbm>> -> memref<10240x64xf32, #tpu.memory_space<hbm>>
      tpu.wait_indirect_dma semaphore(%arg11 : memref<!tpu.dma_semaphore, #tpu.memory_space<semaphore_mem>>) src(%dma_wait3A_127 : memref<10240x64xf32, #tpu.memory_space<hbm>>) dst(%dma_wait3A_121 : memref<128x64xf32, #tpu.memory_space<vmem>>)
      %dma_start3A_128 = arith.constant 0 : i32
      %dma_start3A_129 = arith.constant 0 : i32
      %dma_start3A_130 = arith.constant 0 : i32
      %dma_start3A_131 = tpu.memref_slice %arg9[%dma_start3A_129, %dma_start3A_130] : memref<1024x64xf32, #tpu.memory_space<vmem>> -> memref<128x64xf32, #tpu.memory_space<vmem>>
      %dma_start3A_132 = arith.constant 0 : i32
      %dma_start3A_133 = tpu.memref_slice %arg8[%dma_start3A_128, %dma_start3A_132] : memref<8x128xi32, #tpu.memory_space<vmem>> -> memref<1x128xi32, #tpu.memory_space<vmem>>
      %dma_start3A_134 = tpu.memref_squeeze %dma_start3A_133 : memref<1x128xi32, #tpu.memory_space<vmem>> -> memref<128xi32, #tpu.memory_space<vmem>>
      %dma_start3A_135 = arith.constant 0 : i32
      %dma_start3A_136 = arith.constant 0 : i32
      %dma_start3A_137 = tpu.memref_slice %arg10[%dma_start3A_135, %dma_start3A_136] : memref<10240x64xf32, #tpu.memory_space<vmem_shared>> -> memref<10240x64xf32, #tpu.memory_space<vmem_shared>>
      tpu.enqueue_indirect_dma source(%dma_start3A_131 : memref<128x64xf32, #tpu.memory_space<vmem>>) target(%dma_start3A_137 : memref<10240x64xf32, #tpu.memory_space<vmem_shared>>) offsets(%dma_start3A_134 : memref<128xi32, #tpu.memory_space<vmem>>) semaphore(%arg13 : memref<!tpu.dma_semaphore, #tpu.memory_space<semaphore_mem>>) {add = true}
      %dma_start3A_138 = arith.constant 1 : i32
      %dma_start3A_139 = arith.constant 128 : i32
      %dma_start3A_140 = arith.constant 0 : i32
      %dma_start3A_141 = tpu.memref_slice %arg9[%dma_start3A_139, %dma_start3A_140] : memref<1024x64xf32, #tpu.memory_space<vmem>> -> memref<128x64xf32, #tpu.memory_space<vmem>>
      %dma_start3A_142 = arith.constant 0 : i32
      %dma_start3A_143 = tpu.memref_slice %arg8[%dma_start3A_138, %dma_start3A_142] : memref<8x128xi32, #tpu.memory_space<vmem>> -> memref<1x128xi32, #tpu.memory_space<vmem>>
      %dma_start3A_144 = tpu.memref_squeeze %dma_start3A_143 : memref<1x128xi32, #tpu.memory_space<vmem>> -> memref<128xi32, #tpu.memory_space<vmem>>
      %dma_start3A_145 = arith.constant 0 : i32
      %dma_start3A_146 = arith.constant 0 : i32
      %dma_start3A_147 = tpu.memref_slice %arg10[%dma_start3A_145, %dma_start3A_146] : memref<10240x64xf32, #tpu.memory_space<vmem_shared>> -> memref<10240x64xf32, #tpu.memory_space<vmem_shared>>
      tpu.enqueue_indirect_dma source(%dma_start3A_141 : memref<128x64xf32, #tpu.memory_space<vmem>>) target(%dma_start3A_147 : memref<10240x64xf32, #tpu.memory_space<vmem_shared>>) offsets(%dma_start3A_144 : memref<128xi32, #tpu.memory_space<vmem>>) semaphore(%arg13 : memref<!tpu.dma_semaphore, #tpu.memory_space<semaphore_mem>>) {add = true}
      %dma_start3A_148 = arith.constant 2 : i32
      %dma_start3A_149 = arith.constant 256 : i32
      %dma_start3A_150 = arith.constant 0 : i32
      %dma_start3A_151 = tpu.memref_slice %arg9[%dma_start3A_149, %dma_start3A_150] : memref<1024x64xf32, #tpu.memory_space<vmem>> -> memref<128x64xf32, #tpu.memory_space<vmem>>
      %dma_start3A_152 = arith.constant 0 : i32
      %dma_start3A_153 = tpu.memref_slice %arg8[%dma_start3A_148, %dma_start3A_152] : memref<8x128xi32, #tpu.memory_space<vmem>> -> memref<1x128xi32, #tpu.memory_space<vmem>>
      %dma_start3A_154 = tpu.memref_squeeze %dma_start3A_153 : memref<1x128xi32, #tpu.memory_space<vmem>> -> memref<128xi32, #tpu.memory_space<vmem>>
      %dma_start3A_155 = arith.constant 0 : i32
      %dma_start3A_156 = arith.constant 0 : i32
      %dma_start3A_157 = tpu.memref_slice %arg10[%dma_start3A_155, %dma_start3A_156] : memref<10240x64xf32, #tpu.memory_space<vmem_shared>> -> memref<10240x64xf32, #tpu.memory_space<vmem_shared>>
      tpu.enqueue_indirect_dma source(%dma_start3A_151 : memref<128x64xf32, #tpu.memory_space<vmem>>) target(%dma_start3A_157 : memref<10240x64xf32, #tpu.memory_space<vmem_shared>>) offsets(%dma_start3A_154 : memref<128xi32, #tpu.memory_space<vmem>>) semaphore(%arg13 : memref<!tpu.dma_semaphore, #tpu.memory_space<semaphore_mem>>) {add = true}
      %dma_start3A_158 = arith.constant 3 : i32
      %dma_start3A_159 = arith.constant 384 : i32
      %dma_start3A_160 = arith.constant 0 : i32
      %dma_start3A_161 = tpu.memref_slice %arg9[%dma_start3A_159, %dma_start3A_160] : memref<1024x64xf32, #tpu.memory_space<vmem>> -> memref<128x64xf32, #tpu.memory_space<vmem>>
      %dma_start3A_162 = arith.constant 0 : i32
      %dma_start3A_163 = tpu.memref_slice %arg8[%dma_start3A_158, %dma_start3A_162] : memref<8x128xi32, #tpu.memory_space<vmem>> -> memref<1x128xi32, #tpu.memory_space<vmem>>
      %dma_start3A_164 = tpu.memref_squeeze %dma_start3A_163 : memref<1x128xi32, #tpu.memory_space<vmem>> -> memref<128xi32, #tpu.memory_space<vmem>>
      %dma_start3A_165 = arith.constant 0 : i32
      %dma_start3A_166 = arith.constant 0 : i32
      %dma_start3A_167 = tpu.memref_slice %arg10[%dma_start3A_165, %dma_start3A_166] : memref<10240x64xf32, #tpu.memory_space<vmem_shared>> -> memref<10240x64xf32, #tpu.memory_space<vmem_shared>>
      tpu.enqueue_indirect_dma source(%dma_start3A_161 : memref<128x64xf32, #tpu.memory_space<vmem>>) target(%dma_start3A_167 : memref<10240x64xf32, #tpu.memory_space<vmem_shared>>) offsets(%dma_start3A_164 : memref<128xi32, #tpu.memory_space<vmem>>) semaphore(%arg13 : memref<!tpu.dma_semaphore, #tpu.memory_space<semaphore_mem>>) {add = true}
      %dma_start3A_168 = arith.constant 4 : i32
      %dma_start3A_169 = arith.constant 512 : i32
      %dma_start3A_170 = arith.constant 0 : i32
      %dma_start3A_171 = tpu.memref_slice %arg9[%dma_start3A_169, %dma_start3A_170] : memref<1024x64xf32, #tpu.memory_space<vmem>> -> memref<128x64xf32, #tpu.memory_space<vmem>>
      %dma_start3A_172 = arith.constant 0 : i32
      %dma_start3A_173 = tpu.memref_slice %arg7[%dma_start3A_168, %dma_start3A_172] : memref<8x128xi32, #tpu.memory_space<vmem>> -> memref<1x128xi32, #tpu.memory_space<vmem>>
      %dma_start3A_174 = tpu.memref_squeeze %dma_start3A_173 : memref<1x128xi32, #tpu.memory_space<vmem>> -> memref<128xi32, #tpu.memory_space<vmem>>
      %dma_start3A_175 = arith.constant 0 : i32
      %dma_start3A_176 = arith.constant 0 : i32
      %dma_start3A_177 = tpu.memref_slice %arg4[%dma_start3A_175, %dma_start3A_176] : memref<10240x64xf32, #tpu.memory_space<hbm>> -> memref<10240x64xf32, #tpu.memory_space<hbm>>
      tpu.enqueue_indirect_dma source(%dma_start3A_177 : memref<10240x64xf32, #tpu.memory_space<hbm>>) target(%dma_start3A_171 : memref<128x64xf32, #tpu.memory_space<vmem>>) offsets(%dma_start3A_174 : memref<128xi32, #tpu.memory_space<vmem>>) semaphore(%arg12 : memref<!tpu.dma_semaphore, #tpu.memory_space<semaphore_mem>>)
      %dma_start3A_178 = arith.constant 5 : i32
      %dma_start3A_179 = arith.constant 640 : i32
      %dma_start3A_180 = arith.constant 0 : i32
      %dma_start3A_181 = tpu.memref_slice %arg9[%dma_start3A_179, %dma_start3A_180] : memref<1024x64xf32, #tpu.memory_space<vmem>> -> memref<128x64xf32, #tpu.memory_space<vmem>>
      %dma_start3A_182 = arith.constant 0 : i32
      %dma_start3A_183 = tpu.memref_slice %arg7[%dma_start3A_178, %dma_start3A_182] : memref<8x128xi32, #tpu.memory_space<vmem>> -> memref<1x128xi32, #tpu.memory_space<vmem>>
      %dma_start3A_184 = tpu.memref_squeeze %dma_start3A_183 : memref<1x128xi32, #tpu.memory_space<vmem>> -> memref<128xi32, #tpu.memory_space<vmem>>
      %dma_start3A_185 = arith.constant 0 : i32
      %dma_start3A_186 = arith.constant 0 : i32
      %dma_start3A_187 = tpu.memref_slice %arg4[%dma_start3A_185, %dma_start3A_186] : memref<10240x64xf32, #tpu.memory_space<hbm>> -> memref<10240x64xf32, #tpu.memory_space<hbm>>
      tpu.enqueue_indirect_dma source(%dma_start3A_187 : memref<10240x64xf32, #tpu.memory_space<hbm>>) target(%dma_start3A_181 : memref<128x64xf32, #tpu.memory_space<vmem>>) offsets(%dma_start3A_184 : memref<128xi32, #tpu.memory_space<vmem>>) semaphore(%arg12 : memref<!tpu.dma_semaphore, #tpu.memory_space<semaphore_mem>>)
      %dma_start3A_188 = arith.constant 6 : i32
      %dma_start3A_189 = arith.constant 768 : i32
      %dma_start3A_190 = arith.constant 0 : i32
      %dma_start3A_191 = tpu.memref_slice %arg9[%dma_start3A_189, %dma_start3A_190] : memref<1024x64xf32, #tpu.memory_space<vmem>> -> memref<128x64xf32, #tpu.memory_space<vmem>>
      %dma_start3A_192 = arith.constant 0 : i32
      %dma_start3A_193 = tpu.memref_slice %arg7[%dma_start3A_188, %dma_start3A_192] : memref<8x128xi32, #tpu.memory_space<vmem>> -> memref<1x128xi32, #tpu.memory_space<vmem>>
      %dma_start3A_194 = tpu.memref_squeeze %dma_start3A_193 : memref<1x128xi32, #tpu.memory_space<vmem>> -> memref<128xi32, #tpu.memory_space<vmem>>
      %dma_start3A_195 = arith.constant 0 : i32
      %dma_start3A_196 = arith.constant 0 : i32
      %dma_start3A_197 = tpu.memref_slice %arg4[%dma_start3A_195, %dma_start3A_196] : memref<10240x64xf32, #tpu.memory_space<hbm>> -> memref<10240x64xf32, #tpu.memory_space<hbm>>
      tpu.enqueue_indirect_dma source(%dma_start3A_197 : memref<10240x64xf32, #tpu.memory_space<hbm>>) target(%dma_start3A_191 : memref<128x64xf32, #tpu.memory_space<vmem>>) offsets(%dma_start3A_194 : memref<128xi32, #tpu.memory_space<vmem>>) semaphore(%arg12 : memref<!tpu.dma_semaphore, #tpu.memory_space<semaphore_mem>>)
      %dma_start3A_198 = arith.constant 7 : i32
      %dma_start3A_199 = arith.constant 896 : i32
      %dma_start3A_200 = arith.constant 0 : i32
      %dma_start3A_201 = tpu.memref_slice %arg9[%dma_start3A_199, %dma_start3A_200] : memref<1024x64xf32, #tpu.memory_space<vmem>> -> memref<128x64xf32, #tpu.memory_space<vmem>>
      %dma_start3A_202 = arith.constant 0 : i32
      %dma_start3A_203 = tpu.memref_slice %arg7[%dma_start3A_198, %dma_start3A_202] : memref<8x128xi32, #tpu.memory_space<vmem>> -> memref<1x128xi32, #tpu.memory_space<vmem>>
      %dma_start3A_204 = tpu.memref_squeeze %dma_start3A_203 : memref<1x128xi32, #tpu.memory_space<vmem>> -> memref<128xi32, #tpu.memory_space<vmem>>
      %dma_start3A_205 = arith.constant 0 : i32
      %dma_start3A_206 = arith.constant 0 : i32
      %dma_start3A_207 = tpu.memref_slice %arg4[%dma_start3A_205, %dma_start3A_206] : memref<10240x64xf32, #tpu.memory_space<hbm>> -> memref<10240x64xf32, #tpu.memory_space<hbm>>
      tpu.enqueue_indirect_dma source(%dma_start3A_207 : memref<10240x64xf32, #tpu.memory_space<hbm>>) target(%dma_start3A_201 : memref<128x64xf32, #tpu.memory_space<vmem>>) offsets(%dma_start3A_204 : memref<128xi32, #tpu.memory_space<vmem>>) semaphore(%arg12 : memref<!tpu.dma_semaphore, #tpu.memory_space<semaphore_mem>>)
      %dma_wait3A_208 = arith.constant 4 : i32
      %dma_wait3A_209 = arith.constant 512 : i32
      %dma_wait3A_210 = arith.constant 0 : i32
      %dma_wait3A_211 = tpu.memref_slice %arg9[%dma_wait3A_209, %dma_wait3A_210] : memref<1024x64xf32, #tpu.memory_space<vmem>> -> memref<128x64xf32, #tpu.memory_space<vmem>>
      %dma_wait3A_212 = arith.constant 0 : i32
      %dma_wait3A_213 = tpu.memref_slice %arg7[%dma_wait3A_208, %dma_wait3A_212] : memref<8x128xi32, #tpu.memory_space<vmem>> -> memref<1x128xi32, #tpu.memory_space<vmem>>
      %dma_wait3A_214 = tpu.memref_squeeze %dma_wait3A_213 : memref<1x128xi32, #tpu.memory_space<vmem>> -> memref<128xi32, #tpu.memory_space<vmem>>
      %dma_wait3A_215 = arith.constant 0 : i32
      %dma_wait3A_216 = arith.constant 0 : i32
      %dma_wait3A_217 = tpu.memref_slice %arg4[%dma_wait3A_215, %dma_wait3A_216] : memref<10240x64xf32, #tpu.memory_space<hbm>> -> memref<10240x64xf32, #tpu.memory_space<hbm>>
      tpu.wait_indirect_dma semaphore(%arg12 : memref<!tpu.dma_semaphore, #tpu.memory_space<semaphore_mem>>) src(%dma_wait3A_217 : memref<10240x64xf32, #tpu.memory_space<hbm>>) dst(%dma_wait3A_211 : memref<128x64xf32, #tpu.memory_space<vmem>>)
      %dma_wait3A_218 = arith.constant 5 : i32
      %dma_wait3A_219 = arith.constant 640 : i32
      %dma_wait3A_220 = arith.constant 0 : i32
      %dma_wait3A_221 = tpu.memref_slice %arg9[%dma_wait3A_219, %dma_wait3A_220] : memref<1024x64xf32, #tpu.memory_space<vmem>> -> memref<128x64xf32, #tpu.memory_space<vmem>>
      %dma_wait3A_222 = arith.constant 0 : i32
      %dma_wait3A_223 = tpu.memref_slice %arg7[%dma_wait3A_218, %dma_wait3A_222] : memref<8x128xi32, #tpu.memory_space<vmem>> -> memref<1x128xi32, #tpu.memory_space<vmem>>
      %dma_wait3A_224 = tpu.memref_squeeze %dma_wait3A_223 : memref<1x128xi32, #tpu.memory_space<vmem>> -> memref<128xi32, #tpu.memory_space<vmem>>
      %dma_wait3A_225 = arith.constant 0 : i32
      %dma_wait3A_226 = arith.constant 0 : i32
      %dma_wait3A_227 = tpu.memref_slice %arg4[%dma_wait3A_225, %dma_wait3A_226] : memref<10240x64xf32, #tpu.memory_space<hbm>> -> memref<10240x64xf32, #tpu.memory_space<hbm>>
      tpu.wait_indirect_dma semaphore(%arg12 : memref<!tpu.dma_semaphore, #tpu.memory_space<semaphore_mem>>) src(%dma_wait3A_227 : memref<10240x64xf32, #tpu.memory_space<hbm>>) dst(%dma_wait3A_221 : memref<128x64xf32, #tpu.memory_space<vmem>>)
      %dma_wait3A_228 = arith.constant 6 : i32
      %dma_wait3A_229 = arith.constant 768 : i32
      %dma_wait3A_230 = arith.constant 0 : i32
      %dma_wait3A_231 = tpu.memref_slice %arg9[%dma_wait3A_229, %dma_wait3A_230] : memref<1024x64xf32, #tpu.memory_space<vmem>> -> memref<128x64xf32, #tpu.memory_space<vmem>>
      %dma_wait3A_232 = arith.constant 0 : i32
      %dma_wait3A_233 = tpu.memref_slice %arg7[%dma_wait3A_228, %dma_wait3A_232] : memref<8x128xi32, #tpu.memory_space<vmem>> -> memref<1x128xi32, #tpu.memory_space<vmem>>
      %dma_wait3A_234 = tpu.memref_squeeze %dma_wait3A_233 : memref<1x128xi32, #tpu.memory_space<vmem>> -> memref<128xi32, #tpu.memory_space<vmem>>
      %dma_wait3A_235 = arith.constant 0 : i32
      %dma_wait3A_236 = arith.constant 0 : i32
      %dma_wait3A_237 = tpu.memref_slice %arg4[%dma_wait3A_235, %dma_wait3A_236] : memref<10240x64xf32, #tpu.memory_space<hbm>> -> memref<10240x64xf32, #tpu.memory_space<hbm>>
      tpu.wait_indirect_dma semaphore(%arg12 : memref<!tpu.dma_semaphore, #tpu.memory_space<semaphore_mem>>) src(%dma_wait3A_237 : memref<10240x64xf32, #tpu.memory_space<hbm>>) dst(%dma_wait3A_231 : memref<128x64xf32, #tpu.memory_space<vmem>>)
      %dma_wait3A_238 = arith.constant 7 : i32
      %dma_wait3A_239 = arith.constant 896 : i32
      %dma_wait3A_240 = arith.constant 0 : i32
      %dma_wait3A_241 = tpu.memref_slice %arg9[%dma_wait3A_239, %dma_wait3A_240] : memref<1024x64xf32, #tpu.memory_space<vmem>> -> memref<128x64xf32, #tpu.memory_space<vmem>>
      %dma_wait3A_242 = arith.constant 0 : i32
      %dma_wait3A_243 = tpu.memref_slice %arg7[%dma_wait3A_238, %dma_wait3A_242] : memref<8x128xi32, #tpu.memory_space<vmem>> -> memref<1x128xi32, #tpu.memory_space<vmem>>
      %dma_wait3A_244 = tpu.memref_squeeze %dma_wait3A_243 : memref<1x128xi32, #tpu.memory_space<vmem>> -> memref<128xi32, #tpu.memory_space<vmem>>
      %dma_wait3A_245 = arith.constant 0 : i32
      %dma_wait3A_246 = arith.constant 0 : i32
      %dma_wait3A_247 = tpu.memref_slice %arg4[%dma_wait3A_245, %dma_wait3A_246] : memref<10240x64xf32, #tpu.memory_space<hbm>> -> memref<10240x64xf32, #tpu.memory_space<hbm>>
      tpu.wait_indirect_dma semaphore(%arg12 : memref<!tpu.dma_semaphore, #tpu.memory_space<semaphore_mem>>) src(%dma_wait3A_247 : memref<10240x64xf32, #tpu.memory_space<hbm>>) dst(%dma_wait3A_241 : memref<128x64xf32, #tpu.memory_space<vmem>>)
      %dma_start3A_248 = arith.constant 4 : i32
      %dma_start3A_249 = arith.constant 512 : i32
      %dma_start3A_250 = arith.constant 0 : i32
      %dma_start3A_251 = tpu.memref_slice %arg9[%dma_start3A_249, %dma_start3A_250] : memref<1024x64xf32, #tpu.memory_space<vmem>> -> memref<128x64xf32, #tpu.memory_space<vmem>>
      %dma_start3A_252 = arith.constant 0 : i32
      %dma_start3A_253 = tpu.memref_slice %arg8[%dma_start3A_248, %dma_start3A_252] : memref<8x128xi32, #tpu.memory_space<vmem>> -> memref<1x128xi32, #tpu.memory_space<vmem>>
      %dma_start3A_254 = tpu.memref_squeeze %dma_start3A_253 : memref<1x128xi32, #tpu.memory_space<vmem>> -> memref<128xi32, #tpu.memory_space<vmem>>
      %dma_start3A_255 = arith.constant 0 : i32
      %dma_start3A_256 = arith.constant 0 : i32
      %dma_start3A_257 = tpu.memref_slice %arg10[%dma_start3A_255, %dma_start3A_256] : memref<10240x64xf32, #tpu.memory_space<vmem_shared>> -> memref<10240x64xf32, #tpu.memory_space<vmem_shared>>
      tpu.enqueue_indirect_dma source(%dma_start3A_251 : memref<128x64xf32, #tpu.memory_space<vmem>>) target(%dma_start3A_257 : memref<10240x64xf32, #tpu.memory_space<vmem_shared>>) offsets(%dma_start3A_254 : memref<128xi32, #tpu.memory_space<vmem>>) semaphore(%arg14 : memref<!tpu.dma_semaphore, #tpu.memory_space<semaphore_mem>>) {add = true}
      %dma_start3A_258 = arith.constant 5 : i32
      %dma_start3A_259 = arith.constant 640 : i32
      %dma_start3A_260 = arith.constant 0 : i32
      %dma_start3A_261 = tpu.memref_slice %arg9[%dma_start3A_259, %dma_start3A_260] : memref<1024x64xf32, #tpu.memory_space<vmem>> -> memref<128x64xf32, #tpu.memory_space<vmem>>
      %dma_start3A_262 = arith.constant 0 : i32
      %dma_start3A_263 = tpu.memref_slice %arg8[%dma_start3A_258, %dma_start3A_262] : memref<8x128xi32, #tpu.memory_space<vmem>> -> memref<1x128xi32, #tpu.memory_space<vmem>>
      %dma_start3A_264 = tpu.memref_squeeze %dma_start3A_263 : memref<1x128xi32, #tpu.memory_space<vmem>> -> memref<128xi32, #tpu.memory_space<vmem>>
      %dma_start3A_265 = arith.constant 0 : i32
      %dma_start3A_266 = arith.constant 0 : i32
      %dma_start3A_267 = tpu.memref_slice %arg10[%dma_start3A_265, %dma_start3A_266] : memref<10240x64xf32, #tpu.memory_space<vmem_shared>> -> memref<10240x64xf32, #tpu.memory_space<vmem_shared>>
      tpu.enqueue_indirect_dma source(%dma_start3A_261 : memref<128x64xf32, #tpu.memory_space<vmem>>) target(%dma_start3A_267 : memref<10240x64xf32, #tpu.memory_space<vmem_shared>>) offsets(%dma_start3A_264 : memref<128xi32, #tpu.memory_space<vmem>>) semaphore(%arg14 : memref<!tpu.dma_semaphore, #tpu.memory_space<semaphore_mem>>) {add = true}
      %dma_start3A_268 = arith.constant 6 : i32
      %dma_start3A_269 = arith.constant 768 : i32
      %dma_start3A_270 = arith.constant 0 : i32
      %dma_start3A_271 = tpu.memref_slice %arg9[%dma_start3A_269, %dma_start3A_270] : memref<1024x64xf32, #tpu.memory_space<vmem>> -> memref<128x64xf32, #tpu.memory_space<vmem>>
      %dma_start3A_272 = arith.constant 0 : i32
      %dma_start3A_273 = tpu.memref_slice %arg8[%dma_start3A_268, %dma_start3A_272] : memref<8x128xi32, #tpu.memory_space<vmem>> -> memref<1x128xi32, #tpu.memory_space<vmem>>
      %dma_start3A_274 = tpu.memref_squeeze %dma_start3A_273 : memref<1x128xi32, #tpu.memory_space<vmem>> -> memref<128xi32, #tpu.memory_space<vmem>>
      %dma_start3A_275 = arith.constant 0 : i32
      %dma_start3A_276 = arith.constant 0 : i32
      %dma_start3A_277 = tpu.memref_slice %arg10[%dma_start3A_275, %dma_start3A_276] : memref<10240x64xf32, #tpu.memory_space<vmem_shared>> -> memref<10240x64xf32, #tpu.memory_space<vmem_shared>>
      tpu.enqueue_indirect_dma source(%dma_start3A_271 : memref<128x64xf32, #tpu.memory_space<vmem>>) target(%dma_start3A_277 : memref<10240x64xf32, #tpu.memory_space<vmem_shared>>) offsets(%dma_start3A_274 : memref<128xi32, #tpu.memory_space<vmem>>) semaphore(%arg14 : memref<!tpu.dma_semaphore, #tpu.memory_space<semaphore_mem>>) {add = true}
      %dma_start3A_278 = arith.constant 7 : i32
      %dma_start3A_279 = arith.constant 896 : i32
      %dma_start3A_280 = arith.constant 0 : i32
      %dma_start3A_281 = tpu.memref_slice %arg9[%dma_start3A_279, %dma_start3A_280] : memref<1024x64xf32, #tpu.memory_space<vmem>> -> memref<128x64xf32, #tpu.memory_space<vmem>>
      %dma_start3A_282 = arith.constant 0 : i32
      %dma_start3A_283 = tpu.memref_slice %arg8[%dma_start3A_278, %dma_start3A_282] : memref<8x128xi32, #tpu.memory_space<vmem>> -> memref<1x128xi32, #tpu.memory_space<vmem>>
      %dma_start3A_284 = tpu.memref_squeeze %dma_start3A_283 : memref<1x128xi32, #tpu.memory_space<vmem>> -> memref<128xi32, #tpu.memory_space<vmem>>
      %dma_start3A_285 = arith.constant 0 : i32
      %dma_start3A_286 = arith.constant 0 : i32
      %dma_start3A_287 = tpu.memref_slice %arg10[%dma_start3A_285, %dma_start3A_286] : memref<10240x64xf32, #tpu.memory_space<vmem_shared>> -> memref<10240x64xf32, #tpu.memory_space<vmem_shared>>
      tpu.enqueue_indirect_dma source(%dma_start3A_281 : memref<128x64xf32, #tpu.memory_space<vmem>>) target(%dma_start3A_287 : memref<10240x64xf32, #tpu.memory_space<vmem_shared>>) offsets(%dma_start3A_284 : memref<128xi32, #tpu.memory_space<vmem>>) semaphore(%arg14 : memref<!tpu.dma_semaphore, #tpu.memory_space<semaphore_mem>>) {add = true}
      %dma_wait3A_288 = arith.constant 0 : i32
      %dma_wait3A_289 = arith.constant 0 : i32
      %dma_wait3A_290 = arith.constant 0 : i32
      %dma_wait3A_291 = tpu.memref_slice %arg9[%dma_wait3A_289, %dma_wait3A_290] : memref<1024x64xf32, #tpu.memory_space<vmem>> -> memref<128x64xf32, #tpu.memory_space<vmem>>
      %dma_wait3A_292 = arith.constant 0 : i32
      %dma_wait3A_293 = tpu.memref_slice %arg8[%dma_wait3A_288, %dma_wait3A_292] : memref<8x128xi32, #tpu.memory_space<vmem>> -> memref<1x128xi32, #tpu.memory_space<vmem>>
      %dma_wait3A_294 = tpu.memref_squeeze %dma_wait3A_293 : memref<1x128xi32, #tpu.memory_space<vmem>> -> memref<128xi32, #tpu.memory_space<vmem>>
      %dma_wait3A_295 = arith.constant 0 : i32
      %dma_wait3A_296 = arith.constant 0 : i32
      %dma_wait3A_297 = tpu.memref_slice %arg10[%dma_wait3A_295, %dma_wait3A_296] : memref<10240x64xf32, #tpu.memory_space<vmem_shared>> -> memref<10240x64xf32, #tpu.memory_space<vmem_shared>>
      tpu.wait_indirect_dma semaphore(%arg13 : memref<!tpu.dma_semaphore, #tpu.memory_space<semaphore_mem>>) src(%dma_wait3A_291 : memref<128x64xf32, #tpu.memory_space<vmem>>) dst(%dma_wait3A_297 : memref<10240x64xf32, #tpu.memory_space<vmem_shared>>)
      %dma_wait3A_298 = arith.constant 1 : i32
      %dma_wait3A_299 = arith.constant 128 : i32
      %dma_wait3A_300 = arith.constant 0 : i32
      %dma_wait3A_301 = tpu.memref_slice %arg9[%dma_wait3A_299, %dma_wait3A_300] : memref<1024x64xf32, #tpu.memory_space<vmem>> -> memref<128x64xf32, #tpu.memory_space<vmem>>
      %dma_wait3A_302 = arith.constant 0 : i32
      %dma_wait3A_303 = tpu.memref_slice %arg8[%dma_wait3A_298, %dma_wait3A_302] : memref<8x128xi32, #tpu.memory_space<vmem>> -> memref<1x128xi32, #tpu.memory_space<vmem>>
      %dma_wait3A_304 = tpu.memref_squeeze %dma_wait3A_303 : memref<1x128xi32, #tpu.memory_space<vmem>> -> memref<128xi32, #tpu.memory_space<vmem>>
      %dma_wait3A_305 = arith.constant 0 : i32
      %dma_wait3A_306 = arith.constant 0 : i32
      %dma_wait3A_307 = tpu.memref_slice %arg10[%dma_wait3A_305, %dma_wait3A_306] : memref<10240x64xf32, #tpu.memory_space<vmem_shared>> -> memref<10240x64xf32, #tpu.memory_space<vmem_shared>>
      tpu.wait_indirect_dma semaphore(%arg13 : memref<!tpu.dma_semaphore, #tpu.memory_space<semaphore_mem>>) src(%dma_wait3A_301 : memref<128x64xf32, #tpu.memory_space<vmem>>) dst(%dma_wait3A_307 : memref<10240x64xf32, #tpu.memory_space<vmem_shared>>)
      %dma_wait3A_308 = arith.constant 2 : i32
      %dma_wait3A_309 = arith.constant 256 : i32
      %dma_wait3A_310 = arith.constant 0 : i32
      %dma_wait3A_311 = tpu.memref_slice %arg9[%dma_wait3A_309, %dma_wait3A_310] : memref<1024x64xf32, #tpu.memory_space<vmem>> -> memref<128x64xf32, #tpu.memory_space<vmem>>
      %dma_wait3A_312 = arith.constant 0 : i32
      %dma_wait3A_313 = tpu.memref_slice %arg8[%dma_wait3A_308, %dma_wait3A_312] : memref<8x128xi32, #tpu.memory_space<vmem>> -> memref<1x128xi32, #tpu.memory_space<vmem>>
      %dma_wait3A_314 = tpu.memref_squeeze %dma_wait3A_313 : memref<1x128xi32, #tpu.memory_space<vmem>> -> memref<128xi32, #tpu.memory_space<vmem>>
      %dma_wait3A_315 = arith.constant 0 : i32
      %dma_wait3A_316 = arith.constant 0 : i32
      %dma_wait3A_317 = tpu.memref_slice %arg10[%dma_wait3A_315, %dma_wait3A_316] : memref<10240x64xf32, #tpu.memory_space<vmem_shared>> -> memref<10240x64xf32, #tpu.memory_space<vmem_shared>>
      tpu.wait_indirect_dma semaphore(%arg13 : memref<!tpu.dma_semaphore, #tpu.memory_space<semaphore_mem>>) src(%dma_wait3A_311 : memref<128x64xf32, #tpu.memory_space<vmem>>) dst(%dma_wait3A_317 : memref<10240x64xf32, #tpu.memory_space<vmem_shared>>)
      %dma_wait3A_318 = arith.constant 3 : i32
      %dma_wait3A_319 = arith.constant 384 : i32
      %dma_wait3A_320 = arith.constant 0 : i32
      %dma_wait3A_321 = tpu.memref_slice %arg9[%dma_wait3A_319, %dma_wait3A_320] : memref<1024x64xf32, #tpu.memory_space<vmem>> -> memref<128x64xf32, #tpu.memory_space<vmem>>
      %dma_wait3A_322 = arith.constant 0 : i32
      %dma_wait3A_323 = tpu.memref_slice %arg8[%dma_wait3A_318, %dma_wait3A_322] : memref<8x128xi32, #tpu.memory_space<vmem>> -> memref<1x128xi32, #tpu.memory_space<vmem>>
      %dma_wait3A_324 = tpu.memref_squeeze %dma_wait3A_323 : memref<1x128xi32, #tpu.memory_space<vmem>> -> memref<128xi32, #tpu.memory_space<vmem>>
      %dma_wait3A_325 = arith.constant 0 : i32
      %dma_wait3A_326 = arith.constant 0 : i32
      %dma_wait3A_327 = tpu.memref_slice %arg10[%dma_wait3A_325, %dma_wait3A_326] : memref<10240x64xf32, #tpu.memory_space<vmem_shared>> -> memref<10240x64xf32, #tpu.memory_space<vmem_shared>>
      tpu.wait_indirect_dma semaphore(%arg13 : memref<!tpu.dma_semaphore, #tpu.memory_space<semaphore_mem>>) src(%dma_wait3A_321 : memref<128x64xf32, #tpu.memory_space<vmem>>) dst(%dma_wait3A_327 : memref<10240x64xf32, #tpu.memory_space<vmem_shared>>)
      %dma_wait3A_328 = arith.constant 4 : i32
      %dma_wait3A_329 = arith.constant 512 : i32
      %dma_wait3A_330 = arith.constant 0 : i32
      %dma_wait3A_331 = tpu.memref_slice %arg9[%dma_wait3A_329, %dma_wait3A_330] : memref<1024x64xf32, #tpu.memory_space<vmem>> -> memref<128x64xf32, #tpu.memory_space<vmem>>
      %dma_wait3A_332 = arith.constant 0 : i32
      %dma_wait3A_333 = tpu.memref_slice %arg8[%dma_wait3A_328, %dma_wait3A_332] : memref<8x128xi32, #tpu.memory_space<vmem>> -> memref<1x128xi32, #tpu.memory_space<vmem>>
      %dma_wait3A_334 = tpu.memref_squeeze %dma_wait3A_333 : memref<1x128xi32, #tpu.memory_space<vmem>> -> memref<128xi32, #tpu.memory_space<vmem>>
      %dma_wait3A_335 = arith.constant 0 : i32
      %dma_wait3A_336 = arith.constant 0 : i32
      %dma_wait3A_337 = tpu.memref_slice %arg10[%dma_wait3A_335, %dma_wait3A_336] : memref<10240x64xf32, #tpu.memory_space<vmem_shared>> -> memref<10240x64xf32, #tpu.memory_space<vmem_shared>>
      tpu.wait_indirect_dma semaphore(%arg14 : memref<!tpu.dma_semaphore, #tpu.memory_space<semaphore_mem>>) src(%dma_wait3A_331 : memref<128x64xf32, #tpu.memory_space<vmem>>) dst(%dma_wait3A_337 : memref<10240x64xf32, #tpu.memory_space<vmem_shared>>)
      %dma_wait3A_338 = arith.constant 5 : i32
      %dma_wait3A_339 = arith.constant 640 : i32
      %dma_wait3A_340 = arith.constant 0 : i32
      %dma_wait3A_341 = tpu.memref_slice %arg9[%dma_wait3A_339, %dma_wait3A_340] : memref<1024x64xf32, #tpu.memory_space<vmem>> -> memref<128x64xf32, #tpu.memory_space<vmem>>
      %dma_wait3A_342 = arith.constant 0 : i32
      %dma_wait3A_343 = tpu.memref_slice %arg8[%dma_wait3A_338, %dma_wait3A_342] : memref<8x128xi32, #tpu.memory_space<vmem>> -> memref<1x128xi32, #tpu.memory_space<vmem>>
      %dma_wait3A_344 = tpu.memref_squeeze %dma_wait3A_343 : memref<1x128xi32, #tpu.memory_space<vmem>> -> memref<128xi32, #tpu.memory_space<vmem>>
      %dma_wait3A_345 = arith.constant 0 : i32
      %dma_wait3A_346 = arith.constant 0 : i32
      %dma_wait3A_347 = tpu.memref_slice %arg10[%dma_wait3A_345, %dma_wait3A_346] : memref<10240x64xf32, #tpu.memory_space<vmem_shared>> -> memref<10240x64xf32, #tpu.memory_space<vmem_shared>>
      tpu.wait_indirect_dma semaphore(%arg14 : memref<!tpu.dma_semaphore, #tpu.memory_space<semaphore_mem>>) src(%dma_wait3A_341 : memref<128x64xf32, #tpu.memory_space<vmem>>) dst(%dma_wait3A_347 : memref<10240x64xf32, #tpu.memory_space<vmem_shared>>)
      %dma_wait3A_348 = arith.constant 6 : i32
      %dma_wait3A_349 = arith.constant 768 : i32
      %dma_wait3A_350 = arith.constant 0 : i32
      %dma_wait3A_351 = tpu.memref_slice %arg9[%dma_wait3A_349, %dma_wait3A_350] : memref<1024x64xf32, #tpu.memory_space<vmem>> -> memref<128x64xf32, #tpu.memory_space<vmem>>
      %dma_wait3A_352 = arith.constant 0 : i32
      %dma_wait3A_353 = tpu.memref_slice %arg8[%dma_wait3A_348, %dma_wait3A_352] : memref<8x128xi32, #tpu.memory_space<vmem>> -> memref<1x128xi32, #tpu.memory_space<vmem>>
      %dma_wait3A_354 = tpu.memref_squeeze %dma_wait3A_353 : memref<1x128xi32, #tpu.memory_space<vmem>> -> memref<128xi32, #tpu.memory_space<vmem>>
      %dma_wait3A_355 = arith.constant 0 : i32
      %dma_wait3A_356 = arith.constant 0 : i32
      %dma_wait3A_357 = tpu.memref_slice %arg10[%dma_wait3A_355, %dma_wait3A_356] : memref<10240x64xf32, #tpu.memory_space<vmem_shared>> -> memref<10240x64xf32, #tpu.memory_space<vmem_shared>>
      tpu.wait_indirect_dma semaphore(%arg14 : memref<!tpu.dma_semaphore, #tpu.memory_space<semaphore_mem>>) src(%dma_wait3A_351 : memref<128x64xf32, #tpu.memory_space<vmem>>) dst(%dma_wait3A_357 : memref<10240x64xf32, #tpu.memory_space<vmem_shared>>)
      %dma_wait3A_358 = arith.constant 7 : i32
      %dma_wait3A_359 = arith.constant 896 : i32
      %dma_wait3A_360 = arith.constant 0 : i32
      %dma_wait3A_361 = tpu.memref_slice %arg9[%dma_wait3A_359, %dma_wait3A_360] : memref<1024x64xf32, #tpu.memory_space<vmem>> -> memref<128x64xf32, #tpu.memory_space<vmem>>
      %dma_wait3A_362 = arith.constant 0 : i32
      %dma_wait3A_363 = tpu.memref_slice %arg8[%dma_wait3A_358, %dma_wait3A_362] : memref<8x128xi32, #tpu.memory_space<vmem>> -> memref<1x128xi32, #tpu.memory_space<vmem>>
      %dma_wait3A_364 = tpu.memref_squeeze %dma_wait3A_363 : memref<1x128xi32, #tpu.memory_space<vmem>> -> memref<128xi32, #tpu.memory_space<vmem>>
      %dma_wait3A_365 = arith.constant 0 : i32
      %dma_wait3A_366 = arith.constant 0 : i32
      %dma_wait3A_367 = tpu.memref_slice %arg10[%dma_wait3A_365, %dma_wait3A_366] : memref<10240x64xf32, #tpu.memory_space<vmem_shared>> -> memref<10240x64xf32, #tpu.memory_space<vmem_shared>>
      tpu.wait_indirect_dma semaphore(%arg14 : memref<!tpu.dma_semaphore, #tpu.memory_space<semaphore_mem>>) src(%dma_wait3A_361 : memref<128x64xf32, #tpu.memory_space<vmem>>) dst(%dma_wait3A_367 : memref<10240x64xf32, #tpu.memory_space<vmem_shared>>)
    }
    %while3A_34 = arith.constant 1 : i32
    scf.for %while3A_44 = %while3A_32 to %while3A_28 step %while3A_34  : i32 {
      %mul3A_45 = arith.muli %arg1, %select_n3A : i32
      %add3A = arith.addi %select_n3A_7, %mul3A_45 : i32
      %mul3A_46 = arith.constant 8 : i32
      %mul3A_47 = arith.muli %while3A_44, %mul3A_46 : i32
      %add3A_48 = arith.addi %add3A, %mul3A_47 : i32
      %multiple_of3A_49 = tpu.assume_multiple %add3A_48, 8 : i32
      "tpu.region"() ({
        %run_scoped3A = tpu.sem_alloc : memref<!tpu.dma_semaphore, #tpu.memory_space<semaphore_mem>>
        %dma_start3A_368 = arith.constant 0 : i32
        %dma_start3A_369 = tpu.memref_slice %arg2[%multiple_of3A_49, %dma_start3A_368] : memref<2560x128xi32, #tpu.memory_space<hbm>> -> memref<8x128xi32, #tpu.memory_space<hbm>>
        %dma_start3A_370 = arith.constant 0 : i32
        %dma_start3A_371 = tpu.memref_slice %arg2[%multiple_of3A_49, %dma_start3A_370] : memref<2560x128xi32, #tpu.memory_space<hbm>> -> memref<8x128xi32, #tpu.memory_space<hbm>>
        tpu.enqueue_dma source(%dma_start3A_371 : memref<8x128xi32, #tpu.memory_space<hbm>>) target(%arg7 : memref<8x128xi32, #tpu.memory_space<vmem>>) target_semaphore(%run_scoped3A : memref<!tpu.dma_semaphore, #tpu.memory_space<semaphore_mem>>)
        %dma_wait3A_372 = arith.constant 0 : i32
        %dma_wait3A_373 = tpu.memref_slice %arg2[%multiple_of3A_49, %dma_wait3A_372] : memref<2560x128xi32, #tpu.memory_space<hbm>> -> memref<8x128xi32, #tpu.memory_space<hbm>>
        %dma_wait3A_374 = arith.constant 0 : i32
        %dma_wait3A_375 = tpu.memref_slice %arg2[%multiple_of3A_49, %dma_wait3A_374] : memref<2560x128xi32, #tpu.memory_space<hbm>> -> memref<8x128xi32, #tpu.memory_space<hbm>>
        tpu.wait_dma2 semaphore(%run_scoped3A : memref<!tpu.dma_semaphore, #tpu.memory_space<semaphore_mem>>) src(%dma_wait3A_375 : memref<8x128xi32, #tpu.memory_space<hbm>>) dst(%arg7 : memref<8x128xi32, #tpu.memory_space<vmem>>)
        tpu.yield
      }) : () -> ()
      "tpu.region"() ({
        %run_scoped3A = tpu.sem_alloc : memref<!tpu.dma_semaphore, #tpu.memory_space<semaphore_mem>>
        %dma_start3A_368 = arith.constant 0 : i32
        %dma_start3A_369 = tpu.memref_slice %arg3[%multiple_of3A_49, %dma_start3A_368] : memref<2560x128xi32, #tpu.memory_space<hbm>> -> memref<8x128xi32, #tpu.memory_space<hbm>>
        %dma_start3A_370 = arith.constant 0 : i32
        %dma_start3A_371 = tpu.memref_slice %arg3[%multiple_of3A_49, %dma_start3A_370] : memref<2560x128xi32, #tpu.memory_space<hbm>> -> memref<8x128xi32, #tpu.memory_space<hbm>>
        tpu.enqueue_dma source(%dma_start3A_371 : memref<8x128xi32, #tpu.memory_space<hbm>>) target(%arg8 : memref<8x128xi32, #tpu.memory_space<vmem>>) target_semaphore(%run_scoped3A : memref<!tpu.dma_semaphore, #tpu.memory_space<semaphore_mem>>)
        %dma_wait3A_372 = arith.constant 0 : i32
        %dma_wait3A_373 = tpu.memref_slice %arg3[%multiple_of3A_49, %dma_wait3A_372] : memref<2560x128xi32, #tpu.memory_space<hbm>> -> memref<8x128xi32, #tpu.memory_space<hbm>>
        %dma_wait3A_374 = arith.constant 0 : i32
        %dma_wait3A_375 = tpu.memref_slice %arg3[%multiple_of3A_49, %dma_wait3A_374] : memref<2560x128xi32, #tpu.memory_space<hbm>> -> memref<8x128xi32, #tpu.memory_space<hbm>>
        tpu.wait_dma2 semaphore(%run_scoped3A : memref<!tpu.dma_semaphore, #tpu.memory_space<semaphore_mem>>) src(%dma_wait3A_375 : memref<8x128xi32, #tpu.memory_space<hbm>>) dst(%arg8 : memref<8x128xi32, #tpu.memory_space<vmem>>)
        tpu.yield
      }) : () -> ()
      %dma_start3A = arith.constant 0 : i32
      %dma_start3A_50 = arith.constant 0 : i32
      %dma_start3A_51 = arith.constant 0 : i32
      %dma_start3A_52 = tpu.memref_slice %arg9[%dma_start3A_50, %dma_start3A_51] : memref<1024x64xf32, #tpu.memory_space<vmem>> -> memref<128x64xf32, #tpu.memory_space<vmem>>
      %dma_start3A_53 = arith.constant 0 : i32
      %dma_start3A_54 = tpu.memref_slice %arg7[%dma_start3A, %dma_start3A_53] : memref<8x128xi32, #tpu.memory_space<vmem>> -> memref<1x128xi32, #tpu.memory_space<vmem>>
      %dma_start3A_55 = tpu.memref_squeeze %dma_start3A_54 : memref<1x128xi32, #tpu.memory_space<vmem>> -> memref<128xi32, #tpu.memory_space<vmem>>
      %dma_start3A_56 = arith.constant 0 : i32
      %dma_start3A_57 = arith.constant 0 : i32
      %dma_start3A_58 = tpu.memref_slice %arg4[%dma_start3A_56, %dma_start3A_57] : memref<10240x64xf32, #tpu.memory_space<hbm>> -> memref<10240x64xf32, #tpu.memory_space<hbm>>
      tpu.enqueue_indirect_dma source(%dma_start3A_58 : memref<10240x64xf32, #tpu.memory_space<hbm>>) target(%dma_start3A_52 : memref<128x64xf32, #tpu.memory_space<vmem>>) offsets(%dma_start3A_55 : memref<128xi32, #tpu.memory_space<vmem>>) semaphore(%arg11 : memref<!tpu.dma_semaphore, #tpu.memory_space<semaphore_mem>>)
      %dma_start3A_59 = arith.constant 1 : i32
      %dma_start3A_60 = arith.constant 128 : i32
      %dma_start3A_61 = arith.constant 0 : i32
      %dma_start3A_62 = tpu.memref_slice %arg9[%dma_start3A_60, %dma_start3A_61] : memref<1024x64xf32, #tpu.memory_space<vmem>> -> memref<128x64xf32, #tpu.memory_space<vmem>>
      %dma_start3A_63 = arith.constant 0 : i32
      %dma_start3A_64 = tpu.memref_slice %arg7[%dma_start3A_59, %dma_start3A_63] : memref<8x128xi32, #tpu.memory_space<vmem>> -> memref<1x128xi32, #tpu.memory_space<vmem>>
      %dma_start3A_65 = tpu.memref_squeeze %dma_start3A_64 : memref<1x128xi32, #tpu.memory_space<vmem>> -> memref<128xi32, #tpu.memory_space<vmem>>
      %dma_start3A_66 = arith.constant 0 : i32
      %dma_start3A_67 = arith.constant 0 : i32
      %dma_start3A_68 = tpu.memref_slice %arg4[%dma_start3A_66, %dma_start3A_67] : memref<10240x64xf32, #tpu.memory_space<hbm>> -> memref<10240x64xf32, #tpu.memory_space<hbm>>
      tpu.enqueue_indirect_dma source(%dma_start3A_68 : memref<10240x64xf32, #tpu.memory_space<hbm>>) target(%dma_start3A_62 : memref<128x64xf32, #tpu.memory_space<vmem>>) offsets(%dma_start3A_65 : memref<128xi32, #tpu.memory_space<vmem>>) semaphore(%arg11 : memref<!tpu.dma_semaphore, #tpu.memory_space<semaphore_mem>>)
      %dma_start3A_69 = arith.constant 2 : i32
      %dma_start3A_70 = arith.constant 256 : i32
      %dma_start3A_71 = arith.constant 0 : i32
      %dma_start3A_72 = tpu.memref_slice %arg9[%dma_start3A_70, %dma_start3A_71] : memref<1024x64xf32, #tpu.memory_space<vmem>> -> memref<128x64xf32, #tpu.memory_space<vmem>>
      %dma_start3A_73 = arith.constant 0 : i32
      %dma_start3A_74 = tpu.memref_slice %arg7[%dma_start3A_69, %dma_start3A_73] : memref<8x128xi32, #tpu.memory_space<vmem>> -> memref<1x128xi32, #tpu.memory_space<vmem>>
      %dma_start3A_75 = tpu.memref_squeeze %dma_start3A_74 : memref<1x128xi32, #tpu.memory_space<vmem>> -> memref<128xi32, #tpu.memory_space<vmem>>
      %dma_start3A_76 = arith.constant 0 : i32
      %dma_start3A_77 = arith.constant 0 : i32
      %dma_start3A_78 = tpu.memref_slice %arg4[%dma_start3A_76, %dma_start3A_77] : memref<10240x64xf32, #tpu.memory_space<hbm>> -> memref<10240x64xf32, #tpu.memory_space<hbm>>
      tpu.enqueue_indirect_dma source(%dma_start3A_78 : memref<10240x64xf32, #tpu.memory_space<hbm>>) target(%dma_start3A_72 : memref<128x64xf32, #tpu.memory_space<vmem>>) offsets(%dma_start3A_75 : memref<128xi32, #tpu.memory_space<vmem>>) semaphore(%arg11 : memref<!tpu.dma_semaphore, #tpu.memory_space<semaphore_mem>>)
      %dma_start3A_79 = arith.constant 3 : i32
      %dma_start3A_80 = arith.constant 384 : i32
      %dma_start3A_81 = arith.constant 0 : i32
      %dma_start3A_82 = tpu.memref_slice %arg9[%dma_start3A_80, %dma_start3A_81] : memref<1024x64xf32, #tpu.memory_space<vmem>> -> memref<128x64xf32, #tpu.memory_space<vmem>>
      %dma_start3A_83 = arith.constant 0 : i32
      %dma_start3A_84 = tpu.memref_slice %arg7[%dma_start3A_79, %dma_start3A_83] : memref<8x128xi32, #tpu.memory_space<vmem>> -> memref<1x128xi32, #tpu.memory_space<vmem>>
      %dma_start3A_85 = tpu.memref_squeeze %dma_start3A_84 : memref<1x128xi32, #tpu.memory_space<vmem>> -> memref<128xi32, #tpu.memory_space<vmem>>
      %dma_start3A_86 = arith.constant 0 : i32
      %dma_start3A_87 = arith.constant 0 : i32
      %dma_start3A_88 = tpu.memref_slice %arg4[%dma_start3A_86, %dma_start3A_87] : memref<10240x64xf32, #tpu.memory_space<hbm>> -> memref<10240x64xf32, #tpu.memory_space<hbm>>
      tpu.enqueue_indirect_dma source(%dma_start3A_88 : memref<10240x64xf32, #tpu.memory_space<hbm>>) target(%dma_start3A_82 : memref<128x64xf32, #tpu.memory_space<vmem>>) offsets(%dma_start3A_85 : memref<128xi32, #tpu.memory_space<vmem>>) semaphore(%arg11 : memref<!tpu.dma_semaphore, #tpu.memory_space<semaphore_mem>>)
      %dma_wait3A = arith.constant 0 : i32
      %dma_wait3A_89 = arith.constant 0 : i32
      %dma_wait3A_90 = arith.constant 0 : i32
      %dma_wait3A_91 = tpu.memref_slice %arg9[%dma_wait3A_89, %dma_wait3A_90] : memref<1024x64xf32, #tpu.memory_space<vmem>> -> memref<128x64xf32, #tpu.memory_space<vmem>>
      %dma_wait3A_92 = arith.constant 0 : i32
      %dma_wait3A_93 = tpu.memref_slice %arg7[%dma_wait3A, %dma_wait3A_92] : memref<8x128xi32, #tpu.memory_space<vmem>> -> memref<1x128xi32, #tpu.memory_space<vmem>>
      %dma_wait3A_94 = tpu.memref_squeeze %dma_wait3A_93 : memref<1x128xi32, #tpu.memory_space<vmem>> -> memref<128xi32, #tpu.memory_space<vmem>>
      %dma_wait3A_95 = arith.constant 0 : i32
      %dma_wait3A_96 = arith.constant 0 : i32
      %dma_wait3A_97 = tpu.memref_slice %arg4[%dma_wait3A_95, %dma_wait3A_96] : memref<10240x64xf32, #tpu.memory_space<hbm>> -> memref<10240x64xf32, #tpu.memory_space<hbm>>
      tpu.wait_indirect_dma semaphore(%arg11 : memref<!tpu.dma_semaphore, #tpu.memory_space<semaphore_mem>>) src(%dma_wait3A_97 : memref<10240x64xf32, #tpu.memory_space<hbm>>) dst(%dma_wait3A_91 : memref<128x64xf32, #tpu.memory_space<vmem>>)
      %dma_wait3A_98 = arith.constant 1 : i32
      %dma_wait3A_99 = arith.constant 128 : i32
      %dma_wait3A_100 = arith.constant 0 : i32
      %dma_wait3A_101 = tpu.memref_slice %arg9[%dma_wait3A_99, %dma_wait3A_100] : memref<1024x64xf32, #tpu.memory_space<vmem>> -> memref<128x64xf32, #tpu.memory_space<vmem>>
      %dma_wait3A_102 = arith.constant 0 : i32
      %dma_wait3A_103 = tpu.memref_slice %arg7[%dma_wait3A_98, %dma_wait3A_102] : memref<8x128xi32, #tpu.memory_space<vmem>> -> memref<1x128xi32, #tpu.memory_space<vmem>>
      %dma_wait3A_104 = tpu.memref_squeeze %dma_wait3A_103 : memref<1x128xi32, #tpu.memory_space<vmem>> -> memref<128xi32, #tpu.memory_space<vmem>>
      %dma_wait3A_105 = arith.constant 0 : i32
      %dma_wait3A_106 = arith.constant 0 : i32
      %dma_wait3A_107 = tpu.memref_slice %arg4[%dma_wait3A_105, %dma_wait3A_106] : memref<10240x64xf32, #tpu.memory_space<hbm>> -> memref<10240x64xf32, #tpu.memory_space<hbm>>
      tpu.wait_indirect_dma semaphore(%arg11 : memref<!tpu.dma_semaphore, #tpu.memory_space<semaphore_mem>>) src(%dma_wait3A_107 : memref<10240x64xf32, #tpu.memory_space<hbm>>) dst(%dma_wait3A_101 : memref<128x64xf32, #tpu.memory_space<vmem>>)
      %dma_wait3A_108 = arith.constant 2 : i32
      %dma_wait3A_109 = arith.constant 256 : i32
      %dma_wait3A_110 = arith.constant 0 : i32
      %dma_wait3A_111 = tpu.memref_slice %arg9[%dma_wait3A_109, %dma_wait3A_110] : memref<1024x64xf32, #tpu.memory_space<vmem>> -> memref<128x64xf32, #tpu.memory_space<vmem>>
      %dma_wait3A_112 = arith.constant 0 : i32
      %dma_wait3A_113 = tpu.memref_slice %arg7[%dma_wait3A_108, %dma_wait3A_112] : memref<8x128xi32, #tpu.memory_space<vmem>> -> memref<1x128xi32, #tpu.memory_space<vmem>>
      %dma_wait3A_114 = tpu.memref_squeeze %dma_wait3A_113 : memref<1x128xi32, #tpu.memory_space<vmem>> -> memref<128xi32, #tpu.memory_space<vmem>>
      %dma_wait3A_115 = arith.constant 0 : i32
      %dma_wait3A_116 = arith.constant 0 : i32
      %dma_wait3A_117 = tpu.memref_slice %arg4[%dma_wait3A_115, %dma_wait3A_116] : memref<10240x64xf32, #tpu.memory_space<hbm>> -> memref<10240x64xf32, #tpu.memory_space<hbm>>
      tpu.wait_indirect_dma semaphore(%arg11 : memref<!tpu.dma_semaphore, #tpu.memory_space<semaphore_mem>>) src(%dma_wait3A_117 : memref<10240x64xf32, #tpu.memory_space<hbm>>) dst(%dma_wait3A_111 : memref<128x64xf32, #tpu.memory_space<vmem>>)
      %dma_wait3A_118 = arith.constant 3 : i32
      %dma_wait3A_119 = arith.constant 384 : i32
      %dma_wait3A_120 = arith.constant 0 : i32
      %dma_wait3A_121 = tpu.memref_slice %arg9[%dma_wait3A_119, %dma_wait3A_120] : memref<1024x64xf32, #tpu.memory_space<vmem>> -> memref<128x64xf32, #tpu.memory_space<vmem>>
      %dma_wait3A_122 = arith.constant 0 : i32
      %dma_wait3A_123 = tpu.memref_slice %arg7[%dma_wait3A_118, %dma_wait3A_122] : memref<8x128xi32, #tpu.memory_space<vmem>> -> memref<1x128xi32, #tpu.memory_space<vmem>>
      %dma_wait3A_124 = tpu.memref_squeeze %dma_wait3A_123 : memref<1x128xi32, #tpu.memory_space<vmem>> -> memref<128xi32, #tpu.memory_space<vmem>>
      %dma_wait3A_125 = arith.constant 0 : i32
      %dma_wait3A_126 = arith.constant 0 : i32
      %dma_wait3A_127 = tpu.memref_slice %arg4[%dma_wait3A_125, %dma_wait3A_126] : memref<10240x64xf32, #tpu.memory_space<hbm>> -> memref<10240x64xf32, #tpu.memory_space<hbm>>
      tpu.wait_indirect_dma semaphore(%arg11 : memref<!tpu.dma_semaphore, #tpu.memory_space<semaphore_mem>>) src(%dma_wait3A_127 : memref<10240x64xf32, #tpu.memory_space<hbm>>) dst(%dma_wait3A_121 : memref<128x64xf32, #tpu.memory_space<vmem>>)
      %dma_start3A_128 = arith.constant 0 : i32
      %dma_start3A_129 = arith.constant 0 : i32
      %dma_start3A_130 = arith.constant 0 : i32
      %dma_start3A_131 = tpu.memref_slice %arg9[%dma_start3A_129, %dma_start3A_130] : memref<1024x64xf32, #tpu.memory_space<vmem>> -> memref<128x64xf32, #tpu.memory_space<vmem>>
      %dma_start3A_132 = arith.constant 0 : i32
      %dma_start3A_133 = tpu.memref_slice %arg8[%dma_start3A_128, %dma_start3A_132] : memref<8x128xi32, #tpu.memory_space<vmem>> -> memref<1x128xi32, #tpu.memory_space<vmem>>
      %dma_start3A_134 = tpu.memref_squeeze %dma_start3A_133 : memref<1x128xi32, #tpu.memory_space<vmem>> -> memref<128xi32, #tpu.memory_space<vmem>>
      %dma_start3A_135 = arith.constant 0 : i32
      %dma_start3A_136 = arith.constant 0 : i32
      %dma_start3A_137 = tpu.memref_slice %arg10[%dma_start3A_135, %dma_start3A_136] : memref<10240x64xf32, #tpu.memory_space<vmem_shared>> -> memref<10240x64xf32, #tpu.memory_space<vmem_shared>>
      tpu.enqueue_indirect_dma source(%dma_start3A_131 : memref<128x64xf32, #tpu.memory_space<vmem>>) target(%dma_start3A_137 : memref<10240x64xf32, #tpu.memory_space<vmem_shared>>) offsets(%dma_start3A_134 : memref<128xi32, #tpu.memory_space<vmem>>) semaphore(%arg13 : memref<!tpu.dma_semaphore, #tpu.memory_space<semaphore_mem>>) {add = true}
      %dma_start3A_138 = arith.constant 1 : i32
      %dma_start3A_139 = arith.constant 128 : i32
      %dma_start3A_140 = arith.constant 0 : i32
      %dma_start3A_141 = tpu.memref_slice %arg9[%dma_start3A_139, %dma_start3A_140] : memref<1024x64xf32, #tpu.memory_space<vmem>> -> memref<128x64xf32, #tpu.memory_space<vmem>>
      %dma_start3A_142 = arith.constant 0 : i32
      %dma_start3A_143 = tpu.memref_slice %arg8[%dma_start3A_138, %dma_start3A_142] : memref<8x128xi32, #tpu.memory_space<vmem>> -> memref<1x128xi32, #tpu.memory_space<vmem>>
      %dma_start3A_144 = tpu.memref_squeeze %dma_start3A_143 : memref<1x128xi32, #tpu.memory_space<vmem>> -> memref<128xi32, #tpu.memory_space<vmem>>
      %dma_start3A_145 = arith.constant 0 : i32
      %dma_start3A_146 = arith.constant 0 : i32
      %dma_start3A_147 = tpu.memref_slice %arg10[%dma_start3A_145, %dma_start3A_146] : memref<10240x64xf32, #tpu.memory_space<vmem_shared>> -> memref<10240x64xf32, #tpu.memory_space<vmem_shared>>
      tpu.enqueue_indirect_dma source(%dma_start3A_141 : memref<128x64xf32, #tpu.memory_space<vmem>>) target(%dma_start3A_147 : memref<10240x64xf32, #tpu.memory_space<vmem_shared>>) offsets(%dma_start3A_144 : memref<128xi32, #tpu.memory_space<vmem>>) semaphore(%arg13 : memref<!tpu.dma_semaphore, #tpu.memory_space<semaphore_mem>>) {add = true}
      %dma_start3A_148 = arith.constant 2 : i32
      %dma_start3A_149 = arith.constant 256 : i32
      %dma_start3A_150 = arith.constant 0 : i32
      %dma_start3A_151 = tpu.memref_slice %arg9[%dma_start3A_149, %dma_start3A_150] : memref<1024x64xf32, #tpu.memory_space<vmem>> -> memref<128x64xf32, #tpu.memory_space<vmem>>
      %dma_start3A_152 = arith.constant 0 : i32
      %dma_start3A_153 = tpu.memref_slice %arg8[%dma_start3A_148, %dma_start3A_152] : memref<8x128xi32, #tpu.memory_space<vmem>> -> memref<1x128xi32, #tpu.memory_space<vmem>>
      %dma_start3A_154 = tpu.memref_squeeze %dma_start3A_153 : memref<1x128xi32, #tpu.memory_space<vmem>> -> memref<128xi32, #tpu.memory_space<vmem>>
      %dma_start3A_155 = arith.constant 0 : i32
      %dma_start3A_156 = arith.constant 0 : i32
      %dma_start3A_157 = tpu.memref_slice %arg10[%dma_start3A_155, %dma_start3A_156] : memref<10240x64xf32, #tpu.memory_space<vmem_shared>> -> memref<10240x64xf32, #tpu.memory_space<vmem_shared>>
      tpu.enqueue_indirect_dma source(%dma_start3A_151 : memref<128x64xf32, #tpu.memory_space<vmem>>) target(%dma_start3A_157 : memref<10240x64xf32, #tpu.memory_space<vmem_shared>>) offsets(%dma_start3A_154 : memref<128xi32, #tpu.memory_space<vmem>>) semaphore(%arg13 : memref<!tpu.dma_semaphore, #tpu.memory_space<semaphore_mem>>) {add = true}
      %dma_start3A_158 = arith.constant 3 : i32
      %dma_start3A_159 = arith.constant 384 : i32
      %dma_start3A_160 = arith.constant 0 : i32
      %dma_start3A_161 = tpu.memref_slice %arg9[%dma_start3A_159, %dma_start3A_160] : memref<1024x64xf32, #tpu.memory_space<vmem>> -> memref<128x64xf32, #tpu.memory_space<vmem>>
      %dma_start3A_162 = arith.constant 0 : i32
      %dma_start3A_163 = tpu.memref_slice %arg8[%dma_start3A_158, %dma_start3A_162] : memref<8x128xi32, #tpu.memory_space<vmem>> -> memref<1x128xi32, #tpu.memory_space<vmem>>
      %dma_start3A_164 = tpu.memref_squeeze %dma_start3A_163 : memref<1x128xi32, #tpu.memory_space<vmem>> -> memref<128xi32, #tpu.memory_space<vmem>>
      %dma_start3A_165 = arith.constant 0 : i32
      %dma_start3A_166 = arith.constant 0 : i32
      %dma_start3A_167 = tpu.memref_slice %arg10[%dma_start3A_165, %dma_start3A_166] : memref<10240x64xf32, #tpu.memory_space<vmem_shared>> -> memref<10240x64xf32, #tpu.memory_space<vmem_shared>>
      tpu.enqueue_indirect_dma source(%dma_start3A_161 : memref<128x64xf32, #tpu.memory_space<vmem>>) target(%dma_start3A_167 : memref<10240x64xf32, #tpu.memory_space<vmem_shared>>) offsets(%dma_start3A_164 : memref<128xi32, #tpu.memory_space<vmem>>) semaphore(%arg13 : memref<!tpu.dma_semaphore, #tpu.memory_space<semaphore_mem>>) {add = true}
      %dma_start3A_168 = arith.constant 4 : i32
      %dma_start3A_169 = arith.constant 512 : i32
      %dma_start3A_170 = arith.constant 0 : i32
      %dma_start3A_171 = tpu.memref_slice %arg9[%dma_start3A_169, %dma_start3A_170] : memref<1024x64xf32, #tpu.memory_space<vmem>> -> memref<128x64xf32, #tpu.memory_space<vmem>>
      %dma_start3A_172 = arith.constant 0 : i32
      %dma_start3A_173 = tpu.memref_slice %arg7[%dma_start3A_168, %dma_start3A_172] : memref<8x128xi32, #tpu.memory_space<vmem>> -> memref<1x128xi32, #tpu.memory_space<vmem>>
      %dma_start3A_174 = tpu.memref_squeeze %dma_start3A_173 : memref<1x128xi32, #tpu.memory_space<vmem>> -> memref<128xi32, #tpu.memory_space<vmem>>
      %dma_start3A_175 = arith.constant 0 : i32
      %dma_start3A_176 = arith.constant 0 : i32
      %dma_start3A_177 = tpu.memref_slice %arg4[%dma_start3A_175, %dma_start3A_176] : memref<10240x64xf32, #tpu.memory_space<hbm>> -> memref<10240x64xf32, #tpu.memory_space<hbm>>
      tpu.enqueue_indirect_dma source(%dma_start3A_177 : memref<10240x64xf32, #tpu.memory_space<hbm>>) target(%dma_start3A_171 : memref<128x64xf32, #tpu.memory_space<vmem>>) offsets(%dma_start3A_174 : memref<128xi32, #tpu.memory_space<vmem>>) semaphore(%arg12 : memref<!tpu.dma_semaphore, #tpu.memory_space<semaphore_mem>>)
      %dma_start3A_178 = arith.constant 5 : i32
      %dma_start3A_179 = arith.constant 640 : i32
      %dma_start3A_180 = arith.constant 0 : i32
      %dma_start3A_181 = tpu.memref_slice %arg9[%dma_start3A_179, %dma_start3A_180] : memref<1024x64xf32, #tpu.memory_space<vmem>> -> memref<128x64xf32, #tpu.memory_space<vmem>>
      %dma_start3A_182 = arith.constant 0 : i32
      %dma_start3A_183 = tpu.memref_slice %arg7[%dma_start3A_178, %dma_start3A_182] : memref<8x128xi32, #tpu.memory_space<vmem>> -> memref<1x128xi32, #tpu.memory_space<vmem>>
      %dma_start3A_184 = tpu.memref_squeeze %dma_start3A_183 : memref<1x128xi32, #tpu.memory_space<vmem>> -> memref<128xi32, #tpu.memory_space<vmem>>
      %dma_start3A_185 = arith.constant 0 : i32
      %dma_start3A_186 = arith.constant 0 : i32
      %dma_start3A_187 = tpu.memref_slice %arg4[%dma_start3A_185, %dma_start3A_186] : memref<10240x64xf32, #tpu.memory_space<hbm>> -> memref<10240x64xf32, #tpu.memory_space<hbm>>
      tpu.enqueue_indirect_dma source(%dma_start3A_187 : memref<10240x64xf32, #tpu.memory_space<hbm>>) target(%dma_start3A_181 : memref<128x64xf32, #tpu.memory_space<vmem>>) offsets(%dma_start3A_184 : memref<128xi32, #tpu.memory_space<vmem>>) semaphore(%arg12 : memref<!tpu.dma_semaphore, #tpu.memory_space<semaphore_mem>>)
      %dma_start3A_188 = arith.constant 6 : i32
      %dma_start3A_189 = arith.constant 768 : i32
      %dma_start3A_190 = arith.constant 0 : i32
      %dma_start3A_191 = tpu.memref_slice %arg9[%dma_start3A_189, %dma_start3A_190] : memref<1024x64xf32, #tpu.memory_space<vmem>> -> memref<128x64xf32, #tpu.memory_space<vmem>>
      %dma_start3A_192 = arith.constant 0 : i32
      %dma_start3A_193 = tpu.memref_slice %arg7[%dma_start3A_188, %dma_start3A_192] : memref<8x128xi32, #tpu.memory_space<vmem>> -> memref<1x128xi32, #tpu.memory_space<vmem>>
      %dma_start3A_194 = tpu.memref_squeeze %dma_start3A_193 : memref<1x128xi32, #tpu.memory_space<vmem>> -> memref<128xi32, #tpu.memory_space<vmem>>
      %dma_start3A_195 = arith.constant 0 : i32
      %dma_start3A_196 = arith.constant 0 : i32
      %dma_start3A_197 = tpu.memref_slice %arg4[%dma_start3A_195, %dma_start3A_196] : memref<10240x64xf32, #tpu.memory_space<hbm>> -> memref<10240x64xf32, #tpu.memory_space<hbm>>
      tpu.enqueue_indirect_dma source(%dma_start3A_197 : memref<10240x64xf32, #tpu.memory_space<hbm>>) target(%dma_start3A_191 : memref<128x64xf32, #tpu.memory_space<vmem>>) offsets(%dma_start3A_194 : memref<128xi32, #tpu.memory_space<vmem>>) semaphore(%arg12 : memref<!tpu.dma_semaphore, #tpu.memory_space<semaphore_mem>>)
      %dma_start3A_198 = arith.constant 7 : i32
      %dma_start3A_199 = arith.constant 896 : i32
      %dma_start3A_200 = arith.constant 0 : i32
      %dma_start3A_201 = tpu.memref_slice %arg9[%dma_start3A_199, %dma_start3A_200] : memref<1024x64xf32, #tpu.memory_space<vmem>> -> memref<128x64xf32, #tpu.memory_space<vmem>>
      %dma_start3A_202 = arith.constant 0 : i32
      %dma_start3A_203 = tpu.memref_slice %arg7[%dma_start3A_198, %dma_start3A_202] : memref<8x128xi32, #tpu.memory_space<vmem>> -> memref<1x128xi32, #tpu.memory_space<vmem>>
      %dma_start3A_204 = tpu.memref_squeeze %dma_start3A_203 : memref<1x128xi32, #tpu.memory_space<vmem>> -> memref<128xi32, #tpu.memory_space<vmem>>
      %dma_start3A_205 = arith.constant 0 : i32
      %dma_start3A_206 = arith.constant 0 : i32
      %dma_start3A_207 = tpu.memref_slice %arg4[%dma_start3A_205, %dma_start3A_206] : memref<10240x64xf32, #tpu.memory_space<hbm>> -> memref<10240x64xf32, #tpu.memory_space<hbm>>
      tpu.enqueue_indirect_dma source(%dma_start3A_207 : memref<10240x64xf32, #tpu.memory_space<hbm>>) target(%dma_start3A_201 : memref<128x64xf32, #tpu.memory_space<vmem>>) offsets(%dma_start3A_204 : memref<128xi32, #tpu.memory_space<vmem>>) semaphore(%arg12 : memref<!tpu.dma_semaphore, #tpu.memory_space<semaphore_mem>>)
      %dma_wait3A_208 = arith.constant 4 : i32
      %dma_wait3A_209 = arith.constant 512 : i32
      %dma_wait3A_210 = arith.constant 0 : i32
      %dma_wait3A_211 = tpu.memref_slice %arg9[%dma_wait3A_209, %dma_wait3A_210] : memref<1024x64xf32, #tpu.memory_space<vmem>> -> memref<128x64xf32, #tpu.memory_space<vmem>>
      %dma_wait3A_212 = arith.constant 0 : i32
      %dma_wait3A_213 = tpu.memref_slice %arg7[%dma_wait3A_208, %dma_wait3A_212] : memref<8x128xi32, #tpu.memory_space<vmem>> -> memref<1x128xi32, #tpu.memory_space<vmem>>
      %dma_wait3A_214 = tpu.memref_squeeze %dma_wait3A_213 : memref<1x128xi32, #tpu.memory_space<vmem>> -> memref<128xi32, #tpu.memory_space<vmem>>
      %dma_wait3A_215 = arith.constant 0 : i32
      %dma_wait3A_216 = arith.constant 0 : i32
      %dma_wait3A_217 = tpu.memref_slice %arg4[%dma_wait3A_215, %dma_wait3A_216] : memref<10240x64xf32, #tpu.memory_space<hbm>> -> memref<10240x64xf32, #tpu.memory_space<hbm>>
      tpu.wait_indirect_dma semaphore(%arg12 : memref<!tpu.dma_semaphore, #tpu.memory_space<semaphore_mem>>) src(%dma_wait3A_217 : memref<10240x64xf32, #tpu.memory_space<hbm>>) dst(%dma_wait3A_211 : memref<128x64xf32, #tpu.memory_space<vmem>>)
      %dma_wait3A_218 = arith.constant 5 : i32
      %dma_wait3A_219 = arith.constant 640 : i32
      %dma_wait3A_220 = arith.constant 0 : i32
      %dma_wait3A_221 = tpu.memref_slice %arg9[%dma_wait3A_219, %dma_wait3A_220] : memref<1024x64xf32, #tpu.memory_space<vmem>> -> memref<128x64xf32, #tpu.memory_space<vmem>>
      %dma_wait3A_222 = arith.constant 0 : i32
      %dma_wait3A_223 = tpu.memref_slice %arg7[%dma_wait3A_218, %dma_wait3A_222] : memref<8x128xi32, #tpu.memory_space<vmem>> -> memref<1x128xi32, #tpu.memory_space<vmem>>
      %dma_wait3A_224 = tpu.memref_squeeze %dma_wait3A_223 : memref<1x128xi32, #tpu.memory_space<vmem>> -> memref<128xi32, #tpu.memory_space<vmem>>
      %dma_wait3A_225 = arith.constant 0 : i32
      %dma_wait3A_226 = arith.constant 0 : i32
      %dma_wait3A_227 = tpu.memref_slice %arg4[%dma_wait3A_225, %dma_wait3A_226] : memref<10240x64xf32, #tpu.memory_space<hbm>> -> memref<10240x64xf32, #tpu.memory_space<hbm>>
      tpu.wait_indirect_dma semaphore(%arg12 : memref<!tpu.dma_semaphore, #tpu.memory_space<semaphore_mem>>) src(%dma_wait3A_227 : memref<10240x64xf32, #tpu.memory_space<hbm>>) dst(%dma_wait3A_221 : memref<128x64xf32, #tpu.memory_space<vmem>>)
      %dma_wait3A_228 = arith.constant 6 : i32
      %dma_wait3A_229 = arith.constant 768 : i32
      %dma_wait3A_230 = arith.constant 0 : i32
      %dma_wait3A_231 = tpu.memref_slice %arg9[%dma_wait3A_229, %dma_wait3A_230] : memref<1024x64xf32, #tpu.memory_space<vmem>> -> memref<128x64xf32, #tpu.memory_space<vmem>>
      %dma_wait3A_232 = arith.constant 0 : i32
      %dma_wait3A_233 = tpu.memref_slice %arg7[%dma_wait3A_228, %dma_wait3A_232] : memref<8x128xi32, #tpu.memory_space<vmem>> -> memref<1x128xi32, #tpu.memory_space<vmem>>
      %dma_wait3A_234 = tpu.memref_squeeze %dma_wait3A_233 : memref<1x128xi32, #tpu.memory_space<vmem>> -> memref<128xi32, #tpu.memory_space<vmem>>
      %dma_wait3A_235 = arith.constant 0 : i32
      %dma_wait3A_236 = arith.constant 0 : i32
      %dma_wait3A_237 = tpu.memref_slice %arg4[%dma_wait3A_235, %dma_wait3A_236] : memref<10240x64xf32, #tpu.memory_space<hbm>> -> memref<10240x64xf32, #tpu.memory_space<hbm>>
      tpu.wait_indirect_dma semaphore(%arg12 : memref<!tpu.dma_semaphore, #tpu.memory_space<semaphore_mem>>) src(%dma_wait3A_237 : memref<10240x64xf32, #tpu.memory_space<hbm>>) dst(%dma_wait3A_231 : memref<128x64xf32, #tpu.memory_space<vmem>>)
      %dma_wait3A_238 = arith.constant 7 : i32
      %dma_wait3A_239 = arith.constant 896 : i32
      %dma_wait3A_240 = arith.constant 0 : i32
      %dma_wait3A_241 = tpu.memref_slice %arg9[%dma_wait3A_239, %dma_wait3A_240] : memref<1024x64xf32, #tpu.memory_space<vmem>> -> memref<128x64xf32, #tpu.memory_space<vmem>>
      %dma_wait3A_242 = arith.constant 0 : i32
      %dma_wait3A_243 = tpu.memref_slice %arg7[%dma_wait3A_238, %dma_wait3A_242] : memref<8x128xi32, #tpu.memory_space<vmem>> -> memref<1x128xi32, #tpu.memory_space<vmem>>
      %dma_wait3A_244 = tpu.memref_squeeze %dma_wait3A_243 : memref<1x128xi32, #tpu.memory_space<vmem>> -> memref<128xi32, #tpu.memory_space<vmem>>
      %dma_wait3A_245 = arith.constant 0 : i32
      %dma_wait3A_246 = arith.constant 0 : i32
      %dma_wait3A_247 = tpu.memref_slice %arg4[%dma_wait3A_245, %dma_wait3A_246] : memref<10240x64xf32, #tpu.memory_space<hbm>> -> memref<10240x64xf32, #tpu.memory_space<hbm>>
      tpu.wait_indirect_dma semaphore(%arg12 : memref<!tpu.dma_semaphore, #tpu.memory_space<semaphore_mem>>) src(%dma_wait3A_247 : memref<10240x64xf32, #tpu.memory_space<hbm>>) dst(%dma_wait3A_241 : memref<128x64xf32, #tpu.memory_space<vmem>>)
      %dma_start3A_248 = arith.constant 4 : i32
      %dma_start3A_249 = arith.constant 512 : i32
      %dma_start3A_250 = arith.constant 0 : i32
      %dma_start3A_251 = tpu.memref_slice %arg9[%dma_start3A_249, %dma_start3A_250] : memref<1024x64xf32, #tpu.memory_space<vmem>> -> memref<128x64xf32, #tpu.memory_space<vmem>>
      %dma_start3A_252 = arith.constant 0 : i32
      %dma_start3A_253 = tpu.memref_slice %arg8[%dma_start3A_248, %dma_start3A_252] : memref<8x128xi32, #tpu.memory_space<vmem>> -> memref<1x128xi32, #tpu.memory_space<vmem>>
      %dma_start3A_254 = tpu.memref_squeeze %dma_start3A_253 : memref<1x128xi32, #tpu.memory_space<vmem>> -> memref<128xi32, #tpu.memory_space<vmem>>
      %dma_start3A_255 = arith.constant 0 : i32
      %dma_start3A_256 = arith.constant 0 : i32
      %dma_start3A_257 = tpu.memref_slice %arg10[%dma_start3A_255, %dma_start3A_256] : memref<10240x64xf32, #tpu.memory_space<vmem_shared>> -> memref<10240x64xf32, #tpu.memory_space<vmem_shared>>
      tpu.enqueue_indirect_dma source(%dma_start3A_251 : memref<128x64xf32, #tpu.memory_space<vmem>>) target(%dma_start3A_257 : memref<10240x64xf32, #tpu.memory_space<vmem_shared>>) offsets(%dma_start3A_254 : memref<128xi32, #tpu.memory_space<vmem>>) semaphore(%arg14 : memref<!tpu.dma_semaphore, #tpu.memory_space<semaphore_mem>>) {add = true}
      %dma_start3A_258 = arith.constant 5 : i32
      %dma_start3A_259 = arith.constant 640 : i32
      %dma_start3A_260 = arith.constant 0 : i32
      %dma_start3A_261 = tpu.memref_slice %arg9[%dma_start3A_259, %dma_start3A_260] : memref<1024x64xf32, #tpu.memory_space<vmem>> -> memref<128x64xf32, #tpu.memory_space<vmem>>
      %dma_start3A_262 = arith.constant 0 : i32
      %dma_start3A_263 = tpu.memref_slice %arg8[%dma_start3A_258, %dma_start3A_262] : memref<8x128xi32, #tpu.memory_space<vmem>> -> memref<1x128xi32, #tpu.memory_space<vmem>>
      %dma_start3A_264 = tpu.memref_squeeze %dma_start3A_263 : memref<1x128xi32, #tpu.memory_space<vmem>> -> memref<128xi32, #tpu.memory_space<vmem>>
      %dma_start3A_265 = arith.constant 0 : i32
      %dma_start3A_266 = arith.constant 0 : i32
      %dma_start3A_267 = tpu.memref_slice %arg10[%dma_start3A_265, %dma_start3A_266] : memref<10240x64xf32, #tpu.memory_space<vmem_shared>> -> memref<10240x64xf32, #tpu.memory_space<vmem_shared>>
      tpu.enqueue_indirect_dma source(%dma_start3A_261 : memref<128x64xf32, #tpu.memory_space<vmem>>) target(%dma_start3A_267 : memref<10240x64xf32, #tpu.memory_space<vmem_shared>>) offsets(%dma_start3A_264 : memref<128xi32, #tpu.memory_space<vmem>>) semaphore(%arg14 : memref<!tpu.dma_semaphore, #tpu.memory_space<semaphore_mem>>) {add = true}
      %dma_start3A_268 = arith.constant 6 : i32
      %dma_start3A_269 = arith.constant 768 : i32
      %dma_start3A_270 = arith.constant 0 : i32
      %dma_start3A_271 = tpu.memref_slice %arg9[%dma_start3A_269, %dma_start3A_270] : memref<1024x64xf32, #tpu.memory_space<vmem>> -> memref<128x64xf32, #tpu.memory_space<vmem>>
      %dma_start3A_272 = arith.constant 0 : i32
      %dma_start3A_273 = tpu.memref_slice %arg8[%dma_start3A_268, %dma_start3A_272] : memref<8x128xi32, #tpu.memory_space<vmem>> -> memref<1x128xi32, #tpu.memory_space<vmem>>
      %dma_start3A_274 = tpu.memref_squeeze %dma_start3A_273 : memref<1x128xi32, #tpu.memory_space<vmem>> -> memref<128xi32, #tpu.memory_space<vmem>>
      %dma_start3A_275 = arith.constant 0 : i32
      %dma_start3A_276 = arith.constant 0 : i32
      %dma_start3A_277 = tpu.memref_slice %arg10[%dma_start3A_275, %dma_start3A_276] : memref<10240x64xf32, #tpu.memory_space<vmem_shared>> -> memref<10240x64xf32, #tpu.memory_space<vmem_shared>>
      tpu.enqueue_indirect_dma source(%dma_start3A_271 : memref<128x64xf32, #tpu.memory_space<vmem>>) target(%dma_start3A_277 : memref<10240x64xf32, #tpu.memory_space<vmem_shared>>) offsets(%dma_start3A_274 : memref<128xi32, #tpu.memory_space<vmem>>) semaphore(%arg14 : memref<!tpu.dma_semaphore, #tpu.memory_space<semaphore_mem>>) {add = true}
      %dma_start3A_278 = arith.constant 7 : i32
      %dma_start3A_279 = arith.constant 896 : i32
      %dma_start3A_280 = arith.constant 0 : i32
      %dma_start3A_281 = tpu.memref_slice %arg9[%dma_start3A_279, %dma_start3A_280] : memref<1024x64xf32, #tpu.memory_space<vmem>> -> memref<128x64xf32, #tpu.memory_space<vmem>>
      %dma_start3A_282 = arith.constant 0 : i32
      %dma_start3A_283 = tpu.memref_slice %arg8[%dma_start3A_278, %dma_start3A_282] : memref<8x128xi32, #tpu.memory_space<vmem>> -> memref<1x128xi32, #tpu.memory_space<vmem>>
      %dma_start3A_284 = tpu.memref_squeeze %dma_start3A_283 : memref<1x128xi32, #tpu.memory_space<vmem>> -> memref<128xi32, #tpu.memory_space<vmem>>
      %dma_start3A_285 = arith.constant 0 : i32
      %dma_start3A_286 = arith.constant 0 : i32
      %dma_start3A_287 = tpu.memref_slice %arg10[%dma_start3A_285, %dma_start3A_286] : memref<10240x64xf32, #tpu.memory_space<vmem_shared>> -> memref<10240x64xf32, #tpu.memory_space<vmem_shared>>
      tpu.enqueue_indirect_dma source(%dma_start3A_281 : memref<128x64xf32, #tpu.memory_space<vmem>>) target(%dma_start3A_287 : memref<10240x64xf32, #tpu.memory_space<vmem_shared>>) offsets(%dma_start3A_284 : memref<128xi32, #tpu.memory_space<vmem>>) semaphore(%arg14 : memref<!tpu.dma_semaphore, #tpu.memory_space<semaphore_mem>>) {add = true}
      %dma_wait3A_288 = arith.constant 0 : i32
      %dma_wait3A_289 = arith.constant 0 : i32
      %dma_wait3A_290 = arith.constant 0 : i32
      %dma_wait3A_291 = tpu.memref_slice %arg9[%dma_wait3A_289, %dma_wait3A_290] : memref<1024x64xf32, #tpu.memory_space<vmem>> -> memref<128x64xf32, #tpu.memory_space<vmem>>
      %dma_wait3A_292 = arith.constant 0 : i32
      %dma_wait3A_293 = tpu.memref_slice %arg8[%dma_wait3A_288, %dma_wait3A_292] : memref<8x128xi32, #tpu.memory_space<vmem>> -> memref<1x128xi32, #tpu.memory_space<vmem>>
      %dma_wait3A_294 = tpu.memref_squeeze %dma_wait3A_293 : memref<1x128xi32, #tpu.memory_space<vmem>> -> memref<128xi32, #tpu.memory_space<vmem>>
      %dma_wait3A_295 = arith.constant 0 : i32
      %dma_wait3A_296 = arith.constant 0 : i32
      %dma_wait3A_297 = tpu.memref_slice %arg10[%dma_wait3A_295, %dma_wait3A_296] : memref<10240x64xf32, #tpu.memory_space<vmem_shared>> -> memref<10240x64xf32, #tpu.memory_space<vmem_shared>>
      tpu.wait_indirect_dma semaphore(%arg13 : memref<!tpu.dma_semaphore, #tpu.memory_space<semaphore_mem>>) src(%dma_wait3A_291 : memref<128x64xf32, #tpu.memory_space<vmem>>) dst(%dma_wait3A_297 : memref<10240x64xf32, #tpu.memory_space<vmem_shared>>)
      %dma_wait3A_298 = arith.constant 1 : i32
      %dma_wait3A_299 = arith.constant 128 : i32
      %dma_wait3A_300 = arith.constant 0 : i32
      %dma_wait3A_301 = tpu.memref_slice %arg9[%dma_wait3A_299, %dma_wait3A_300] : memref<1024x64xf32, #tpu.memory_space<vmem>> -> memref<128x64xf32, #tpu.memory_space<vmem>>
      %dma_wait3A_302 = arith.constant 0 : i32
      %dma_wait3A_303 = tpu.memref_slice %arg8[%dma_wait3A_298, %dma_wait3A_302] : memref<8x128xi32, #tpu.memory_space<vmem>> -> memref<1x128xi32, #tpu.memory_space<vmem>>
      %dma_wait3A_304 = tpu.memref_squeeze %dma_wait3A_303 : memref<1x128xi32, #tpu.memory_space<vmem>> -> memref<128xi32, #tpu.memory_space<vmem>>
      %dma_wait3A_305 = arith.constant 0 : i32
      %dma_wait3A_306 = arith.constant 0 : i32
      %dma_wait3A_307 = tpu.memref_slice %arg10[%dma_wait3A_305, %dma_wait3A_306] : memref<10240x64xf32, #tpu.memory_space<vmem_shared>> -> memref<10240x64xf32, #tpu.memory_space<vmem_shared>>
      tpu.wait_indirect_dma semaphore(%arg13 : memref<!tpu.dma_semaphore, #tpu.memory_space<semaphore_mem>>) src(%dma_wait3A_301 : memref<128x64xf32, #tpu.memory_space<vmem>>) dst(%dma_wait3A_307 : memref<10240x64xf32, #tpu.memory_space<vmem_shared>>)
      %dma_wait3A_308 = arith.constant 2 : i32
      %dma_wait3A_309 = arith.constant 256 : i32
      %dma_wait3A_310 = arith.constant 0 : i32
      %dma_wait3A_311 = tpu.memref_slice %arg9[%dma_wait3A_309, %dma_wait3A_310] : memref<1024x64xf32, #tpu.memory_space<vmem>> -> memref<128x64xf32, #tpu.memory_space<vmem>>
      %dma_wait3A_312 = arith.constant 0 : i32
      %dma_wait3A_313 = tpu.memref_slice %arg8[%dma_wait3A_308, %dma_wait3A_312] : memref<8x128xi32, #tpu.memory_space<vmem>> -> memref<1x128xi32, #tpu.memory_space<vmem>>
      %dma_wait3A_314 = tpu.memref_squeeze %dma_wait3A_313 : memref<1x128xi32, #tpu.memory_space<vmem>> -> memref<128xi32, #tpu.memory_space<vmem>>
      %dma_wait3A_315 = arith.constant 0 : i32
      %dma_wait3A_316 = arith.constant 0 : i32
      %dma_wait3A_317 = tpu.memref_slice %arg10[%dma_wait3A_315, %dma_wait3A_316] : memref<10240x64xf32, #tpu.memory_space<vmem_shared>> -> memref<10240x64xf32, #tpu.memory_space<vmem_shared>>
      tpu.wait_indirect_dma semaphore(%arg13 : memref<!tpu.dma_semaphore, #tpu.memory_space<semaphore_mem>>) src(%dma_wait3A_311 : memref<128x64xf32, #tpu.memory_space<vmem>>) dst(%dma_wait3A_317 : memref<10240x64xf32, #tpu.memory_space<vmem_shared>>)
      %dma_wait3A_318 = arith.constant 3 : i32
      %dma_wait3A_319 = arith.constant 384 : i32
      %dma_wait3A_320 = arith.constant 0 : i32
      %dma_wait3A_321 = tpu.memref_slice %arg9[%dma_wait3A_319, %dma_wait3A_320] : memref<1024x64xf32, #tpu.memory_space<vmem>> -> memref<128x64xf32, #tpu.memory_space<vmem>>
      %dma_wait3A_322 = arith.constant 0 : i32
      %dma_wait3A_323 = tpu.memref_slice %arg8[%dma_wait3A_318, %dma_wait3A_322] : memref<8x128xi32, #tpu.memory_space<vmem>> -> memref<1x128xi32, #tpu.memory_space<vmem>>
      %dma_wait3A_324 = tpu.memref_squeeze %dma_wait3A_323 : memref<1x128xi32, #tpu.memory_space<vmem>> -> memref<128xi32, #tpu.memory_space<vmem>>
      %dma_wait3A_325 = arith.constant 0 : i32
      %dma_wait3A_326 = arith.constant 0 : i32
      %dma_wait3A_327 = tpu.memref_slice %arg10[%dma_wait3A_325, %dma_wait3A_326] : memref<10240x64xf32, #tpu.memory_space<vmem_shared>> -> memref<10240x64xf32, #tpu.memory_space<vmem_shared>>
      tpu.wait_indirect_dma semaphore(%arg13 : memref<!tpu.dma_semaphore, #tpu.memory_space<semaphore_mem>>) src(%dma_wait3A_321 : memref<128x64xf32, #tpu.memory_space<vmem>>) dst(%dma_wait3A_327 : memref<10240x64xf32, #tpu.memory_space<vmem_shared>>)
      %dma_wait3A_328 = arith.constant 4 : i32
      %dma_wait3A_329 = arith.constant 512 : i32
      %dma_wait3A_330 = arith.constant 0 : i32
      %dma_wait3A_331 = tpu.memref_slice %arg9[%dma_wait3A_329, %dma_wait3A_330] : memref<1024x64xf32, #tpu.memory_space<vmem>> -> memref<128x64xf32, #tpu.memory_space<vmem>>
      %dma_wait3A_332 = arith.constant 0 : i32
      %dma_wait3A_333 = tpu.memref_slice %arg8[%dma_wait3A_328, %dma_wait3A_332] : memref<8x128xi32, #tpu.memory_space<vmem>> -> memref<1x128xi32, #tpu.memory_space<vmem>>
      %dma_wait3A_334 = tpu.memref_squeeze %dma_wait3A_333 : memref<1x128xi32, #tpu.memory_space<vmem>> -> memref<128xi32, #tpu.memory_space<vmem>>
      %dma_wait3A_335 = arith.constant 0 : i32
      %dma_wait3A_336 = arith.constant 0 : i32
      %dma_wait3A_337 = tpu.memref_slice %arg10[%dma_wait3A_335, %dma_wait3A_336] : memref<10240x64xf32, #tpu.memory_space<vmem_shared>> -> memref<10240x64xf32, #tpu.memory_space<vmem_shared>>
      tpu.wait_indirect_dma semaphore(%arg14 : memref<!tpu.dma_semaphore, #tpu.memory_space<semaphore_mem>>) src(%dma_wait3A_331 : memref<128x64xf32, #tpu.memory_space<vmem>>) dst(%dma_wait3A_337 : memref<10240x64xf32, #tpu.memory_space<vmem_shared>>)
      %dma_wait3A_338 = arith.constant 5 : i32
      %dma_wait3A_339 = arith.constant 640 : i32
      %dma_wait3A_340 = arith.constant 0 : i32
      %dma_wait3A_341 = tpu.memref_slice %arg9[%dma_wait3A_339, %dma_wait3A_340] : memref<1024x64xf32, #tpu.memory_space<vmem>> -> memref<128x64xf32, #tpu.memory_space<vmem>>
      %dma_wait3A_342 = arith.constant 0 : i32
      %dma_wait3A_343 = tpu.memref_slice %arg8[%dma_wait3A_338, %dma_wait3A_342] : memref<8x128xi32, #tpu.memory_space<vmem>> -> memref<1x128xi32, #tpu.memory_space<vmem>>
      %dma_wait3A_344 = tpu.memref_squeeze %dma_wait3A_343 : memref<1x128xi32, #tpu.memory_space<vmem>> -> memref<128xi32, #tpu.memory_space<vmem>>
      %dma_wait3A_345 = arith.constant 0 : i32
      %dma_wait3A_346 = arith.constant 0 : i32
      %dma_wait3A_347 = tpu.memref_slice %arg10[%dma_wait3A_345, %dma_wait3A_346] : memref<10240x64xf32, #tpu.memory_space<vmem_shared>> -> memref<10240x64xf32, #tpu.memory_space<vmem_shared>>
      tpu.wait_indirect_dma semaphore(%arg14 : memref<!tpu.dma_semaphore, #tpu.memory_space<semaphore_mem>>) src(%dma_wait3A_341 : memref<128x64xf32, #tpu.memory_space<vmem>>) dst(%dma_wait3A_347 : memref<10240x64xf32, #tpu.memory_space<vmem_shared>>)
      %dma_wait3A_348 = arith.constant 6 : i32
      %dma_wait3A_349 = arith.constant 768 : i32
      %dma_wait3A_350 = arith.constant 0 : i32
      %dma_wait3A_351 = tpu.memref_slice %arg9[%dma_wait3A_349, %dma_wait3A_350] : memref<1024x64xf32, #tpu.memory_space<vmem>> -> memref<128x64xf32, #tpu.memory_space<vmem>>
      %dma_wait3A_352 = arith.constant 0 : i32
      %dma_wait3A_353 = tpu.memref_slice %arg8[%dma_wait3A_348, %dma_wait3A_352] : memref<8x128xi32, #tpu.memory_space<vmem>> -> memref<1x128xi32, #tpu.memory_space<vmem>>
      %dma_wait3A_354 = tpu.memref_squeeze %dma_wait3A_353 : memref<1x128xi32, #tpu.memory_space<vmem>> -> memref<128xi32, #tpu.memory_space<vmem>>
      %dma_wait3A_355 = arith.constant 0 : i32
      %dma_wait3A_356 = arith.constant 0 : i32
      %dma_wait3A_357 = tpu.memref_slice %arg10[%dma_wait3A_355, %dma_wait3A_356] : memref<10240x64xf32, #tpu.memory_space<vmem_shared>> -> memref<10240x64xf32, #tpu.memory_space<vmem_shared>>
      tpu.wait_indirect_dma semaphore(%arg14 : memref<!tpu.dma_semaphore, #tpu.memory_space<semaphore_mem>>) src(%dma_wait3A_351 : memref<128x64xf32, #tpu.memory_space<vmem>>) dst(%dma_wait3A_357 : memref<10240x64xf32, #tpu.memory_space<vmem_shared>>)
      %dma_wait3A_358 = arith.constant 7 : i32
      %dma_wait3A_359 = arith.constant 896 : i32
      %dma_wait3A_360 = arith.constant 0 : i32
      %dma_wait3A_361 = tpu.memref_slice %arg9[%dma_wait3A_359, %dma_wait3A_360] : memref<1024x64xf32, #tpu.memory_space<vmem>> -> memref<128x64xf32, #tpu.memory_space<vmem>>
      %dma_wait3A_362 = arith.constant 0 : i32
      %dma_wait3A_363 = tpu.memref_slice %arg8[%dma_wait3A_358, %dma_wait3A_362] : memref<8x128xi32, #tpu.memory_space<vmem>> -> memref<1x128xi32, #tpu.memory_space<vmem>>
      %dma_wait3A_364 = tpu.memref_squeeze %dma_wait3A_363 : memref<1x128xi32, #tpu.memory_space<vmem>> -> memref<128xi32, #tpu.memory_space<vmem>>
      %dma_wait3A_365 = arith.constant 0 : i32
      %dma_wait3A_366 = arith.constant 0 : i32
      %dma_wait3A_367 = tpu.memref_slice %arg10[%dma_wait3A_365, %dma_wait3A_366] : memref<10240x64xf32, #tpu.memory_space<vmem_shared>> -> memref<10240x64xf32, #tpu.memory_space<vmem_shared>>
      tpu.wait_indirect_dma semaphore(%arg14 : memref<!tpu.dma_semaphore, #tpu.memory_space<semaphore_mem>>) src(%dma_wait3A_361 : memref<128x64xf32, #tpu.memory_space<vmem>>) dst(%dma_wait3A_367 : memref<10240x64xf32, #tpu.memory_space<vmem_shared>>)
    }
    %barrier3A_35 = arith.constant 0 : index
    tpu.barrier barrier_id(%barrier3A_35)
    %eq3A_36 = arith.constant 0 : i32
    %eq3A_37 = arith.cmpi eq, %arg0, %eq3A_36 : i32
    %convert_element_type3A = arith.extui %eq3A_37 : i1 to i32
    %cond3A = arith.constant 0 : i32
    %cond3A_38 = arith.cmpi ne, %convert_element_type3A, %cond3A : i32
    scf.if %cond3A_38 {
      %run_scoped3A = arith.constant 0 : i32
      "tpu.region"() ({
        %run_scoped3A_44 = tpu.sem_alloc : memref<!tpu.dma_semaphore, #tpu.memory_space<semaphore_mem>>
        %dma_start3A = arith.constant 0 : i32
        %dma_start3A_45 = arith.constant 0 : i32
        %dma_start3A_46 = tpu.memref_slice %arg6[%run_scoped3A, %dma_start3A, %dma_start3A_45] : memref<2x10240x64xf32, #tpu.memory_space<hbm>> -> memref<1x10240x64xf32, #tpu.memory_space<hbm>>
        %dma_start3A_47 = tpu.memref_squeeze %dma_start3A_46 : memref<1x10240x64xf32, #tpu.memory_space<hbm>> -> memref<10240x64xf32, #tpu.memory_space<hbm>>
        %dma_start3A_48 = arith.constant 0 : i32
        %dma_start3A_49 = tpu.memref_slice %dma_start3A_47[%multiple_of3A, %dma_start3A_48] : memref<10240x64xf32, #tpu.memory_space<hbm>> -> memref<640x64xf32, #tpu.memory_space<hbm>>
        %dma_start3A_50 = arith.constant 0 : i32
        %dma_start3A_51 = tpu.memref_slice %arg10[%multiple_of3A, %dma_start3A_50] : memref<10240x64xf32, #tpu.memory_space<vmem_shared>> -> memref<640x64xf32, #tpu.memory_space<vmem_shared>>
        tpu.enqueue_dma source(%dma_start3A_51 : memref<640x64xf32, #tpu.memory_space<vmem_shared>>) target(%dma_start3A_49 : memref<640x64xf32, #tpu.memory_space<hbm>>) target_semaphore(%run_scoped3A_44 : memref<!tpu.dma_semaphore, #tpu.memory_space<semaphore_mem>>)
        %dma_wait3A = arith.constant 0 : i32
        %dma_wait3A_52 = arith.constant 0 : i32
        %dma_wait3A_53 = tpu.memref_slice %arg6[%run_scoped3A, %dma_wait3A, %dma_wait3A_52] : memref<2x10240x64xf32, #tpu.memory_space<hbm>> -> memref<1x10240x64xf32, #tpu.memory_space<hbm>>
        %dma_wait3A_54 = tpu.memref_squeeze %dma_wait3A_53 : memref<1x10240x64xf32, #tpu.memory_space<hbm>> -> memref<10240x64xf32, #tpu.memory_space<hbm>>
        %dma_wait3A_55 = arith.constant 0 : i32
        %dma_wait3A_56 = tpu.memref_slice %dma_wait3A_54[%multiple_of3A, %dma_wait3A_55] : memref<10240x64xf32, #tpu.memory_space<hbm>> -> memref<640x64xf32, #tpu.memory_space<hbm>>
        %dma_wait3A_57 = arith.constant 0 : i32
        %dma_wait3A_58 = tpu.memref_slice %arg10[%multiple_of3A, %dma_wait3A_57] : memref<10240x64xf32, #tpu.memory_space<vmem_shared>> -> memref<640x64xf32, #tpu.memory_space<vmem_shared>>
        tpu.wait_dma2 semaphore(%run_scoped3A_44 : memref<!tpu.dma_semaphore, #tpu.memory_space<semaphore_mem>>) src(%dma_wait3A_58 : memref<640x64xf32, #tpu.memory_space<vmem_shared>>) dst(%dma_wait3A_56 : memref<640x64xf32, #tpu.memory_space<hbm>>)
        tpu.yield
      }) : () -> ()
    } else {
    }
    %eq3A_39 = arith.constant 1 : i32
    %eq3A_40 = arith.cmpi eq, %arg0, %eq3A_39 : i32
    %convert_element_type3A_41 = arith.extui %eq3A_40 : i1 to i32
    %cond3A_42 = arith.constant 0 : i32
    %cond3A_43 = arith.cmpi ne, %convert_element_type3A_41, %cond3A_42 : i32
    scf.if %cond3A_43 {
      %run_scoped3A = arith.constant 1 : i32
      "tpu.region"() ({
        %run_scoped3A_44 = tpu.sem_alloc : memref<!tpu.dma_semaphore, #tpu.memory_space<semaphore_mem>>
        %dma_start3A = arith.constant 0 : i32
        %dma_start3A_45 = arith.constant 0 : i32
        %dma_start3A_46 = tpu.memref_slice %arg6[%run_scoped3A, %dma_start3A, %dma_start3A_45] : memref<2x10240x64xf32, #tpu.memory_space<hbm>> -> memref<1x10240x64xf32, #tpu.memory_space<hbm>>
        %dma_start3A_47 = tpu.memref_squeeze %dma_start3A_46 : memref<1x10240x64xf32, #tpu.memory_space<hbm>> -> memref<10240x64xf32, #tpu.memory_space<hbm>>
        %dma_start3A_48 = arith.constant 0 : i32
        %dma_start3A_49 = tpu.memref_slice %dma_start3A_47[%multiple_of3A, %dma_start3A_48] : memref<10240x64xf32, #tpu.memory_space<hbm>> -> memref<640x64xf32, #tpu.memory_space<hbm>>
        %dma_start3A_50 = arith.constant 0 : i32
        %dma_start3A_51 = tpu.memref_slice %arg10[%multiple_of3A, %dma_start3A_50] : memref<10240x64xf32, #tpu.memory_space<vmem_shared>> -> memref<640x64xf32, #tpu.memory_space<vmem_shared>>
        tpu.enqueue_dma source(%dma_start3A_51 : memref<640x64xf32, #tpu.memory_space<vmem_shared>>) target(%dma_start3A_49 : memref<640x64xf32, #tpu.memory_space<hbm>>) target_semaphore(%run_scoped3A_44 : memref<!tpu.dma_semaphore, #tpu.memory_space<semaphore_mem>>)
        %dma_wait3A = arith.constant 0 : i32
        %dma_wait3A_52 = arith.constant 0 : i32
        %dma_wait3A_53 = tpu.memref_slice %arg6[%run_scoped3A, %dma_wait3A, %dma_wait3A_52] : memref<2x10240x64xf32, #tpu.memory_space<hbm>> -> memref<1x10240x64xf32, #tpu.memory_space<hbm>>
        %dma_wait3A_54 = tpu.memref_squeeze %dma_wait3A_53 : memref<1x10240x64xf32, #tpu.memory_space<hbm>> -> memref<10240x64xf32, #tpu.memory_space<hbm>>
        %dma_wait3A_55 = arith.constant 0 : i32
        %dma_wait3A_56 = tpu.memref_slice %dma_wait3A_54[%multiple_of3A, %dma_wait3A_55] : memref<10240x64xf32, #tpu.memory_space<hbm>> -> memref<640x64xf32, #tpu.memory_space<hbm>>
        %dma_wait3A_57 = arith.constant 0 : i32
        %dma_wait3A_58 = tpu.memref_slice %arg10[%multiple_of3A, %dma_wait3A_57] : memref<10240x64xf32, #tpu.memory_space<vmem_shared>> -> memref<640x64xf32, #tpu.memory_space<vmem_shared>>
        tpu.wait_dma2 semaphore(%run_scoped3A_44 : memref<!tpu.dma_semaphore, #tpu.memory_space<semaphore_mem>>) src(%dma_wait3A_58 : memref<640x64xf32, #tpu.memory_space<vmem_shared>>) dst(%dma_wait3A_56 : memref<640x64xf32, #tpu.memory_space<hbm>>)
        tpu.yield
      }) : () -> ()
    } else {
    }
    return
  }
}

#map = affine_map<(d0, d1) -> (0)>
module attributes {stable_mosaic.version = 14 : i64} {
  func.func @_sc1(%arg0: i32, %arg1: i32, %arg2: memref<327680xi32, #tpu.memory_space<hbm>>, %arg3: memref<327680xi32, #tpu.memory_space<hbm>>, %arg4: memref<10240xf32, #tpu.memory_space<hbm>>, %arg5: memref<10240xf32, #tpu.memory_space<hbm>>, %arg6: memref<327680xf32, #tpu.memory_space<hbm>>, %arg7: memref<1024xi32, #tpu.memory_space<vmem>>, %arg8: memref<1024xi32, #tpu.memory_space<vmem>>, %arg9: memref<1024xf32, #tpu.memory_space<vmem>>, %arg10: memref<10240xf32, #tpu.memory_space<vmem>>, %arg11: memref<10240xf32, #tpu.memory_space<vmem>>, %arg12: memref<640xf32, #tpu.memory_space<vmem>>, %arg13: memref<640xf32, #tpu.memory_space<vmem>>, %arg14: memref<16x10240xf32, #tpu.memory_space<vmem_shared>>, %arg15: memref<10240xf32, #tpu.memory_space<vmem_shared>>, %arg16: memref<!tpu.dma_semaphore, #tpu.memory_space<semaphore_mem>>) attributes {dimension_semantics = [#tpu.dimension_semantics<core_parallel>, #tpu.dimension_semantics<subcore_parallel>], iteration_bounds = array<i64: 2, 16>, scalar_prefetch = 0 : i64, scratch_operands = 10 : i64, tpu.core_type = #tpu.core_type<sc_vector_subcore>, window_params = [{transform_indices = #map}, {transform_indices = #map}, {transform_indices = #map}, {transform_indices = #map}, {transform_indices = #map}]} {
    %mul3A = arith.constant 640 : i32
    %mul3A_0 = arith.muli %arg1, %mul3A : i32
    %multiple_of3A = tpu.assume_multiple %mul3A_0, 8 : i32
    %broadcast_in_dim3A = arith.constant 0.000000e+00 : f32
    %broadcast_in_dim3A_1 = vector.broadcast %broadcast_in_dim3A : f32 to vector<16xf32>
    "tpu.region"() ({
      %run_scoped3A = tpu.sem_alloc : memref<!tpu.dma_semaphore, #tpu.memory_space<semaphore_mem>>
      tpu.enqueue_dma source(%arg4 : memref<10240xf32, #tpu.memory_space<hbm>>) target(%arg10 : memref<10240xf32, #tpu.memory_space<vmem>>) target_semaphore(%run_scoped3A : memref<!tpu.dma_semaphore, #tpu.memory_space<semaphore_mem>>)
      tpu.wait_dma2 semaphore(%run_scoped3A : memref<!tpu.dma_semaphore, #tpu.memory_space<semaphore_mem>>) src(%arg4 : memref<10240xf32, #tpu.memory_space<hbm>>) dst(%arg10 : memref<10240xf32, #tpu.memory_space<vmem>>)
      tpu.yield
    }) : () -> ()
    %scan3A = arith.constant 0 : i32
    %scan3A_2 = arith.constant 0 : i32
    %scan3A_3 = arith.constant 640 : i32
    %scan3A_4 = arith.addi %scan3A_2, %scan3A_3 : i32
    %scan3A_5 = arith.constant 1 : i32
    scf.for %scan3A_34 = %scan3A_2 to %scan3A_4 step %scan3A_5  : i32 {
      %mul3A_35 = arith.constant 16 : i32
      %mul3A_36 = arith.muli %scan3A_34, %mul3A_35 : i32
      %multiple_of3A_37 = tpu.assume_multiple %mul3A_36, 8 : i32
      %swap3A = arith.index_cast %multiple_of3A_37 : i32 to index
      %swap3A_38 = tpu.vector_load %arg11[%swap3A] {strides = array<i32>} : memref<10240xf32, #tpu.memory_space<vmem>>, vector<16xf32>,
      tpu.vector_store %arg11[%swap3A], %broadcast_in_dim3A_1 {strides = array<i32>} : memref<10240xf32, #tpu.memory_space<vmem>>, vector<16xf32>,
    }
    %scan3A_6 = arith.constant 640 : i32
    %scan3A_7 = arith.constant 0 : i32
    %scan3A_8 = arith.constant 0 : i32
    %scan3A_9 = arith.constant 20 : i32
    %scan3A_10 = arith.addi %scan3A_8, %scan3A_9 : i32
    %scan3A_11 = arith.constant 1 : i32
    scf.for %scan3A_34 = %scan3A_8 to %scan3A_10 step %scan3A_11  : i32 {
      %mul3A_35 = arith.constant 20480 : i32
      %mul3A_36 = arith.muli %arg1, %mul3A_35 : i32
      %mul3A_37 = arith.constant 1024 : i32
      %mul3A_38 = arith.muli %scan3A_34, %mul3A_37 : i32
      %add3A = arith.addi %mul3A_36, %mul3A_38 : i32
      %multiple_of3A_39 = tpu.assume_multiple %add3A, 8 : i32
      "tpu.region"() ({
        %run_scoped3A = tpu.sem_alloc : memref<!tpu.dma_semaphore, #tpu.memory_space<semaphore_mem>>
        %dma_start3A = tpu.memref_slice %arg2[%multiple_of3A_39] : memref<327680xi32, #tpu.memory_space<hbm>> -> memref<1024xi32, #tpu.memory_space<hbm>>
        %dma_start3A_46 = tpu.memref_slice %arg2[%multiple_of3A_39] : memref<327680xi32, #tpu.memory_space<hbm>> -> memref<1024xi32, #tpu.memory_space<hbm>>
        tpu.enqueue_dma source(%dma_start3A_46 : memref<1024xi32, #tpu.memory_space<hbm>>) target(%arg7 : memref<1024xi32, #tpu.memory_space<vmem>>) target_semaphore(%run_scoped3A : memref<!tpu.dma_semaphore, #tpu.memory_space<semaphore_mem>>)
        %dma_wait3A = tpu.memref_slice %arg2[%multiple_of3A_39] : memref<327680xi32, #tpu.memory_space<hbm>> -> memref<1024xi32, #tpu.memory_space<hbm>>
        %dma_wait3A_47 = tpu.memref_slice %arg2[%multiple_of3A_39] : memref<327680xi32, #tpu.memory_space<hbm>> -> memref<1024xi32, #tpu.memory_space<hbm>>
        tpu.wait_dma2 semaphore(%run_scoped3A : memref<!tpu.dma_semaphore, #tpu.memory_space<semaphore_mem>>) src(%dma_wait3A_47 : memref<1024xi32, #tpu.memory_space<hbm>>) dst(%arg7 : memref<1024xi32, #tpu.memory_space<vmem>>)
        tpu.yield
      }) : () -> ()
      "tpu.region"() ({
        %run_scoped3A = tpu.sem_alloc : memref<!tpu.dma_semaphore, #tpu.memory_space<semaphore_mem>>
        %dma_start3A = tpu.memref_slice %arg3[%multiple_of3A_39] : memref<327680xi32, #tpu.memory_space<hbm>> -> memref<1024xi32, #tpu.memory_space<hbm>>
        %dma_start3A_46 = tpu.memref_slice %arg3[%multiple_of3A_39] : memref<327680xi32, #tpu.memory_space<hbm>> -> memref<1024xi32, #tpu.memory_space<hbm>>
        tpu.enqueue_dma source(%dma_start3A_46 : memref<1024xi32, #tpu.memory_space<hbm>>) target(%arg8 : memref<1024xi32, #tpu.memory_space<vmem>>) target_semaphore(%run_scoped3A : memref<!tpu.dma_semaphore, #tpu.memory_space<semaphore_mem>>)
        %dma_wait3A = tpu.memref_slice %arg3[%multiple_of3A_39] : memref<327680xi32, #tpu.memory_space<hbm>> -> memref<1024xi32, #tpu.memory_space<hbm>>
        %dma_wait3A_47 = tpu.memref_slice %arg3[%multiple_of3A_39] : memref<327680xi32, #tpu.memory_space<hbm>> -> memref<1024xi32, #tpu.memory_space<hbm>>
        tpu.wait_dma2 semaphore(%run_scoped3A : memref<!tpu.dma_semaphore, #tpu.memory_space<semaphore_mem>>) src(%dma_wait3A_47 : memref<1024xi32, #tpu.memory_space<hbm>>) dst(%arg8 : memref<1024xi32, #tpu.memory_space<vmem>>)
        tpu.yield
      }) : () -> ()
      %scan3A_40 = arith.constant 0 : i32
      %scan3A_41 = arith.constant 0 : i32
      %scan3A_42 = arith.constant 64 : i32
      %scan3A_43 = arith.addi %scan3A_41, %scan3A_42 : i32
      %scan3A_44 = arith.constant 1 : i32
      scf.for %scan3A_46 = %scan3A_41 to %scan3A_43 step %scan3A_44  : i32 {
        %mul3A_47 = arith.constant 16 : i32
        %mul3A_48 = arith.muli %scan3A_46, %mul3A_47 : i32
        %multiple_of3A_49 = tpu.assume_multiple %mul3A_48, 8 : i32
        %get3A = arith.index_cast %multiple_of3A_49 : i32 to index
        %get3A_50 = tpu.vector_load %arg7[%get3A] {strides = array<i32>} : memref<1024xi32, #tpu.memory_space<vmem>>, vector<16xi32>,
        %get3A_51 = arith.index_cast %multiple_of3A_49 : i32 to index
        %get3A_52 = tpu.vector_load %arg8[%get3A_51] {strides = array<i32>} : memref<1024xi32, #tpu.memory_space<vmem>>, vector<16xi32>,
        %gather3A = tpu.vector_load_idx %arg10[%get3A_50] : memref<10240xf32, #tpu.memory_space<vmem>>[vector<16xi32>], vector<16xf32>,
        tpu.vector_store_idx %arg11[%get3A_52], %gather3A {add = true} : memref<10240xf32, #tpu.memory_space<vmem>>[vector<16xi32>], vector<16xf32>,
      }
      %scan3A_45 = arith.constant 64 : i32
    }
    %scan3A_12 = arith.constant 20 : i32
    "tpu.region"() ({
      %run_scoped3A = tpu.sem_alloc : memref<!tpu.dma_semaphore, #tpu.memory_space<semaphore_mem>>
      %dma_start3A = arith.constant 0 : i32
      %dma_start3A_34 = tpu.memref_slice %arg14[%arg1, %dma_start3A] : memref<16x10240xf32, #tpu.memory_space<vmem_shared>> -> memref<1x10240xf32, #tpu.memory_space<vmem_shared>>
      %dma_start3A_35 = tpu.memref_squeeze %dma_start3A_34 : memref<1x10240xf32, #tpu.memory_space<vmem_shared>> -> memref<10240xf32, #tpu.memory_space<vmem_shared>>
      %dma_start3A_36 = arith.constant 0 : i32
      %dma_start3A_37 = tpu.memref_slice %arg14[%arg1, %dma_start3A_36] : memref<16x10240xf32, #tpu.memory_space<vmem_shared>> -> memref<1x10240xf32, #tpu.memory_space<vmem_shared>>
      %dma_start3A_38 = tpu.memref_squeeze %dma_start3A_37 : memref<1x10240xf32, #tpu.memory_space<vmem_shared>> -> memref<10240xf32, #tpu.memory_space<vmem_shared>>
      tpu.enqueue_dma source(%arg11 : memref<10240xf32, #tpu.memory_space<vmem>>) target(%dma_start3A_38 : memref<10240xf32, #tpu.memory_space<vmem_shared>>) target_semaphore(%run_scoped3A : memref<!tpu.dma_semaphore, #tpu.memory_space<semaphore_mem>>)
      %dma_wait3A = arith.constant 0 : i32
      %dma_wait3A_39 = tpu.memref_slice %arg14[%arg1, %dma_wait3A] : memref<16x10240xf32, #tpu.memory_space<vmem_shared>> -> memref<1x10240xf32, #tpu.memory_space<vmem_shared>>
      %dma_wait3A_40 = tpu.memref_squeeze %dma_wait3A_39 : memref<1x10240xf32, #tpu.memory_space<vmem_shared>> -> memref<10240xf32, #tpu.memory_space<vmem_shared>>
      %dma_wait3A_41 = arith.constant 0 : i32
      %dma_wait3A_42 = tpu.memref_slice %arg14[%arg1, %dma_wait3A_41] : memref<16x10240xf32, #tpu.memory_space<vmem_shared>> -> memref<1x10240xf32, #tpu.memory_space<vmem_shared>>
      %dma_wait3A_43 = tpu.memref_squeeze %dma_wait3A_42 : memref<1x10240xf32, #tpu.memory_space<vmem_shared>> -> memref<10240xf32, #tpu.memory_space<vmem_shared>>
      tpu.wait_dma2 semaphore(%run_scoped3A : memref<!tpu.dma_semaphore, #tpu.memory_space<semaphore_mem>>) src(%arg11 : memref<10240xf32, #tpu.memory_space<vmem>>) dst(%dma_wait3A_43 : memref<10240xf32, #tpu.memory_space<vmem_shared>>)
      tpu.yield
    }) : () -> ()
    %barrier3A = arith.constant 0 : index
    tpu.barrier barrier_id(%barrier3A)
    %scan3A_13 = arith.constant 0 : i32
    %scan3A_14 = arith.constant 0 : i32
    %scan3A_15 = arith.constant 40 : i32
    %scan3A_16 = arith.addi %scan3A_14, %scan3A_15 : i32
    %scan3A_17 = arith.constant 1 : i32
    scf.for %scan3A_34 = %scan3A_14 to %scan3A_16 step %scan3A_17  : i32 {
      %mul3A_35 = arith.constant 16 : i32
      %mul3A_36 = arith.muli %scan3A_34, %mul3A_35 : i32
      %multiple_of3A_37 = tpu.assume_multiple %mul3A_36, 8 : i32
      %swap3A = arith.index_cast %multiple_of3A_37 : i32 to index
      %swap3A_38 = tpu.vector_load %arg12[%swap3A] {strides = array<i32>} : memref<640xf32, #tpu.memory_space<vmem>>, vector<16xf32>,
      tpu.vector_store %arg12[%swap3A], %broadcast_in_dim3A_1 {strides = array<i32>} : memref<640xf32, #tpu.memory_space<vmem>>, vector<16xf32>,
    }
    %scan3A_18 = arith.constant 40 : i32
    %scan3A_19 = arith.constant 0 : i32
    %scan3A_20 = arith.constant 0 : i32
    %scan3A_21 = arith.constant 16 : i32
    %scan3A_22 = arith.addi %scan3A_20, %scan3A_21 : i32
    %scan3A_23 = arith.constant 1 : i32
    scf.for %scan3A_34 = %scan3A_20 to %scan3A_22 step %scan3A_23  : i32 {
      "tpu.region"() ({
        %run_scoped3A = tpu.sem_alloc : memref<!tpu.dma_semaphore, #tpu.memory_space<semaphore_mem>>
        %dma_start3A = tpu.memref_slice %arg14[%scan3A_34, %multiple_of3A] : memref<16x10240xf32, #tpu.memory_space<vmem_shared>> -> memref<1x640xf32, #tpu.memory_space<vmem_shared>>
        %dma_start3A_41 = tpu.memref_squeeze %dma_start3A : memref<1x640xf32, #tpu.memory_space<vmem_shared>> -> memref<640xf32, #tpu.memory_space<vmem_shared>>
        %dma_start3A_42 = tpu.memref_slice %arg14[%scan3A_34, %multiple_of3A] : memref<16x10240xf32, #tpu.memory_space<vmem_shared>> -> memref<1x640xf32, #tpu.memory_space<vmem_shared>>
        %dma_start3A_43 = tpu.memref_squeeze %dma_start3A_42 : memref<1x640xf32, #tpu.memory_space<vmem_shared>> -> memref<640xf32, #tpu.memory_space<vmem_shared>>
        tpu.enqueue_dma source(%dma_start3A_43 : memref<640xf32, #tpu.memory_space<vmem_shared>>) target(%arg13 : memref<640xf32, #tpu.memory_space<vmem>>) target_semaphore(%run_scoped3A : memref<!tpu.dma_semaphore, #tpu.memory_space<semaphore_mem>>)
        %dma_wait3A = tpu.memref_slice %arg14[%scan3A_34, %multiple_of3A] : memref<16x10240xf32, #tpu.memory_space<vmem_shared>> -> memref<1x640xf32, #tpu.memory_space<vmem_shared>>
        %dma_wait3A_44 = tpu.memref_squeeze %dma_wait3A : memref<1x640xf32, #tpu.memory_space<vmem_shared>> -> memref<640xf32, #tpu.memory_space<vmem_shared>>
        %dma_wait3A_45 = tpu.memref_slice %arg14[%scan3A_34, %multiple_of3A] : memref<16x10240xf32, #tpu.memory_space<vmem_shared>> -> memref<1x640xf32, #tpu.memory_space<vmem_shared>>
        %dma_wait3A_46 = tpu.memref_squeeze %dma_wait3A_45 : memref<1x640xf32, #tpu.memory_space<vmem_shared>> -> memref<640xf32, #tpu.memory_space<vmem_shared>>
        tpu.wait_dma2 semaphore(%run_scoped3A : memref<!tpu.dma_semaphore, #tpu.memory_space<semaphore_mem>>) src(%dma_wait3A_46 : memref<640xf32, #tpu.memory_space<vmem_shared>>) dst(%arg13 : memref<640xf32, #tpu.memory_space<vmem>>)
        tpu.yield
      }) : () -> ()
      %scan3A_35 = arith.constant 0 : i32
      %scan3A_36 = arith.constant 0 : i32
      %scan3A_37 = arith.constant 40 : i32
      %scan3A_38 = arith.addi %scan3A_36, %scan3A_37 : i32
      %scan3A_39 = arith.constant 1 : i32
      scf.for %scan3A_41 = %scan3A_36 to %scan3A_38 step %scan3A_39  : i32 {
        %mul3A_42 = arith.constant 16 : i32
        %mul3A_43 = arith.muli %scan3A_41, %mul3A_42 : i32
        %multiple_of3A_44 = tpu.assume_multiple %mul3A_43, 8 : i32
        %get3A = arith.index_cast %multiple_of3A_44 : i32 to index
        %get3A_45 = tpu.vector_load %arg12[%get3A] {strides = array<i32>} : memref<640xf32, #tpu.memory_space<vmem>>, vector<16xf32>,
        %get3A_46 = arith.index_cast %multiple_of3A_44 : i32 to index
        %get3A_47 = tpu.vector_load %arg13[%get3A_46] {strides = array<i32>} : memref<640xf32, #tpu.memory_space<vmem>>, vector<16xf32>,
        %add3A = arith.addf %get3A_45, %get3A_47 : vector<16xf32>
        %swap3A = arith.index_cast %multiple_of3A_44 : i32 to index
        %swap3A_48 = tpu.vector_load %arg12[%swap3A] {strides = array<i32>} : memref<640xf32, #tpu.memory_space<vmem>>, vector<16xf32>,
        tpu.vector_store %arg12[%swap3A], %add3A {strides = array<i32>} : memref<640xf32, #tpu.memory_space<vmem>>, vector<16xf32>,
      }
      %scan3A_40 = arith.constant 40 : i32
    }
    %scan3A_24 = arith.constant 16 : i32
    "tpu.region"() ({
      %run_scoped3A = tpu.sem_alloc : memref<!tpu.dma_semaphore, #tpu.memory_space<semaphore_mem>>
      %dma_start3A = tpu.memref_slice %arg15[%multiple_of3A] : memref<10240xf32, #tpu.memory_space<vmem_shared>> -> memref<640xf32, #tpu.memory_space<vmem_shared>>
      %dma_start3A_34 = tpu.memref_slice %arg15[%multiple_of3A] : memref<10240xf32, #tpu.memory_space<vmem_shared>> -> memref<640xf32, #tpu.memory_space<vmem_shared>>
      tpu.enqueue_dma source(%arg12 : memref<640xf32, #tpu.memory_space<vmem>>) target(%dma_start3A_34 : memref<640xf32, #tpu.memory_space<vmem_shared>>) target_semaphore(%run_scoped3A : memref<!tpu.dma_semaphore, #tpu.memory_space<semaphore_mem>>)
      %dma_wait3A = tpu.memref_slice %arg15[%multiple_of3A] : memref<10240xf32, #tpu.memory_space<vmem_shared>> -> memref<640xf32, #tpu.memory_space<vmem_shared>>
      %dma_wait3A_35 = tpu.memref_slice %arg15[%multiple_of3A] : memref<10240xf32, #tpu.memory_space<vmem_shared>> -> memref<640xf32, #tpu.memory_space<vmem_shared>>
      tpu.wait_dma2 semaphore(%run_scoped3A : memref<!tpu.dma_semaphore, #tpu.memory_space<semaphore_mem>>) src(%arg12 : memref<640xf32, #tpu.memory_space<vmem>>) dst(%dma_wait3A_35 : memref<640xf32, #tpu.memory_space<vmem_shared>>)
      tpu.yield
    }) : () -> ()
    %eq3A = arith.constant 0 : i32
    %eq3A_25 = arith.cmpi eq, %arg0, %eq3A : i32
    %convert_element_type3A = arith.extui %eq3A_25 : i1 to i32
    %cond3A = arith.constant 0 : i32
    %cond3A_26 = arith.cmpi ne, %convert_element_type3A, %cond3A : i32
    scf.if %cond3A_26 {
      "tpu.region"() ({
        %run_scoped3A = tpu.sem_alloc : memref<!tpu.dma_semaphore, #tpu.memory_space<semaphore_mem>>
        %dma_start3A = tpu.memref_slice %arg5[%multiple_of3A] : memref<10240xf32, #tpu.memory_space<hbm>> -> memref<640xf32, #tpu.memory_space<hbm>>
        %dma_start3A_34 = tpu.memref_slice %arg5[%multiple_of3A] : memref<10240xf32, #tpu.memory_space<hbm>> -> memref<640xf32, #tpu.memory_space<hbm>>
        tpu.enqueue_dma source(%arg12 : memref<640xf32, #tpu.memory_space<vmem>>) target(%dma_start3A_34 : memref<640xf32, #tpu.memory_space<hbm>>) target_semaphore(%run_scoped3A : memref<!tpu.dma_semaphore, #tpu.memory_space<semaphore_mem>>)
        %dma_wait3A = tpu.memref_slice %arg5[%multiple_of3A] : memref<10240xf32, #tpu.memory_space<hbm>> -> memref<640xf32, #tpu.memory_space<hbm>>
        %dma_wait3A_35 = tpu.memref_slice %arg5[%multiple_of3A] : memref<10240xf32, #tpu.memory_space<hbm>> -> memref<640xf32, #tpu.memory_space<hbm>>
        tpu.wait_dma2 semaphore(%run_scoped3A : memref<!tpu.dma_semaphore, #tpu.memory_space<semaphore_mem>>) src(%arg12 : memref<640xf32, #tpu.memory_space<vmem>>) dst(%dma_wait3A_35 : memref<640xf32, #tpu.memory_space<hbm>>)
        tpu.yield
      }) : () -> ()
    } else {
    }
    %barrier3A_27 = arith.constant 0 : index
    tpu.barrier barrier_id(%barrier3A_27)
    "tpu.region"() ({
      %run_scoped3A = tpu.sem_alloc : memref<!tpu.dma_semaphore, #tpu.memory_space<semaphore_mem>>
      tpu.enqueue_dma source(%arg15 : memref<10240xf32, #tpu.memory_space<vmem_shared>>) target(%arg11 : memref<10240xf32, #tpu.memory_space<vmem>>) target_semaphore(%run_scoped3A : memref<!tpu.dma_semaphore, #tpu.memory_space<semaphore_mem>>)
      tpu.wait_dma2 semaphore(%run_scoped3A : memref<!tpu.dma_semaphore, #tpu.memory_space<semaphore_mem>>) src(%arg15 : memref<10240xf32, #tpu.memory_space<vmem_shared>>) dst(%arg11 : memref<10240xf32, #tpu.memory_space<vmem>>)
      tpu.yield
    }) : () -> ()
    %scan3A_28 = arith.constant 0 : i32
    %scan3A_29 = arith.constant 0 : i32
    %scan3A_30 = arith.constant 10 : i32
    %scan3A_31 = arith.addi %scan3A_29, %scan3A_30 : i32
    %scan3A_32 = arith.constant 1 : i32
    scf.for %scan3A_34 = %scan3A_29 to %scan3A_31 step %scan3A_32  : i32 {
      %mul3A_35 = arith.constant 16 : i32
      %mul3A_36 = arith.muli %arg0, %mul3A_35 : i32
      %add3A = arith.addi %mul3A_36, %arg1 : i32
      %mul3A_37 = arith.constant 10240 : i32
      %mul3A_38 = arith.muli %add3A, %mul3A_37 : i32
      %mul3A_39 = arith.constant 1024 : i32
      %mul3A_40 = arith.muli %scan3A_34, %mul3A_39 : i32
      %add3A_41 = arith.addi %mul3A_38, %mul3A_40 : i32
      %multiple_of3A_42 = tpu.assume_multiple %add3A_41, 8 : i32
      "tpu.region"() ({
        %run_scoped3A = tpu.sem_alloc : memref<!tpu.dma_semaphore, #tpu.memory_space<semaphore_mem>>
        %dma_start3A = tpu.memref_slice %arg2[%multiple_of3A_42] : memref<327680xi32, #tpu.memory_space<hbm>> -> memref<1024xi32, #tpu.memory_space<hbm>>
        %dma_start3A_49 = tpu.memref_slice %arg2[%multiple_of3A_42] : memref<327680xi32, #tpu.memory_space<hbm>> -> memref<1024xi32, #tpu.memory_space<hbm>>
        tpu.enqueue_dma source(%dma_start3A_49 : memref<1024xi32, #tpu.memory_space<hbm>>) target(%arg7 : memref<1024xi32, #tpu.memory_space<vmem>>) target_semaphore(%run_scoped3A : memref<!tpu.dma_semaphore, #tpu.memory_space<semaphore_mem>>)
        %dma_wait3A = tpu.memref_slice %arg2[%multiple_of3A_42] : memref<327680xi32, #tpu.memory_space<hbm>> -> memref<1024xi32, #tpu.memory_space<hbm>>
        %dma_wait3A_50 = tpu.memref_slice %arg2[%multiple_of3A_42] : memref<327680xi32, #tpu.memory_space<hbm>> -> memref<1024xi32, #tpu.memory_space<hbm>>
        tpu.wait_dma2 semaphore(%run_scoped3A : memref<!tpu.dma_semaphore, #tpu.memory_space<semaphore_mem>>) src(%dma_wait3A_50 : memref<1024xi32, #tpu.memory_space<hbm>>) dst(%arg7 : memref<1024xi32, #tpu.memory_space<vmem>>)
        tpu.yield
      }) : () -> ()
      "tpu.region"() ({
        %run_scoped3A = tpu.sem_alloc : memref<!tpu.dma_semaphore, #tpu.memory_space<semaphore_mem>>
        %dma_start3A = tpu.memref_slice %arg3[%multiple_of3A_42] : memref<327680xi32, #tpu.memory_space<hbm>> -> memref<1024xi32, #tpu.memory_space<hbm>>
        %dma_start3A_49 = tpu.memref_slice %arg3[%multiple_of3A_42] : memref<327680xi32, #tpu.memory_space<hbm>> -> memref<1024xi32, #tpu.memory_space<hbm>>
        tpu.enqueue_dma source(%dma_start3A_49 : memref<1024xi32, #tpu.memory_space<hbm>>) target(%arg8 : memref<1024xi32, #tpu.memory_space<vmem>>) target_semaphore(%run_scoped3A : memref<!tpu.dma_semaphore, #tpu.memory_space<semaphore_mem>>)
        %dma_wait3A = tpu.memref_slice %arg3[%multiple_of3A_42] : memref<327680xi32, #tpu.memory_space<hbm>> -> memref<1024xi32, #tpu.memory_space<hbm>>
        %dma_wait3A_50 = tpu.memref_slice %arg3[%multiple_of3A_42] : memref<327680xi32, #tpu.memory_space<hbm>> -> memref<1024xi32, #tpu.memory_space<hbm>>
        tpu.wait_dma2 semaphore(%run_scoped3A : memref<!tpu.dma_semaphore, #tpu.memory_space<semaphore_mem>>) src(%dma_wait3A_50 : memref<1024xi32, #tpu.memory_space<hbm>>) dst(%arg8 : memref<1024xi32, #tpu.memory_space<vmem>>)
        tpu.yield
      }) : () -> ()
      %scan3A_43 = arith.constant 0 : i32
      %scan3A_44 = arith.constant 0 : i32
      %scan3A_45 = arith.constant 64 : i32
      %scan3A_46 = arith.addi %scan3A_44, %scan3A_45 : i32
      %scan3A_47 = arith.constant 1 : i32
      scf.for %scan3A_49 = %scan3A_44 to %scan3A_46 step %scan3A_47  : i32 {
        %mul3A_50 = arith.constant 16 : i32
        %mul3A_51 = arith.muli %scan3A_49, %mul3A_50 : i32
        %multiple_of3A_52 = tpu.assume_multiple %mul3A_51, 8 : i32
        %get3A = arith.index_cast %multiple_of3A_52 : i32 to index
        %get3A_53 = tpu.vector_load %arg7[%get3A] {strides = array<i32>} : memref<1024xi32, #tpu.memory_space<vmem>>, vector<16xi32>,
        %get3A_54 = arith.index_cast %multiple_of3A_52 : i32 to index
        %get3A_55 = tpu.vector_load %arg8[%get3A_54] {strides = array<i32>} : memref<1024xi32, #tpu.memory_space<vmem>>, vector<16xi32>,
        %gather3A = tpu.vector_load_idx %arg10[%get3A_53] : memref<10240xf32, #tpu.memory_space<vmem>>[vector<16xi32>], vector<16xf32>,
        %gather3A_56 = tpu.vector_load_idx %arg11[%get3A_55] : memref<10240xf32, #tpu.memory_space<vmem>>[vector<16xi32>], vector<16xf32>,
        %div3A = arith.divf %gather3A, %gather3A_56 : vector<16xf32>
        %swap3A = arith.index_cast %multiple_of3A_52 : i32 to index
        %swap3A_57 = tpu.vector_load %arg9[%swap3A] {strides = array<i32>} : memref<1024xf32, #tpu.memory_space<vmem>>, vector<16xf32>,
        tpu.vector_store %arg9[%swap3A], %div3A {strides = array<i32>} : memref<1024xf32, #tpu.memory_space<vmem>>, vector<16xf32>,
      }
      %scan3A_48 = arith.constant 64 : i32
      "tpu.region"() ({
        %run_scoped3A = tpu.sem_alloc : memref<!tpu.dma_semaphore, #tpu.memory_space<semaphore_mem>>
        %dma_start3A = tpu.memref_slice %arg6[%multiple_of3A_42] : memref<327680xf32, #tpu.memory_space<hbm>> -> memref<1024xf32, #tpu.memory_space<hbm>>
        %dma_start3A_49 = tpu.memref_slice %arg6[%multiple_of3A_42] : memref<327680xf32, #tpu.memory_space<hbm>> -> memref<1024xf32, #tpu.memory_space<hbm>>
        tpu.enqueue_dma source(%arg9 : memref<1024xf32, #tpu.memory_space<vmem>>) target(%dma_start3A_49 : memref<1024xf32, #tpu.memory_space<hbm>>) target_semaphore(%run_scoped3A : memref<!tpu.dma_semaphore, #tpu.memory_space<semaphore_mem>>)
        %dma_wait3A = tpu.memref_slice %arg6[%multiple_of3A_42] : memref<327680xf32, #tpu.memory_space<hbm>> -> memref<1024xf32, #tpu.memory_space<hbm>>
        %dma_wait3A_50 = tpu.memref_slice %arg6[%multiple_of3A_42] : memref<327680xf32, #tpu.memory_space<hbm>> -> memref<1024xf32, #tpu.memory_space<hbm>>
        tpu.wait_dma2 semaphore(%run_scoped3A : memref<!tpu.dma_semaphore, #tpu.memory_space<semaphore_mem>>) src(%arg9 : memref<1024xf32, #tpu.memory_space<vmem>>) dst(%dma_wait3A_50 : memref<1024xf32, #tpu.memory_space<hbm>>)
        tpu.yield
      }) : () -> ()
    }
    %scan3A_33 = arith.constant 10 : i32
    return
  }
}

#map = affine_map<(d0, d1) -> (0, 0)>
#map1 = affine_map<(d0, d1) -> (0, 0, 0)>
module attributes {stable_mosaic.version = 14 : i64} {
  func.func @_sc_layer(%arg0: i32, %arg1: i32, %arg2: memref<2560x128xi32, #tpu.memory_space<hbm>>, %arg3: memref<2560x128xi32, #tpu.memory_space<hbm>>, %arg4: memref<10240x64xf32, #tpu.memory_space<hbm>>, %arg5: memref<10240x64xf32, #tpu.memory_space<hbm>>, %arg6: memref<2x10240x64xf32, #tpu.memory_space<hbm>>, %arg7: memref<8x128xi32, #tpu.memory_space<vmem>>, %arg8: memref<8x128xi32, #tpu.memory_space<vmem>>, %arg9: memref<1024x64xf32, #tpu.memory_space<vmem>>, %arg10: memref<10240x64xf32, #tpu.memory_space<vmem_shared>>, %arg11: memref<!tpu.dma_semaphore, #tpu.memory_space<semaphore_mem>>, %arg12: memref<!tpu.dma_semaphore, #tpu.memory_space<semaphore_mem>>, %arg13: memref<!tpu.dma_semaphore, #tpu.memory_space<semaphore_mem>>, %arg14: memref<!tpu.dma_semaphore, #tpu.memory_space<semaphore_mem>>) attributes {dimension_semantics = [#tpu.dimension_semantics<core_parallel>, #tpu.dimension_semantics<subcore_parallel>], iteration_bounds = array<i64: 2, 16>, scalar_prefetch = 0 : i64, scratch_operands = 8 : i64, tpu.core_type = #tpu.core_type<sc_vector_subcore>, window_params = [{transform_indices = #map}, {transform_indices = #map}, {transform_indices = #map}, {transform_indices = #map}, {transform_indices = #map1}]} {
    %mul3A = arith.constant 640 : i32
    %mul3A_0 = arith.muli %arg1, %mul3A : i32
    %multiple_of3A = tpu.assume_multiple %mul3A_0, 8 : i32
    "tpu.region"() ({
      %run_scoped3A = tpu.sem_alloc : memref<!tpu.dma_semaphore, #tpu.memory_space<semaphore_mem>>
      %dma_start3A = arith.constant 0 : i32
      %dma_start3A_44 = tpu.memref_slice %arg10[%multiple_of3A, %dma_start3A] : memref<10240x64xf32, #tpu.memory_space<vmem_shared>> -> memref<640x64xf32, #tpu.memory_space<vmem_shared>>
      %dma_start3A_45 = arith.constant 0 : i32
      %dma_start3A_46 = tpu.memref_slice %arg5[%multiple_of3A, %dma_start3A_45] : memref<10240x64xf32, #tpu.memory_space<hbm>> -> memref<640x64xf32, #tpu.memory_space<hbm>>
      tpu.enqueue_dma source(%dma_start3A_46 : memref<640x64xf32, #tpu.memory_space<hbm>>) target(%dma_start3A_44 : memref<640x64xf32, #tpu.memory_space<vmem_shared>>) target_semaphore(%run_scoped3A : memref<!tpu.dma_semaphore, #tpu.memory_space<semaphore_mem>>)
      %dma_wait3A = arith.constant 0 : i32
      %dma_wait3A_47 = tpu.memref_slice %arg10[%multiple_of3A, %dma_wait3A] : memref<10240x64xf32, #tpu.memory_space<vmem_shared>> -> memref<640x64xf32, #tpu.memory_space<vmem_shared>>
      %dma_wait3A_48 = arith.constant 0 : i32
      %dma_wait3A_49 = tpu.memref_slice %arg5[%multiple_of3A, %dma_wait3A_48] : memref<10240x64xf32, #tpu.memory_space<hbm>> -> memref<640x64xf32, #tpu.memory_space<hbm>>
      tpu.wait_dma2 semaphore(%run_scoped3A : memref<!tpu.dma_semaphore, #tpu.memory_space<semaphore_mem>>) src(%dma_wait3A_49 : memref<640x64xf32, #tpu.memory_space<hbm>>) dst(%dma_wait3A_47 : memref<640x64xf32, #tpu.memory_space<vmem_shared>>)
      tpu.yield
    }) : () -> ()
    %barrier3A = arith.constant 0 : index
    tpu.barrier barrier_id(%barrier3A)
    %eq3A = arith.constant 0 : i32
    %eq3A_1 = arith.cmpi eq, %arg0, %eq3A : i32
    %jit3A = arith.constant 152 : i32
    %jit3A_2 = arith.constant 8 : i32
    %select_n3A = arith.select %eq3A_1, %jit3A, %jit3A_2 : i32
    %eq3A_3 = arith.constant 0 : i32
    %eq3A_4 = arith.cmpi eq, %arg0, %eq3A_3 : i32
    %jit3A_5 = arith.constant 0 : i32
    %jit3A_6 = arith.constant 2432 : i32
    %select_n3A_7 = arith.select %eq3A_4, %jit3A_5, %jit3A_6 : i32
    %jit3A_8 = arith.constant 8 : i32
    %div3A = arith.divsi %select_n3A, %jit3A_8 : i32
    %sign3A = arith.constant 0 : i32
    %sign3A_9 = arith.cmpi sgt, %select_n3A, %sign3A : i32
    %sign3A_10 = arith.extui %sign3A_9 : i1 to i32
    %sign3A_11 = arith.constant 0 : i32
    %sign3A_12 = arith.cmpi slt, %select_n3A, %sign3A_11 : i32
    %sign3A_13 = arith.extui %sign3A_12 : i1 to i32
    %sign3A_14 = arith.subi %sign3A_10, %sign3A_13 : i32
    %sign3A_15 = arith.constant 0 : i32
    %sign3A_16 = arith.cmpi sgt, %jit3A_8, %sign3A_15 : i32
    %sign3A_17 = arith.extui %sign3A_16 : i1 to i32
    %sign3A_18 = arith.constant 0 : i32
    %sign3A_19 = arith.cmpi slt, %jit3A_8, %sign3A_18 : i32
    %sign3A_20 = arith.extui %sign3A_19 : i1 to i32
    %sign3A_21 = arith.subi %sign3A_17, %sign3A_20 : i32
    %ne3A = arith.cmpi ne, %sign3A_14, %sign3A_21 : i32
    %rem3A = arith.remsi %select_n3A, %jit3A_8 : i32
    %ne3A_22 = arith.constant 0 : i32
    %ne3A_23 = arith.cmpi ne, %rem3A, %ne3A_22 : i32
    %and3A = arith.andi %ne3A, %ne3A_23 : i1
    %sub3A = arith.constant 1 : i32
    %sub3A_24 = arith.subi %div3A, %sub3A : i32
    %select_n3A_25 = arith.select %and3A, %sub3A_24, %div3A : i32
    %while3A = arith.constant 0 : i32
    %while3A_26 = arith.constant 0 : i32
    %while3A_27 = arith.subi %select_n3A_25, %while3A_26 : i32
    %while3A_28 = arith.addi %while3A_26, %while3A_27 : i32
    %while3A_29 = arith.constant 1 : i32
    %while3A_30 = arith.divsi %while3A_27, %while3A_29 : i32
    %while3A_31 = arith.muli %while3A_30, %while3A_29 : i32
    %while3A_32 = arith.addi %while3A_26, %while3A_31 : i32
    %while3A_33 = arith.constant 1 : i32
    scf.for %while3A_44 = %while3A_26 to %while3A_32 step %while3A_33  : i32 {
      %mul3A_45 = arith.muli %arg1, %select_n3A : i32
      %add3A = arith.addi %select_n3A_7, %mul3A_45 : i32
      %mul3A_46 = arith.constant 8 : i32
      %mul3A_47 = arith.muli %while3A_44, %mul3A_46 : i32
      %add3A_48 = arith.addi %add3A, %mul3A_47 : i32
      %multiple_of3A_49 = tpu.assume_multiple %add3A_48, 8 : i32
      "tpu.region"() ({
        %run_scoped3A = tpu.sem_alloc : memref<!tpu.dma_semaphore, #tpu.memory_space<semaphore_mem>>
        %dma_start3A_368 = arith.constant 0 : i32
        %dma_start3A_369 = tpu.memref_slice %arg2[%multiple_of3A_49, %dma_start3A_368] : memref<2560x128xi32, #tpu.memory_space<hbm>> -> memref<8x128xi32, #tpu.memory_space<hbm>>
        %dma_start3A_370 = arith.constant 0 : i32
        %dma_start3A_371 = tpu.memref_slice %arg2[%multiple_of3A_49, %dma_start3A_370] : memref<2560x128xi32, #tpu.memory_space<hbm>> -> memref<8x128xi32, #tpu.memory_space<hbm>>
        tpu.enqueue_dma source(%dma_start3A_371 : memref<8x128xi32, #tpu.memory_space<hbm>>) target(%arg7 : memref<8x128xi32, #tpu.memory_space<vmem>>) target_semaphore(%run_scoped3A : memref<!tpu.dma_semaphore, #tpu.memory_space<semaphore_mem>>)
        %dma_wait3A_372 = arith.constant 0 : i32
        %dma_wait3A_373 = tpu.memref_slice %arg2[%multiple_of3A_49, %dma_wait3A_372] : memref<2560x128xi32, #tpu.memory_space<hbm>> -> memref<8x128xi32, #tpu.memory_space<hbm>>
        %dma_wait3A_374 = arith.constant 0 : i32
        %dma_wait3A_375 = tpu.memref_slice %arg2[%multiple_of3A_49, %dma_wait3A_374] : memref<2560x128xi32, #tpu.memory_space<hbm>> -> memref<8x128xi32, #tpu.memory_space<hbm>>
        tpu.wait_dma2 semaphore(%run_scoped3A : memref<!tpu.dma_semaphore, #tpu.memory_space<semaphore_mem>>) src(%dma_wait3A_375 : memref<8x128xi32, #tpu.memory_space<hbm>>) dst(%arg7 : memref<8x128xi32, #tpu.memory_space<vmem>>)
        tpu.yield
      }) : () -> ()
      "tpu.region"() ({
        %run_scoped3A = tpu.sem_alloc : memref<!tpu.dma_semaphore, #tpu.memory_space<semaphore_mem>>
        %dma_start3A_368 = arith.constant 0 : i32
        %dma_start3A_369 = tpu.memref_slice %arg3[%multiple_of3A_49, %dma_start3A_368] : memref<2560x128xi32, #tpu.memory_space<hbm>> -> memref<8x128xi32, #tpu.memory_space<hbm>>
        %dma_start3A_370 = arith.constant 0 : i32
        %dma_start3A_371 = tpu.memref_slice %arg3[%multiple_of3A_49, %dma_start3A_370] : memref<2560x128xi32, #tpu.memory_space<hbm>> -> memref<8x128xi32, #tpu.memory_space<hbm>>
        tpu.enqueue_dma source(%dma_start3A_371 : memref<8x128xi32, #tpu.memory_space<hbm>>) target(%arg8 : memref<8x128xi32, #tpu.memory_space<vmem>>) target_semaphore(%run_scoped3A : memref<!tpu.dma_semaphore, #tpu.memory_space<semaphore_mem>>)
        %dma_wait3A_372 = arith.constant 0 : i32
        %dma_wait3A_373 = tpu.memref_slice %arg3[%multiple_of3A_49, %dma_wait3A_372] : memref<2560x128xi32, #tpu.memory_space<hbm>> -> memref<8x128xi32, #tpu.memory_space<hbm>>
        %dma_wait3A_374 = arith.constant 0 : i32
        %dma_wait3A_375 = tpu.memref_slice %arg3[%multiple_of3A_49, %dma_wait3A_374] : memref<2560x128xi32, #tpu.memory_space<hbm>> -> memref<8x128xi32, #tpu.memory_space<hbm>>
        tpu.wait_dma2 semaphore(%run_scoped3A : memref<!tpu.dma_semaphore, #tpu.memory_space<semaphore_mem>>) src(%dma_wait3A_375 : memref<8x128xi32, #tpu.memory_space<hbm>>) dst(%arg8 : memref<8x128xi32, #tpu.memory_space<vmem>>)
        tpu.yield
      }) : () -> ()
      %dma_start3A = arith.constant 0 : i32
      %dma_start3A_50 = arith.constant 0 : i32
      %dma_start3A_51 = arith.constant 0 : i32
      %dma_start3A_52 = tpu.memref_slice %arg9[%dma_start3A_50, %dma_start3A_51] : memref<1024x64xf32, #tpu.memory_space<vmem>> -> memref<128x64xf32, #tpu.memory_space<vmem>>
      %dma_start3A_53 = arith.constant 0 : i32
      %dma_start3A_54 = tpu.memref_slice %arg7[%dma_start3A, %dma_start3A_53] : memref<8x128xi32, #tpu.memory_space<vmem>> -> memref<1x128xi32, #tpu.memory_space<vmem>>
      %dma_start3A_55 = tpu.memref_squeeze %dma_start3A_54 : memref<1x128xi32, #tpu.memory_space<vmem>> -> memref<128xi32, #tpu.memory_space<vmem>>
      %dma_start3A_56 = arith.constant 0 : i32
      %dma_start3A_57 = arith.constant 0 : i32
      %dma_start3A_58 = tpu.memref_slice %arg4[%dma_start3A_56, %dma_start3A_57] : memref<10240x64xf32, #tpu.memory_space<hbm>> -> memref<10240x64xf32, #tpu.memory_space<hbm>>
      tpu.enqueue_indirect_dma source(%dma_start3A_58 : memref<10240x64xf32, #tpu.memory_space<hbm>>) target(%dma_start3A_52 : memref<128x64xf32, #tpu.memory_space<vmem>>) offsets(%dma_start3A_55 : memref<128xi32, #tpu.memory_space<vmem>>) semaphore(%arg11 : memref<!tpu.dma_semaphore, #tpu.memory_space<semaphore_mem>>)
      %dma_start3A_59 = arith.constant 1 : i32
      %dma_start3A_60 = arith.constant 128 : i32
      %dma_start3A_61 = arith.constant 0 : i32
      %dma_start3A_62 = tpu.memref_slice %arg9[%dma_start3A_60, %dma_start3A_61] : memref<1024x64xf32, #tpu.memory_space<vmem>> -> memref<128x64xf32, #tpu.memory_space<vmem>>
      %dma_start3A_63 = arith.constant 0 : i32
      %dma_start3A_64 = tpu.memref_slice %arg7[%dma_start3A_59, %dma_start3A_63] : memref<8x128xi32, #tpu.memory_space<vmem>> -> memref<1x128xi32, #tpu.memory_space<vmem>>
      %dma_start3A_65 = tpu.memref_squeeze %dma_start3A_64 : memref<1x128xi32, #tpu.memory_space<vmem>> -> memref<128xi32, #tpu.memory_space<vmem>>
      %dma_start3A_66 = arith.constant 0 : i32
      %dma_start3A_67 = arith.constant 0 : i32
      %dma_start3A_68 = tpu.memref_slice %arg4[%dma_start3A_66, %dma_start3A_67] : memref<10240x64xf32, #tpu.memory_space<hbm>> -> memref<10240x64xf32, #tpu.memory_space<hbm>>
      tpu.enqueue_indirect_dma source(%dma_start3A_68 : memref<10240x64xf32, #tpu.memory_space<hbm>>) target(%dma_start3A_62 : memref<128x64xf32, #tpu.memory_space<vmem>>) offsets(%dma_start3A_65 : memref<128xi32, #tpu.memory_space<vmem>>) semaphore(%arg11 : memref<!tpu.dma_semaphore, #tpu.memory_space<semaphore_mem>>)
      %dma_start3A_69 = arith.constant 2 : i32
      %dma_start3A_70 = arith.constant 256 : i32
      %dma_start3A_71 = arith.constant 0 : i32
      %dma_start3A_72 = tpu.memref_slice %arg9[%dma_start3A_70, %dma_start3A_71] : memref<1024x64xf32, #tpu.memory_space<vmem>> -> memref<128x64xf32, #tpu.memory_space<vmem>>
      %dma_start3A_73 = arith.constant 0 : i32
      %dma_start3A_74 = tpu.memref_slice %arg7[%dma_start3A_69, %dma_start3A_73] : memref<8x128xi32, #tpu.memory_space<vmem>> -> memref<1x128xi32, #tpu.memory_space<vmem>>
      %dma_start3A_75 = tpu.memref_squeeze %dma_start3A_74 : memref<1x128xi32, #tpu.memory_space<vmem>> -> memref<128xi32, #tpu.memory_space<vmem>>
      %dma_start3A_76 = arith.constant 0 : i32
      %dma_start3A_77 = arith.constant 0 : i32
      %dma_start3A_78 = tpu.memref_slice %arg4[%dma_start3A_76, %dma_start3A_77] : memref<10240x64xf32, #tpu.memory_space<hbm>> -> memref<10240x64xf32, #tpu.memory_space<hbm>>
      tpu.enqueue_indirect_dma source(%dma_start3A_78 : memref<10240x64xf32, #tpu.memory_space<hbm>>) target(%dma_start3A_72 : memref<128x64xf32, #tpu.memory_space<vmem>>) offsets(%dma_start3A_75 : memref<128xi32, #tpu.memory_space<vmem>>) semaphore(%arg11 : memref<!tpu.dma_semaphore, #tpu.memory_space<semaphore_mem>>)
      %dma_start3A_79 = arith.constant 3 : i32
      %dma_start3A_80 = arith.constant 384 : i32
      %dma_start3A_81 = arith.constant 0 : i32
      %dma_start3A_82 = tpu.memref_slice %arg9[%dma_start3A_80, %dma_start3A_81] : memref<1024x64xf32, #tpu.memory_space<vmem>> -> memref<128x64xf32, #tpu.memory_space<vmem>>
      %dma_start3A_83 = arith.constant 0 : i32
      %dma_start3A_84 = tpu.memref_slice %arg7[%dma_start3A_79, %dma_start3A_83] : memref<8x128xi32, #tpu.memory_space<vmem>> -> memref<1x128xi32, #tpu.memory_space<vmem>>
      %dma_start3A_85 = tpu.memref_squeeze %dma_start3A_84 : memref<1x128xi32, #tpu.memory_space<vmem>> -> memref<128xi32, #tpu.memory_space<vmem>>
      %dma_start3A_86 = arith.constant 0 : i32
      %dma_start3A_87 = arith.constant 0 : i32
      %dma_start3A_88 = tpu.memref_slice %arg4[%dma_start3A_86, %dma_start3A_87] : memref<10240x64xf32, #tpu.memory_space<hbm>> -> memref<10240x64xf32, #tpu.memory_space<hbm>>
      tpu.enqueue_indirect_dma source(%dma_start3A_88 : memref<10240x64xf32, #tpu.memory_space<hbm>>) target(%dma_start3A_82 : memref<128x64xf32, #tpu.memory_space<vmem>>) offsets(%dma_start3A_85 : memref<128xi32, #tpu.memory_space<vmem>>) semaphore(%arg11 : memref<!tpu.dma_semaphore, #tpu.memory_space<semaphore_mem>>)
      %dma_wait3A = arith.constant 0 : i32
      %dma_wait3A_89 = arith.constant 0 : i32
      %dma_wait3A_90 = arith.constant 0 : i32
      %dma_wait3A_91 = tpu.memref_slice %arg9[%dma_wait3A_89, %dma_wait3A_90] : memref<1024x64xf32, #tpu.memory_space<vmem>> -> memref<128x64xf32, #tpu.memory_space<vmem>>
      %dma_wait3A_92 = arith.constant 0 : i32
      %dma_wait3A_93 = tpu.memref_slice %arg7[%dma_wait3A, %dma_wait3A_92] : memref<8x128xi32, #tpu.memory_space<vmem>> -> memref<1x128xi32, #tpu.memory_space<vmem>>
      %dma_wait3A_94 = tpu.memref_squeeze %dma_wait3A_93 : memref<1x128xi32, #tpu.memory_space<vmem>> -> memref<128xi32, #tpu.memory_space<vmem>>
      %dma_wait3A_95 = arith.constant 0 : i32
      %dma_wait3A_96 = arith.constant 0 : i32
      %dma_wait3A_97 = tpu.memref_slice %arg4[%dma_wait3A_95, %dma_wait3A_96] : memref<10240x64xf32, #tpu.memory_space<hbm>> -> memref<10240x64xf32, #tpu.memory_space<hbm>>
      tpu.wait_indirect_dma semaphore(%arg11 : memref<!tpu.dma_semaphore, #tpu.memory_space<semaphore_mem>>) src(%dma_wait3A_97 : memref<10240x64xf32, #tpu.memory_space<hbm>>) dst(%dma_wait3A_91 : memref<128x64xf32, #tpu.memory_space<vmem>>)
      %dma_wait3A_98 = arith.constant 1 : i32
      %dma_wait3A_99 = arith.constant 128 : i32
      %dma_wait3A_100 = arith.constant 0 : i32
      %dma_wait3A_101 = tpu.memref_slice %arg9[%dma_wait3A_99, %dma_wait3A_100] : memref<1024x64xf32, #tpu.memory_space<vmem>> -> memref<128x64xf32, #tpu.memory_space<vmem>>
      %dma_wait3A_102 = arith.constant 0 : i32
      %dma_wait3A_103 = tpu.memref_slice %arg7[%dma_wait3A_98, %dma_wait3A_102] : memref<8x128xi32, #tpu.memory_space<vmem>> -> memref<1x128xi32, #tpu.memory_space<vmem>>
      %dma_wait3A_104 = tpu.memref_squeeze %dma_wait3A_103 : memref<1x128xi32, #tpu.memory_space<vmem>> -> memref<128xi32, #tpu.memory_space<vmem>>
      %dma_wait3A_105 = arith.constant 0 : i32
      %dma_wait3A_106 = arith.constant 0 : i32
      %dma_wait3A_107 = tpu.memref_slice %arg4[%dma_wait3A_105, %dma_wait3A_106] : memref<10240x64xf32, #tpu.memory_space<hbm>> -> memref<10240x64xf32, #tpu.memory_space<hbm>>
      tpu.wait_indirect_dma semaphore(%arg11 : memref<!tpu.dma_semaphore, #tpu.memory_space<semaphore_mem>>) src(%dma_wait3A_107 : memref<10240x64xf32, #tpu.memory_space<hbm>>) dst(%dma_wait3A_101 : memref<128x64xf32, #tpu.memory_space<vmem>>)
      %dma_wait3A_108 = arith.constant 2 : i32
      %dma_wait3A_109 = arith.constant 256 : i32
      %dma_wait3A_110 = arith.constant 0 : i32
      %dma_wait3A_111 = tpu.memref_slice %arg9[%dma_wait3A_109, %dma_wait3A_110] : memref<1024x64xf32, #tpu.memory_space<vmem>> -> memref<128x64xf32, #tpu.memory_space<vmem>>
      %dma_wait3A_112 = arith.constant 0 : i32
      %dma_wait3A_113 = tpu.memref_slice %arg7[%dma_wait3A_108, %dma_wait3A_112] : memref<8x128xi32, #tpu.memory_space<vmem>> -> memref<1x128xi32, #tpu.memory_space<vmem>>
      %dma_wait3A_114 = tpu.memref_squeeze %dma_wait3A_113 : memref<1x128xi32, #tpu.memory_space<vmem>> -> memref<128xi32, #tpu.memory_space<vmem>>
      %dma_wait3A_115 = arith.constant 0 : i32
      %dma_wait3A_116 = arith.constant 0 : i32
      %dma_wait3A_117 = tpu.memref_slice %arg4[%dma_wait3A_115, %dma_wait3A_116] : memref<10240x64xf32, #tpu.memory_space<hbm>> -> memref<10240x64xf32, #tpu.memory_space<hbm>>
      tpu.wait_indirect_dma semaphore(%arg11 : memref<!tpu.dma_semaphore, #tpu.memory_space<semaphore_mem>>) src(%dma_wait3A_117 : memref<10240x64xf32, #tpu.memory_space<hbm>>) dst(%dma_wait3A_111 : memref<128x64xf32, #tpu.memory_space<vmem>>)
      %dma_wait3A_118 = arith.constant 3 : i32
      %dma_wait3A_119 = arith.constant 384 : i32
      %dma_wait3A_120 = arith.constant 0 : i32
      %dma_wait3A_121 = tpu.memref_slice %arg9[%dma_wait3A_119, %dma_wait3A_120] : memref<1024x64xf32, #tpu.memory_space<vmem>> -> memref<128x64xf32, #tpu.memory_space<vmem>>
      %dma_wait3A_122 = arith.constant 0 : i32
      %dma_wait3A_123 = tpu.memref_slice %arg7[%dma_wait3A_118, %dma_wait3A_122] : memref<8x128xi32, #tpu.memory_space<vmem>> -> memref<1x128xi32, #tpu.memory_space<vmem>>
      %dma_wait3A_124 = tpu.memref_squeeze %dma_wait3A_123 : memref<1x128xi32, #tpu.memory_space<vmem>> -> memref<128xi32, #tpu.memory_space<vmem>>
      %dma_wait3A_125 = arith.constant 0 : i32
      %dma_wait3A_126 = arith.constant 0 : i32
      %dma_wait3A_127 = tpu.memref_slice %arg4[%dma_wait3A_125, %dma_wait3A_126] : memref<10240x64xf32, #tpu.memory_space<hbm>> -> memref<10240x64xf32, #tpu.memory_space<hbm>>
      tpu.wait_indirect_dma semaphore(%arg11 : memref<!tpu.dma_semaphore, #tpu.memory_space<semaphore_mem>>) src(%dma_wait3A_127 : memref<10240x64xf32, #tpu.memory_space<hbm>>) dst(%dma_wait3A_121 : memref<128x64xf32, #tpu.memory_space<vmem>>)
      %dma_start3A_128 = arith.constant 0 : i32
      %dma_start3A_129 = arith.constant 0 : i32
      %dma_start3A_130 = arith.constant 0 : i32
      %dma_start3A_131 = tpu.memref_slice %arg9[%dma_start3A_129, %dma_start3A_130] : memref<1024x64xf32, #tpu.memory_space<vmem>> -> memref<128x64xf32, #tpu.memory_space<vmem>>
      %dma_start3A_132 = arith.constant 0 : i32
      %dma_start3A_133 = tpu.memref_slice %arg8[%dma_start3A_128, %dma_start3A_132] : memref<8x128xi32, #tpu.memory_space<vmem>> -> memref<1x128xi32, #tpu.memory_space<vmem>>
      %dma_start3A_134 = tpu.memref_squeeze %dma_start3A_133 : memref<1x128xi32, #tpu.memory_space<vmem>> -> memref<128xi32, #tpu.memory_space<vmem>>
      %dma_start3A_135 = arith.constant 0 : i32
      %dma_start3A_136 = arith.constant 0 : i32
      %dma_start3A_137 = tpu.memref_slice %arg10[%dma_start3A_135, %dma_start3A_136] : memref<10240x64xf32, #tpu.memory_space<vmem_shared>> -> memref<10240x64xf32, #tpu.memory_space<vmem_shared>>
      tpu.enqueue_indirect_dma source(%dma_start3A_131 : memref<128x64xf32, #tpu.memory_space<vmem>>) target(%dma_start3A_137 : memref<10240x64xf32, #tpu.memory_space<vmem_shared>>) offsets(%dma_start3A_134 : memref<128xi32, #tpu.memory_space<vmem>>) semaphore(%arg13 : memref<!tpu.dma_semaphore, #tpu.memory_space<semaphore_mem>>) {add = true}
      %dma_start3A_138 = arith.constant 1 : i32
      %dma_start3A_139 = arith.constant 128 : i32
      %dma_start3A_140 = arith.constant 0 : i32
      %dma_start3A_141 = tpu.memref_slice %arg9[%dma_start3A_139, %dma_start3A_140] : memref<1024x64xf32, #tpu.memory_space<vmem>> -> memref<128x64xf32, #tpu.memory_space<vmem>>
      %dma_start3A_142 = arith.constant 0 : i32
      %dma_start3A_143 = tpu.memref_slice %arg8[%dma_start3A_138, %dma_start3A_142] : memref<8x128xi32, #tpu.memory_space<vmem>> -> memref<1x128xi32, #tpu.memory_space<vmem>>
      %dma_start3A_144 = tpu.memref_squeeze %dma_start3A_143 : memref<1x128xi32, #tpu.memory_space<vmem>> -> memref<128xi32, #tpu.memory_space<vmem>>
      %dma_start3A_145 = arith.constant 0 : i32
      %dma_start3A_146 = arith.constant 0 : i32
      %dma_start3A_147 = tpu.memref_slice %arg10[%dma_start3A_145, %dma_start3A_146] : memref<10240x64xf32, #tpu.memory_space<vmem_shared>> -> memref<10240x64xf32, #tpu.memory_space<vmem_shared>>
      tpu.enqueue_indirect_dma source(%dma_start3A_141 : memref<128x64xf32, #tpu.memory_space<vmem>>) target(%dma_start3A_147 : memref<10240x64xf32, #tpu.memory_space<vmem_shared>>) offsets(%dma_start3A_144 : memref<128xi32, #tpu.memory_space<vmem>>) semaphore(%arg13 : memref<!tpu.dma_semaphore, #tpu.memory_space<semaphore_mem>>) {add = true}
      %dma_start3A_148 = arith.constant 2 : i32
      %dma_start3A_149 = arith.constant 256 : i32
      %dma_start3A_150 = arith.constant 0 : i32
      %dma_start3A_151 = tpu.memref_slice %arg9[%dma_start3A_149, %dma_start3A_150] : memref<1024x64xf32, #tpu.memory_space<vmem>> -> memref<128x64xf32, #tpu.memory_space<vmem>>
      %dma_start3A_152 = arith.constant 0 : i32
      %dma_start3A_153 = tpu.memref_slice %arg8[%dma_start3A_148, %dma_start3A_152] : memref<8x128xi32, #tpu.memory_space<vmem>> -> memref<1x128xi32, #tpu.memory_space<vmem>>
      %dma_start3A_154 = tpu.memref_squeeze %dma_start3A_153 : memref<1x128xi32, #tpu.memory_space<vmem>> -> memref<128xi32, #tpu.memory_space<vmem>>
      %dma_start3A_155 = arith.constant 0 : i32
      %dma_start3A_156 = arith.constant 0 : i32
      %dma_start3A_157 = tpu.memref_slice %arg10[%dma_start3A_155, %dma_start3A_156] : memref<10240x64xf32, #tpu.memory_space<vmem_shared>> -> memref<10240x64xf32, #tpu.memory_space<vmem_shared>>
      tpu.enqueue_indirect_dma source(%dma_start3A_151 : memref<128x64xf32, #tpu.memory_space<vmem>>) target(%dma_start3A_157 : memref<10240x64xf32, #tpu.memory_space<vmem_shared>>) offsets(%dma_start3A_154 : memref<128xi32, #tpu.memory_space<vmem>>) semaphore(%arg13 : memref<!tpu.dma_semaphore, #tpu.memory_space<semaphore_mem>>) {add = true}
      %dma_start3A_158 = arith.constant 3 : i32
      %dma_start3A_159 = arith.constant 384 : i32
      %dma_start3A_160 = arith.constant 0 : i32
      %dma_start3A_161 = tpu.memref_slice %arg9[%dma_start3A_159, %dma_start3A_160] : memref<1024x64xf32, #tpu.memory_space<vmem>> -> memref<128x64xf32, #tpu.memory_space<vmem>>
      %dma_start3A_162 = arith.constant 0 : i32
      %dma_start3A_163 = tpu.memref_slice %arg8[%dma_start3A_158, %dma_start3A_162] : memref<8x128xi32, #tpu.memory_space<vmem>> -> memref<1x128xi32, #tpu.memory_space<vmem>>
      %dma_start3A_164 = tpu.memref_squeeze %dma_start3A_163 : memref<1x128xi32, #tpu.memory_space<vmem>> -> memref<128xi32, #tpu.memory_space<vmem>>
      %dma_start3A_165 = arith.constant 0 : i32
      %dma_start3A_166 = arith.constant 0 : i32
      %dma_start3A_167 = tpu.memref_slice %arg10[%dma_start3A_165, %dma_start3A_166] : memref<10240x64xf32, #tpu.memory_space<vmem_shared>> -> memref<10240x64xf32, #tpu.memory_space<vmem_shared>>
      tpu.enqueue_indirect_dma source(%dma_start3A_161 : memref<128x64xf32, #tpu.memory_space<vmem>>) target(%dma_start3A_167 : memref<10240x64xf32, #tpu.memory_space<vmem_shared>>) offsets(%dma_start3A_164 : memref<128xi32, #tpu.memory_space<vmem>>) semaphore(%arg13 : memref<!tpu.dma_semaphore, #tpu.memory_space<semaphore_mem>>) {add = true}
      %dma_start3A_168 = arith.constant 4 : i32
      %dma_start3A_169 = arith.constant 512 : i32
      %dma_start3A_170 = arith.constant 0 : i32
      %dma_start3A_171 = tpu.memref_slice %arg9[%dma_start3A_169, %dma_start3A_170] : memref<1024x64xf32, #tpu.memory_space<vmem>> -> memref<128x64xf32, #tpu.memory_space<vmem>>
      %dma_start3A_172 = arith.constant 0 : i32
      %dma_start3A_173 = tpu.memref_slice %arg7[%dma_start3A_168, %dma_start3A_172] : memref<8x128xi32, #tpu.memory_space<vmem>> -> memref<1x128xi32, #tpu.memory_space<vmem>>
      %dma_start3A_174 = tpu.memref_squeeze %dma_start3A_173 : memref<1x128xi32, #tpu.memory_space<vmem>> -> memref<128xi32, #tpu.memory_space<vmem>>
      %dma_start3A_175 = arith.constant 0 : i32
      %dma_start3A_176 = arith.constant 0 : i32
      %dma_start3A_177 = tpu.memref_slice %arg4[%dma_start3A_175, %dma_start3A_176] : memref<10240x64xf32, #tpu.memory_space<hbm>> -> memref<10240x64xf32, #tpu.memory_space<hbm>>
      tpu.enqueue_indirect_dma source(%dma_start3A_177 : memref<10240x64xf32, #tpu.memory_space<hbm>>) target(%dma_start3A_171 : memref<128x64xf32, #tpu.memory_space<vmem>>) offsets(%dma_start3A_174 : memref<128xi32, #tpu.memory_space<vmem>>) semaphore(%arg12 : memref<!tpu.dma_semaphore, #tpu.memory_space<semaphore_mem>>)
      %dma_start3A_178 = arith.constant 5 : i32
      %dma_start3A_179 = arith.constant 640 : i32
      %dma_start3A_180 = arith.constant 0 : i32
      %dma_start3A_181 = tpu.memref_slice %arg9[%dma_start3A_179, %dma_start3A_180] : memref<1024x64xf32, #tpu.memory_space<vmem>> -> memref<128x64xf32, #tpu.memory_space<vmem>>
      %dma_start3A_182 = arith.constant 0 : i32
      %dma_start3A_183 = tpu.memref_slice %arg7[%dma_start3A_178, %dma_start3A_182] : memref<8x128xi32, #tpu.memory_space<vmem>> -> memref<1x128xi32, #tpu.memory_space<vmem>>
      %dma_start3A_184 = tpu.memref_squeeze %dma_start3A_183 : memref<1x128xi32, #tpu.memory_space<vmem>> -> memref<128xi32, #tpu.memory_space<vmem>>
      %dma_start3A_185 = arith.constant 0 : i32
      %dma_start3A_186 = arith.constant 0 : i32
      %dma_start3A_187 = tpu.memref_slice %arg4[%dma_start3A_185, %dma_start3A_186] : memref<10240x64xf32, #tpu.memory_space<hbm>> -> memref<10240x64xf32, #tpu.memory_space<hbm>>
      tpu.enqueue_indirect_dma source(%dma_start3A_187 : memref<10240x64xf32, #tpu.memory_space<hbm>>) target(%dma_start3A_181 : memref<128x64xf32, #tpu.memory_space<vmem>>) offsets(%dma_start3A_184 : memref<128xi32, #tpu.memory_space<vmem>>) semaphore(%arg12 : memref<!tpu.dma_semaphore, #tpu.memory_space<semaphore_mem>>)
      %dma_start3A_188 = arith.constant 6 : i32
      %dma_start3A_189 = arith.constant 768 : i32
      %dma_start3A_190 = arith.constant 0 : i32
      %dma_start3A_191 = tpu.memref_slice %arg9[%dma_start3A_189, %dma_start3A_190] : memref<1024x64xf32, #tpu.memory_space<vmem>> -> memref<128x64xf32, #tpu.memory_space<vmem>>
      %dma_start3A_192 = arith.constant 0 : i32
      %dma_start3A_193 = tpu.memref_slice %arg7[%dma_start3A_188, %dma_start3A_192] : memref<8x128xi32, #tpu.memory_space<vmem>> -> memref<1x128xi32, #tpu.memory_space<vmem>>
      %dma_start3A_194 = tpu.memref_squeeze %dma_start3A_193 : memref<1x128xi32, #tpu.memory_space<vmem>> -> memref<128xi32, #tpu.memory_space<vmem>>
      %dma_start3A_195 = arith.constant 0 : i32
      %dma_start3A_196 = arith.constant 0 : i32
      %dma_start3A_197 = tpu.memref_slice %arg4[%dma_start3A_195, %dma_start3A_196] : memref<10240x64xf32, #tpu.memory_space<hbm>> -> memref<10240x64xf32, #tpu.memory_space<hbm>>
      tpu.enqueue_indirect_dma source(%dma_start3A_197 : memref<10240x64xf32, #tpu.memory_space<hbm>>) target(%dma_start3A_191 : memref<128x64xf32, #tpu.memory_space<vmem>>) offsets(%dma_start3A_194 : memref<128xi32, #tpu.memory_space<vmem>>) semaphore(%arg12 : memref<!tpu.dma_semaphore, #tpu.memory_space<semaphore_mem>>)
      %dma_start3A_198 = arith.constant 7 : i32
      %dma_start3A_199 = arith.constant 896 : i32
      %dma_start3A_200 = arith.constant 0 : i32
      %dma_start3A_201 = tpu.memref_slice %arg9[%dma_start3A_199, %dma_start3A_200] : memref<1024x64xf32, #tpu.memory_space<vmem>> -> memref<128x64xf32, #tpu.memory_space<vmem>>
      %dma_start3A_202 = arith.constant 0 : i32
      %dma_start3A_203 = tpu.memref_slice %arg7[%dma_start3A_198, %dma_start3A_202] : memref<8x128xi32, #tpu.memory_space<vmem>> -> memref<1x128xi32, #tpu.memory_space<vmem>>
      %dma_start3A_204 = tpu.memref_squeeze %dma_start3A_203 : memref<1x128xi32, #tpu.memory_space<vmem>> -> memref<128xi32, #tpu.memory_space<vmem>>
      %dma_start3A_205 = arith.constant 0 : i32
      %dma_start3A_206 = arith.constant 0 : i32
      %dma_start3A_207 = tpu.memref_slice %arg4[%dma_start3A_205, %dma_start3A_206] : memref<10240x64xf32, #tpu.memory_space<hbm>> -> memref<10240x64xf32, #tpu.memory_space<hbm>>
      tpu.enqueue_indirect_dma source(%dma_start3A_207 : memref<10240x64xf32, #tpu.memory_space<hbm>>) target(%dma_start3A_201 : memref<128x64xf32, #tpu.memory_space<vmem>>) offsets(%dma_start3A_204 : memref<128xi32, #tpu.memory_space<vmem>>) semaphore(%arg12 : memref<!tpu.dma_semaphore, #tpu.memory_space<semaphore_mem>>)
      %dma_wait3A_208 = arith.constant 4 : i32
      %dma_wait3A_209 = arith.constant 512 : i32
      %dma_wait3A_210 = arith.constant 0 : i32
      %dma_wait3A_211 = tpu.memref_slice %arg9[%dma_wait3A_209, %dma_wait3A_210] : memref<1024x64xf32, #tpu.memory_space<vmem>> -> memref<128x64xf32, #tpu.memory_space<vmem>>
      %dma_wait3A_212 = arith.constant 0 : i32
      %dma_wait3A_213 = tpu.memref_slice %arg7[%dma_wait3A_208, %dma_wait3A_212] : memref<8x128xi32, #tpu.memory_space<vmem>> -> memref<1x128xi32, #tpu.memory_space<vmem>>
      %dma_wait3A_214 = tpu.memref_squeeze %dma_wait3A_213 : memref<1x128xi32, #tpu.memory_space<vmem>> -> memref<128xi32, #tpu.memory_space<vmem>>
      %dma_wait3A_215 = arith.constant 0 : i32
      %dma_wait3A_216 = arith.constant 0 : i32
      %dma_wait3A_217 = tpu.memref_slice %arg4[%dma_wait3A_215, %dma_wait3A_216] : memref<10240x64xf32, #tpu.memory_space<hbm>> -> memref<10240x64xf32, #tpu.memory_space<hbm>>
      tpu.wait_indirect_dma semaphore(%arg12 : memref<!tpu.dma_semaphore, #tpu.memory_space<semaphore_mem>>) src(%dma_wait3A_217 : memref<10240x64xf32, #tpu.memory_space<hbm>>) dst(%dma_wait3A_211 : memref<128x64xf32, #tpu.memory_space<vmem>>)
      %dma_wait3A_218 = arith.constant 5 : i32
      %dma_wait3A_219 = arith.constant 640 : i32
      %dma_wait3A_220 = arith.constant 0 : i32
      %dma_wait3A_221 = tpu.memref_slice %arg9[%dma_wait3A_219, %dma_wait3A_220] : memref<1024x64xf32, #tpu.memory_space<vmem>> -> memref<128x64xf32, #tpu.memory_space<vmem>>
      %dma_wait3A_222 = arith.constant 0 : i32
      %dma_wait3A_223 = tpu.memref_slice %arg7[%dma_wait3A_218, %dma_wait3A_222] : memref<8x128xi32, #tpu.memory_space<vmem>> -> memref<1x128xi32, #tpu.memory_space<vmem>>
      %dma_wait3A_224 = tpu.memref_squeeze %dma_wait3A_223 : memref<1x128xi32, #tpu.memory_space<vmem>> -> memref<128xi32, #tpu.memory_space<vmem>>
      %dma_wait3A_225 = arith.constant 0 : i32
      %dma_wait3A_226 = arith.constant 0 : i32
      %dma_wait3A_227 = tpu.memref_slice %arg4[%dma_wait3A_225, %dma_wait3A_226] : memref<10240x64xf32, #tpu.memory_space<hbm>> -> memref<10240x64xf32, #tpu.memory_space<hbm>>
      tpu.wait_indirect_dma semaphore(%arg12 : memref<!tpu.dma_semaphore, #tpu.memory_space<semaphore_mem>>) src(%dma_wait3A_227 : memref<10240x64xf32, #tpu.memory_space<hbm>>) dst(%dma_wait3A_221 : memref<128x64xf32, #tpu.memory_space<vmem>>)
      %dma_wait3A_228 = arith.constant 6 : i32
      %dma_wait3A_229 = arith.constant 768 : i32
      %dma_wait3A_230 = arith.constant 0 : i32
      %dma_wait3A_231 = tpu.memref_slice %arg9[%dma_wait3A_229, %dma_wait3A_230] : memref<1024x64xf32, #tpu.memory_space<vmem>> -> memref<128x64xf32, #tpu.memory_space<vmem>>
      %dma_wait3A_232 = arith.constant 0 : i32
      %dma_wait3A_233 = tpu.memref_slice %arg7[%dma_wait3A_228, %dma_wait3A_232] : memref<8x128xi32, #tpu.memory_space<vmem>> -> memref<1x128xi32, #tpu.memory_space<vmem>>
      %dma_wait3A_234 = tpu.memref_squeeze %dma_wait3A_233 : memref<1x128xi32, #tpu.memory_space<vmem>> -> memref<128xi32, #tpu.memory_space<vmem>>
      %dma_wait3A_235 = arith.constant 0 : i32
      %dma_wait3A_236 = arith.constant 0 : i32
      %dma_wait3A_237 = tpu.memref_slice %arg4[%dma_wait3A_235, %dma_wait3A_236] : memref<10240x64xf32, #tpu.memory_space<hbm>> -> memref<10240x64xf32, #tpu.memory_space<hbm>>
      tpu.wait_indirect_dma semaphore(%arg12 : memref<!tpu.dma_semaphore, #tpu.memory_space<semaphore_mem>>) src(%dma_wait3A_237 : memref<10240x64xf32, #tpu.memory_space<hbm>>) dst(%dma_wait3A_231 : memref<128x64xf32, #tpu.memory_space<vmem>>)
      %dma_wait3A_238 = arith.constant 7 : i32
      %dma_wait3A_239 = arith.constant 896 : i32
      %dma_wait3A_240 = arith.constant 0 : i32
      %dma_wait3A_241 = tpu.memref_slice %arg9[%dma_wait3A_239, %dma_wait3A_240] : memref<1024x64xf32, #tpu.memory_space<vmem>> -> memref<128x64xf32, #tpu.memory_space<vmem>>
      %dma_wait3A_242 = arith.constant 0 : i32
      %dma_wait3A_243 = tpu.memref_slice %arg7[%dma_wait3A_238, %dma_wait3A_242] : memref<8x128xi32, #tpu.memory_space<vmem>> -> memref<1x128xi32, #tpu.memory_space<vmem>>
      %dma_wait3A_244 = tpu.memref_squeeze %dma_wait3A_243 : memref<1x128xi32, #tpu.memory_space<vmem>> -> memref<128xi32, #tpu.memory_space<vmem>>
      %dma_wait3A_245 = arith.constant 0 : i32
      %dma_wait3A_246 = arith.constant 0 : i32
      %dma_wait3A_247 = tpu.memref_slice %arg4[%dma_wait3A_245, %dma_wait3A_246] : memref<10240x64xf32, #tpu.memory_space<hbm>> -> memref<10240x64xf32, #tpu.memory_space<hbm>>
      tpu.wait_indirect_dma semaphore(%arg12 : memref<!tpu.dma_semaphore, #tpu.memory_space<semaphore_mem>>) src(%dma_wait3A_247 : memref<10240x64xf32, #tpu.memory_space<hbm>>) dst(%dma_wait3A_241 : memref<128x64xf32, #tpu.memory_space<vmem>>)
      %dma_start3A_248 = arith.constant 4 : i32
      %dma_start3A_249 = arith.constant 512 : i32
      %dma_start3A_250 = arith.constant 0 : i32
      %dma_start3A_251 = tpu.memref_slice %arg9[%dma_start3A_249, %dma_start3A_250] : memref<1024x64xf32, #tpu.memory_space<vmem>> -> memref<128x64xf32, #tpu.memory_space<vmem>>
      %dma_start3A_252 = arith.constant 0 : i32
      %dma_start3A_253 = tpu.memref_slice %arg8[%dma_start3A_248, %dma_start3A_252] : memref<8x128xi32, #tpu.memory_space<vmem>> -> memref<1x128xi32, #tpu.memory_space<vmem>>
      %dma_start3A_254 = tpu.memref_squeeze %dma_start3A_253 : memref<1x128xi32, #tpu.memory_space<vmem>> -> memref<128xi32, #tpu.memory_space<vmem>>
      %dma_start3A_255 = arith.constant 0 : i32
      %dma_start3A_256 = arith.constant 0 : i32
      %dma_start3A_257 = tpu.memref_slice %arg10[%dma_start3A_255, %dma_start3A_256] : memref<10240x64xf32, #tpu.memory_space<vmem_shared>> -> memref<10240x64xf32, #tpu.memory_space<vmem_shared>>
      tpu.enqueue_indirect_dma source(%dma_start3A_251 : memref<128x64xf32, #tpu.memory_space<vmem>>) target(%dma_start3A_257 : memref<10240x64xf32, #tpu.memory_space<vmem_shared>>) offsets(%dma_start3A_254 : memref<128xi32, #tpu.memory_space<vmem>>) semaphore(%arg14 : memref<!tpu.dma_semaphore, #tpu.memory_space<semaphore_mem>>) {add = true}
      %dma_start3A_258 = arith.constant 5 : i32
      %dma_start3A_259 = arith.constant 640 : i32
      %dma_start3A_260 = arith.constant 0 : i32
      %dma_start3A_261 = tpu.memref_slice %arg9[%dma_start3A_259, %dma_start3A_260] : memref<1024x64xf32, #tpu.memory_space<vmem>> -> memref<128x64xf32, #tpu.memory_space<vmem>>
      %dma_start3A_262 = arith.constant 0 : i32
      %dma_start3A_263 = tpu.memref_slice %arg8[%dma_start3A_258, %dma_start3A_262] : memref<8x128xi32, #tpu.memory_space<vmem>> -> memref<1x128xi32, #tpu.memory_space<vmem>>
      %dma_start3A_264 = tpu.memref_squeeze %dma_start3A_263 : memref<1x128xi32, #tpu.memory_space<vmem>> -> memref<128xi32, #tpu.memory_space<vmem>>
      %dma_start3A_265 = arith.constant 0 : i32
      %dma_start3A_266 = arith.constant 0 : i32
      %dma_start3A_267 = tpu.memref_slice %arg10[%dma_start3A_265, %dma_start3A_266] : memref<10240x64xf32, #tpu.memory_space<vmem_shared>> -> memref<10240x64xf32, #tpu.memory_space<vmem_shared>>
      tpu.enqueue_indirect_dma source(%dma_start3A_261 : memref<128x64xf32, #tpu.memory_space<vmem>>) target(%dma_start3A_267 : memref<10240x64xf32, #tpu.memory_space<vmem_shared>>) offsets(%dma_start3A_264 : memref<128xi32, #tpu.memory_space<vmem>>) semaphore(%arg14 : memref<!tpu.dma_semaphore, #tpu.memory_space<semaphore_mem>>) {add = true}
      %dma_start3A_268 = arith.constant 6 : i32
      %dma_start3A_269 = arith.constant 768 : i32
      %dma_start3A_270 = arith.constant 0 : i32
      %dma_start3A_271 = tpu.memref_slice %arg9[%dma_start3A_269, %dma_start3A_270] : memref<1024x64xf32, #tpu.memory_space<vmem>> -> memref<128x64xf32, #tpu.memory_space<vmem>>
      %dma_start3A_272 = arith.constant 0 : i32
      %dma_start3A_273 = tpu.memref_slice %arg8[%dma_start3A_268, %dma_start3A_272] : memref<8x128xi32, #tpu.memory_space<vmem>> -> memref<1x128xi32, #tpu.memory_space<vmem>>
      %dma_start3A_274 = tpu.memref_squeeze %dma_start3A_273 : memref<1x128xi32, #tpu.memory_space<vmem>> -> memref<128xi32, #tpu.memory_space<vmem>>
      %dma_start3A_275 = arith.constant 0 : i32
      %dma_start3A_276 = arith.constant 0 : i32
      %dma_start3A_277 = tpu.memref_slice %arg10[%dma_start3A_275, %dma_start3A_276] : memref<10240x64xf32, #tpu.memory_space<vmem_shared>> -> memref<10240x64xf32, #tpu.memory_space<vmem_shared>>
      tpu.enqueue_indirect_dma source(%dma_start3A_271 : memref<128x64xf32, #tpu.memory_space<vmem>>) target(%dma_start3A_277 : memref<10240x64xf32, #tpu.memory_space<vmem_shared>>) offsets(%dma_start3A_274 : memref<128xi32, #tpu.memory_space<vmem>>) semaphore(%arg14 : memref<!tpu.dma_semaphore, #tpu.memory_space<semaphore_mem>>) {add = true}
      %dma_start3A_278 = arith.constant 7 : i32
      %dma_start3A_279 = arith.constant 896 : i32
      %dma_start3A_280 = arith.constant 0 : i32
      %dma_start3A_281 = tpu.memref_slice %arg9[%dma_start3A_279, %dma_start3A_280] : memref<1024x64xf32, #tpu.memory_space<vmem>> -> memref<128x64xf32, #tpu.memory_space<vmem>>
      %dma_start3A_282 = arith.constant 0 : i32
      %dma_start3A_283 = tpu.memref_slice %arg8[%dma_start3A_278, %dma_start3A_282] : memref<8x128xi32, #tpu.memory_space<vmem>> -> memref<1x128xi32, #tpu.memory_space<vmem>>
      %dma_start3A_284 = tpu.memref_squeeze %dma_start3A_283 : memref<1x128xi32, #tpu.memory_space<vmem>> -> memref<128xi32, #tpu.memory_space<vmem>>
      %dma_start3A_285 = arith.constant 0 : i32
      %dma_start3A_286 = arith.constant 0 : i32
      %dma_start3A_287 = tpu.memref_slice %arg10[%dma_start3A_285, %dma_start3A_286] : memref<10240x64xf32, #tpu.memory_space<vmem_shared>> -> memref<10240x64xf32, #tpu.memory_space<vmem_shared>>
      tpu.enqueue_indirect_dma source(%dma_start3A_281 : memref<128x64xf32, #tpu.memory_space<vmem>>) target(%dma_start3A_287 : memref<10240x64xf32, #tpu.memory_space<vmem_shared>>) offsets(%dma_start3A_284 : memref<128xi32, #tpu.memory_space<vmem>>) semaphore(%arg14 : memref<!tpu.dma_semaphore, #tpu.memory_space<semaphore_mem>>) {add = true}
      %dma_wait3A_288 = arith.constant 0 : i32
      %dma_wait3A_289 = arith.constant 0 : i32
      %dma_wait3A_290 = arith.constant 0 : i32
      %dma_wait3A_291 = tpu.memref_slice %arg9[%dma_wait3A_289, %dma_wait3A_290] : memref<1024x64xf32, #tpu.memory_space<vmem>> -> memref<128x64xf32, #tpu.memory_space<vmem>>
      %dma_wait3A_292 = arith.constant 0 : i32
      %dma_wait3A_293 = tpu.memref_slice %arg8[%dma_wait3A_288, %dma_wait3A_292] : memref<8x128xi32, #tpu.memory_space<vmem>> -> memref<1x128xi32, #tpu.memory_space<vmem>>
      %dma_wait3A_294 = tpu.memref_squeeze %dma_wait3A_293 : memref<1x128xi32, #tpu.memory_space<vmem>> -> memref<128xi32, #tpu.memory_space<vmem>>
      %dma_wait3A_295 = arith.constant 0 : i32
      %dma_wait3A_296 = arith.constant 0 : i32
      %dma_wait3A_297 = tpu.memref_slice %arg10[%dma_wait3A_295, %dma_wait3A_296] : memref<10240x64xf32, #tpu.memory_space<vmem_shared>> -> memref<10240x64xf32, #tpu.memory_space<vmem_shared>>
      tpu.wait_indirect_dma semaphore(%arg13 : memref<!tpu.dma_semaphore, #tpu.memory_space<semaphore_mem>>) src(%dma_wait3A_291 : memref<128x64xf32, #tpu.memory_space<vmem>>) dst(%dma_wait3A_297 : memref<10240x64xf32, #tpu.memory_space<vmem_shared>>)
      %dma_wait3A_298 = arith.constant 1 : i32
      %dma_wait3A_299 = arith.constant 128 : i32
      %dma_wait3A_300 = arith.constant 0 : i32
      %dma_wait3A_301 = tpu.memref_slice %arg9[%dma_wait3A_299, %dma_wait3A_300] : memref<1024x64xf32, #tpu.memory_space<vmem>> -> memref<128x64xf32, #tpu.memory_space<vmem>>
      %dma_wait3A_302 = arith.constant 0 : i32
      %dma_wait3A_303 = tpu.memref_slice %arg8[%dma_wait3A_298, %dma_wait3A_302] : memref<8x128xi32, #tpu.memory_space<vmem>> -> memref<1x128xi32, #tpu.memory_space<vmem>>
      %dma_wait3A_304 = tpu.memref_squeeze %dma_wait3A_303 : memref<1x128xi32, #tpu.memory_space<vmem>> -> memref<128xi32, #tpu.memory_space<vmem>>
      %dma_wait3A_305 = arith.constant 0 : i32
      %dma_wait3A_306 = arith.constant 0 : i32
      %dma_wait3A_307 = tpu.memref_slice %arg10[%dma_wait3A_305, %dma_wait3A_306] : memref<10240x64xf32, #tpu.memory_space<vmem_shared>> -> memref<10240x64xf32, #tpu.memory_space<vmem_shared>>
      tpu.wait_indirect_dma semaphore(%arg13 : memref<!tpu.dma_semaphore, #tpu.memory_space<semaphore_mem>>) src(%dma_wait3A_301 : memref<128x64xf32, #tpu.memory_space<vmem>>) dst(%dma_wait3A_307 : memref<10240x64xf32, #tpu.memory_space<vmem_shared>>)
      %dma_wait3A_308 = arith.constant 2 : i32
      %dma_wait3A_309 = arith.constant 256 : i32
      %dma_wait3A_310 = arith.constant 0 : i32
      %dma_wait3A_311 = tpu.memref_slice %arg9[%dma_wait3A_309, %dma_wait3A_310] : memref<1024x64xf32, #tpu.memory_space<vmem>> -> memref<128x64xf32, #tpu.memory_space<vmem>>
      %dma_wait3A_312 = arith.constant 0 : i32
      %dma_wait3A_313 = tpu.memref_slice %arg8[%dma_wait3A_308, %dma_wait3A_312] : memref<8x128xi32, #tpu.memory_space<vmem>> -> memref<1x128xi32, #tpu.memory_space<vmem>>
      %dma_wait3A_314 = tpu.memref_squeeze %dma_wait3A_313 : memref<1x128xi32, #tpu.memory_space<vmem>> -> memref<128xi32, #tpu.memory_space<vmem>>
      %dma_wait3A_315 = arith.constant 0 : i32
      %dma_wait3A_316 = arith.constant 0 : i32
      %dma_wait3A_317 = tpu.memref_slice %arg10[%dma_wait3A_315, %dma_wait3A_316] : memref<10240x64xf32, #tpu.memory_space<vmem_shared>> -> memref<10240x64xf32, #tpu.memory_space<vmem_shared>>
      tpu.wait_indirect_dma semaphore(%arg13 : memref<!tpu.dma_semaphore, #tpu.memory_space<semaphore_mem>>) src(%dma_wait3A_311 : memref<128x64xf32, #tpu.memory_space<vmem>>) dst(%dma_wait3A_317 : memref<10240x64xf32, #tpu.memory_space<vmem_shared>>)
      %dma_wait3A_318 = arith.constant 3 : i32
      %dma_wait3A_319 = arith.constant 384 : i32
      %dma_wait3A_320 = arith.constant 0 : i32
      %dma_wait3A_321 = tpu.memref_slice %arg9[%dma_wait3A_319, %dma_wait3A_320] : memref<1024x64xf32, #tpu.memory_space<vmem>> -> memref<128x64xf32, #tpu.memory_space<vmem>>
      %dma_wait3A_322 = arith.constant 0 : i32
      %dma_wait3A_323 = tpu.memref_slice %arg8[%dma_wait3A_318, %dma_wait3A_322] : memref<8x128xi32, #tpu.memory_space<vmem>> -> memref<1x128xi32, #tpu.memory_space<vmem>>
      %dma_wait3A_324 = tpu.memref_squeeze %dma_wait3A_323 : memref<1x128xi32, #tpu.memory_space<vmem>> -> memref<128xi32, #tpu.memory_space<vmem>>
      %dma_wait3A_325 = arith.constant 0 : i32
      %dma_wait3A_326 = arith.constant 0 : i32
      %dma_wait3A_327 = tpu.memref_slice %arg10[%dma_wait3A_325, %dma_wait3A_326] : memref<10240x64xf32, #tpu.memory_space<vmem_shared>> -> memref<10240x64xf32, #tpu.memory_space<vmem_shared>>
      tpu.wait_indirect_dma semaphore(%arg13 : memref<!tpu.dma_semaphore, #tpu.memory_space<semaphore_mem>>) src(%dma_wait3A_321 : memref<128x64xf32, #tpu.memory_space<vmem>>) dst(%dma_wait3A_327 : memref<10240x64xf32, #tpu.memory_space<vmem_shared>>)
      %dma_wait3A_328 = arith.constant 4 : i32
      %dma_wait3A_329 = arith.constant 512 : i32
      %dma_wait3A_330 = arith.constant 0 : i32
      %dma_wait3A_331 = tpu.memref_slice %arg9[%dma_wait3A_329, %dma_wait3A_330] : memref<1024x64xf32, #tpu.memory_space<vmem>> -> memref<128x64xf32, #tpu.memory_space<vmem>>
      %dma_wait3A_332 = arith.constant 0 : i32
      %dma_wait3A_333 = tpu.memref_slice %arg8[%dma_wait3A_328, %dma_wait3A_332] : memref<8x128xi32, #tpu.memory_space<vmem>> -> memref<1x128xi32, #tpu.memory_space<vmem>>
      %dma_wait3A_334 = tpu.memref_squeeze %dma_wait3A_333 : memref<1x128xi32, #tpu.memory_space<vmem>> -> memref<128xi32, #tpu.memory_space<vmem>>
      %dma_wait3A_335 = arith.constant 0 : i32
      %dma_wait3A_336 = arith.constant 0 : i32
      %dma_wait3A_337 = tpu.memref_slice %arg10[%dma_wait3A_335, %dma_wait3A_336] : memref<10240x64xf32, #tpu.memory_space<vmem_shared>> -> memref<10240x64xf32, #tpu.memory_space<vmem_shared>>
      tpu.wait_indirect_dma semaphore(%arg14 : memref<!tpu.dma_semaphore, #tpu.memory_space<semaphore_mem>>) src(%dma_wait3A_331 : memref<128x64xf32, #tpu.memory_space<vmem>>) dst(%dma_wait3A_337 : memref<10240x64xf32, #tpu.memory_space<vmem_shared>>)
      %dma_wait3A_338 = arith.constant 5 : i32
      %dma_wait3A_339 = arith.constant 640 : i32
      %dma_wait3A_340 = arith.constant 0 : i32
      %dma_wait3A_341 = tpu.memref_slice %arg9[%dma_wait3A_339, %dma_wait3A_340] : memref<1024x64xf32, #tpu.memory_space<vmem>> -> memref<128x64xf32, #tpu.memory_space<vmem>>
      %dma_wait3A_342 = arith.constant 0 : i32
      %dma_wait3A_343 = tpu.memref_slice %arg8[%dma_wait3A_338, %dma_wait3A_342] : memref<8x128xi32, #tpu.memory_space<vmem>> -> memref<1x128xi32, #tpu.memory_space<vmem>>
      %dma_wait3A_344 = tpu.memref_squeeze %dma_wait3A_343 : memref<1x128xi32, #tpu.memory_space<vmem>> -> memref<128xi32, #tpu.memory_space<vmem>>
      %dma_wait3A_345 = arith.constant 0 : i32
      %dma_wait3A_346 = arith.constant 0 : i32
      %dma_wait3A_347 = tpu.memref_slice %arg10[%dma_wait3A_345, %dma_wait3A_346] : memref<10240x64xf32, #tpu.memory_space<vmem_shared>> -> memref<10240x64xf32, #tpu.memory_space<vmem_shared>>
      tpu.wait_indirect_dma semaphore(%arg14 : memref<!tpu.dma_semaphore, #tpu.memory_space<semaphore_mem>>) src(%dma_wait3A_341 : memref<128x64xf32, #tpu.memory_space<vmem>>) dst(%dma_wait3A_347 : memref<10240x64xf32, #tpu.memory_space<vmem_shared>>)
      %dma_wait3A_348 = arith.constant 6 : i32
      %dma_wait3A_349 = arith.constant 768 : i32
      %dma_wait3A_350 = arith.constant 0 : i32
      %dma_wait3A_351 = tpu.memref_slice %arg9[%dma_wait3A_349, %dma_wait3A_350] : memref<1024x64xf32, #tpu.memory_space<vmem>> -> memref<128x64xf32, #tpu.memory_space<vmem>>
      %dma_wait3A_352 = arith.constant 0 : i32
      %dma_wait3A_353 = tpu.memref_slice %arg8[%dma_wait3A_348, %dma_wait3A_352] : memref<8x128xi32, #tpu.memory_space<vmem>> -> memref<1x128xi32, #tpu.memory_space<vmem>>
      %dma_wait3A_354 = tpu.memref_squeeze %dma_wait3A_353 : memref<1x128xi32, #tpu.memory_space<vmem>> -> memref<128xi32, #tpu.memory_space<vmem>>
      %dma_wait3A_355 = arith.constant 0 : i32
      %dma_wait3A_356 = arith.constant 0 : i32
      %dma_wait3A_357 = tpu.memref_slice %arg10[%dma_wait3A_355, %dma_wait3A_356] : memref<10240x64xf32, #tpu.memory_space<vmem_shared>> -> memref<10240x64xf32, #tpu.memory_space<vmem_shared>>
      tpu.wait_indirect_dma semaphore(%arg14 : memref<!tpu.dma_semaphore, #tpu.memory_space<semaphore_mem>>) src(%dma_wait3A_351 : memref<128x64xf32, #tpu.memory_space<vmem>>) dst(%dma_wait3A_357 : memref<10240x64xf32, #tpu.memory_space<vmem_shared>>)
      %dma_wait3A_358 = arith.constant 7 : i32
      %dma_wait3A_359 = arith.constant 896 : i32
      %dma_wait3A_360 = arith.constant 0 : i32
      %dma_wait3A_361 = tpu.memref_slice %arg9[%dma_wait3A_359, %dma_wait3A_360] : memref<1024x64xf32, #tpu.memory_space<vmem>> -> memref<128x64xf32, #tpu.memory_space<vmem>>
      %dma_wait3A_362 = arith.constant 0 : i32
      %dma_wait3A_363 = tpu.memref_slice %arg8[%dma_wait3A_358, %dma_wait3A_362] : memref<8x128xi32, #tpu.memory_space<vmem>> -> memref<1x128xi32, #tpu.memory_space<vmem>>
      %dma_wait3A_364 = tpu.memref_squeeze %dma_wait3A_363 : memref<1x128xi32, #tpu.memory_space<vmem>> -> memref<128xi32, #tpu.memory_space<vmem>>
      %dma_wait3A_365 = arith.constant 0 : i32
      %dma_wait3A_366 = arith.constant 0 : i32
      %dma_wait3A_367 = tpu.memref_slice %arg10[%dma_wait3A_365, %dma_wait3A_366] : memref<10240x64xf32, #tpu.memory_space<vmem_shared>> -> memref<10240x64xf32, #tpu.memory_space<vmem_shared>>
      tpu.wait_indirect_dma semaphore(%arg14 : memref<!tpu.dma_semaphore, #tpu.memory_space<semaphore_mem>>) src(%dma_wait3A_361 : memref<128x64xf32, #tpu.memory_space<vmem>>) dst(%dma_wait3A_367 : memref<10240x64xf32, #tpu.memory_space<vmem_shared>>)
    }
    %while3A_34 = arith.constant 1 : i32
    scf.for %while3A_44 = %while3A_32 to %while3A_28 step %while3A_34  : i32 {
      %mul3A_45 = arith.muli %arg1, %select_n3A : i32
      %add3A = arith.addi %select_n3A_7, %mul3A_45 : i32
      %mul3A_46 = arith.constant 8 : i32
      %mul3A_47 = arith.muli %while3A_44, %mul3A_46 : i32
      %add3A_48 = arith.addi %add3A, %mul3A_47 : i32
      %multiple_of3A_49 = tpu.assume_multiple %add3A_48, 8 : i32
      "tpu.region"() ({
        %run_scoped3A = tpu.sem_alloc : memref<!tpu.dma_semaphore, #tpu.memory_space<semaphore_mem>>
        %dma_start3A_368 = arith.constant 0 : i32
        %dma_start3A_369 = tpu.memref_slice %arg2[%multiple_of3A_49, %dma_start3A_368] : memref<2560x128xi32, #tpu.memory_space<hbm>> -> memref<8x128xi32, #tpu.memory_space<hbm>>
        %dma_start3A_370 = arith.constant 0 : i32
        %dma_start3A_371 = tpu.memref_slice %arg2[%multiple_of3A_49, %dma_start3A_370] : memref<2560x128xi32, #tpu.memory_space<hbm>> -> memref<8x128xi32, #tpu.memory_space<hbm>>
        tpu.enqueue_dma source(%dma_start3A_371 : memref<8x128xi32, #tpu.memory_space<hbm>>) target(%arg7 : memref<8x128xi32, #tpu.memory_space<vmem>>) target_semaphore(%run_scoped3A : memref<!tpu.dma_semaphore, #tpu.memory_space<semaphore_mem>>)
        %dma_wait3A_372 = arith.constant 0 : i32
        %dma_wait3A_373 = tpu.memref_slice %arg2[%multiple_of3A_49, %dma_wait3A_372] : memref<2560x128xi32, #tpu.memory_space<hbm>> -> memref<8x128xi32, #tpu.memory_space<hbm>>
        %dma_wait3A_374 = arith.constant 0 : i32
        %dma_wait3A_375 = tpu.memref_slice %arg2[%multiple_of3A_49, %dma_wait3A_374] : memref<2560x128xi32, #tpu.memory_space<hbm>> -> memref<8x128xi32, #tpu.memory_space<hbm>>
        tpu.wait_dma2 semaphore(%run_scoped3A : memref<!tpu.dma_semaphore, #tpu.memory_space<semaphore_mem>>) src(%dma_wait3A_375 : memref<8x128xi32, #tpu.memory_space<hbm>>) dst(%arg7 : memref<8x128xi32, #tpu.memory_space<vmem>>)
        tpu.yield
      }) : () -> ()
      "tpu.region"() ({
        %run_scoped3A = tpu.sem_alloc : memref<!tpu.dma_semaphore, #tpu.memory_space<semaphore_mem>>
        %dma_start3A_368 = arith.constant 0 : i32
        %dma_start3A_369 = tpu.memref_slice %arg3[%multiple_of3A_49, %dma_start3A_368] : memref<2560x128xi32, #tpu.memory_space<hbm>> -> memref<8x128xi32, #tpu.memory_space<hbm>>
        %dma_start3A_370 = arith.constant 0 : i32
        %dma_start3A_371 = tpu.memref_slice %arg3[%multiple_of3A_49, %dma_start3A_370] : memref<2560x128xi32, #tpu.memory_space<hbm>> -> memref<8x128xi32, #tpu.memory_space<hbm>>
        tpu.enqueue_dma source(%dma_start3A_371 : memref<8x128xi32, #tpu.memory_space<hbm>>) target(%arg8 : memref<8x128xi32, #tpu.memory_space<vmem>>) target_semaphore(%run_scoped3A : memref<!tpu.dma_semaphore, #tpu.memory_space<semaphore_mem>>)
        %dma_wait3A_372 = arith.constant 0 : i32
        %dma_wait3A_373 = tpu.memref_slice %arg3[%multiple_of3A_49, %dma_wait3A_372] : memref<2560x128xi32, #tpu.memory_space<hbm>> -> memref<8x128xi32, #tpu.memory_space<hbm>>
        %dma_wait3A_374 = arith.constant 0 : i32
        %dma_wait3A_375 = tpu.memref_slice %arg3[%multiple_of3A_49, %dma_wait3A_374] : memref<2560x128xi32, #tpu.memory_space<hbm>> -> memref<8x128xi32, #tpu.memory_space<hbm>>
        tpu.wait_dma2 semaphore(%run_scoped3A : memref<!tpu.dma_semaphore, #tpu.memory_space<semaphore_mem>>) src(%dma_wait3A_375 : memref<8x128xi32, #tpu.memory_space<hbm>>) dst(%arg8 : memref<8x128xi32, #tpu.memory_space<vmem>>)
        tpu.yield
      }) : () -> ()
      %dma_start3A = arith.constant 0 : i32
      %dma_start3A_50 = arith.constant 0 : i32
      %dma_start3A_51 = arith.constant 0 : i32
      %dma_start3A_52 = tpu.memref_slice %arg9[%dma_start3A_50, %dma_start3A_51] : memref<1024x64xf32, #tpu.memory_space<vmem>> -> memref<128x64xf32, #tpu.memory_space<vmem>>
      %dma_start3A_53 = arith.constant 0 : i32
      %dma_start3A_54 = tpu.memref_slice %arg7[%dma_start3A, %dma_start3A_53] : memref<8x128xi32, #tpu.memory_space<vmem>> -> memref<1x128xi32, #tpu.memory_space<vmem>>
      %dma_start3A_55 = tpu.memref_squeeze %dma_start3A_54 : memref<1x128xi32, #tpu.memory_space<vmem>> -> memref<128xi32, #tpu.memory_space<vmem>>
      %dma_start3A_56 = arith.constant 0 : i32
      %dma_start3A_57 = arith.constant 0 : i32
      %dma_start3A_58 = tpu.memref_slice %arg4[%dma_start3A_56, %dma_start3A_57] : memref<10240x64xf32, #tpu.memory_space<hbm>> -> memref<10240x64xf32, #tpu.memory_space<hbm>>
      tpu.enqueue_indirect_dma source(%dma_start3A_58 : memref<10240x64xf32, #tpu.memory_space<hbm>>) target(%dma_start3A_52 : memref<128x64xf32, #tpu.memory_space<vmem>>) offsets(%dma_start3A_55 : memref<128xi32, #tpu.memory_space<vmem>>) semaphore(%arg11 : memref<!tpu.dma_semaphore, #tpu.memory_space<semaphore_mem>>)
      %dma_start3A_59 = arith.constant 1 : i32
      %dma_start3A_60 = arith.constant 128 : i32
      %dma_start3A_61 = arith.constant 0 : i32
      %dma_start3A_62 = tpu.memref_slice %arg9[%dma_start3A_60, %dma_start3A_61] : memref<1024x64xf32, #tpu.memory_space<vmem>> -> memref<128x64xf32, #tpu.memory_space<vmem>>
      %dma_start3A_63 = arith.constant 0 : i32
      %dma_start3A_64 = tpu.memref_slice %arg7[%dma_start3A_59, %dma_start3A_63] : memref<8x128xi32, #tpu.memory_space<vmem>> -> memref<1x128xi32, #tpu.memory_space<vmem>>
      %dma_start3A_65 = tpu.memref_squeeze %dma_start3A_64 : memref<1x128xi32, #tpu.memory_space<vmem>> -> memref<128xi32, #tpu.memory_space<vmem>>
      %dma_start3A_66 = arith.constant 0 : i32
      %dma_start3A_67 = arith.constant 0 : i32
      %dma_start3A_68 = tpu.memref_slice %arg4[%dma_start3A_66, %dma_start3A_67] : memref<10240x64xf32, #tpu.memory_space<hbm>> -> memref<10240x64xf32, #tpu.memory_space<hbm>>
      tpu.enqueue_indirect_dma source(%dma_start3A_68 : memref<10240x64xf32, #tpu.memory_space<hbm>>) target(%dma_start3A_62 : memref<128x64xf32, #tpu.memory_space<vmem>>) offsets(%dma_start3A_65 : memref<128xi32, #tpu.memory_space<vmem>>) semaphore(%arg11 : memref<!tpu.dma_semaphore, #tpu.memory_space<semaphore_mem>>)
      %dma_start3A_69 = arith.constant 2 : i32
      %dma_start3A_70 = arith.constant 256 : i32
      %dma_start3A_71 = arith.constant 0 : i32
      %dma_start3A_72 = tpu.memref_slice %arg9[%dma_start3A_70, %dma_start3A_71] : memref<1024x64xf32, #tpu.memory_space<vmem>> -> memref<128x64xf32, #tpu.memory_space<vmem>>
      %dma_start3A_73 = arith.constant 0 : i32
      %dma_start3A_74 = tpu.memref_slice %arg7[%dma_start3A_69, %dma_start3A_73] : memref<8x128xi32, #tpu.memory_space<vmem>> -> memref<1x128xi32, #tpu.memory_space<vmem>>
      %dma_start3A_75 = tpu.memref_squeeze %dma_start3A_74 : memref<1x128xi32, #tpu.memory_space<vmem>> -> memref<128xi32, #tpu.memory_space<vmem>>
      %dma_start3A_76 = arith.constant 0 : i32
      %dma_start3A_77 = arith.constant 0 : i32
      %dma_start3A_78 = tpu.memref_slice %arg4[%dma_start3A_76, %dma_start3A_77] : memref<10240x64xf32, #tpu.memory_space<hbm>> -> memref<10240x64xf32, #tpu.memory_space<hbm>>
      tpu.enqueue_indirect_dma source(%dma_start3A_78 : memref<10240x64xf32, #tpu.memory_space<hbm>>) target(%dma_start3A_72 : memref<128x64xf32, #tpu.memory_space<vmem>>) offsets(%dma_start3A_75 : memref<128xi32, #tpu.memory_space<vmem>>) semaphore(%arg11 : memref<!tpu.dma_semaphore, #tpu.memory_space<semaphore_mem>>)
      %dma_start3A_79 = arith.constant 3 : i32
      %dma_start3A_80 = arith.constant 384 : i32
      %dma_start3A_81 = arith.constant 0 : i32
      %dma_start3A_82 = tpu.memref_slice %arg9[%dma_start3A_80, %dma_start3A_81] : memref<1024x64xf32, #tpu.memory_space<vmem>> -> memref<128x64xf32, #tpu.memory_space<vmem>>
      %dma_start3A_83 = arith.constant 0 : i32
      %dma_start3A_84 = tpu.memref_slice %arg7[%dma_start3A_79, %dma_start3A_83] : memref<8x128xi32, #tpu.memory_space<vmem>> -> memref<1x128xi32, #tpu.memory_space<vmem>>
      %dma_start3A_85 = tpu.memref_squeeze %dma_start3A_84 : memref<1x128xi32, #tpu.memory_space<vmem>> -> memref<128xi32, #tpu.memory_space<vmem>>
      %dma_start3A_86 = arith.constant 0 : i32
      %dma_start3A_87 = arith.constant 0 : i32
      %dma_start3A_88 = tpu.memref_slice %arg4[%dma_start3A_86, %dma_start3A_87] : memref<10240x64xf32, #tpu.memory_space<hbm>> -> memref<10240x64xf32, #tpu.memory_space<hbm>>
      tpu.enqueue_indirect_dma source(%dma_start3A_88 : memref<10240x64xf32, #tpu.memory_space<hbm>>) target(%dma_start3A_82 : memref<128x64xf32, #tpu.memory_space<vmem>>) offsets(%dma_start3A_85 : memref<128xi32, #tpu.memory_space<vmem>>) semaphore(%arg11 : memref<!tpu.dma_semaphore, #tpu.memory_space<semaphore_mem>>)
      %dma_wait3A = arith.constant 0 : i32
      %dma_wait3A_89 = arith.constant 0 : i32
      %dma_wait3A_90 = arith.constant 0 : i32
      %dma_wait3A_91 = tpu.memref_slice %arg9[%dma_wait3A_89, %dma_wait3A_90] : memref<1024x64xf32, #tpu.memory_space<vmem>> -> memref<128x64xf32, #tpu.memory_space<vmem>>
      %dma_wait3A_92 = arith.constant 0 : i32
      %dma_wait3A_93 = tpu.memref_slice %arg7[%dma_wait3A, %dma_wait3A_92] : memref<8x128xi32, #tpu.memory_space<vmem>> -> memref<1x128xi32, #tpu.memory_space<vmem>>
      %dma_wait3A_94 = tpu.memref_squeeze %dma_wait3A_93 : memref<1x128xi32, #tpu.memory_space<vmem>> -> memref<128xi32, #tpu.memory_space<vmem>>
      %dma_wait3A_95 = arith.constant 0 : i32
      %dma_wait3A_96 = arith.constant 0 : i32
      %dma_wait3A_97 = tpu.memref_slice %arg4[%dma_wait3A_95, %dma_wait3A_96] : memref<10240x64xf32, #tpu.memory_space<hbm>> -> memref<10240x64xf32, #tpu.memory_space<hbm>>
      tpu.wait_indirect_dma semaphore(%arg11 : memref<!tpu.dma_semaphore, #tpu.memory_space<semaphore_mem>>) src(%dma_wait3A_97 : memref<10240x64xf32, #tpu.memory_space<hbm>>) dst(%dma_wait3A_91 : memref<128x64xf32, #tpu.memory_space<vmem>>)
      %dma_wait3A_98 = arith.constant 1 : i32
      %dma_wait3A_99 = arith.constant 128 : i32
      %dma_wait3A_100 = arith.constant 0 : i32
      %dma_wait3A_101 = tpu.memref_slice %arg9[%dma_wait3A_99, %dma_wait3A_100] : memref<1024x64xf32, #tpu.memory_space<vmem>> -> memref<128x64xf32, #tpu.memory_space<vmem>>
      %dma_wait3A_102 = arith.constant 0 : i32
      %dma_wait3A_103 = tpu.memref_slice %arg7[%dma_wait3A_98, %dma_wait3A_102] : memref<8x128xi32, #tpu.memory_space<vmem>> -> memref<1x128xi32, #tpu.memory_space<vmem>>
      %dma_wait3A_104 = tpu.memref_squeeze %dma_wait3A_103 : memref<1x128xi32, #tpu.memory_space<vmem>> -> memref<128xi32, #tpu.memory_space<vmem>>
      %dma_wait3A_105 = arith.constant 0 : i32
      %dma_wait3A_106 = arith.constant 0 : i32
      %dma_wait3A_107 = tpu.memref_slice %arg4[%dma_wait3A_105, %dma_wait3A_106] : memref<10240x64xf32, #tpu.memory_space<hbm>> -> memref<10240x64xf32, #tpu.memory_space<hbm>>
      tpu.wait_indirect_dma semaphore(%arg11 : memref<!tpu.dma_semaphore, #tpu.memory_space<semaphore_mem>>) src(%dma_wait3A_107 : memref<10240x64xf32, #tpu.memory_space<hbm>>) dst(%dma_wait3A_101 : memref<128x64xf32, #tpu.memory_space<vmem>>)
      %dma_wait3A_108 = arith.constant 2 : i32
      %dma_wait3A_109 = arith.constant 256 : i32
      %dma_wait3A_110 = arith.constant 0 : i32
      %dma_wait3A_111 = tpu.memref_slice %arg9[%dma_wait3A_109, %dma_wait3A_110] : memref<1024x64xf32, #tpu.memory_space<vmem>> -> memref<128x64xf32, #tpu.memory_space<vmem>>
      %dma_wait3A_112 = arith.constant 0 : i32
      %dma_wait3A_113 = tpu.memref_slice %arg7[%dma_wait3A_108, %dma_wait3A_112] : memref<8x128xi32, #tpu.memory_space<vmem>> -> memref<1x128xi32, #tpu.memory_space<vmem>>
      %dma_wait3A_114 = tpu.memref_squeeze %dma_wait3A_113 : memref<1x128xi32, #tpu.memory_space<vmem>> -> memref<128xi32, #tpu.memory_space<vmem>>
      %dma_wait3A_115 = arith.constant 0 : i32
      %dma_wait3A_116 = arith.constant 0 : i32
      %dma_wait3A_117 = tpu.memref_slice %arg4[%dma_wait3A_115, %dma_wait3A_116] : memref<10240x64xf32, #tpu.memory_space<hbm>> -> memref<10240x64xf32, #tpu.memory_space<hbm>>
      tpu.wait_indirect_dma semaphore(%arg11 : memref<!tpu.dma_semaphore, #tpu.memory_space<semaphore_mem>>) src(%dma_wait3A_117 : memref<10240x64xf32, #tpu.memory_space<hbm>>) dst(%dma_wait3A_111 : memref<128x64xf32, #tpu.memory_space<vmem>>)
      %dma_wait3A_118 = arith.constant 3 : i32
      %dma_wait3A_119 = arith.constant 384 : i32
      %dma_wait3A_120 = arith.constant 0 : i32
      %dma_wait3A_121 = tpu.memref_slice %arg9[%dma_wait3A_119, %dma_wait3A_120] : memref<1024x64xf32, #tpu.memory_space<vmem>> -> memref<128x64xf32, #tpu.memory_space<vmem>>
      %dma_wait3A_122 = arith.constant 0 : i32
      %dma_wait3A_123 = tpu.memref_slice %arg7[%dma_wait3A_118, %dma_wait3A_122] : memref<8x128xi32, #tpu.memory_space<vmem>> -> memref<1x128xi32, #tpu.memory_space<vmem>>
      %dma_wait3A_124 = tpu.memref_squeeze %dma_wait3A_123 : memref<1x128xi32, #tpu.memory_space<vmem>> -> memref<128xi32, #tpu.memory_space<vmem>>
      %dma_wait3A_125 = arith.constant 0 : i32
      %dma_wait3A_126 = arith.constant 0 : i32
      %dma_wait3A_127 = tpu.memref_slice %arg4[%dma_wait3A_125, %dma_wait3A_126] : memref<10240x64xf32, #tpu.memory_space<hbm>> -> memref<10240x64xf32, #tpu.memory_space<hbm>>
      tpu.wait_indirect_dma semaphore(%arg11 : memref<!tpu.dma_semaphore, #tpu.memory_space<semaphore_mem>>) src(%dma_wait3A_127 : memref<10240x64xf32, #tpu.memory_space<hbm>>) dst(%dma_wait3A_121 : memref<128x64xf32, #tpu.memory_space<vmem>>)
      %dma_start3A_128 = arith.constant 0 : i32
      %dma_start3A_129 = arith.constant 0 : i32
      %dma_start3A_130 = arith.constant 0 : i32
      %dma_start3A_131 = tpu.memref_slice %arg9[%dma_start3A_129, %dma_start3A_130] : memref<1024x64xf32, #tpu.memory_space<vmem>> -> memref<128x64xf32, #tpu.memory_space<vmem>>
      %dma_start3A_132 = arith.constant 0 : i32
      %dma_start3A_133 = tpu.memref_slice %arg8[%dma_start3A_128, %dma_start3A_132] : memref<8x128xi32, #tpu.memory_space<vmem>> -> memref<1x128xi32, #tpu.memory_space<vmem>>
      %dma_start3A_134 = tpu.memref_squeeze %dma_start3A_133 : memref<1x128xi32, #tpu.memory_space<vmem>> -> memref<128xi32, #tpu.memory_space<vmem>>
      %dma_start3A_135 = arith.constant 0 : i32
      %dma_start3A_136 = arith.constant 0 : i32
      %dma_start3A_137 = tpu.memref_slice %arg10[%dma_start3A_135, %dma_start3A_136] : memref<10240x64xf32, #tpu.memory_space<vmem_shared>> -> memref<10240x64xf32, #tpu.memory_space<vmem_shared>>
      tpu.enqueue_indirect_dma source(%dma_start3A_131 : memref<128x64xf32, #tpu.memory_space<vmem>>) target(%dma_start3A_137 : memref<10240x64xf32, #tpu.memory_space<vmem_shared>>) offsets(%dma_start3A_134 : memref<128xi32, #tpu.memory_space<vmem>>) semaphore(%arg13 : memref<!tpu.dma_semaphore, #tpu.memory_space<semaphore_mem>>) {add = true}
      %dma_start3A_138 = arith.constant 1 : i32
      %dma_start3A_139 = arith.constant 128 : i32
      %dma_start3A_140 = arith.constant 0 : i32
      %dma_start3A_141 = tpu.memref_slice %arg9[%dma_start3A_139, %dma_start3A_140] : memref<1024x64xf32, #tpu.memory_space<vmem>> -> memref<128x64xf32, #tpu.memory_space<vmem>>
      %dma_start3A_142 = arith.constant 0 : i32
      %dma_start3A_143 = tpu.memref_slice %arg8[%dma_start3A_138, %dma_start3A_142] : memref<8x128xi32, #tpu.memory_space<vmem>> -> memref<1x128xi32, #tpu.memory_space<vmem>>
      %dma_start3A_144 = tpu.memref_squeeze %dma_start3A_143 : memref<1x128xi32, #tpu.memory_space<vmem>> -> memref<128xi32, #tpu.memory_space<vmem>>
      %dma_start3A_145 = arith.constant 0 : i32
      %dma_start3A_146 = arith.constant 0 : i32
      %dma_start3A_147 = tpu.memref_slice %arg10[%dma_start3A_145, %dma_start3A_146] : memref<10240x64xf32, #tpu.memory_space<vmem_shared>> -> memref<10240x64xf32, #tpu.memory_space<vmem_shared>>
      tpu.enqueue_indirect_dma source(%dma_start3A_141 : memref<128x64xf32, #tpu.memory_space<vmem>>) target(%dma_start3A_147 : memref<10240x64xf32, #tpu.memory_space<vmem_shared>>) offsets(%dma_start3A_144 : memref<128xi32, #tpu.memory_space<vmem>>) semaphore(%arg13 : memref<!tpu.dma_semaphore, #tpu.memory_space<semaphore_mem>>) {add = true}
      %dma_start3A_148 = arith.constant 2 : i32
      %dma_start3A_149 = arith.constant 256 : i32
      %dma_start3A_150 = arith.constant 0 : i32
      %dma_start3A_151 = tpu.memref_slice %arg9[%dma_start3A_149, %dma_start3A_150] : memref<1024x64xf32, #tpu.memory_space<vmem>> -> memref<128x64xf32, #tpu.memory_space<vmem>>
      %dma_start3A_152 = arith.constant 0 : i32
      %dma_start3A_153 = tpu.memref_slice %arg8[%dma_start3A_148, %dma_start3A_152] : memref<8x128xi32, #tpu.memory_space<vmem>> -> memref<1x128xi32, #tpu.memory_space<vmem>>
      %dma_start3A_154 = tpu.memref_squeeze %dma_start3A_153 : memref<1x128xi32, #tpu.memory_space<vmem>> -> memref<128xi32, #tpu.memory_space<vmem>>
      %dma_start3A_155 = arith.constant 0 : i32
      %dma_start3A_156 = arith.constant 0 : i32
      %dma_start3A_157 = tpu.memref_slice %arg10[%dma_start3A_155, %dma_start3A_156] : memref<10240x64xf32, #tpu.memory_space<vmem_shared>> -> memref<10240x64xf32, #tpu.memory_space<vmem_shared>>
      tpu.enqueue_indirect_dma source(%dma_start3A_151 : memref<128x64xf32, #tpu.memory_space<vmem>>) target(%dma_start3A_157 : memref<10240x64xf32, #tpu.memory_space<vmem_shared>>) offsets(%dma_start3A_154 : memref<128xi32, #tpu.memory_space<vmem>>) semaphore(%arg13 : memref<!tpu.dma_semaphore, #tpu.memory_space<semaphore_mem>>) {add = true}
      %dma_start3A_158 = arith.constant 3 : i32
      %dma_start3A_159 = arith.constant 384 : i32
      %dma_start3A_160 = arith.constant 0 : i32
      %dma_start3A_161 = tpu.memref_slice %arg9[%dma_start3A_159, %dma_start3A_160] : memref<1024x64xf32, #tpu.memory_space<vmem>> -> memref<128x64xf32, #tpu.memory_space<vmem>>
      %dma_start3A_162 = arith.constant 0 : i32
      %dma_start3A_163 = tpu.memref_slice %arg8[%dma_start3A_158, %dma_start3A_162] : memref<8x128xi32, #tpu.memory_space<vmem>> -> memref<1x128xi32, #tpu.memory_space<vmem>>
      %dma_start3A_164 = tpu.memref_squeeze %dma_start3A_163 : memref<1x128xi32, #tpu.memory_space<vmem>> -> memref<128xi32, #tpu.memory_space<vmem>>
      %dma_start3A_165 = arith.constant 0 : i32
      %dma_start3A_166 = arith.constant 0 : i32
      %dma_start3A_167 = tpu.memref_slice %arg10[%dma_start3A_165, %dma_start3A_166] : memref<10240x64xf32, #tpu.memory_space<vmem_shared>> -> memref<10240x64xf32, #tpu.memory_space<vmem_shared>>
      tpu.enqueue_indirect_dma source(%dma_start3A_161 : memref<128x64xf32, #tpu.memory_space<vmem>>) target(%dma_start3A_167 : memref<10240x64xf32, #tpu.memory_space<vmem_shared>>) offsets(%dma_start3A_164 : memref<128xi32, #tpu.memory_space<vmem>>) semaphore(%arg13 : memref<!tpu.dma_semaphore, #tpu.memory_space<semaphore_mem>>) {add = true}
      %dma_start3A_168 = arith.constant 4 : i32
      %dma_start3A_169 = arith.constant 512 : i32
      %dma_start3A_170 = arith.constant 0 : i32
      %dma_start3A_171 = tpu.memref_slice %arg9[%dma_start3A_169, %dma_start3A_170] : memref<1024x64xf32, #tpu.memory_space<vmem>> -> memref<128x64xf32, #tpu.memory_space<vmem>>
      %dma_start3A_172 = arith.constant 0 : i32
      %dma_start3A_173 = tpu.memref_slice %arg7[%dma_start3A_168, %dma_start3A_172] : memref<8x128xi32, #tpu.memory_space<vmem>> -> memref<1x128xi32, #tpu.memory_space<vmem>>
      %dma_start3A_174 = tpu.memref_squeeze %dma_start3A_173 : memref<1x128xi32, #tpu.memory_space<vmem>> -> memref<128xi32, #tpu.memory_space<vmem>>
      %dma_start3A_175 = arith.constant 0 : i32
      %dma_start3A_176 = arith.constant 0 : i32
      %dma_start3A_177 = tpu.memref_slice %arg4[%dma_start3A_175, %dma_start3A_176] : memref<10240x64xf32, #tpu.memory_space<hbm>> -> memref<10240x64xf32, #tpu.memory_space<hbm>>
      tpu.enqueue_indirect_dma source(%dma_start3A_177 : memref<10240x64xf32, #tpu.memory_space<hbm>>) target(%dma_start3A_171 : memref<128x64xf32, #tpu.memory_space<vmem>>) offsets(%dma_start3A_174 : memref<128xi32, #tpu.memory_space<vmem>>) semaphore(%arg12 : memref<!tpu.dma_semaphore, #tpu.memory_space<semaphore_mem>>)
      %dma_start3A_178 = arith.constant 5 : i32
      %dma_start3A_179 = arith.constant 640 : i32
      %dma_start3A_180 = arith.constant 0 : i32
      %dma_start3A_181 = tpu.memref_slice %arg9[%dma_start3A_179, %dma_start3A_180] : memref<1024x64xf32, #tpu.memory_space<vmem>> -> memref<128x64xf32, #tpu.memory_space<vmem>>
      %dma_start3A_182 = arith.constant 0 : i32
      %dma_start3A_183 = tpu.memref_slice %arg7[%dma_start3A_178, %dma_start3A_182] : memref<8x128xi32, #tpu.memory_space<vmem>> -> memref<1x128xi32, #tpu.memory_space<vmem>>
      %dma_start3A_184 = tpu.memref_squeeze %dma_start3A_183 : memref<1x128xi32, #tpu.memory_space<vmem>> -> memref<128xi32, #tpu.memory_space<vmem>>
      %dma_start3A_185 = arith.constant 0 : i32
      %dma_start3A_186 = arith.constant 0 : i32
      %dma_start3A_187 = tpu.memref_slice %arg4[%dma_start3A_185, %dma_start3A_186] : memref<10240x64xf32, #tpu.memory_space<hbm>> -> memref<10240x64xf32, #tpu.memory_space<hbm>>
      tpu.enqueue_indirect_dma source(%dma_start3A_187 : memref<10240x64xf32, #tpu.memory_space<hbm>>) target(%dma_start3A_181 : memref<128x64xf32, #tpu.memory_space<vmem>>) offsets(%dma_start3A_184 : memref<128xi32, #tpu.memory_space<vmem>>) semaphore(%arg12 : memref<!tpu.dma_semaphore, #tpu.memory_space<semaphore_mem>>)
      %dma_start3A_188 = arith.constant 6 : i32
      %dma_start3A_189 = arith.constant 768 : i32
      %dma_start3A_190 = arith.constant 0 : i32
      %dma_start3A_191 = tpu.memref_slice %arg9[%dma_start3A_189, %dma_start3A_190] : memref<1024x64xf32, #tpu.memory_space<vmem>> -> memref<128x64xf32, #tpu.memory_space<vmem>>
      %dma_start3A_192 = arith.constant 0 : i32
      %dma_start3A_193 = tpu.memref_slice %arg7[%dma_start3A_188, %dma_start3A_192] : memref<8x128xi32, #tpu.memory_space<vmem>> -> memref<1x128xi32, #tpu.memory_space<vmem>>
      %dma_start3A_194 = tpu.memref_squeeze %dma_start3A_193 : memref<1x128xi32, #tpu.memory_space<vmem>> -> memref<128xi32, #tpu.memory_space<vmem>>
      %dma_start3A_195 = arith.constant 0 : i32
      %dma_start3A_196 = arith.constant 0 : i32
      %dma_start3A_197 = tpu.memref_slice %arg4[%dma_start3A_195, %dma_start3A_196] : memref<10240x64xf32, #tpu.memory_space<hbm>> -> memref<10240x64xf32, #tpu.memory_space<hbm>>
      tpu.enqueue_indirect_dma source(%dma_start3A_197 : memref<10240x64xf32, #tpu.memory_space<hbm>>) target(%dma_start3A_191 : memref<128x64xf32, #tpu.memory_space<vmem>>) offsets(%dma_start3A_194 : memref<128xi32, #tpu.memory_space<vmem>>) semaphore(%arg12 : memref<!tpu.dma_semaphore, #tpu.memory_space<semaphore_mem>>)
      %dma_start3A_198 = arith.constant 7 : i32
      %dma_start3A_199 = arith.constant 896 : i32
      %dma_start3A_200 = arith.constant 0 : i32
      %dma_start3A_201 = tpu.memref_slice %arg9[%dma_start3A_199, %dma_start3A_200] : memref<1024x64xf32, #tpu.memory_space<vmem>> -> memref<128x64xf32, #tpu.memory_space<vmem>>
      %dma_start3A_202 = arith.constant 0 : i32
      %dma_start3A_203 = tpu.memref_slice %arg7[%dma_start3A_198, %dma_start3A_202] : memref<8x128xi32, #tpu.memory_space<vmem>> -> memref<1x128xi32, #tpu.memory_space<vmem>>
      %dma_start3A_204 = tpu.memref_squeeze %dma_start3A_203 : memref<1x128xi32, #tpu.memory_space<vmem>> -> memref<128xi32, #tpu.memory_space<vmem>>
      %dma_start3A_205 = arith.constant 0 : i32
      %dma_start3A_206 = arith.constant 0 : i32
      %dma_start3A_207 = tpu.memref_slice %arg4[%dma_start3A_205, %dma_start3A_206] : memref<10240x64xf32, #tpu.memory_space<hbm>> -> memref<10240x64xf32, #tpu.memory_space<hbm>>
      tpu.enqueue_indirect_dma source(%dma_start3A_207 : memref<10240x64xf32, #tpu.memory_space<hbm>>) target(%dma_start3A_201 : memref<128x64xf32, #tpu.memory_space<vmem>>) offsets(%dma_start3A_204 : memref<128xi32, #tpu.memory_space<vmem>>) semaphore(%arg12 : memref<!tpu.dma_semaphore, #tpu.memory_space<semaphore_mem>>)
      %dma_wait3A_208 = arith.constant 4 : i32
      %dma_wait3A_209 = arith.constant 512 : i32
      %dma_wait3A_210 = arith.constant 0 : i32
      %dma_wait3A_211 = tpu.memref_slice %arg9[%dma_wait3A_209, %dma_wait3A_210] : memref<1024x64xf32, #tpu.memory_space<vmem>> -> memref<128x64xf32, #tpu.memory_space<vmem>>
      %dma_wait3A_212 = arith.constant 0 : i32
      %dma_wait3A_213 = tpu.memref_slice %arg7[%dma_wait3A_208, %dma_wait3A_212] : memref<8x128xi32, #tpu.memory_space<vmem>> -> memref<1x128xi32, #tpu.memory_space<vmem>>
      %dma_wait3A_214 = tpu.memref_squeeze %dma_wait3A_213 : memref<1x128xi32, #tpu.memory_space<vmem>> -> memref<128xi32, #tpu.memory_space<vmem>>
      %dma_wait3A_215 = arith.constant 0 : i32
      %dma_wait3A_216 = arith.constant 0 : i32
      %dma_wait3A_217 = tpu.memref_slice %arg4[%dma_wait3A_215, %dma_wait3A_216] : memref<10240x64xf32, #tpu.memory_space<hbm>> -> memref<10240x64xf32, #tpu.memory_space<hbm>>
      tpu.wait_indirect_dma semaphore(%arg12 : memref<!tpu.dma_semaphore, #tpu.memory_space<semaphore_mem>>) src(%dma_wait3A_217 : memref<10240x64xf32, #tpu.memory_space<hbm>>) dst(%dma_wait3A_211 : memref<128x64xf32, #tpu.memory_space<vmem>>)
      %dma_wait3A_218 = arith.constant 5 : i32
      %dma_wait3A_219 = arith.constant 640 : i32
      %dma_wait3A_220 = arith.constant 0 : i32
      %dma_wait3A_221 = tpu.memref_slice %arg9[%dma_wait3A_219, %dma_wait3A_220] : memref<1024x64xf32, #tpu.memory_space<vmem>> -> memref<128x64xf32, #tpu.memory_space<vmem>>
      %dma_wait3A_222 = arith.constant 0 : i32
      %dma_wait3A_223 = tpu.memref_slice %arg7[%dma_wait3A_218, %dma_wait3A_222] : memref<8x128xi32, #tpu.memory_space<vmem>> -> memref<1x128xi32, #tpu.memory_space<vmem>>
      %dma_wait3A_224 = tpu.memref_squeeze %dma_wait3A_223 : memref<1x128xi32, #tpu.memory_space<vmem>> -> memref<128xi32, #tpu.memory_space<vmem>>
      %dma_wait3A_225 = arith.constant 0 : i32
      %dma_wait3A_226 = arith.constant 0 : i32
      %dma_wait3A_227 = tpu.memref_slice %arg4[%dma_wait3A_225, %dma_wait3A_226] : memref<10240x64xf32, #tpu.memory_space<hbm>> -> memref<10240x64xf32, #tpu.memory_space<hbm>>
      tpu.wait_indirect_dma semaphore(%arg12 : memref<!tpu.dma_semaphore, #tpu.memory_space<semaphore_mem>>) src(%dma_wait3A_227 : memref<10240x64xf32, #tpu.memory_space<hbm>>) dst(%dma_wait3A_221 : memref<128x64xf32, #tpu.memory_space<vmem>>)
      %dma_wait3A_228 = arith.constant 6 : i32
      %dma_wait3A_229 = arith.constant 768 : i32
      %dma_wait3A_230 = arith.constant 0 : i32
      %dma_wait3A_231 = tpu.memref_slice %arg9[%dma_wait3A_229, %dma_wait3A_230] : memref<1024x64xf32, #tpu.memory_space<vmem>> -> memref<128x64xf32, #tpu.memory_space<vmem>>
      %dma_wait3A_232 = arith.constant 0 : i32
      %dma_wait3A_233 = tpu.memref_slice %arg7[%dma_wait3A_228, %dma_wait3A_232] : memref<8x128xi32, #tpu.memory_space<vmem>> -> memref<1x128xi32, #tpu.memory_space<vmem>>
      %dma_wait3A_234 = tpu.memref_squeeze %dma_wait3A_233 : memref<1x128xi32, #tpu.memory_space<vmem>> -> memref<128xi32, #tpu.memory_space<vmem>>
      %dma_wait3A_235 = arith.constant 0 : i32
      %dma_wait3A_236 = arith.constant 0 : i32
      %dma_wait3A_237 = tpu.memref_slice %arg4[%dma_wait3A_235, %dma_wait3A_236] : memref<10240x64xf32, #tpu.memory_space<hbm>> -> memref<10240x64xf32, #tpu.memory_space<hbm>>
      tpu.wait_indirect_dma semaphore(%arg12 : memref<!tpu.dma_semaphore, #tpu.memory_space<semaphore_mem>>) src(%dma_wait3A_237 : memref<10240x64xf32, #tpu.memory_space<hbm>>) dst(%dma_wait3A_231 : memref<128x64xf32, #tpu.memory_space<vmem>>)
      %dma_wait3A_238 = arith.constant 7 : i32
      %dma_wait3A_239 = arith.constant 896 : i32
      %dma_wait3A_240 = arith.constant 0 : i32
      %dma_wait3A_241 = tpu.memref_slice %arg9[%dma_wait3A_239, %dma_wait3A_240] : memref<1024x64xf32, #tpu.memory_space<vmem>> -> memref<128x64xf32, #tpu.memory_space<vmem>>
      %dma_wait3A_242 = arith.constant 0 : i32
      %dma_wait3A_243 = tpu.memref_slice %arg7[%dma_wait3A_238, %dma_wait3A_242] : memref<8x128xi32, #tpu.memory_space<vmem>> -> memref<1x128xi32, #tpu.memory_space<vmem>>
      %dma_wait3A_244 = tpu.memref_squeeze %dma_wait3A_243 : memref<1x128xi32, #tpu.memory_space<vmem>> -> memref<128xi32, #tpu.memory_space<vmem>>
      %dma_wait3A_245 = arith.constant 0 : i32
      %dma_wait3A_246 = arith.constant 0 : i32
      %dma_wait3A_247 = tpu.memref_slice %arg4[%dma_wait3A_245, %dma_wait3A_246] : memref<10240x64xf32, #tpu.memory_space<hbm>> -> memref<10240x64xf32, #tpu.memory_space<hbm>>
      tpu.wait_indirect_dma semaphore(%arg12 : memref<!tpu.dma_semaphore, #tpu.memory_space<semaphore_mem>>) src(%dma_wait3A_247 : memref<10240x64xf32, #tpu.memory_space<hbm>>) dst(%dma_wait3A_241 : memref<128x64xf32, #tpu.memory_space<vmem>>)
      %dma_start3A_248 = arith.constant 4 : i32
      %dma_start3A_249 = arith.constant 512 : i32
      %dma_start3A_250 = arith.constant 0 : i32
      %dma_start3A_251 = tpu.memref_slice %arg9[%dma_start3A_249, %dma_start3A_250] : memref<1024x64xf32, #tpu.memory_space<vmem>> -> memref<128x64xf32, #tpu.memory_space<vmem>>
      %dma_start3A_252 = arith.constant 0 : i32
      %dma_start3A_253 = tpu.memref_slice %arg8[%dma_start3A_248, %dma_start3A_252] : memref<8x128xi32, #tpu.memory_space<vmem>> -> memref<1x128xi32, #tpu.memory_space<vmem>>
      %dma_start3A_254 = tpu.memref_squeeze %dma_start3A_253 : memref<1x128xi32, #tpu.memory_space<vmem>> -> memref<128xi32, #tpu.memory_space<vmem>>
      %dma_start3A_255 = arith.constant 0 : i32
      %dma_start3A_256 = arith.constant 0 : i32
      %dma_start3A_257 = tpu.memref_slice %arg10[%dma_start3A_255, %dma_start3A_256] : memref<10240x64xf32, #tpu.memory_space<vmem_shared>> -> memref<10240x64xf32, #tpu.memory_space<vmem_shared>>
      tpu.enqueue_indirect_dma source(%dma_start3A_251 : memref<128x64xf32, #tpu.memory_space<vmem>>) target(%dma_start3A_257 : memref<10240x64xf32, #tpu.memory_space<vmem_shared>>) offsets(%dma_start3A_254 : memref<128xi32, #tpu.memory_space<vmem>>) semaphore(%arg14 : memref<!tpu.dma_semaphore, #tpu.memory_space<semaphore_mem>>) {add = true}
      %dma_start3A_258 = arith.constant 5 : i32
      %dma_start3A_259 = arith.constant 640 : i32
      %dma_start3A_260 = arith.constant 0 : i32
      %dma_start3A_261 = tpu.memref_slice %arg9[%dma_start3A_259, %dma_start3A_260] : memref<1024x64xf32, #tpu.memory_space<vmem>> -> memref<128x64xf32, #tpu.memory_space<vmem>>
      %dma_start3A_262 = arith.constant 0 : i32
      %dma_start3A_263 = tpu.memref_slice %arg8[%dma_start3A_258, %dma_start3A_262] : memref<8x128xi32, #tpu.memory_space<vmem>> -> memref<1x128xi32, #tpu.memory_space<vmem>>
      %dma_start3A_264 = tpu.memref_squeeze %dma_start3A_263 : memref<1x128xi32, #tpu.memory_space<vmem>> -> memref<128xi32, #tpu.memory_space<vmem>>
      %dma_start3A_265 = arith.constant 0 : i32
      %dma_start3A_266 = arith.constant 0 : i32
      %dma_start3A_267 = tpu.memref_slice %arg10[%dma_start3A_265, %dma_start3A_266] : memref<10240x64xf32, #tpu.memory_space<vmem_shared>> -> memref<10240x64xf32, #tpu.memory_space<vmem_shared>>
      tpu.enqueue_indirect_dma source(%dma_start3A_261 : memref<128x64xf32, #tpu.memory_space<vmem>>) target(%dma_start3A_267 : memref<10240x64xf32, #tpu.memory_space<vmem_shared>>) offsets(%dma_start3A_264 : memref<128xi32, #tpu.memory_space<vmem>>) semaphore(%arg14 : memref<!tpu.dma_semaphore, #tpu.memory_space<semaphore_mem>>) {add = true}
      %dma_start3A_268 = arith.constant 6 : i32
      %dma_start3A_269 = arith.constant 768 : i32
      %dma_start3A_270 = arith.constant 0 : i32
      %dma_start3A_271 = tpu.memref_slice %arg9[%dma_start3A_269, %dma_start3A_270] : memref<1024x64xf32, #tpu.memory_space<vmem>> -> memref<128x64xf32, #tpu.memory_space<vmem>>
      %dma_start3A_272 = arith.constant 0 : i32
      %dma_start3A_273 = tpu.memref_slice %arg8[%dma_start3A_268, %dma_start3A_272] : memref<8x128xi32, #tpu.memory_space<vmem>> -> memref<1x128xi32, #tpu.memory_space<vmem>>
      %dma_start3A_274 = tpu.memref_squeeze %dma_start3A_273 : memref<1x128xi32, #tpu.memory_space<vmem>> -> memref<128xi32, #tpu.memory_space<vmem>>
      %dma_start3A_275 = arith.constant 0 : i32
      %dma_start3A_276 = arith.constant 0 : i32
      %dma_start3A_277 = tpu.memref_slice %arg10[%dma_start3A_275, %dma_start3A_276] : memref<10240x64xf32, #tpu.memory_space<vmem_shared>> -> memref<10240x64xf32, #tpu.memory_space<vmem_shared>>
      tpu.enqueue_indirect_dma source(%dma_start3A_271 : memref<128x64xf32, #tpu.memory_space<vmem>>) target(%dma_start3A_277 : memref<10240x64xf32, #tpu.memory_space<vmem_shared>>) offsets(%dma_start3A_274 : memref<128xi32, #tpu.memory_space<vmem>>) semaphore(%arg14 : memref<!tpu.dma_semaphore, #tpu.memory_space<semaphore_mem>>) {add = true}
      %dma_start3A_278 = arith.constant 7 : i32
      %dma_start3A_279 = arith.constant 896 : i32
      %dma_start3A_280 = arith.constant 0 : i32
      %dma_start3A_281 = tpu.memref_slice %arg9[%dma_start3A_279, %dma_start3A_280] : memref<1024x64xf32, #tpu.memory_space<vmem>> -> memref<128x64xf32, #tpu.memory_space<vmem>>
      %dma_start3A_282 = arith.constant 0 : i32
      %dma_start3A_283 = tpu.memref_slice %arg8[%dma_start3A_278, %dma_start3A_282] : memref<8x128xi32, #tpu.memory_space<vmem>> -> memref<1x128xi32, #tpu.memory_space<vmem>>
      %dma_start3A_284 = tpu.memref_squeeze %dma_start3A_283 : memref<1x128xi32, #tpu.memory_space<vmem>> -> memref<128xi32, #tpu.memory_space<vmem>>
      %dma_start3A_285 = arith.constant 0 : i32
      %dma_start3A_286 = arith.constant 0 : i32
      %dma_start3A_287 = tpu.memref_slice %arg10[%dma_start3A_285, %dma_start3A_286] : memref<10240x64xf32, #tpu.memory_space<vmem_shared>> -> memref<10240x64xf32, #tpu.memory_space<vmem_shared>>
      tpu.enqueue_indirect_dma source(%dma_start3A_281 : memref<128x64xf32, #tpu.memory_space<vmem>>) target(%dma_start3A_287 : memref<10240x64xf32, #tpu.memory_space<vmem_shared>>) offsets(%dma_start3A_284 : memref<128xi32, #tpu.memory_space<vmem>>) semaphore(%arg14 : memref<!tpu.dma_semaphore, #tpu.memory_space<semaphore_mem>>) {add = true}
      %dma_wait3A_288 = arith.constant 0 : i32
      %dma_wait3A_289 = arith.constant 0 : i32
      %dma_wait3A_290 = arith.constant 0 : i32
      %dma_wait3A_291 = tpu.memref_slice %arg9[%dma_wait3A_289, %dma_wait3A_290] : memref<1024x64xf32, #tpu.memory_space<vmem>> -> memref<128x64xf32, #tpu.memory_space<vmem>>
      %dma_wait3A_292 = arith.constant 0 : i32
      %dma_wait3A_293 = tpu.memref_slice %arg8[%dma_wait3A_288, %dma_wait3A_292] : memref<8x128xi32, #tpu.memory_space<vmem>> -> memref<1x128xi32, #tpu.memory_space<vmem>>
      %dma_wait3A_294 = tpu.memref_squeeze %dma_wait3A_293 : memref<1x128xi32, #tpu.memory_space<vmem>> -> memref<128xi32, #tpu.memory_space<vmem>>
      %dma_wait3A_295 = arith.constant 0 : i32
      %dma_wait3A_296 = arith.constant 0 : i32
      %dma_wait3A_297 = tpu.memref_slice %arg10[%dma_wait3A_295, %dma_wait3A_296] : memref<10240x64xf32, #tpu.memory_space<vmem_shared>> -> memref<10240x64xf32, #tpu.memory_space<vmem_shared>>
      tpu.wait_indirect_dma semaphore(%arg13 : memref<!tpu.dma_semaphore, #tpu.memory_space<semaphore_mem>>) src(%dma_wait3A_291 : memref<128x64xf32, #tpu.memory_space<vmem>>) dst(%dma_wait3A_297 : memref<10240x64xf32, #tpu.memory_space<vmem_shared>>)
      %dma_wait3A_298 = arith.constant 1 : i32
      %dma_wait3A_299 = arith.constant 128 : i32
      %dma_wait3A_300 = arith.constant 0 : i32
      %dma_wait3A_301 = tpu.memref_slice %arg9[%dma_wait3A_299, %dma_wait3A_300] : memref<1024x64xf32, #tpu.memory_space<vmem>> -> memref<128x64xf32, #tpu.memory_space<vmem>>
      %dma_wait3A_302 = arith.constant 0 : i32
      %dma_wait3A_303 = tpu.memref_slice %arg8[%dma_wait3A_298, %dma_wait3A_302] : memref<8x128xi32, #tpu.memory_space<vmem>> -> memref<1x128xi32, #tpu.memory_space<vmem>>
      %dma_wait3A_304 = tpu.memref_squeeze %dma_wait3A_303 : memref<1x128xi32, #tpu.memory_space<vmem>> -> memref<128xi32, #tpu.memory_space<vmem>>
      %dma_wait3A_305 = arith.constant 0 : i32
      %dma_wait3A_306 = arith.constant 0 : i32
      %dma_wait3A_307 = tpu.memref_slice %arg10[%dma_wait3A_305, %dma_wait3A_306] : memref<10240x64xf32, #tpu.memory_space<vmem_shared>> -> memref<10240x64xf32, #tpu.memory_space<vmem_shared>>
      tpu.wait_indirect_dma semaphore(%arg13 : memref<!tpu.dma_semaphore, #tpu.memory_space<semaphore_mem>>) src(%dma_wait3A_301 : memref<128x64xf32, #tpu.memory_space<vmem>>) dst(%dma_wait3A_307 : memref<10240x64xf32, #tpu.memory_space<vmem_shared>>)
      %dma_wait3A_308 = arith.constant 2 : i32
      %dma_wait3A_309 = arith.constant 256 : i32
      %dma_wait3A_310 = arith.constant 0 : i32
      %dma_wait3A_311 = tpu.memref_slice %arg9[%dma_wait3A_309, %dma_wait3A_310] : memref<1024x64xf32, #tpu.memory_space<vmem>> -> memref<128x64xf32, #tpu.memory_space<vmem>>
      %dma_wait3A_312 = arith.constant 0 : i32
      %dma_wait3A_313 = tpu.memref_slice %arg8[%dma_wait3A_308, %dma_wait3A_312] : memref<8x128xi32, #tpu.memory_space<vmem>> -> memref<1x128xi32, #tpu.memory_space<vmem>>
      %dma_wait3A_314 = tpu.memref_squeeze %dma_wait3A_313 : memref<1x128xi32, #tpu.memory_space<vmem>> -> memref<128xi32, #tpu.memory_space<vmem>>
      %dma_wait3A_315 = arith.constant 0 : i32
      %dma_wait3A_316 = arith.constant 0 : i32
      %dma_wait3A_317 = tpu.memref_slice %arg10[%dma_wait3A_315, %dma_wait3A_316] : memref<10240x64xf32, #tpu.memory_space<vmem_shared>> -> memref<10240x64xf32, #tpu.memory_space<vmem_shared>>
      tpu.wait_indirect_dma semaphore(%arg13 : memref<!tpu.dma_semaphore, #tpu.memory_space<semaphore_mem>>) src(%dma_wait3A_311 : memref<128x64xf32, #tpu.memory_space<vmem>>) dst(%dma_wait3A_317 : memref<10240x64xf32, #tpu.memory_space<vmem_shared>>)
      %dma_wait3A_318 = arith.constant 3 : i32
      %dma_wait3A_319 = arith.constant 384 : i32
      %dma_wait3A_320 = arith.constant 0 : i32
      %dma_wait3A_321 = tpu.memref_slice %arg9[%dma_wait3A_319, %dma_wait3A_320] : memref<1024x64xf32, #tpu.memory_space<vmem>> -> memref<128x64xf32, #tpu.memory_space<vmem>>
      %dma_wait3A_322 = arith.constant 0 : i32
      %dma_wait3A_323 = tpu.memref_slice %arg8[%dma_wait3A_318, %dma_wait3A_322] : memref<8x128xi32, #tpu.memory_space<vmem>> -> memref<1x128xi32, #tpu.memory_space<vmem>>
      %dma_wait3A_324 = tpu.memref_squeeze %dma_wait3A_323 : memref<1x128xi32, #tpu.memory_space<vmem>> -> memref<128xi32, #tpu.memory_space<vmem>>
      %dma_wait3A_325 = arith.constant 0 : i32
      %dma_wait3A_326 = arith.constant 0 : i32
      %dma_wait3A_327 = tpu.memref_slice %arg10[%dma_wait3A_325, %dma_wait3A_326] : memref<10240x64xf32, #tpu.memory_space<vmem_shared>> -> memref<10240x64xf32, #tpu.memory_space<vmem_shared>>
      tpu.wait_indirect_dma semaphore(%arg13 : memref<!tpu.dma_semaphore, #tpu.memory_space<semaphore_mem>>) src(%dma_wait3A_321 : memref<128x64xf32, #tpu.memory_space<vmem>>) dst(%dma_wait3A_327 : memref<10240x64xf32, #tpu.memory_space<vmem_shared>>)
      %dma_wait3A_328 = arith.constant 4 : i32
      %dma_wait3A_329 = arith.constant 512 : i32
      %dma_wait3A_330 = arith.constant 0 : i32
      %dma_wait3A_331 = tpu.memref_slice %arg9[%dma_wait3A_329, %dma_wait3A_330] : memref<1024x64xf32, #tpu.memory_space<vmem>> -> memref<128x64xf32, #tpu.memory_space<vmem>>
      %dma_wait3A_332 = arith.constant 0 : i32
      %dma_wait3A_333 = tpu.memref_slice %arg8[%dma_wait3A_328, %dma_wait3A_332] : memref<8x128xi32, #tpu.memory_space<vmem>> -> memref<1x128xi32, #tpu.memory_space<vmem>>
      %dma_wait3A_334 = tpu.memref_squeeze %dma_wait3A_333 : memref<1x128xi32, #tpu.memory_space<vmem>> -> memref<128xi32, #tpu.memory_space<vmem>>
      %dma_wait3A_335 = arith.constant 0 : i32
      %dma_wait3A_336 = arith.constant 0 : i32
      %dma_wait3A_337 = tpu.memref_slice %arg10[%dma_wait3A_335, %dma_wait3A_336] : memref<10240x64xf32, #tpu.memory_space<vmem_shared>> -> memref<10240x64xf32, #tpu.memory_space<vmem_shared>>
      tpu.wait_indirect_dma semaphore(%arg14 : memref<!tpu.dma_semaphore, #tpu.memory_space<semaphore_mem>>) src(%dma_wait3A_331 : memref<128x64xf32, #tpu.memory_space<vmem>>) dst(%dma_wait3A_337 : memref<10240x64xf32, #tpu.memory_space<vmem_shared>>)
      %dma_wait3A_338 = arith.constant 5 : i32
      %dma_wait3A_339 = arith.constant 640 : i32
      %dma_wait3A_340 = arith.constant 0 : i32
      %dma_wait3A_341 = tpu.memref_slice %arg9[%dma_wait3A_339, %dma_wait3A_340] : memref<1024x64xf32, #tpu.memory_space<vmem>> -> memref<128x64xf32, #tpu.memory_space<vmem>>
      %dma_wait3A_342 = arith.constant 0 : i32
      %dma_wait3A_343 = tpu.memref_slice %arg8[%dma_wait3A_338, %dma_wait3A_342] : memref<8x128xi32, #tpu.memory_space<vmem>> -> memref<1x128xi32, #tpu.memory_space<vmem>>
      %dma_wait3A_344 = tpu.memref_squeeze %dma_wait3A_343 : memref<1x128xi32, #tpu.memory_space<vmem>> -> memref<128xi32, #tpu.memory_space<vmem>>
      %dma_wait3A_345 = arith.constant 0 : i32
      %dma_wait3A_346 = arith.constant 0 : i32
      %dma_wait3A_347 = tpu.memref_slice %arg10[%dma_wait3A_345, %dma_wait3A_346] : memref<10240x64xf32, #tpu.memory_space<vmem_shared>> -> memref<10240x64xf32, #tpu.memory_space<vmem_shared>>
      tpu.wait_indirect_dma semaphore(%arg14 : memref<!tpu.dma_semaphore, #tpu.memory_space<semaphore_mem>>) src(%dma_wait3A_341 : memref<128x64xf32, #tpu.memory_space<vmem>>) dst(%dma_wait3A_347 : memref<10240x64xf32, #tpu.memory_space<vmem_shared>>)
      %dma_wait3A_348 = arith.constant 6 : i32
      %dma_wait3A_349 = arith.constant 768 : i32
      %dma_wait3A_350 = arith.constant 0 : i32
      %dma_wait3A_351 = tpu.memref_slice %arg9[%dma_wait3A_349, %dma_wait3A_350] : memref<1024x64xf32, #tpu.memory_space<vmem>> -> memref<128x64xf32, #tpu.memory_space<vmem>>
      %dma_wait3A_352 = arith.constant 0 : i32
      %dma_wait3A_353 = tpu.memref_slice %arg8[%dma_wait3A_348, %dma_wait3A_352] : memref<8x128xi32, #tpu.memory_space<vmem>> -> memref<1x128xi32, #tpu.memory_space<vmem>>
      %dma_wait3A_354 = tpu.memref_squeeze %dma_wait3A_353 : memref<1x128xi32, #tpu.memory_space<vmem>> -> memref<128xi32, #tpu.memory_space<vmem>>
      %dma_wait3A_355 = arith.constant 0 : i32
      %dma_wait3A_356 = arith.constant 0 : i32
      %dma_wait3A_357 = tpu.memref_slice %arg10[%dma_wait3A_355, %dma_wait3A_356] : memref<10240x64xf32, #tpu.memory_space<vmem_shared>> -> memref<10240x64xf32, #tpu.memory_space<vmem_shared>>
      tpu.wait_indirect_dma semaphore(%arg14 : memref<!tpu.dma_semaphore, #tpu.memory_space<semaphore_mem>>) src(%dma_wait3A_351 : memref<128x64xf32, #tpu.memory_space<vmem>>) dst(%dma_wait3A_357 : memref<10240x64xf32, #tpu.memory_space<vmem_shared>>)
      %dma_wait3A_358 = arith.constant 7 : i32
      %dma_wait3A_359 = arith.constant 896 : i32
      %dma_wait3A_360 = arith.constant 0 : i32
      %dma_wait3A_361 = tpu.memref_slice %arg9[%dma_wait3A_359, %dma_wait3A_360] : memref<1024x64xf32, #tpu.memory_space<vmem>> -> memref<128x64xf32, #tpu.memory_space<vmem>>
      %dma_wait3A_362 = arith.constant 0 : i32
      %dma_wait3A_363 = tpu.memref_slice %arg8[%dma_wait3A_358, %dma_wait3A_362] : memref<8x128xi32, #tpu.memory_space<vmem>> -> memref<1x128xi32, #tpu.memory_space<vmem>>
      %dma_wait3A_364 = tpu.memref_squeeze %dma_wait3A_363 : memref<1x128xi32, #tpu.memory_space<vmem>> -> memref<128xi32, #tpu.memory_space<vmem>>
      %dma_wait3A_365 = arith.constant 0 : i32
      %dma_wait3A_366 = arith.constant 0 : i32
      %dma_wait3A_367 = tpu.memref_slice %arg10[%dma_wait3A_365, %dma_wait3A_366] : memref<10240x64xf32, #tpu.memory_space<vmem_shared>> -> memref<10240x64xf32, #tpu.memory_space<vmem_shared>>
      tpu.wait_indirect_dma semaphore(%arg14 : memref<!tpu.dma_semaphore, #tpu.memory_space<semaphore_mem>>) src(%dma_wait3A_361 : memref<128x64xf32, #tpu.memory_space<vmem>>) dst(%dma_wait3A_367 : memref<10240x64xf32, #tpu.memory_space<vmem_shared>>)
    }
    %barrier3A_35 = arith.constant 0 : index
    tpu.barrier barrier_id(%barrier3A_35)
    %eq3A_36 = arith.constant 0 : i32
    %eq3A_37 = arith.cmpi eq, %arg0, %eq3A_36 : i32
    %convert_element_type3A = arith.extui %eq3A_37 : i1 to i32
    %cond3A = arith.constant 0 : i32
    %cond3A_38 = arith.cmpi ne, %convert_element_type3A, %cond3A : i32
    scf.if %cond3A_38 {
      %run_scoped3A = arith.constant 0 : i32
      "tpu.region"() ({
        %run_scoped3A_44 = tpu.sem_alloc : memref<!tpu.dma_semaphore, #tpu.memory_space<semaphore_mem>>
        %dma_start3A = arith.constant 0 : i32
        %dma_start3A_45 = arith.constant 0 : i32
        %dma_start3A_46 = tpu.memref_slice %arg6[%run_scoped3A, %dma_start3A, %dma_start3A_45] : memref<2x10240x64xf32, #tpu.memory_space<hbm>> -> memref<1x10240x64xf32, #tpu.memory_space<hbm>>
        %dma_start3A_47 = tpu.memref_squeeze %dma_start3A_46 : memref<1x10240x64xf32, #tpu.memory_space<hbm>> -> memref<10240x64xf32, #tpu.memory_space<hbm>>
        %dma_start3A_48 = arith.constant 0 : i32
        %dma_start3A_49 = tpu.memref_slice %dma_start3A_47[%multiple_of3A, %dma_start3A_48] : memref<10240x64xf32, #tpu.memory_space<hbm>> -> memref<640x64xf32, #tpu.memory_space<hbm>>
        %dma_start3A_50 = arith.constant 0 : i32
        %dma_start3A_51 = tpu.memref_slice %arg10[%multiple_of3A, %dma_start3A_50] : memref<10240x64xf32, #tpu.memory_space<vmem_shared>> -> memref<640x64xf32, #tpu.memory_space<vmem_shared>>
        tpu.enqueue_dma source(%dma_start3A_51 : memref<640x64xf32, #tpu.memory_space<vmem_shared>>) target(%dma_start3A_49 : memref<640x64xf32, #tpu.memory_space<hbm>>) target_semaphore(%run_scoped3A_44 : memref<!tpu.dma_semaphore, #tpu.memory_space<semaphore_mem>>)
        %dma_wait3A = arith.constant 0 : i32
        %dma_wait3A_52 = arith.constant 0 : i32
        %dma_wait3A_53 = tpu.memref_slice %arg6[%run_scoped3A, %dma_wait3A, %dma_wait3A_52] : memref<2x10240x64xf32, #tpu.memory_space<hbm>> -> memref<1x10240x64xf32, #tpu.memory_space<hbm>>
        %dma_wait3A_54 = tpu.memref_squeeze %dma_wait3A_53 : memref<1x10240x64xf32, #tpu.memory_space<hbm>> -> memref<10240x64xf32, #tpu.memory_space<hbm>>
        %dma_wait3A_55 = arith.constant 0 : i32
        %dma_wait3A_56 = tpu.memref_slice %dma_wait3A_54[%multiple_of3A, %dma_wait3A_55] : memref<10240x64xf32, #tpu.memory_space<hbm>> -> memref<640x64xf32, #tpu.memory_space<hbm>>
        %dma_wait3A_57 = arith.constant 0 : i32
        %dma_wait3A_58 = tpu.memref_slice %arg10[%multiple_of3A, %dma_wait3A_57] : memref<10240x64xf32, #tpu.memory_space<vmem_shared>> -> memref<640x64xf32, #tpu.memory_space<vmem_shared>>
        tpu.wait_dma2 semaphore(%run_scoped3A_44 : memref<!tpu.dma_semaphore, #tpu.memory_space<semaphore_mem>>) src(%dma_wait3A_58 : memref<640x64xf32, #tpu.memory_space<vmem_shared>>) dst(%dma_wait3A_56 : memref<640x64xf32, #tpu.memory_space<hbm>>)
        tpu.yield
      }) : () -> ()
    } else {
    }
    %eq3A_39 = arith.constant 1 : i32
    %eq3A_40 = arith.cmpi eq, %arg0, %eq3A_39 : i32
    %convert_element_type3A_41 = arith.extui %eq3A_40 : i1 to i32
    %cond3A_42 = arith.constant 0 : i32
    %cond3A_43 = arith.cmpi ne, %convert_element_type3A_41, %cond3A_42 : i32
    scf.if %cond3A_43 {
      %run_scoped3A = arith.constant 1 : i32
      "tpu.region"() ({
        %run_scoped3A_44 = tpu.sem_alloc : memref<!tpu.dma_semaphore, #tpu.memory_space<semaphore_mem>>
        %dma_start3A = arith.constant 0 : i32
        %dma_start3A_45 = arith.constant 0 : i32
        %dma_start3A_46 = tpu.memref_slice %arg6[%run_scoped3A, %dma_start3A, %dma_start3A_45] : memref<2x10240x64xf32, #tpu.memory_space<hbm>> -> memref<1x10240x64xf32, #tpu.memory_space<hbm>>
        %dma_start3A_47 = tpu.memref_squeeze %dma_start3A_46 : memref<1x10240x64xf32, #tpu.memory_space<hbm>> -> memref<10240x64xf32, #tpu.memory_space<hbm>>
        %dma_start3A_48 = arith.constant 0 : i32
        %dma_start3A_49 = tpu.memref_slice %dma_start3A_47[%multiple_of3A, %dma_start3A_48] : memref<10240x64xf32, #tpu.memory_space<hbm>> -> memref<640x64xf32, #tpu.memory_space<hbm>>
        %dma_start3A_50 = arith.constant 0 : i32
        %dma_start3A_51 = tpu.memref_slice %arg10[%multiple_of3A, %dma_start3A_50] : memref<10240x64xf32, #tpu.memory_space<vmem_shared>> -> memref<640x64xf32, #tpu.memory_space<vmem_shared>>
        tpu.enqueue_dma source(%dma_start3A_51 : memref<640x64xf32, #tpu.memory_space<vmem_shared>>) target(%dma_start3A_49 : memref<640x64xf32, #tpu.memory_space<hbm>>) target_semaphore(%run_scoped3A_44 : memref<!tpu.dma_semaphore, #tpu.memory_space<semaphore_mem>>)
        %dma_wait3A = arith.constant 0 : i32
        %dma_wait3A_52 = arith.constant 0 : i32
        %dma_wait3A_53 = tpu.memref_slice %arg6[%run_scoped3A, %dma_wait3A, %dma_wait3A_52] : memref<2x10240x64xf32, #tpu.memory_space<hbm>> -> memref<1x10240x64xf32, #tpu.memory_space<hbm>>
        %dma_wait3A_54 = tpu.memref_squeeze %dma_wait3A_53 : memref<1x10240x64xf32, #tpu.memory_space<hbm>> -> memref<10240x64xf32, #tpu.memory_space<hbm>>
        %dma_wait3A_55 = arith.constant 0 : i32
        %dma_wait3A_56 = tpu.memref_slice %dma_wait3A_54[%multiple_of3A, %dma_wait3A_55] : memref<10240x64xf32, #tpu.memory_space<hbm>> -> memref<640x64xf32, #tpu.memory_space<hbm>>
        %dma_wait3A_57 = arith.constant 0 : i32
        %dma_wait3A_58 = tpu.memref_slice %arg10[%multiple_of3A, %dma_wait3A_57] : memref<10240x64xf32, #tpu.memory_space<vmem_shared>> -> memref<640x64xf32, #tpu.memory_space<vmem_shared>>
        tpu.wait_dma2 semaphore(%run_scoped3A_44 : memref<!tpu.dma_semaphore, #tpu.memory_space<semaphore_mem>>) src(%dma_wait3A_58 : memref<640x64xf32, #tpu.memory_space<vmem_shared>>) dst(%dma_wait3A_56 : memref<640x64xf32, #tpu.memory_space<hbm>>)
        tpu.yield
      }) : () -> ()
    } else {
    }
    return
  }
}

module attributes {stable_mosaic.version = 14 : i64} {
  func.func @_tca_body(%arg0: i32, %arg1: memref<1024x128xf32, #tpu.memory_space<vmem>>, %arg2: memref<1x128xf32, #tpu.memory_space<vmem>>, %arg3: memref<1024x1xf32, #tpu.memory_space<vmem>>, %arg4: memref<1024x64xf32, #tpu.memory_space<vmem>>, %arg5: memref<1024x64xf32, #tpu.memory_space<vmem>>, %arg6: memref<1024x1xf32, #tpu.memory_space<vmem>>, %arg7: memref<128x128xf32, #tpu.memory_space<vmem>>, %arg8: memref<1x128xf32, #tpu.memory_space<vmem>>, %arg9: memref<128x64xf32, #tpu.memory_space<vmem>>, %arg10: memref<1x64xf32, #tpu.memory_space<vmem>>, %arg11: memref<1024x1xf32, #tpu.memory_space<vmem>>, %arg12: memref<1024x1xf32, #tpu.memory_space<vmem>>, %arg13: memref<1024x1xf32, #tpu.memory_space<vmem>>, %arg14: memref<1024x1xf32, #tpu.memory_space<vmem>>, %arg15: memref<1024x64xf32, #tpu.memory_space<vmem>>, %arg16: memref<1024x64xf32, #tpu.memory_space<vmem>>, %arg17: memref<1024x64xf32, #tpu.memory_space<vmem>>) attributes {dimension_semantics = [#tpu.dimension_semantics<arbitrary>], iteration_bounds = array<i64: 10>, scalar_prefetch = 0 : i64, scratch_operands = 0 : i64, tpu.core_type = #tpu.core_type<tc>, window_params = [{transform_indices = @transform_0, window_bounds = array<i64: 1024, 128>}, {pipeline_mode = #tpu.pipeline_mode<synchronous>, transform_indices = @transform_1, window_bounds = array<i64: 1, 128>}, {transform_indices = @transform_2, window_bounds = array<i64: 1024, 1>}, {transform_indices = @transform_3, window_bounds = array<i64: 1024, 64>}, {transform_indices = @transform_4, window_bounds = array<i64: 1024, 64>}, {transform_indices = @transform_5, window_bounds = array<i64: 1024, 1>}, {pipeline_mode = #tpu.pipeline_mode<synchronous>, transform_indices = @transform_6, window_bounds = array<i64: 128, 128>}, {pipeline_mode = #tpu.pipeline_mode<synchronous>, transform_indices = @transform_7, window_bounds = array<i64: 1, 128>}, {pipeline_mode = #tpu.pipeline_mode<synchronous>, transform_indices = @transform_8, window_bounds = array<i64: 128, 64>}, {pipeline_mode = #tpu.pipeline_mode<synchronous>, transform_indices = @transform_9, window_bounds = array<i64: 1, 64>}, {transform_indices = @transform_10, window_bounds = array<i64: 1024, 1>}, {transform_indices = @transform_11, window_bounds = array<i64: 1024, 1>}, {transform_indices = @transform_12, window_bounds = array<i64: 1024, 1>}, {transform_indices = @transform_13, window_bounds = array<i64: 1024, 1>}, {transform_indices = @transform_14, window_bounds = array<i64: 1024, 64>}, {transform_indices = @transform_15, window_bounds = array<i64: 1024, 64>}, {transform_indices = @transform_16, window_bounds = array<i64: 1024, 64>}]} {
    %get3A = arith.constant 0 : index
    %get3A_0 = arith.constant 0 : index
    %get3A_1 = vector.load %arg1[%get3A, %get3A_0] : memref<1024x128xf32, #tpu.memory_space<vmem>>, vector<1024x128xf32>
    %get3A_2 = arith.constant 0 : index
    %get3A_3 = arith.constant 0 : index
    %get3A_4 = vector.load %arg2[%get3A_2, %get3A_3] : memref<1x128xf32, #tpu.memory_space<vmem>>, vector<1x128xf32>
    %mul3A = vector.broadcast %get3A_4 : vector<1x128xf32> to vector<1024x128xf32>
    %mul3A_5 = arith.mulf %get3A_1, %mul3A : vector<1024x128xf32>
    %reduce_sum3A = arith.constant dense<0.000000e+00> : vector<1024xf32>
    %reduce_sum3A_6 = vector.multi_reduction <add>, %mul3A_5, %reduce_sum3A [1] : vector<1024x128xf32> to vector<1024xf32>
    %broadcast_in_dim3A = vector.shape_cast %reduce_sum3A_6 : vector<1024xf32> to vector<1024x1xf32>
    %exp3A = math.exp %broadcast_in_dim3A : vector<1024x1xf32>
    %get3A_7 = arith.constant 0 : index
    %get3A_8 = arith.constant 0 : index
    %get3A_9 = vector.load %arg3[%get3A_7, %get3A_8] : memref<1024x1xf32, #tpu.memory_space<vmem>>, vector<1024x1xf32>
    %neg3A = arith.constant 0.000000e+00 : f32
    %neg3A_10 = vector.broadcast %neg3A : f32 to vector<1024x1xf32>
    %neg3A_11 = arith.subf %neg3A_10, %get3A_9 : vector<1024x1xf32>
    %exp3A_12 = math.exp %neg3A_11 : vector<1024x1xf32>
    %add3A = arith.constant 1.000000e+00 : f32
    %add3A_13 = vector.broadcast %add3A : f32 to vector<1024x1xf32>
    %add3A_14 = arith.addf %add3A_13, %exp3A_12 : vector<1024x1xf32>
    %div3A = arith.constant 1.000000e+00 : f32
    %div3A_15 = vector.broadcast %div3A : f32 to vector<1024x1xf32>
    %div3A_16 = arith.divf %div3A_15, %add3A_14 : vector<1024x1xf32>
    %exp3A_17 = math.exp %get3A_9 : vector<1024x1xf32>
    %add3A_18 = arith.constant 1.000000e+00 : f32
    %add3A_19 = vector.broadcast %add3A_18 : f32 to vector<1024x1xf32>
    %add3A_20 = arith.addf %add3A_19, %exp3A_17 : vector<1024x1xf32>
    %div3A_21 = arith.constant 1.000000e+00 : f32
    %div3A_22 = vector.broadcast %div3A_21 : f32 to vector<1024x1xf32>
    %div3A_23 = arith.divf %div3A_22, %add3A_20 : vector<1024x1xf32>
    %get3A_24 = arith.constant 0 : index
    %get3A_25 = arith.constant 0 : index
    %get3A_26 = vector.load %arg7[%get3A_24, %get3A_25] : memref<128x128xf32, #tpu.memory_space<vmem>>, vector<128x128xf32>
    %dot_general3A = arith.constant dense<0.000000e+00> : vector<1024x128xf32>
    %dot_general3A_27 = tpu.matmul %get3A_1, %get3A_26, %dot_general3A {dimension_numbers = #tpu.dot_dimension_numbers<[1], [0], [0], [1], [0, 0, 1, 1], [], []>, transpose_lhs_hint = false} : vector<1024x128xf32>, vector<128x128xf32>, vector<1024x128xf32> -> vector<1024x128xf32>
    %get3A_28 = arith.constant 0 : index
    %get3A_29 = arith.constant 0 : index
    %get3A_30 = vector.load %arg8[%get3A_28, %get3A_29] : memref<1x128xf32, #tpu.memory_space<vmem>>, vector<1x128xf32>
    %add3A_31 = vector.broadcast %get3A_30 : vector<1x128xf32> to vector<1024x128xf32>
    %add3A_32 = arith.addf %dot_general3A_27, %add3A_31 : vector<1024x128xf32>
    %max3A = arith.constant 0.000000e+00 : f32
    %max3A_33 = vector.broadcast %max3A : f32 to vector<1024x128xf32>
    %max3A_34 = arith.maximumf %add3A_32, %max3A_33 : vector<1024x128xf32>
    %get3A_35 = arith.constant 0 : index
    %get3A_36 = arith.constant 0 : index
    %get3A_37 = vector.load %arg9[%get3A_35, %get3A_36] : memref<128x64xf32, #tpu.memory_space<vmem>>, vector<128x64xf32>
    %dot_general3A_38 = arith.constant dense<0.000000e+00> : vector<1024x64xf32>
    %dot_general3A_39 = tpu.matmul %max3A_34, %get3A_37, %dot_general3A_38 {dimension_numbers = #tpu.dot_dimension_numbers<[1], [0], [0], [1], [0, 0, 1, 1], [], []>, transpose_lhs_hint = false} : vector<1024x128xf32>, vector<128x64xf32>, vector<1024x64xf32> -> vector<1024x64xf32>
    %get3A_40 = arith.constant 0 : index
    %get3A_41 = arith.constant 0 : index
    %get3A_42 = vector.load %arg10[%get3A_40, %get3A_41] : memref<1x64xf32, #tpu.memory_space<vmem>>, vector<1x64xf32>
    %add3A_43 = vector.broadcast %get3A_42 : vector<1x64xf32> to vector<1024x64xf32>
    %add3A_44 = arith.addf %dot_general3A_39, %add3A_43 : vector<1024x64xf32>
    %get3A_45 = arith.constant 0 : index
    %get3A_46 = arith.constant 0 : index
    %get3A_47 = vector.load %arg6[%get3A_45, %get3A_46] : memref<1024x1xf32, #tpu.memory_space<vmem>>, vector<1024x1xf32>
    %swap3A = arith.constant 0 : index
    %swap3A_48 = arith.constant 0 : index
    %swap3A_49 = vector.load %arg11[%swap3A, %swap3A_48] : memref<1024x1xf32, #tpu.memory_space<vmem>>, vector<1024x1xf32>
    tpu.vector_store %arg11[%swap3A, %swap3A_48], %broadcast_in_dim3A {strides = array<i32>} : memref<1024x1xf32, #tpu.memory_space<vmem>>, vector<1024x1xf32>,
    %swap3A_50 = arith.constant 0 : index
    %swap3A_51 = arith.constant 0 : index
    %swap3A_52 = vector.load %arg12[%swap3A_50, %swap3A_51] : memref<1024x1xf32, #tpu.memory_space<vmem>>, vector<1024x1xf32>
    tpu.vector_store %arg12[%swap3A_50, %swap3A_51], %exp3A {strides = array<i32>} : memref<1024x1xf32, #tpu.memory_space<vmem>>, vector<1024x1xf32>,
    %swap3A_53 = arith.constant 0 : index
    %swap3A_54 = arith.constant 0 : index
    %swap3A_55 = vector.load %arg13[%swap3A_53, %swap3A_54] : memref<1024x1xf32, #tpu.memory_space<vmem>>, vector<1024x1xf32>
    tpu.vector_store %arg13[%swap3A_53, %swap3A_54], %div3A_16 {strides = array<i32>} : memref<1024x1xf32, #tpu.memory_space<vmem>>, vector<1024x1xf32>,
    %sub3A = arith.constant 1.000000e+00 : f32
    %sub3A_56 = vector.broadcast %sub3A : f32 to vector<1024x1xf32>
    %sub3A_57 = arith.subf %sub3A_56, %get3A_47 : vector<1024x1xf32>
    %swap3A_58 = arith.constant 0 : index
    %swap3A_59 = arith.constant 0 : index
    %swap3A_60 = vector.load %arg14[%swap3A_58, %swap3A_59] : memref<1024x1xf32, #tpu.memory_space<vmem>>, vector<1024x1xf32>
    tpu.vector_store %arg14[%swap3A_58, %swap3A_59], %sub3A_57 {strides = array<i32>} : memref<1024x1xf32, #tpu.memory_space<vmem>>, vector<1024x1xf32>,
    %mul3A_61 = vector.broadcast %div3A_23 : vector<1024x1xf32> to vector<1024x64xf32>
    %mul3A_62 = arith.mulf %mul3A_61, %add3A_44 : vector<1024x64xf32>
    %swap3A_63 = arith.constant 0 : index
    %swap3A_64 = arith.constant 0 : index
    %swap3A_65 = vector.load %arg15[%swap3A_63, %swap3A_64] : memref<1024x64xf32, #tpu.memory_space<vmem>>, vector<1024x64xf32>
    tpu.vector_store %arg15[%swap3A_63, %swap3A_64], %mul3A_62 {strides = array<i32>} : memref<1024x64xf32, #tpu.memory_space<vmem>>, vector<1024x64xf32>,
    %get3A_66 = arith.constant 0 : index
    %get3A_67 = arith.constant 0 : index
    %get3A_68 = vector.load %arg4[%get3A_66, %get3A_67] : memref<1024x64xf32, #tpu.memory_space<vmem>>, vector<1024x64xf32>
    %mul3A_69 = vector.broadcast %exp3A : vector<1024x1xf32> to vector<1024x64xf32>
    %mul3A_70 = arith.mulf %mul3A_69, %get3A_68 : vector<1024x64xf32>
    %swap3A_71 = arith.constant 0 : index
    %swap3A_72 = arith.constant 0 : index
    %swap3A_73 = vector.load %arg16[%swap3A_71, %swap3A_72] : memref<1024x64xf32, #tpu.memory_space<vmem>>, vector<1024x64xf32>
    tpu.vector_store %arg16[%swap3A_71, %swap3A_72], %mul3A_70 {strides = array<i32>} : memref<1024x64xf32, #tpu.memory_space<vmem>>, vector<1024x64xf32>,
    %get3A_74 = arith.constant 0 : index
    %get3A_75 = arith.constant 0 : index
    %get3A_76 = vector.load %arg5[%get3A_74, %get3A_75] : memref<1024x64xf32, #tpu.memory_space<vmem>>, vector<1024x64xf32>
    %mul3A_77 = vector.broadcast %get3A_47 : vector<1024x1xf32> to vector<1024x64xf32>
    %mul3A_78 = arith.mulf %get3A_76, %mul3A_77 : vector<1024x64xf32>
    %swap3A_79 = arith.constant 0 : index
    %swap3A_80 = arith.constant 0 : index
    %swap3A_81 = vector.load %arg17[%swap3A_79, %swap3A_80] : memref<1024x64xf32, #tpu.memory_space<vmem>>, vector<1024x64xf32>
    tpu.vector_store %arg17[%swap3A_79, %swap3A_80], %mul3A_78 {strides = array<i32>} : memref<1024x64xf32, #tpu.memory_space<vmem>>, vector<1024x64xf32>,
    return
  }
  func.func @transform_0(%arg0: i32) -> (i32, i32) {
    %c0_i32 = arith.constant 0 : i32
    %c0_i32_0 = arith.constant 0 : i32
    return %arg0, %c0_i32 : i32, i32
  }
  func.func @transform_1(%arg0: i32) -> (i32, i32) {
    %c0_i32 = arith.constant 0 : i32
    %c0_i32_0 = arith.constant 0 : i32
    %c0_i32_1 = arith.constant 0 : i32
    return %c0_i32, %c0_i32_0 : i32, i32
  }
  func.func @transform_2(%arg0: i32) -> (i32, i32) {
    %c0_i32 = arith.constant 0 : i32
    %c0_i32_0 = arith.constant 0 : i32
    return %arg0, %c0_i32 : i32, i32
  }
  func.func @transform_3(%arg0: i32) -> (i32, i32) {
    %c0_i32 = arith.constant 0 : i32
    %c0_i32_0 = arith.constant 0 : i32
    return %arg0, %c0_i32 : i32, i32
  }
  func.func @transform_4(%arg0: i32) -> (i32, i32) {
    %c0_i32 = arith.constant 0 : i32
    %c0_i32_0 = arith.constant 0 : i32
    return %arg0, %c0_i32 : i32, i32
  }
  func.func @transform_5(%arg0: i32) -> (i32, i32) {
    %c0_i32 = arith.constant 0 : i32
    %c0_i32_0 = arith.constant 0 : i32
    return %arg0, %c0_i32 : i32, i32
  }
  func.func @transform_6(%arg0: i32) -> (i32, i32) {
    %c0_i32 = arith.constant 0 : i32
    %c0_i32_0 = arith.constant 0 : i32
    %c0_i32_1 = arith.constant 0 : i32
    return %c0_i32, %c0_i32_0 : i32, i32
  }
  func.func @transform_7(%arg0: i32) -> (i32, i32) {
    %c0_i32 = arith.constant 0 : i32
    %c0_i32_0 = arith.constant 0 : i32
    %c0_i32_1 = arith.constant 0 : i32
    return %c0_i32, %c0_i32_0 : i32, i32
  }
  func.func @transform_8(%arg0: i32) -> (i32, i32) {
    %c0_i32 = arith.constant 0 : i32
    %c0_i32_0 = arith.constant 0 : i32
    %c0_i32_1 = arith.constant 0 : i32
    return %c0_i32, %c0_i32_0 : i32, i32
  }
  func.func @transform_9(%arg0: i32) -> (i32, i32) {
    %c0_i32 = arith.constant 0 : i32
    %c0_i32_0 = arith.constant 0 : i32
    %c0_i32_1 = arith.constant 0 : i32
    return %c0_i32, %c0_i32_0 : i32, i32
  }
  func.func @transform_10(%arg0: i32) -> (i32, i32) {
    %c0_i32 = arith.constant 0 : i32
    %c0_i32_0 = arith.constant 0 : i32
    return %arg0, %c0_i32 : i32, i32
  }
  func.func @transform_11(%arg0: i32) -> (i32, i32) {
    %c0_i32 = arith.constant 0 : i32
    %c0_i32_0 = arith.constant 0 : i32
    return %arg0, %c0_i32 : i32, i32
  }
  func.func @transform_12(%arg0: i32) -> (i32, i32) {
    %c0_i32 = arith.constant 0 : i32
    %c0_i32_0 = arith.constant 0 : i32
    return %arg0, %c0_i32 : i32, i32
  }
  func.func @transform_13(%arg0: i32) -> (i32, i32) {
    %c0_i32 = arith.constant 0 : i32
    %c0_i32_0 = arith.constant 0 : i32
    return %arg0, %c0_i32 : i32, i32
  }
  func.func @transform_14(%arg0: i32) -> (i32, i32) {
    %c0_i32 = arith.constant 0 : i32
    %c0_i32_0 = arith.constant 0 : i32
    return %arg0, %c0_i32 : i32, i32
  }
  func.func @transform_15(%arg0: i32) -> (i32, i32) {
    %c0_i32 = arith.constant 0 : i32
    %c0_i32_0 = arith.constant 0 : i32
    return %arg0, %c0_i32 : i32, i32
  }
  func.func @transform_16(%arg0: i32) -> (i32, i32) {
    %c0_i32 = arith.constant 0 : i32
    %c0_i32_0 = arith.constant 0 : i32
    return %arg0, %c0_i32 : i32, i32
  }
}

module attributes {stable_mosaic.version = 14 : i64} {
  func.func @_tcc_body(%arg0: i32, %arg1: memref<1024x64xf32, #tpu.memory_space<vmem>>, %arg2: memref<1024x64xf32, #tpu.memory_space<vmem>>, %arg3: memref<1024x1xf32, #tpu.memory_space<vmem>>, %arg4: memref<1024x1xf32, #tpu.memory_space<vmem>>, %arg5: memref<1024x1xf32, #tpu.memory_space<vmem>>, %arg6: memref<1024x64xf32, #tpu.memory_space<vmem>>, %arg7: memref<1024x64xf32, #tpu.memory_space<vmem>>, %arg8: memref<1024x1xf32, #tpu.memory_space<vmem>>, %arg9: memref<1024x64xf32, #tpu.memory_space<vmem>>, %arg10: memref<1024x64xf32, #tpu.memory_space<vmem>>) attributes {dimension_semantics = [#tpu.dimension_semantics<arbitrary>], iteration_bounds = array<i64: 10>, scalar_prefetch = 0 : i64, scratch_operands = 0 : i64, tpu.core_type = #tpu.core_type<tc>, window_params = [{transform_indices = @transform_0, window_bounds = array<i64: 1024, 64>}, {transform_indices = @transform_1, window_bounds = array<i64: 1024, 64>}, {transform_indices = @transform_2, window_bounds = array<i64: 1024, 1>}, {transform_indices = @transform_3, window_bounds = array<i64: 1024, 1>}, {transform_indices = @transform_4, window_bounds = array<i64: 1024, 1>}, {transform_indices = @transform_5, window_bounds = array<i64: 1024, 64>}, {transform_indices = @transform_6, window_bounds = array<i64: 1024, 64>}, {transform_indices = @transform_7, window_bounds = array<i64: 1024, 1>}, {transform_indices = @transform_8, window_bounds = array<i64: 1024, 64>}, {transform_indices = @transform_9, window_bounds = array<i64: 1024, 64>}]} {
    %get3A = arith.constant 0 : index
    %get3A_0 = arith.constant 0 : index
    %get3A_1 = vector.load %arg3[%get3A, %get3A_0] : memref<1024x1xf32, #tpu.memory_space<vmem>>, vector<1024x1xf32>
    %max3A = arith.constant 9.99999991E-38 : f32
    %max3A_2 = vector.broadcast %max3A : f32 to vector<1024x1xf32>
    %max3A_3 = arith.maximumf %get3A_1, %max3A_2 : vector<1024x1xf32>
    %get3A_4 = arith.constant 0 : index
    %get3A_5 = arith.constant 0 : index
    %get3A_6 = vector.load %arg1[%get3A_4, %get3A_5] : memref<1024x64xf32, #tpu.memory_space<vmem>>, vector<1024x64xf32>
    %get3A_7 = arith.constant 0 : index
    %get3A_8 = arith.constant 0 : index
    %get3A_9 = vector.load %arg2[%get3A_7, %get3A_8] : memref<1024x64xf32, #tpu.memory_space<vmem>>, vector<1024x64xf32>
    %add3A = arith.addf %get3A_6, %get3A_9 : vector<1024x64xf32>
    %div3A = vector.broadcast %max3A_3 : vector<1024x1xf32> to vector<1024x64xf32>
    %div3A_10 = arith.divf %add3A, %div3A : vector<1024x64xf32>
    %get3A_11 = arith.constant 0 : index
    %get3A_12 = arith.constant 0 : index
    %get3A_13 = vector.load %arg4[%get3A_11, %get3A_12] : memref<1024x1xf32, #tpu.memory_space<vmem>>, vector<1024x1xf32>
    %mul3A = vector.broadcast %get3A_13 : vector<1024x1xf32> to vector<1024x64xf32>
    %mul3A_14 = arith.mulf %mul3A, %div3A_10 : vector<1024x64xf32>
    %get3A_15 = arith.constant 0 : index
    %get3A_16 = arith.constant 0 : index
    %get3A_17 = vector.load %arg6[%get3A_15, %get3A_16] : memref<1024x64xf32, #tpu.memory_space<vmem>>, vector<1024x64xf32>
    %add3A_18 = arith.addf %mul3A_14, %get3A_17 : vector<1024x64xf32>
    %get3A_19 = arith.constant 0 : index
    %get3A_20 = arith.constant 0 : index
    %get3A_21 = vector.load %arg5[%get3A_19, %get3A_20] : memref<1024x1xf32, #tpu.memory_space<vmem>>, vector<1024x1xf32>
    %mul3A_22 = vector.broadcast %get3A_21 : vector<1024x1xf32> to vector<1024x64xf32>
    %mul3A_23 = arith.mulf %add3A_18, %mul3A_22 : vector<1024x64xf32>
    %get3A_24 = arith.constant 0 : index
    %get3A_25 = arith.constant 0 : index
    %get3A_26 = vector.load %arg7[%get3A_24, %get3A_25] : memref<1024x64xf32, #tpu.memory_space<vmem>>, vector<1024x64xf32>
    %add3A_27 = arith.addf %mul3A_23, %get3A_26 : vector<1024x64xf32>
    %swap3A = arith.constant 0 : index
    %swap3A_28 = arith.constant 0 : index
    %swap3A_29 = vector.load %arg9[%swap3A, %swap3A_28] : memref<1024x64xf32, #tpu.memory_space<vmem>>, vector<1024x64xf32>
    tpu.vector_store %arg9[%swap3A, %swap3A_28], %add3A_27 {strides = array<i32>} : memref<1024x64xf32, #tpu.memory_space<vmem>>, vector<1024x64xf32>,
    %get3A_30 = arith.constant 0 : index
    %get3A_31 = arith.constant 0 : index
    %get3A_32 = vector.load %arg8[%get3A_30, %get3A_31] : memref<1024x1xf32, #tpu.memory_space<vmem>>, vector<1024x1xf32>
    %mul3A_33 = vector.broadcast %get3A_32 : vector<1024x1xf32> to vector<1024x64xf32>
    %mul3A_34 = arith.mulf %mul3A_33, %add3A_27 : vector<1024x64xf32>
    %swap3A_35 = arith.constant 0 : index
    %swap3A_36 = arith.constant 0 : index
    %swap3A_37 = vector.load %arg10[%swap3A_35, %swap3A_36] : memref<1024x64xf32, #tpu.memory_space<vmem>>, vector<1024x64xf32>
    tpu.vector_store %arg10[%swap3A_35, %swap3A_36], %mul3A_34 {strides = array<i32>} : memref<1024x64xf32, #tpu.memory_space<vmem>>, vector<1024x64xf32>,
    return
  }
  func.func @transform_0(%arg0: i32) -> (i32, i32) {
    %c0_i32 = arith.constant 0 : i32
    %c0_i32_0 = arith.constant 0 : i32
    return %arg0, %c0_i32 : i32, i32
  }
  func.func @transform_1(%arg0: i32) -> (i32, i32) {
    %c0_i32 = arith.constant 0 : i32
    %c0_i32_0 = arith.constant 0 : i32
    return %arg0, %c0_i32 : i32, i32
  }
  func.func @transform_2(%arg0: i32) -> (i32, i32) {
    %c0_i32 = arith.constant 0 : i32
    %c0_i32_0 = arith.constant 0 : i32
    return %arg0, %c0_i32 : i32, i32
  }
  func.func @transform_3(%arg0: i32) -> (i32, i32) {
    %c0_i32 = arith.constant 0 : i32
    %c0_i32_0 = arith.constant 0 : i32
    return %arg0, %c0_i32 : i32, i32
  }
  func.func @transform_4(%arg0: i32) -> (i32, i32) {
    %c0_i32 = arith.constant 0 : i32
    %c0_i32_0 = arith.constant 0 : i32
    return %arg0, %c0_i32 : i32, i32
  }
  func.func @transform_5(%arg0: i32) -> (i32, i32) {
    %c0_i32 = arith.constant 0 : i32
    %c0_i32_0 = arith.constant 0 : i32
    return %arg0, %c0_i32 : i32, i32
  }
  func.func @transform_6(%arg0: i32) -> (i32, i32) {
    %c0_i32 = arith.constant 0 : i32
    %c0_i32_0 = arith.constant 0 : i32
    return %arg0, %c0_i32 : i32, i32
  }
  func.func @transform_7(%arg0: i32) -> (i32, i32) {
    %c0_i32 = arith.constant 0 : i32
    %c0_i32_0 = arith.constant 0 : i32
    return %arg0, %c0_i32 : i32, i32
  }
  func.func @transform_8(%arg0: i32) -> (i32, i32) {
    %c0_i32 = arith.constant 0 : i32
    %c0_i32_0 = arith.constant 0 : i32
    return %arg0, %c0_i32 : i32, i32
  }
  func.func @transform_9(%arg0: i32) -> (i32, i32) {
    %c0_i32 = arith.constant 0 : i32
    %c0_i32_0 = arith.constant 0 : i32
    return %arg0, %c0_i32 : i32, i32
  }
}

module attributes {stable_mosaic.version = 14 : i64} {
  func.func @_tcc_body(%arg0: i32, %arg1: memref<1024x64xf32, #tpu.memory_space<vmem>>, %arg2: memref<1024x64xf32, #tpu.memory_space<vmem>>, %arg3: memref<1024x1xf32, #tpu.memory_space<vmem>>, %arg4: memref<1024x1xf32, #tpu.memory_space<vmem>>, %arg5: memref<1024x1xf32, #tpu.memory_space<vmem>>, %arg6: memref<1024x64xf32, #tpu.memory_space<vmem>>, %arg7: memref<1024x64xf32, #tpu.memory_space<vmem>>, %arg8: memref<1024x1xf32, #tpu.memory_space<vmem>>, %arg9: memref<1024x64xf32, #tpu.memory_space<vmem>>, %arg10: memref<1024x64xf32, #tpu.memory_space<vmem>>) attributes {dimension_semantics = [#tpu.dimension_semantics<arbitrary>], iteration_bounds = array<i64: 10>, scalar_prefetch = 0 : i64, scratch_operands = 0 : i64, tpu.core_type = #tpu.core_type<tc>, window_params = [{transform_indices = @transform_0, window_bounds = array<i64: 1024, 64>}, {transform_indices = @transform_1, window_bounds = array<i64: 1024, 64>}, {transform_indices = @transform_2, window_bounds = array<i64: 1024, 1>}, {transform_indices = @transform_3, window_bounds = array<i64: 1024, 1>}, {transform_indices = @transform_4, window_bounds = array<i64: 1024, 1>}, {transform_indices = @transform_5, window_bounds = array<i64: 1024, 64>}, {transform_indices = @transform_6, window_bounds = array<i64: 1024, 64>}, {transform_indices = @transform_7, window_bounds = array<i64: 1024, 1>}, {transform_indices = @transform_8, window_bounds = array<i64: 1024, 64>}, {transform_indices = @transform_9, window_bounds = array<i64: 1024, 64>}]} {
    %get3A = arith.constant 0 : index
    %get3A_0 = arith.constant 0 : index
    %get3A_1 = vector.load %arg3[%get3A, %get3A_0] : memref<1024x1xf32, #tpu.memory_space<vmem>>, vector<1024x1xf32>
    %max3A = arith.constant 9.99999991E-38 : f32
    %max3A_2 = vector.broadcast %max3A : f32 to vector<1024x1xf32>
    %max3A_3 = arith.maximumf %get3A_1, %max3A_2 : vector<1024x1xf32>
    %get3A_4 = arith.constant 0 : index
    %get3A_5 = arith.constant 0 : index
    %get3A_6 = vector.load %arg1[%get3A_4, %get3A_5] : memref<1024x64xf32, #tpu.memory_space<vmem>>, vector<1024x64xf32>
    %get3A_7 = arith.constant 0 : index
    %get3A_8 = arith.constant 0 : index
    %get3A_9 = vector.load %arg2[%get3A_7, %get3A_8] : memref<1024x64xf32, #tpu.memory_space<vmem>>, vector<1024x64xf32>
    %add3A = arith.addf %get3A_6, %get3A_9 : vector<1024x64xf32>
    %div3A = vector.broadcast %max3A_3 : vector<1024x1xf32> to vector<1024x64xf32>
    %div3A_10 = arith.divf %add3A, %div3A : vector<1024x64xf32>
    %get3A_11 = arith.constant 0 : index
    %get3A_12 = arith.constant 0 : index
    %get3A_13 = vector.load %arg4[%get3A_11, %get3A_12] : memref<1024x1xf32, #tpu.memory_space<vmem>>, vector<1024x1xf32>
    %mul3A = vector.broadcast %get3A_13 : vector<1024x1xf32> to vector<1024x64xf32>
    %mul3A_14 = arith.mulf %mul3A, %div3A_10 : vector<1024x64xf32>
    %get3A_15 = arith.constant 0 : index
    %get3A_16 = arith.constant 0 : index
    %get3A_17 = vector.load %arg6[%get3A_15, %get3A_16] : memref<1024x64xf32, #tpu.memory_space<vmem>>, vector<1024x64xf32>
    %add3A_18 = arith.addf %mul3A_14, %get3A_17 : vector<1024x64xf32>
    %get3A_19 = arith.constant 0 : index
    %get3A_20 = arith.constant 0 : index
    %get3A_21 = vector.load %arg5[%get3A_19, %get3A_20] : memref<1024x1xf32, #tpu.memory_space<vmem>>, vector<1024x1xf32>
    %mul3A_22 = vector.broadcast %get3A_21 : vector<1024x1xf32> to vector<1024x64xf32>
    %mul3A_23 = arith.mulf %add3A_18, %mul3A_22 : vector<1024x64xf32>
    %get3A_24 = arith.constant 0 : index
    %get3A_25 = arith.constant 0 : index
    %get3A_26 = vector.load %arg7[%get3A_24, %get3A_25] : memref<1024x64xf32, #tpu.memory_space<vmem>>, vector<1024x64xf32>
    %add3A_27 = arith.addf %mul3A_23, %get3A_26 : vector<1024x64xf32>
    %swap3A = arith.constant 0 : index
    %swap3A_28 = arith.constant 0 : index
    %swap3A_29 = vector.load %arg9[%swap3A, %swap3A_28] : memref<1024x64xf32, #tpu.memory_space<vmem>>, vector<1024x64xf32>
    tpu.vector_store %arg9[%swap3A, %swap3A_28], %add3A_27 {strides = array<i32>} : memref<1024x64xf32, #tpu.memory_space<vmem>>, vector<1024x64xf32>,
    %get3A_30 = arith.constant 0 : index
    %get3A_31 = arith.constant 0 : index
    %get3A_32 = vector.load %arg8[%get3A_30, %get3A_31] : memref<1024x1xf32, #tpu.memory_space<vmem>>, vector<1024x1xf32>
    %mul3A_33 = vector.broadcast %get3A_32 : vector<1024x1xf32> to vector<1024x64xf32>
    %mul3A_34 = arith.mulf %mul3A_33, %add3A_27 : vector<1024x64xf32>
    %swap3A_35 = arith.constant 0 : index
    %swap3A_36 = arith.constant 0 : index
    %swap3A_37 = vector.load %arg10[%swap3A_35, %swap3A_36] : memref<1024x64xf32, #tpu.memory_space<vmem>>, vector<1024x64xf32>
    tpu.vector_store %arg10[%swap3A_35, %swap3A_36], %mul3A_34 {strides = array<i32>} : memref<1024x64xf32, #tpu.memory_space<vmem>>, vector<1024x64xf32>,
    return
  }
  func.func @transform_0(%arg0: i32) -> (i32, i32) {
    %c0_i32 = arith.constant 0 : i32
    %c0_i32_0 = arith.constant 0 : i32
    return %arg0, %c0_i32 : i32, i32
  }
  func.func @transform_1(%arg0: i32) -> (i32, i32) {
    %c0_i32 = arith.constant 0 : i32
    %c0_i32_0 = arith.constant 0 : i32
    return %arg0, %c0_i32 : i32, i32
  }
  func.func @transform_2(%arg0: i32) -> (i32, i32) {
    %c0_i32 = arith.constant 0 : i32
    %c0_i32_0 = arith.constant 0 : i32
    return %arg0, %c0_i32 : i32, i32
  }
  func.func @transform_3(%arg0: i32) -> (i32, i32) {
    %c0_i32 = arith.constant 0 : i32
    %c0_i32_0 = arith.constant 0 : i32
    return %arg0, %c0_i32 : i32, i32
  }
  func.func @transform_4(%arg0: i32) -> (i32, i32) {
    %c0_i32 = arith.constant 0 : i32
    %c0_i32_0 = arith.constant 0 : i32
    return %arg0, %c0_i32 : i32, i32
  }
  func.func @transform_5(%arg0: i32) -> (i32, i32) {
    %c0_i32 = arith.constant 0 : i32
    %c0_i32_0 = arith.constant 0 : i32
    return %arg0, %c0_i32 : i32, i32
  }
  func.func @transform_6(%arg0: i32) -> (i32, i32) {
    %c0_i32 = arith.constant 0 : i32
    %c0_i32_0 = arith.constant 0 : i32
    return %arg0, %c0_i32 : i32, i32
  }
  func.func @transform_7(%arg0: i32) -> (i32, i32) {
    %c0_i32 = arith.constant 0 : i32
    %c0_i32_0 = arith.constant 0 : i32
    return %arg0, %c0_i32 : i32, i32
  }
  func.func @transform_8(%arg0: i32) -> (i32, i32) {
    %c0_i32 = arith.constant 0 : i32
    %c0_i32_0 = arith.constant 0 : i32
    return %arg0, %c0_i32 : i32, i32
  }
  func.func @transform_9(%arg0: i32) -> (i32, i32) {
    %c0_i32 = arith.constant 0 : i32
    %c0_i32_0 = arith.constant 0 : i32
    return %arg0, %c0_i32 : i32, i32
  }
}

</mosaic_0001>

<sc_bundles>
// kernel: kernel.11.cloned.1.call-start
scs
__scs_entry_jumppad:
0x0: {  	(pc) =	sbr.rel $0x88, $3  }
0x1: {  	(tag) =	ssettag $0x0;
	lr =	simm.s32 $0x1  }
0x2: {  	[smem:$0x3F96] =	sst lr;
	_ =	strace $0xD0000000  }
0x3: {  	_ = 	snop  }
0x4: {  	_ = 	snop  }
0x5: {  	_ = 	snop  }
0x6: {  	_ = 	snop  }
0x7: {  	_ = 	snop  }
__scs_overlays_trampoline_lowered:
0x8: {  	[smem:$0x3FA5] =	sst s0  }
0x9: {  	[smem:$0x3FA6] =	sst s1  }
0xa: {  	[smem:$0x3FA7] =	sst s2  }
0xb: {  	[smem:$0x3FA8] =	sst s3  }
0xc: {  	[smem:$0x3FA9] =	sst s4  }
0xd: {  	[smem:$0x3FAA] =	sst s5  }
0xe: {  	[smem:$0x3FAB] =	sst s6  }
0xf: {  	[smem:$0x3FAC] =	sst s7  }
0x10: {  	[smem:$0x3FAD] =	sst s8  }
0x11: {  	[smem:$0x3FAE] =	sst s9;
	s0 =	simm.s32 @!p0 $0x0  }
0x12: {  	s1 =	sld [smem:$0x3F94];
	s0 =	simm.s32 @p0 $0x1  }
0x13: {  	[smem:$0x3FAF] =	sst s0;
	s0 =	simm.s32 @!p1 $0x0  }
0x14: {  	s2 =	sld [smem:$0x3F93];
	s0 =	simm.s32 @p1 $0x1  }
0x15: {  	[smem:$0x3FB0] =	sst s0;
	s0 =	simm.s32 @!p2 $0x0  }
0x16: {  	s3 =	sld [smem:$0x3FDB];
	s0 =	simm.s32 @p2 $0x1  }
0x17: {  	s4 =	simm.s32 $0x1BF5;
	[smem:$0x3FB2] =	sst s0  }
0x18: {  	s0 =	sld [smem:$0x3F95];
	_ =	swait.ge [sflag:s4], $0x0  }
0x19: {  	s7 =	sld [smem:$0x3F96]  }
0x1a: {  	s8 =	sadd.s32 $0xFFFFE003, lr  }
0x1b: {  	s9 =	sadd.s32 $0xFFFFFEF7, lr;
	s5 =	simm.s32 $0xFFFFFFFF;
	p2 =	slt.u32 s8, $0xFFFFF086  }
0x1c: {  	p1 =	slt.u32 s9, $0xF7A;
	s5 =	simm.s32 @!p2 $0x0  }
0x1d: {  	s5 =	simm.s32 @p1 $0x1;
	p0 =	seq.s32 s7, s2  }
0x1e: {  	s7 =	smul.u32 @!p0 $0xF7A, s2;
	p2 =	seq.s32 @!p0 s5, $0x0  }
0x1f: {  	s9 =	smul.u32 $0xF7A, s1;
	s8 =	simm.s32 @!p0 $0x1BF5;
	p2 =	por !p2, p0  }
0x20: {  	[sflag:s8] =	ssyncset.s32 @!p0 $0xFFFFF086;
	s6 =	sadd.s32 @!p0 s3, s7;
	s7 =	simm.s32 @!p0 $0x108  }
0x21: {  	s3 =	sadd.s32 s3, s9;
	s6 =	sadd.s32 @!p0 $0x88, s6;
	s7 =	simm.s32 @p2 $0x1082  }
0x22: {  	[simem:s7], [sflag:s8] =	dma.local @!p0 [hbm:s6], $0xF7A  }
0x23: {  	s9 =	sor.u32 $0xD0000000, s2;
	s6 =	simm.s32 $0x108;
	_ =	swait.ge @!p0 [sflag:s8], $0x0  }
0x24: {  	s3 =	sadd.s32 $0x88, s3;
	s6 =	simm.s32 @!p1 $0x1082;
	[sflag:s4] =	ssyncset.s32 $0xFFFFF086  }
0x25: {  	[simem:s6], [sflag:s4] =	dma.local [hbm:s3], $0xF7A  }
0x26: {  	[smem:$0x3F96] =	sst s1;
	(tag) =	ssettag s2;
	_ =	strace s9  }
0x27: {  	s1 =	sld [smem:$0x3FA6]  }
0x28: {  	s2 =	sld [smem:$0x3FA7]  }
0x29: {  	s4 =	sld [smem:$0x3FA9]  }
0x2a: {  	p0 =	seq.s32 s5, $0x0;
	s5 =	sld [smem:$0x3FAA]  }
0x2b: {  	s6 =	sld [smem:$0x3FAB]  }
0x2c: {  	s7 =	sld [smem:$0x3FAC]  }
0x2d: {  	s3 =	simm.s32 $0x108;
	s8 =	sld [smem:$0x3FAD]  }
0x2e: {  	s3 =	simm.s32 @!p0 $0x1082;
	s9 =	sld [smem:$0x3FAE]  }
0x2f: {  	lr =	sadd.s32 s0, s3;
	s0 =	sld [smem:$0x3FA5]  }
0x30: {  	s3 =	sld [smem:$0x3FA8]  }
0x31: {  	[smem:$0x3FB1] =	sst s10  }
0x32: {  	s10 =	sld [smem:$0x3FAF];
	_ =	sdelay $0x3  }
0x33: {  	p0 =	seq.s32 s10, $0x1;
	s10 =	sld [smem:$0x3FB1];
	_ =	sdelay $0x3  }
0x34: {  	[smem:$0x3FB1] =	sst s10  }
0x35: {  	s10 =	sld [smem:$0x3FB0];
	_ =	sdelay $0x3  }
0x36: {  	p1 =	seq.s32 s10, $0x1;
	s10 =	sld [smem:$0x3FB1];
	_ =	sdelay $0x3  }
0x37: {  	[smem:$0x3FB1] =	sst s10  }
0x38: {  	s10 =	sld [smem:$0x3FB2]  }
0x39: {  	_ = 	snop;
	(pc) =	sbr.ind lr, $3  }
0x3a: {  	_ = 	snop  }
0x3b: {  	_ = 	snop  }
0x3c: {  	p2 =	seq.s32 s10, $0x1;
	s10 =	sld [smem:$0x3FB1]  }
0x3d: {  	_ =	shalt  }
0x3e: {  	_ =	shalt  }
0x3f: {  	_ =	shalt  }
0x40: {  	_ =	shalt  }
0x41: {  	_ =	shalt  }
0x42: {  	_ =	shalt  }
0x43: {  	_ =	shalt  }
0x44: {  	_ =	shalt  }
0x45: {  	_ =	shalt  }
0x46: {  	_ =	shalt  }
0x47: {  	_ =	shalt  }
0x48: {  	_ =	shalt  }
0x49: {  	_ =	shalt  }
0x4a: {  	_ =	shalt  }
0x4b: {  	_ =	shalt  }
0x4c: {  	_ =	shalt  }
0x4d: {  	_ =	shalt  }
0x4e: {  	_ =	shalt  }
0x4f: {  	_ =	shalt  }
0x50: {  	_ =	shalt  }
0x51: {  	_ =	shalt  }
0x52: {  	_ =	shalt  }
0x53: {  	_ =	shalt  }
0x54: {  	_ =	shalt  }
0x55: {  	_ =	shalt  }
0x56: {  	_ =	shalt  }
0x57: {  	_ =	shalt  }
0x58: {  	_ =	shalt  }
0x59: {  	_ =	shalt  }
0x5a: {  	_ =	shalt  }
0x5b: {  	_ =	shalt  }
0x5c: {  	_ =	shalt  }
0x5d: {  	_ =	shalt  }
0x5e: {  	_ =	shalt  }
0x5f: {  	_ =	shalt  }
0x60: {  	_ =	shalt  }
0x61: {  	_ =	shalt  }
0x62: {  	_ =	shalt  }
0x63: {  	_ =	shalt  }
0x64: {  	_ =	shalt  }
0x65: {  	_ =	shalt  }
0x66: {  	_ =	shalt  }
0x67: {  	_ =	shalt  }
0x68: {  	_ =	shalt  }
0x69: {  	_ =	shalt  }
0x6a: {  	_ =	shalt  }
0x6b: {  	_ =	shalt  }
0x6c: {  	_ =	shalt  }
0x6d: {  	_ =	shalt  }
0x6e: {  	_ =	shalt  }
0x6f: {  	_ =	shalt  }
0x70: {  	_ =	shalt  }
0x71: {  	_ =	shalt  }
0x72: {  	_ =	shalt  }
0x73: {  	_ =	shalt  }
0x74: {  	_ =	shalt  }
0x75: {  	_ =	shalt  }
0x76: {  	_ =	shalt  }
0x77: {  	_ =	shalt  }
0x78: {  	_ =	shalt  }
0x79: {  	_ =	shalt  }
0x7a: {  	_ =	shalt  }
0x7b: {  	_ =	shalt  }
0x7c: {  	_ =	shalt  }
0x7d: {  	_ =	shalt  }
0x7e: {  	_ =	shalt  }
0x7f: {  	_ =	shalt  }
0x80: {  	_ =	shalt  }
0x81: {  	_ =	shalt  }
0x82: {  	_ =	shalt  }
0x83: {  	_ =	shalt  }
0x84: {  	_ =	shalt  }
0x85: {  	_ =	shalt  }
0x86: {  	_ =	shalt  }
0x87: {  	_ =	shalt  }
.Lfunc_end0:
.L_simem_size_0:
called_computation.1_lowered:
.L_overlay_start_0:
0x88: {  	s2 =	sld [smem:$0x3FD9]  }
0x89: {  	s3 =	sld [smem:$0x3FFE];
	_ =	sdelay $0x1  }
0x8a: {  	s1 =	srdreg.scid  }
0x8b: {  	s0 =	sand.u32 $0x1, s1  }
0x8c: {  	s14 =	sshll.u32 s0, $0xA;
	s2 =	sadd.s32 s3, s2  }
0x8d: {  	s2 =	sadd.s32 s2, s14  }
0x8e: {  	[smem:$0x3FBD] =	sst s2  }
0x8f: {  	_ = 	snop  }
0x90: {  	s2 =	sld [smem:$0x3FD0];
	_ =	sdelay $0x2  }
0x91: {  	s15 =	simm.s32 $0xB;
	s4 =	simm.s32 $0x10  }
0x92: {  	[smem:s4], [sflag:s15] =	dma.local [hbm:s2], $0x1  }
0x93: {  	_ =	swait.eq [sflag:s15], $0x1  }
0x94: {  	[sflag:s15] =	ssyncset.done $0x0  }
0x95: {  	[sflag:s15] =	ssyncadd.s32 $0xFFFFFFFF  }
0x96: {  	s16 =	sld [smem:$0x10];
	(tm) =	ssettm $0x1  }
0x97: {  	s17 =	sld [smem:$0x3FFB];
	_ =	sdelay $0x3  }
0x98: {  	_ =	strace s17  }
0x99: {  	s3 =	sld [smem:$0x3FFC];
	_ =	sdelay $0x3  }
0x9a: {  	_ =	strace s3  }
0x9b: {  	s3 =	sld [smem:$0x3FFD];
	_ =	sdelay $0x3  }
0x9c: {  	_ =	strace s3  }
0x9d: {  	_ =	strace $0x8FFFFFFF  }
0x9e: {  	s18 =	sld [smem:$0x3FDB];
	_ =	sdelay $0x1  }
0x9f: {  	s19 =	simm.s32 $_scs_section_size  }
0xa0: {  	s5 =	simm.s32 $_size__tile_overlayer_lowered;
	s6 =	simm.s32 $_tile_overlayer_lowered  }
0xa1: {  	s22 =	simm.s32 $0x1BFF;
	s21 =	sshll.u32 s6, $0x1;
	s3 =	sadd.s32 s19, s18  }
0xa2: {  	s7 =	simm.s32 $0x0;
	s20 =	sshll.u32 s5, $0x1;
	s5 =	sadd.s32 s21, s3  }
0xa3: {  	[timem:s7], [sflag:s22] =	dma.local [hbm:s5], s20  }
0xa4: {  	_ =	swait.ge [sflag:s22], s20  }
0xa5: {  	s4 =	ssub.s32 $0x0, s20;
	[sflag:s22] =	ssyncset.done $0x0  }
0xa6: {  	[sflag:s22] =	ssyncadd.s32 s4;
	_ =	sdelay $0x1  }
0xa7: {  	s23 =	simm.s32 $0x1B8B  }
0xa8: {  	_ =	swait.ge [sflag:s23], $0x1  }
0xa9: {  	[sflag:s23] =	ssyncset.done $0x0  }
0xaa: {  	s25 =	simm.s32 $0x1B8E;
	s24 =	sld [smem:$0x3FFE];
	[sflag:s23] =	ssyncadd.s32 $0xFFFFFFFF  }
0xab: {  	s26 =	simm.s32 $execute0_lowered;
	[smem:$0x3FD2] =	sst s25  }
0xac: {  	s5 =	sshll.u32 s26, $0x1;
	_ =	strace $0x80000046;
	[dreg:$0x1] =	wrdreg $0xFFFFFFFF  }
0xad: {  	s28 =	simm.s32 $_size_execute0_lowered;
	s3 =	sadd.s32 s3, s5;
	[dreg:$0x0] =	wrdreg $0x0  }
0xae: {  	s5 =	sshll.u32 s28, $0x1;
	[dreg:$0x2] =	wrdreg s3  }
0xaf: {  	[dreg:$0x3] =	wrdreg s5  }
0xb0: {  	[dreg:$0x4] =	wrdreg $0xC0  }
0xb1: {  	_ =	task [dreg:s7], $0x5FFFF  }
0xb2: {  	[dreg:$0x1] =	wrdreg $0xFFFFFFFF  }
0xb3: {  	[dreg:$0x0] =	wrdreg $0x60  }
0xb4: {  	[dreg:$0x2] =	wrdreg s16  }
0xb5: {  	[dreg:$0x3] =	wrdreg s24  }
0xb6: {  	[dreg:$0x4] =	wrdreg $0x108000  }
0xb7: {  	[dreg:$0x5] =	wrdreg $0xA  }
0xb8: {  	_ =	task.clear_ibuf [dreg:s7], $0x6FFFF;
	_ =	strace $0x90000046  }
0xb9: {  	s29 =	simm.s32 $0xA;
	_ =	strace $0x80000048  }
0xba: {  	_ =	swait.ge [sflag:s29], $0x1  }
0xbb: {  	[sflag:s29] =	ssyncadd.s32 $0xFFFFFFFF  }
0xbc: {  	_ =	strace $0x90000048  }
0xbd: {  	_ =	sfence  }
0xbe: {  	s30 =	sld [smem:$0x0];
	_ =	sdelay $0x2  }
0xbf: {  	s31 =	sshll.u32 s1, $0xD;
	s1 =	sshrl.u32 s1, $0x2  }
0xc0: {  	s3 =	sand.u32 $0x4000, s31;
	s1 =	sadd.s32 s1, s30  }
0xc1: {  	s0 =	sor.u32 s3, s0;
	s1 =	sshll.u32 s1, $0x11  }
0xc2: {  	s0 =	sor.u32 s1, s0  }
0xc3: {  	s0 =	sadd.s32 $0x8F2B, s0  }
0xc4: {  	[sflag:s0] =	ssyncadd.remote.s32 $0x1  }
0xc5: {  	_ =	sfence.sel $0xFFFF  }
0xc6: {  	[dreg:$0x0] =	wrdreg $0xFFFFFFFF;
	(pc) =	sbr.abs _section_cstart, $3  }
0xc7: {  	[dreg:$0x1] =	wrdreg $0xFFFFFFFF  }
0xc8: {  	_ =	task.clear_ibuf [dreg:s7], $0x2FFFF;
	_ =	strace $0x9FFFFFFF  }
0xc9: {  	(tm) =	ssettm $0x7FFFFFFF  }
tec
execute0_lowered:
.L_overlay_start_1:
0x0: {  	(tag) =	ssettag $0x1  }
0x1: {  	s1 =	rddreg [dreg:$0x0]  }
0x2: {  	s0 =	srdreg.scid;
	s5 =	rddreg [dreg:$0x1]  }
0x3: {  	s6 =	simm.s32 $0x98;
	s14 =	stileid.u32;
	s2 =	rddreg [dreg:$0x2]  }
0x4: {  	s3 =	simm.s32 $0x0;
	s21 =	simm.s32 $0x100;
	s15 =	simm.s32 $0x800  }
0x5: {  	s22 =	simm.s32 $0x180;
	s23 =	simm.s32 $0x480;
	s24 =	simm.s32 $0x500  }
0x6: {  	s25 =	simm.s32 $0x580;
	s26 =	simm.s32 $0x200;
	[smem:$0x7FF] =	sst s3  }
0x7: {  	s28 =	simm.s32 $0xE800;
	_ =	strace $0x80000047;
	[dreg:$0x4] =	wrdreg s21  }
0x8: {  	s29 =	simm.s32 $0x2;
	s30 =	simm.s32 $0x600;
	[dreg:$0x5] =	wrdreg s22  }
0x9: {  	s31 =	simm.s32 $0x680;
	s0 =	sand.u32 $0x1, s0;
	[dreg:$0x6] =	wrdreg s23  }
0xa: {  	s16 =	smul.u32 $0xA000, s14;
	s18 =	sshll.u32 s14, $0x6;
	[dreg:$0x7] =	wrdreg s24  }
0xb: {  	p0 =	seq.s32 s0, $0x0;
	s4 =	ssub.s32 $0x0, s0;
	[dreg:$0x8] =	wrdreg s25  }
0xc: {  	s0 =	ssub.s32 $0x2, s0;
	[dreg:$0x9] =	wrdreg s26;
	s21 =	simm.s32 $0x280  }
0xd: {  	s22 =	simm.s32 $0xA800;
	s24 =	simm.s32 $0x300;
	s25 =	simm.s32 $0xC800  }
0xe: {  	s26 =	simm.s32 $0x380;
	s23 =	simm.s32 $0x0;
	s6 =	simm.s32 @!p0 $0x8  }
0xf: {  	s4 =	sand.u32 $0x980, s4;
	s10 =	sshrl.u32 s16, $0x3;
	s11 =	sshrl.u32 s0, $0x1  }
0x10: {  	s13 =	sadd.s32 s16, s2;
	s16 =	simm.s32 $0x2800;
	s7 =	smul.u32 s14, s6  }
0x11: {  	s12 =	sadd.s32 s10, s5;
	s0 =	ssub.s32 s0, s11;
	s6 =	sshrl.u32 s6, $0x3  }
0x12: {  	s14 =	simm.s32 $0x80;
	s17 =	sadd.s32 $0x98C00, s12;
	[dreg:$0xc] =	wrdreg s6  }
0x13: {  	s6 =	sadd.s32 $0xACC00, s12;
	s0 =	smax.u32 s0, $0x1;
	s12 =	simm.s32 $0x5  }
0x14: {  	s4 =	sadd.s32 s4, s7;
	[dreg:$0xa] =	wrdreg s17;
	s7 =	sor.u32 $0x1C05, s18  }
0x15: {  	[dreg:$0xd] =	wrdreg s0;
	s17 =	simm.s32 $0x4800;
	s18 =	simm.s32 $0x6800  }
0x16: {  	s8 =	sshll.u32 s4, $0x4;
	s4 =	sadd.s32 $0x7AC00, s5;
	[dreg:$0xb] =	wrdreg s7  }
0x17: {  	s9 =	sadd.s32 s8, s5;
	s5 =	sadd.s32 $0xC0C00, s5;
	s20 =	sadd.s32 s8, s1  }
0x18: {  	s1 =	simm.s32 $0x700;
	s8 =	simm.s32 $0x4;
	s19 =	sadd.s32 $0x8EC00, s9  }
0x19: {  	[dreg:$0xf] =	wrdreg s20;
	s9 =	sshrl.u32 s13, $0x3;
	s13 =	simm.s32 $0x400  }
0x1a: {  	s20 =	simm.s32 $0x8800;
	s0 =	sadd.s32 @!p0 s10, s5;
	[dreg:$0xe] =	wrdreg s19  }
0x1b: {  	s5 =	simm.s32 $0x3;
	s0 =	smov.u32 @p0 s6;
	[dreg:$0x10] =	wrdreg s9  }
0x1c: {  	s19 =	simm.s32 $0x1;
	[dreg:$0x11] =	wrdreg s0;
	s0 =	simm.s32 $0x780  }
.LBB2_1:
0x1d: {  	s6 =	rddreg [dreg:$0xa]  }
0x1e: {  	[spmem:s9], [sflag:s7] =	dma.local [hbm:s6], $0x1400  }
0x1f: {  	_ =	swait.ge [sflag:s12], $0x1400  }
0x20: {  	[sflag:s12] =	ssyncset.done $0x0  }
0x21: {  	[sflag:s12] =	ssyncadd.s32 $0xFFFFEC00  }
0x22: {  	[bflag:$0x0] =	sbarrier.arrive $0xFFFF  }
0x23: {  	s10 =	rddreg [dreg:$0xf]  }
0x24: {  	[tilespmem:s3], [sflag:$0x5] =	stream.linear.gather [hbm4b:s10+s3], $0x400, $0x38;
	[tilespmem:$0x1A800] =	vst v63  }
0x25: {  	_ =	swait.ge [sflag:s12], $0x400  }
0x26: {  	[sflag:s12] =	ssyncset.done $0x0  }
0x27: {  	s7 =	rddreg [dreg:$0xe];
	[sflag:s12] =	ssyncadd.s32 $0xFFFFFC00  }
0x28: {  	[tilespmem:s13], [sflag:$0x5] =	stream.linear.gather [hbm4b:s7+s3], $0x400, $0x38;
	[tilespmem:$0x1A800] =	vst v63  }
0x29: {  	_ =	swait.ge [sflag:s12], $0x400  }
0x2a: {  	[sflag:s12] =	ssyncset.done $0x0  }
0x2b: {  	[sflag:s12] =	ssyncadd.s32 $0xFFFFFC00  }
0x2c: {  	[tilespmem:s15], [sflag:$0x1] =	stream.indirect.gather [hbm4b:s4+s14], $0x40, s3, s14, $0xb8;
	[tilespmem:$0x1A800] =	vst v63  }
0x2d: {  	_ = 	snop  }
0x2e: {  	[tilespmem:s16], [sflag:$0x1] =	stream.indirect.gather [hbm4b:s4+s14], $0x40, s14, s14, $0xb8;
	[tilespmem:$0x1A800] =	vst v63  }
0x2f: {  	s9 =	rddreg [dreg:$0x4]  }
0x30: {  	[tilespmem:s17], [sflag:$0x1] =	stream.indirect.gather [hbm4b:s4+s14], $0x40, s9, s14, $0xb8;
	[tilespmem:$0x1A800] =	vst v63  }
0x31: {  	s11 =	rddreg [dreg:$0x5]  }
0x32: {  	[tilespmem:s18], [sflag:$0x1] =	stream.indirect.gather [hbm4b:s4+s14], $0x40, s11, s14, $0xb8;
	[tilespmem:$0x1A800] =	vst v63  }
0x33: {  	_ =	swait.ge [sflag:s19], $0x2000  }
0x34: {  	[sflag:s19] =	ssyncset.done $0x0  }
0x35: {  	[sflag:s19] =	ssyncadd.s32 $0xFFFFE000  }
0x36: {  	_ =	swait.ge [sflag:s19], $0x2000  }
0x37: {  	[sflag:s19] =	ssyncset.done $0x0  }
0x38: {  	[sflag:s19] =	ssyncadd.s32 $0xFFFFE000  }
0x39: {  	_ =	swait.ge [sflag:s19], $0x2000  }
0x3a: {  	[sflag:s19] =	ssyncset.done $0x0  }
0x3b: {  	[sflag:s19] =	ssyncadd.s32 $0xFFFFE000  }
0x3c: {  	_ =	swait.ge [sflag:s19], $0x2000  }
0x3d: {  	[sflag:s19] =	ssyncset.done $0x0  }
0x3e: {  	[sflag:s19] =	ssyncadd.s32 $0xFFFFE000  }
0x3f: {  	[spmem:s2] =	stream.indirect.scatter.add.f32 [tilespmem:s15], [sflag:$0x3], $0x40, s13, s14, $0xb8;
	[tilespmem:$0x1A800] =	vst v63  }
0x40: {  	s9 =	rddreg [dreg:$0x6]  }
0x41: {  	[spmem:s2] =	stream.indirect.scatter.add.f32 [tilespmem:s16], [sflag:$0x3], $0x40, s9, s14, $0xb8;
	[tilespmem:$0x1A800] =	vst v63  }
0x42: {  	s11 =	rddreg [dreg:$0x7]  }
0x43: {  	[spmem:s2] =	stream.indirect.scatter.add.f32 [tilespmem:s17], [sflag:$0x3], $0x40, s11, s14, $0xb8;
	[tilespmem:$0x1A800] =	vst v63  }
0x44: {  	s6 =	rddreg [dreg:$0x8]  }
0x45: {  	[spmem:s2] =	stream.indirect.scatter.add.f32 [tilespmem:s18], [sflag:$0x3], $0x40, s6, s14, $0xb8;
	[tilespmem:$0x1A800] =	vst v63  }
0x46: {  	s11 =	rddreg [dreg:$0x9]  }
0x47: {  	[tilespmem:s20], [sflag:$0x2] =	stream.indirect.gather [hbm4b:s4+s14], $0x40, s11, s14, $0xb8;
	[tilespmem:$0x1A800] =	vst v63  }
0x48: {  	_ = 	snop  }
0x49: {  	[tilespmem:s22], [sflag:$0x2] =	stream.indirect.gather [hbm4b:s4+s14], $0x40, s21, s14, $0xb8;
	[tilespmem:$0x1A800] =	vst v63  }
0x4a: {  	_ = 	snop  }
0x4b: {  	[tilespmem:s25], [sflag:$0x2] =	stream.indirect.gather [hbm4b:s4+s14], $0x40, s24, s14, $0xb8;
	[tilespmem:$0x1A800] =	vst v63  }
0x4c: {  	_ = 	snop  }
0x4d: {  	[tilespmem:s28], [sflag:$0x2] =	stream.indirect.gather [hbm4b:s4+s14], $0x40, s26, s14, $0xb8;
	[tilespmem:$0x1A800] =	vst v63  }
0x4e: {  	_ =	swait.ge [sflag:s29], $0x2000  }
0x4f: {  	[sflag:s29] =	ssyncset.done $0x0  }
0x50: {  	[sflag:s29] =	ssyncadd.s32 $0xFFFFE000  }
0x51: {  	_ =	swait.ge [sflag:s29], $0x2000  }
0x52: {  	[sflag:s29] =	ssyncset.done $0x0  }
0x53: {  	[sflag:s29] =	ssyncadd.s32 $0xFFFFE000  }
0x54: {  	_ =	swait.ge [sflag:s29], $0x2000  }
0x55: {  	[sflag:s29] =	ssyncset.done $0x0  }
0x56: {  	[sflag:s29] =	ssyncadd.s32 $0xFFFFE000  }
0x57: {  	_ =	swait.ge [sflag:s29], $0x2000  }
0x58: {  	[sflag:s29] =	ssyncset.done $0x0  }
0x59: {  	[sflag:s29] =	ssyncadd.s32 $0xFFFFE000  }
0x5a: {  	[spmem:s2] =	stream.indirect.scatter.add.f32 [tilespmem:s20], [sflag:$0x4], $0x40, s30, s14, $0xb8;
	[tilespmem:$0x1A800] =	vst v63  }
0x5b: {  	_ = 	snop  }
0x5c: {  	[spmem:s2] =	stream.indirect.scatter.add.f32 [tilespmem:s22], [sflag:$0x4], $0x40, s31, s14, $0xb8;
	[tilespmem:$0x1A800] =	vst v63  }
0x5d: {  	_ = 	snop  }
0x5e: {  	[spmem:s2] =	stream.indirect.scatter.add.f32 [tilespmem:s25], [sflag:$0x4], $0x40, s1, s14, $0xb8;
	[tilespmem:$0x1A800] =	vst v63  }
0x5f: {  	_ = 	snop  }
0x60: {  	[spmem:s2] =	stream.indirect.scatter.add.f32 [tilespmem:s28], [sflag:$0x4], $0x40, s0, s14, $0xb8;
	[tilespmem:$0x1A800] =	vst v63  }
0x61: {  	_ =	swait.ge [sflag:s5], $0x2000  }
0x62: {  	[sflag:s5] =	ssyncset.done $0x0  }
0x63: {  	[sflag:s5] =	ssyncadd.s32 $0xFFFFE000  }
0x64: {  	_ =	swait.ge [sflag:s5], $0x2000  }
0x65: {  	[sflag:s5] =	ssyncset.done $0x0  }
0x66: {  	[sflag:s5] =	ssyncadd.s32 $0xFFFFE000  }
0x67: {  	_ =	swait.ge [sflag:s5], $0x2000  }
0x68: {  	[sflag:s5] =	ssyncset.done $0x0  }
0x69: {  	[sflag:s5] =	ssyncadd.s32 $0xFFFFE000  }
0x6a: {  	_ =	swait.ge [sflag:s5], $0x2000  }
0x6b: {  	[sflag:s5] =	ssyncset.done $0x0  }
0x6c: {  	[sflag:s5] =	ssyncadd.s32 $0xFFFFE000  }
0x6d: {  	_ =	swait.ge [sflag:s8], $0x2000  }
0x6e: {  	[sflag:s8] =	ssyncset.done $0x0  }
0x6f: {  	[sflag:s8] =	ssyncadd.s32 $0xFFFFE000  }
0x70: {  	_ =	swait.ge [sflag:s8], $0x2000  }
0x71: {  	[sflag:s8] =	ssyncset.done $0x0  }
0x72: {  	[sflag:s8] =	ssyncadd.s32 $0xFFFFE000  }
0x73: {  	_ =	swait.ge [sflag:s8], $0x2000  }
0x74: {  	s11 =	rddreg [dreg:$0xc]  }
0x75: {  	p0 =	sne.s32 s11, $0x1  }
.Ltmp0:
0x76: {  	_ = 	snop;
	(pc) =	sbr.rel @!p0 .LBB2_3-.Ltmp0, $4  }
0x77: {  	[sflag:s8] =	ssyncset.done $0x0  }
0x78: {  	[sflag:s8] =	ssyncadd.s32 $0xFFFFE000  }
0x79: {  	_ =	swait.ge [sflag:s8], $0x2000  }
0x7a: {  	s9 =	smov.u32 s7;
	s6 =	sadd.s32 $0xFFFFFFFF, s11;
	[sflag:s8] =	ssyncset.done $0x0  }
.LBB2_2:
0x7b: {  	[sflag:s8] =	ssyncadd.s32 $0xFFFFE000;
	s10 =	sadd.s32 $0x80, s10  }
0x7c: {  	[tilespmem:s3], [sflag:$0x5] =	stream.linear.gather [hbm4b:s10+s3], $0x400, $0x38;
	[tilespmem:$0x1A800] =	vst v63  }
0x7d: {  	_ =	swait.ge [sflag:s12], $0x400  }
0x7e: {  	[sflag:s12] =	ssyncset.done $0x0  }
0x7f: {  	s9 =	sadd.s32 $0x80, s9;
	[sflag:s12] =	ssyncadd.s32 $0xFFFFFC00  }
0x80: {  	[tilespmem:s13], [sflag:$0x5] =	stream.linear.gather [hbm4b:s9+s3], $0x400, $0x38;
	[tilespmem:$0x1A800] =	vst v63  }
0x81: {  	_ =	swait.ge [sflag:s12], $0x400  }
0x82: {  	[sflag:s12] =	ssyncset.done $0x0  }
0x83: {  	[sflag:s12] =	ssyncadd.s32 $0xFFFFFC00  }
0x84: {  	[tilespmem:s15], [sflag:$0x1] =	stream.indirect.gather [hbm4b:s4+s14], $0x40, s3, s14, $0xb8;
	[tilespmem:$0x1A800] =	vst v63  }
0x85: {  	_ = 	snop  }
0x86: {  	[tilespmem:s16], [sflag:$0x1] =	stream.indirect.gather [hbm4b:s4+s14], $0x40, s14, s14, $0xb8;
	[tilespmem:$0x1A800] =	vst v63  }
0x87: {  	s7 =	rddreg [dreg:$0x4]  }
0x88: {  	[tilespmem:s17], [sflag:$0x1] =	stream.indirect.gather [hbm4b:s4+s14], $0x40, s7, s14, $0xb8;
	[tilespmem:$0x1A800] =	vst v63  }
0x89: {  	s11 =	rddreg [dreg:$0x5]  }
0x8a: {  	[tilespmem:s18], [sflag:$0x1] =	stream.indirect.gather [hbm4b:s4+s14], $0x40, s11, s14, $0xb8;
	[tilespmem:$0x1A800] =	vst v63  }
0x8b: {  	_ =	swait.ge [sflag:s19], $0x2000  }
0x8c: {  	[sflag:s19] =	ssyncset.done $0x0  }
0x8d: {  	[sflag:s19] =	ssyncadd.s32 $0xFFFFE000  }
0x8e: {  	_ =	swait.ge [sflag:s19], $0x2000  }
0x8f: {  	[sflag:s19] =	ssyncset.done $0x0  }
0x90: {  	[sflag:s19] =	ssyncadd.s32 $0xFFFFE000  }
0x91: {  	_ =	swait.ge [sflag:s19], $0x2000  }
0x92: {  	[sflag:s19] =	ssyncset.done $0x0  }
0x93: {  	[sflag:s19] =	ssyncadd.s32 $0xFFFFE000  }
0x94: {  	_ =	swait.ge [sflag:s19], $0x2000  }
0x95: {  	[sflag:s19] =	ssyncset.done $0x0  }
0x96: {  	[sflag:s19] =	ssyncadd.s32 $0xFFFFE000  }
0x97: {  	[spmem:s2] =	stream.indirect.scatter.add.f32 [tilespmem:s15], [sflag:$0x3], $0x40, s13, s14, $0xb8;
	[tilespmem:$0x1A800] =	vst v63  }
0x98: {  	s7 =	rddreg [dreg:$0x6]  }
0x99: {  	[spmem:s2] =	stream.indirect.scatter.add.f32 [tilespmem:s16], [sflag:$0x3], $0x40, s7, s14, $0xb8;
	[tilespmem:$0x1A800] =	vst v63  }
0x9a: {  	s11 =	rddreg [dreg:$0x7]  }
0x9b: {  	[spmem:s2] =	stream.indirect.scatter.add.f32 [tilespmem:s17], [sflag:$0x3], $0x40, s11, s14, $0xb8;
	[tilespmem:$0x1A800] =	vst v63  }
0x9c: {  	s7 =	rddreg [dreg:$0x8]  }
0x9d: {  	[spmem:s2] =	stream.indirect.scatter.add.f32 [tilespmem:s18], [sflag:$0x3], $0x40, s7, s14, $0xb8;
	[tilespmem:$0x1A800] =	vst v63  }
0x9e: {  	s11 =	rddreg [dreg:$0x9]  }
0x9f: {  	[tilespmem:s20], [sflag:$0x2] =	stream.indirect.gather [hbm4b:s4+s14], $0x40, s11, s14, $0xb8;
	[tilespmem:$0x1A800] =	vst v63  }
0xa0: {  	_ = 	snop  }
0xa1: {  	[tilespmem:s22], [sflag:$0x2] =	stream.indirect.gather [hbm4b:s4+s14], $0x40, s21, s14, $0xb8;
	[tilespmem:$0x1A800] =	vst v63  }
0xa2: {  	_ = 	snop  }
0xa3: {  	[tilespmem:s25], [sflag:$0x2] =	stream.indirect.gather [hbm4b:s4+s14], $0x40, s24, s14, $0xb8;
	[tilespmem:$0x1A800] =	vst v63  }
0xa4: {  	_ = 	snop  }
0xa5: {  	[tilespmem:s28], [sflag:$0x2] =	stream.indirect.gather [hbm4b:s4+s14], $0x40, s26, s14, $0xb8;
	[tilespmem:$0x1A800] =	vst v63  }
0xa6: {  	_ =	swait.ge [sflag:s29], $0x2000  }
0xa7: {  	[sflag:s29] =	ssyncset.done $0x0  }
0xa8: {  	[sflag:s29] =	ssyncadd.s32 $0xFFFFE000  }
0xa9: {  	_ =	swait.ge [sflag:s29], $0x2000  }
0xaa: {  	[sflag:s29] =	ssyncset.done $0x0  }
0xab: {  	[sflag:s29] =	ssyncadd.s32 $0xFFFFE000  }
0xac: {  	_ =	swait.ge [sflag:s29], $0x2000  }
0xad: {  	[sflag:s29] =	ssyncset.done $0x0  }
0xae: {  	[sflag:s29] =	ssyncadd.s32 $0xFFFFE000  }
0xaf: {  	_ =	swait.ge [sflag:s29], $0x2000  }
0xb0: {  	[sflag:s29] =	ssyncset.done $0x0  }
0xb1: {  	[sflag:s29] =	ssyncadd.s32 $0xFFFFE000  }
0xb2: {  	[spmem:s2] =	stream.indirect.scatter.add.f32 [tilespmem:s20], [sflag:$0x4], $0x40, s30, s14, $0xb8;
	[tilespmem:$0x1A800] =	vst v63  }
0xb3: {  	_ = 	snop  }
0xb4: {  	[spmem:s2] =	stream.indirect.scatter.add.f32 [tilespmem:s22], [sflag:$0x4], $0x40, s31, s14, $0xb8;
	[tilespmem:$0x1A800] =	vst v63  }
0xb5: {  	_ = 	snop  }
0xb6: {  	[spmem:s2] =	stream.indirect.scatter.add.f32 [tilespmem:s25], [sflag:$0x4], $0x40, s1, s14, $0xb8;
	[tilespmem:$0x1A800] =	vst v63  }
0xb7: {  	_ = 	snop  }
0xb8: {  	[spmem:s2] =	stream.indirect.scatter.add.f32 [tilespmem:s28], [sflag:$0x4], $0x40, s0, s14, $0xb8;
	[tilespmem:$0x1A800] =	vst v63  }
0xb9: {  	_ =	swait.ge [sflag:s5], $0x2000  }
0xba: {  	[sflag:s5] =	ssyncset.done $0x0  }
0xbb: {  	[sflag:s5] =	ssyncadd.s32 $0xFFFFE000  }
0xbc: {  	_ =	swait.ge [sflag:s5], $0x2000  }
0xbd: {  	[sflag:s5] =	ssyncset.done $0x0  }
0xbe: {  	[sflag:s5] =	ssyncadd.s32 $0xFFFFE000  }
0xbf: {  	_ =	swait.ge [sflag:s5], $0x2000  }
0xc0: {  	[sflag:s5] =	ssyncset.done $0x0  }
0xc1: {  	[sflag:s5] =	ssyncadd.s32 $0xFFFFE000  }
0xc2: {  	_ =	swait.ge [sflag:s5], $0x2000  }
0xc3: {  	[sflag:s5] =	ssyncset.done $0x0  }
0xc4: {  	[sflag:s5] =	ssyncadd.s32 $0xFFFFE000  }
0xc5: {  	_ =	swait.ge [sflag:s8], $0x2000  }
0xc6: {  	[sflag:s8] =	ssyncset.done $0x0  }
0xc7: {  	[sflag:s8] =	ssyncadd.s32 $0xFFFFE000  }
0xc8: {  	_ =	swait.ge [sflag:s8], $0x2000  }
0xc9: {  	[sflag:s8] =	ssyncset.done $0x0  }
0xca: {  	p0 =	sne.s32 s6, $0x1;
	[sflag:s8] =	ssyncadd.s32 $0xFFFFE000  }
.Ltmp1:
0xcb: {  	_ =	swait.ge [sflag:s8], $0x2000;
	(pc) =	sbr.rel @p0 .LBB2_2-.Ltmp1, $4  }
0xcc: {  	[sflag:s8] =	ssyncset.done $0x0  }
0xcd: {  	[sflag:s8] =	ssyncadd.s32 $0xFFFFE000  }
0xce: {  	_ =	swait.ge [sflag:s8], $0x2000  }
0xcf: {  	s6 =	sadd.s32 $0xFFFFFFFF, s6;
	[sflag:s8] =	ssyncset.done $0x0  }
.LBB2_3:
0xd0: {  	[sflag:s8] =	ssyncadd.s32 $0xFFFFE000  }
0xd1: {  	[bflag:$0x0] =	sbarrier.arrive $0xFFFF  }
0xd2: {  	s7 =	rddreg [dreg:$0xb]  }
0xd3: {  	s9 =	rddreg [dreg:$0x10]  }
0xd4: {  	s6 =	rddreg [dreg:$0x11]  }
0xd5: {  	[hbm:s6], [sflag:s7] =	dma.local [spmem:s9], $0x1400  }
0xd6: {  	_ =	swait.ge [sflag:s12], $0x1400  }
0xd7: {  	s23 =	sadd.s32 $0x1, s23;
	s11 =	rddreg [dreg:$0xd]  }
0xd8: {  	p0 =	sne.s32 s23, s11  }
.Ltmp2:
0xd9: {  	_ = 	snop;
	(pc) =	sbr.rel @p0 .LBB2_1-.Ltmp2, $3  }
0xda: {  	_ =	sdelay $0x1  }
0xdb: {  	[sflag:s12] =	ssyncset.done $0x0  }
0xdc: {  	[sflag:s12] =	ssyncadd.s32 $0xFFFFEC00  }
0xdd: {  	_ =	sfence.sel $0x180000  }
0xde: {  	[bflag:$0x0] =	sbarrier.arrive $0xFFFF  }
0xdf: {  	_ =	strace $0x90000047  }
0xe0: {  	s0 =	stileid.u32;
	[bflag:$0x2] =	sbarrier.arrive $0xFFFF  }
0xe1: {  	p0 =	sne.s32 s0, $0x0;
	s0 =	rddreg [dreg:$0x3]  }
0xe2: {  	s0 =	sadd.s32 @!p0 $0x100000, s0  }
0xe3: {  	[sflag:s0] =	ssyncadd.tile.s32 @!p0 $0x1;
	_ =	shalt  }
.Lfunc_end2:
_tile_overlayer_lowered:
.L_overlay_start_2:
0xe4: {  	(tag) =	ssettag $0x2  }
0xe5: {  	s0 =	rddreg [dreg:$0x0];
	s2 =	stileid.u32  }
0xe6: {  	s1 =	rddreg [dreg:$0x1];
	p0 =	sne.s32 s2, $0x0  }
0xe7: {  	s3 =	rddreg [dreg:$0x2];
	[bflag:$0x3] =	sbarrier.arrive $0xFFFF;
	s2 =	simm.s32 @!p0 $0x1C05  }
0xe8: {  	[timem:s3], [sflag:s2] =	dma.local @!p0 [hbm:s0], s1  }
0xe9: {  	s0 =	simm.s32 @!p0 $0x5  }
0xea: {  	_ =	swait.ge @!p0 [sflag:s0], s1  }
0xeb: {  	s1 =	ssub.s32 @!p0 $0x0, s1;
	[sflag:s0] =	ssyncset.done @!p0 $0x0  }
0xec: {  	[sflag:s0] =	ssyncadd.s32 @!p0 s1  }
0xed: {  	[bflag:$0x3] =	sbarrier.arrive $0xFFFF  }
0xee: {  	_ =	shalt  }

// kernel: kernel.14.cloned.1.call-start
scs
__scs_entry_jumppad:
0x0: {  	(pc) =	sbr.rel $0x88, $3  }
0x1: {  	(tag) =	ssettag $0x0;
	lr =	simm.s32 $0x1  }
0x2: {  	[smem:$0x3F96] =	sst lr;
	_ =	strace $0xD0000000  }
0x3: {  	_ = 	snop  }
0x4: {  	_ = 	snop  }
0x5: {  	_ = 	snop  }
0x6: {  	_ = 	snop  }
0x7: {  	_ = 	snop  }
__scs_overlays_trampoline_lowered:
0x8: {  	[smem:$0x3FA5] =	sst s0  }
0x9: {  	[smem:$0x3FA6] =	sst s1  }
0xa: {  	[smem:$0x3FA7] =	sst s2  }
0xb: {  	[smem:$0x3FA8] =	sst s3  }
0xc: {  	[smem:$0x3FA9] =	sst s4  }
0xd: {  	[smem:$0x3FAA] =	sst s5  }
0xe: {  	[smem:$0x3FAB] =	sst s6  }
0xf: {  	[smem:$0x3FAC] =	sst s7  }
0x10: {  	[smem:$0x3FAD] =	sst s8  }
0x11: {  	[smem:$0x3FAE] =	sst s9;
	s0 =	simm.s32 @!p0 $0x0  }
0x12: {  	s1 =	sld [smem:$0x3F94];
	s0 =	simm.s32 @p0 $0x1  }
0x13: {  	[smem:$0x3FAF] =	sst s0;
	s0 =	simm.s32 @!p1 $0x0  }
0x14: {  	s2 =	sld [smem:$0x3F93];
	s0 =	simm.s32 @p1 $0x1  }
0x15: {  	[smem:$0x3FB0] =	sst s0;
	s0 =	simm.s32 @!p2 $0x0  }
0x16: {  	s3 =	sld [smem:$0x3FDB];
	s0 =	simm.s32 @p2 $0x1  }
0x17: {  	s4 =	simm.s32 $0x1BF5;
	[smem:$0x3FB2] =	sst s0  }
0x18: {  	s0 =	sld [smem:$0x3F95];
	_ =	swait.ge [sflag:s4], $0x0  }
0x19: {  	s7 =	sld [smem:$0x3F96]  }
0x1a: {  	s8 =	sadd.s32 $0xFFFFE003, lr  }
0x1b: {  	s9 =	sadd.s32 $0xFFFFFEF7, lr;
	s5 =	simm.s32 $0xFFFFFFFF;
	p2 =	slt.u32 s8, $0xFFFFF086  }
0x1c: {  	p1 =	slt.u32 s9, $0xF7A;
	s5 =	simm.s32 @!p2 $0x0  }
0x1d: {  	s5 =	simm.s32 @p1 $0x1;
	p0 =	seq.s32 s7, s2  }
0x1e: {  	s7 =	smul.u32 @!p0 $0xF7A, s2;
	p2 =	seq.s32 @!p0 s5, $0x0  }
0x1f: {  	s9 =	smul.u32 $0xF7A, s1;
	s8 =	simm.s32 @!p0 $0x1BF5;
	p2 =	por !p2, p0  }
0x20: {  	[sflag:s8] =	ssyncset.s32 @!p0 $0xFFFFF086;
	s6 =	sadd.s32 @!p0 s3, s7;
	s7 =	simm.s32 @!p0 $0x108  }
0x21: {  	s3 =	sadd.s32 s3, s9;
	s6 =	sadd.s32 @!p0 $0x88, s6;
	s7 =	simm.s32 @p2 $0x1082  }
0x22: {  	[simem:s7], [sflag:s8] =	dma.local @!p0 [hbm:s6], $0xF7A  }
0x23: {  	s9 =	sor.u32 $0xD0000000, s2;
	s6 =	simm.s32 $0x108;
	_ =	swait.ge @!p0 [sflag:s8], $0x0  }
0x24: {  	s3 =	sadd.s32 $0x88, s3;
	s6 =	simm.s32 @!p1 $0x1082;
	[sflag:s4] =	ssyncset.s32 $0xFFFFF086  }
0x25: {  	[simem:s6], [sflag:s4] =	dma.local [hbm:s3], $0xF7A  }
0x26: {  	[smem:$0x3F96] =	sst s1;
	(tag) =	ssettag s2;
	_ =	strace s9  }
0x27: {  	s1 =	sld [smem:$0x3FA6]  }
0x28: {  	s2 =	sld [smem:$0x3FA7]  }
0x29: {  	s4 =	sld [smem:$0x3FA9]  }
0x2a: {  	p0 =	seq.s32 s5, $0x0;
	s5 =	sld [smem:$0x3FAA]  }
0x2b: {  	s6 =	sld [smem:$0x3FAB]  }
0x2c: {  	s7 =	sld [smem:$0x3FAC]  }
0x2d: {  	s3 =	simm.s32 $0x108;
	s8 =	sld [smem:$0x3FAD]  }
0x2e: {  	s3 =	simm.s32 @!p0 $0x1082;
	s9 =	sld [smem:$0x3FAE]  }
0x2f: {  	lr =	sadd.s32 s0, s3;
	s0 =	sld [smem:$0x3FA5]  }
0x30: {  	s3 =	sld [smem:$0x3FA8]  }
0x31: {  	[smem:$0x3FB1] =	sst s10  }
0x32: {  	s10 =	sld [smem:$0x3FAF];
	_ =	sdelay $0x3  }
0x33: {  	p0 =	seq.s32 s10, $0x1;
	s10 =	sld [smem:$0x3FB1];
	_ =	sdelay $0x3  }
0x34: {  	[smem:$0x3FB1] =	sst s10  }
0x35: {  	s10 =	sld [smem:$0x3FB0];
	_ =	sdelay $0x3  }
0x36: {  	p1 =	seq.s32 s10, $0x1;
	s10 =	sld [smem:$0x3FB1];
	_ =	sdelay $0x3  }
0x37: {  	[smem:$0x3FB1] =	sst s10  }
0x38: {  	s10 =	sld [smem:$0x3FB2]  }
0x39: {  	_ = 	snop;
	(pc) =	sbr.ind lr, $3  }
0x3a: {  	_ = 	snop  }
0x3b: {  	_ = 	snop  }
0x3c: {  	p2 =	seq.s32 s10, $0x1;
	s10 =	sld [smem:$0x3FB1]  }
0x3d: {  	_ =	shalt  }
0x3e: {  	_ =	shalt  }
0x3f: {  	_ =	shalt  }
0x40: {  	_ =	shalt  }
0x41: {  	_ =	shalt  }
0x42: {  	_ =	shalt  }
0x43: {  	_ =	shalt  }
0x44: {  	_ =	shalt  }
0x45: {  	_ =	shalt  }
0x46: {  	_ =	shalt  }
0x47: {  	_ =	shalt  }
0x48: {  	_ =	shalt  }
0x49: {  	_ =	shalt  }
0x4a: {  	_ =	shalt  }
0x4b: {  	_ =	shalt  }
0x4c: {  	_ =	shalt  }
0x4d: {  	_ =	shalt  }
0x4e: {  	_ =	shalt  }
0x4f: {  	_ =	shalt  }
0x50: {  	_ =	shalt  }
0x51: {  	_ =	shalt  }
0x52: {  	_ =	shalt  }
0x53: {  	_ =	shalt  }
0x54: {  	_ =	shalt  }
0x55: {  	_ =	shalt  }
0x56: {  	_ =	shalt  }
0x57: {  	_ =	shalt  }
0x58: {  	_ =	shalt  }
0x59: {  	_ =	shalt  }
0x5a: {  	_ =	shalt  }
0x5b: {  	_ =	shalt  }
0x5c: {  	_ =	shalt  }
0x5d: {  	_ =	shalt  }
0x5e: {  	_ =	shalt  }
0x5f: {  	_ =	shalt  }
0x60: {  	_ =	shalt  }
0x61: {  	_ =	shalt  }
0x62: {  	_ =	shalt  }
0x63: {  	_ =	shalt  }
0x64: {  	_ =	shalt  }
0x65: {  	_ =	shalt  }
0x66: {  	_ =	shalt  }
0x67: {  	_ =	shalt  }
0x68: {  	_ =	shalt  }
0x69: {  	_ =	shalt  }
0x6a: {  	_ =	shalt  }
0x6b: {  	_ =	shalt  }
0x6c: {  	_ =	shalt  }
0x6d: {  	_ =	shalt  }
0x6e: {  	_ =	shalt  }
0x6f: {  	_ =	shalt  }
0x70: {  	_ =	shalt  }
0x71: {  	_ =	shalt  }
0x72: {  	_ =	shalt  }
0x73: {  	_ =	shalt  }
0x74: {  	_ =	shalt  }
0x75: {  	_ =	shalt  }
0x76: {  	_ =	shalt  }
0x77: {  	_ =	shalt  }
0x78: {  	_ =	shalt  }
0x79: {  	_ =	shalt  }
0x7a: {  	_ =	shalt  }
0x7b: {  	_ =	shalt  }
0x7c: {  	_ =	shalt  }
0x7d: {  	_ =	shalt  }
0x7e: {  	_ =	shalt  }
0x7f: {  	_ =	shalt  }
0x80: {  	_ =	shalt  }
0x81: {  	_ =	shalt  }
0x82: {  	_ =	shalt  }
0x83: {  	_ =	shalt  }
0x84: {  	_ =	shalt  }
0x85: {  	_ =	shalt  }
0x86: {  	_ =	shalt  }
0x87: {  	_ =	shalt  }
.Lfunc_end0:
.L_simem_size_0:
called_computation.2_lowered:
.L_overlay_start_0:
0x88: {  	s2 =	sld [smem:$0x3FD9]  }
0x89: {  	s3 =	sld [smem:$0x3FFE];
	_ =	sdelay $0x1  }
0x8a: {  	s1 =	srdreg.scid  }
0x8b: {  	s0 =	sand.u32 $0x1, s1  }
0x8c: {  	s14 =	sshll.u32 s0, $0xA;
	s2 =	sadd.s32 s3, s2  }
0x8d: {  	s2 =	sadd.s32 s2, s14  }
0x8e: {  	[smem:$0x3FBD] =	sst s2  }
0x8f: {  	_ = 	snop  }
0x90: {  	s2 =	sld [smem:$0x3FD0];
	_ =	sdelay $0x2  }
0x91: {  	s15 =	simm.s32 $0xB;
	s4 =	simm.s32 $0x10  }
0x92: {  	[smem:s4], [sflag:s15] =	dma.local [hbm:s2], $0x1  }
0x93: {  	_ =	swait.eq [sflag:s15], $0x1  }
0x94: {  	[sflag:s15] =	ssyncset.done $0x0  }
0x95: {  	[sflag:s15] =	ssyncadd.s32 $0xFFFFFFFF  }
0x96: {  	s16 =	sld [smem:$0x10];
	(tm) =	ssettm $0x1  }
0x97: {  	s17 =	sld [smem:$0x3FFB];
	_ =	sdelay $0x3  }
0x98: {  	_ =	strace s17  }
0x99: {  	s3 =	sld [smem:$0x3FFC];
	_ =	sdelay $0x3  }
0x9a: {  	_ =	strace s3  }
0x9b: {  	s3 =	sld [smem:$0x3FFD];
	_ =	sdelay $0x3  }
0x9c: {  	_ =	strace s3  }
0x9d: {  	_ =	strace $0x8FFFFFFF  }
0x9e: {  	s18 =	sld [smem:$0x3FDB];
	_ =	sdelay $0x1  }
0x9f: {  	s19 =	simm.s32 $_scs_section_size  }
0xa0: {  	s5 =	simm.s32 $_size__tile_overlayer_lowered;
	s6 =	simm.s32 $_tile_overlayer_lowered  }
0xa1: {  	s22 =	simm.s32 $0x1BFF;
	s21 =	sshll.u32 s6, $0x1;
	s3 =	sadd.s32 s19, s18  }
0xa2: {  	s7 =	simm.s32 $0x0;
	s20 =	sshll.u32 s5, $0x1;
	s5 =	sadd.s32 s21, s3  }
0xa3: {  	[timem:s7], [sflag:s22] =	dma.local [hbm:s5], s20  }
0xa4: {  	_ =	swait.ge [sflag:s22], s20  }
0xa5: {  	s4 =	ssub.s32 $0x0, s20;
	[sflag:s22] =	ssyncset.done $0x0  }
0xa6: {  	[sflag:s22] =	ssyncadd.s32 s4;
	_ =	sdelay $0x1  }
0xa7: {  	s23 =	simm.s32 $0x1B8B  }
0xa8: {  	_ =	swait.ge [sflag:s23], $0x1  }
0xa9: {  	[sflag:s23] =	ssyncset.done $0x0  }
0xaa: {  	s25 =	simm.s32 $0x1B8E;
	s24 =	sld [smem:$0x3FFE];
	[sflag:s23] =	ssyncadd.s32 $0xFFFFFFFF  }
0xab: {  	s26 =	simm.s32 $execute0_lowered;
	[smem:$0x3FD2] =	sst s25  }
0xac: {  	s5 =	sshll.u32 s26, $0x1;
	_ =	strace $0x8000004C;
	[dreg:$0x1] =	wrdreg $0xFFFFFFFF  }
0xad: {  	s28 =	simm.s32 $_size_execute0_lowered;
	s3 =	sadd.s32 s3, s5;
	[dreg:$0x0] =	wrdreg $0x0  }
0xae: {  	s5 =	sshll.u32 s28, $0x1;
	[dreg:$0x2] =	wrdreg s3  }
0xaf: {  	[dreg:$0x3] =	wrdreg s5  }
0xb0: {  	[dreg:$0x4] =	wrdreg $0xC0  }
0xb1: {  	_ =	task [dreg:s7], $0x5FFFF  }
0xb2: {  	[dreg:$0x1] =	wrdreg $0xFFFFFFFF  }
0xb3: {  	[dreg:$0x0] =	wrdreg $0x60  }
0xb4: {  	[dreg:$0x2] =	wrdreg s16  }
0xb5: {  	[dreg:$0x3] =	wrdreg s24  }
0xb6: {  	[dreg:$0x4] =	wrdreg $0x108000  }
0xb7: {  	[dreg:$0x5] =	wrdreg $0x9  }
0xb8: {  	_ =	task.clear_ibuf [dreg:s7], $0x6FFFF;
	_ =	strace $0x9000004C  }
0xb9: {  	s29 =	simm.s32 $0x9;
	_ =	strace $0x8000004E  }
0xba: {  	_ =	swait.ge [sflag:s29], $0x1  }
0xbb: {  	[sflag:s29] =	ssyncadd.s32 $0xFFFFFFFF  }
0xbc: {  	_ =	strace $0x9000004E  }
0xbd: {  	_ =	sfence  }
0xbe: {  	s30 =	sld [smem:$0x0];
	_ =	sdelay $0x2  }
0xbf: {  	s31 =	sshll.u32 s1, $0xD;
	s1 =	sshrl.u32 s1, $0x2  }
0xc0: {  	s3 =	sand.u32 $0x4000, s31;
	s1 =	sadd.s32 s1, s30  }
0xc1: {  	s0 =	sor.u32 s3, s0;
	s1 =	sshll.u32 s1, $0x11  }
0xc2: {  	s0 =	sor.u32 s1, s0  }
0xc3: {  	s0 =	sadd.s32 $0x8F2B, s0  }
0xc4: {  	[sflag:s0] =	ssyncadd.remote.s32 $0x1  }
0xc5: {  	_ =	sfence.sel $0xFFFF  }
0xc6: {  	[dreg:$0x0] =	wrdreg $0xFFFFFFFF;
	(pc) =	sbr.abs _section_cstart, $3  }
0xc7: {  	[dreg:$0x1] =	wrdreg $0xFFFFFFFF  }
0xc8: {  	_ =	task.clear_ibuf [dreg:s7], $0x2FFFF;
	_ =	strace $0x9FFFFFFF  }
0xc9: {  	(tm) =	ssettm $0x7FFFFFFF  }
tec
execute0_lowered:
.L_overlay_start_1:
0x0: {  	(tag) =	ssettag $0x1  }
0x1: {  	s1 =	rddreg [dreg:$0x0]  }
0x2: {  	s0 =	srdreg.scid;
	s5 =	rddreg [dreg:$0x1]  }
0x3: {  	s6 =	simm.s32 $0x98;
	s14 =	stileid.u32;
	s2 =	rddreg [dreg:$0x2]  }
0x4: {  	s3 =	simm.s32 $0x0;
	s21 =	simm.s32 $0x100;
	s15 =	simm.s32 $0x800  }
0x5: {  	s22 =	simm.s32 $0x180;
	s23 =	simm.s32 $0x480;
	s24 =	simm.s32 $0x500  }
0x6: {  	s25 =	simm.s32 $0x580;
	s26 =	simm.s32 $0x200;
	[smem:$0x7FF] =	sst s3  }
0x7: {  	s28 =	simm.s32 $0xE800;
	_ =	strace $0x8000004D;
	[dreg:$0x4] =	wrdreg s21  }
0x8: {  	s29 =	simm.s32 $0x2;
	s30 =	simm.s32 $0x600;
	[dreg:$0x5] =	wrdreg s22  }
0x9: {  	s31 =	simm.s32 $0x680;
	s0 =	sand.u32 $0x1, s0;
	[dreg:$0x6] =	wrdreg s23  }
0xa: {  	s16 =	smul.u32 $0xA000, s14;
	s18 =	sshll.u32 s14, $0x6;
	[dreg:$0x7] =	wrdreg s24  }
0xb: {  	p0 =	seq.s32 s0, $0x0;
	s4 =	ssub.s32 $0x0, s0;
	[dreg:$0x8] =	wrdreg s25  }
0xc: {  	s0 =	ssub.s32 $0x2, s0;
	[dreg:$0x9] =	wrdreg s26;
	s21 =	simm.s32 $0x280  }
0xd: {  	s22 =	simm.s32 $0xA800;
	s24 =	simm.s32 $0x300;
	s25 =	simm.s32 $0xC800  }
0xe: {  	s26 =	simm.s32 $0x380;
	s23 =	simm.s32 $0x0;
	s6 =	simm.s32 @!p0 $0x8  }
0xf: {  	s4 =	sand.u32 $0x980, s4;
	s10 =	sshrl.u32 s16, $0x3;
	s11 =	sshrl.u32 s0, $0x1  }
0x10: {  	s13 =	sadd.s32 s16, s2;
	s16 =	simm.s32 $0x2800;
	s7 =	smul.u32 s14, s6  }
0x11: {  	s12 =	sadd.s32 s10, s5;
	s0 =	ssub.s32 s0, s11;
	s6 =	sshrl.u32 s6, $0x3  }
0x12: {  	s14 =	simm.s32 $0x80;
	s17 =	sadd.s32 $0x98C00, s12;
	[dreg:$0xc] =	wrdreg s6  }
0x13: {  	s6 =	sadd.s32 $0x142C00, s12;
	s0 =	smax.u32 s0, $0x1;
	s12 =	simm.s32 $0x5  }
0x14: {  	s4 =	sadd.s32 s4, s7;
	[dreg:$0xa] =	wrdreg s17;
	s7 =	sor.u32 $0x1C05, s18  }
0x15: {  	[dreg:$0xd] =	wrdreg s0;
	s17 =	simm.s32 $0x4800;
	s18 =	simm.s32 $0x6800  }
0x16: {  	s8 =	sshll.u32 s4, $0x4;
	s4 =	sadd.s32 $0x7AC00, s5;
	[dreg:$0xb] =	wrdreg s7  }
0x17: {  	s9 =	sadd.s32 s8, s5;
	s5 =	sadd.s32 $0x156C00, s5;
	s20 =	sadd.s32 s8, s1  }
0x18: {  	s1 =	simm.s32 $0x700;
	s8 =	simm.s32 $0x4;
	s19 =	sadd.s32 $0x8EC00, s9  }
0x19: {  	[dreg:$0xf] =	wrdreg s20;
	s9 =	sshrl.u32 s13, $0x3;
	s13 =	simm.s32 $0x400  }
0x1a: {  	s20 =	simm.s32 $0x8800;
	s0 =	sadd.s32 @!p0 s10, s5;
	[dreg:$0xe] =	wrdreg s19  }
0x1b: {  	s5 =	simm.s32 $0x3;
	s0 =	smov.u32 @p0 s6;
	[dreg:$0x10] =	wrdreg s9  }
0x1c: {  	s19 =	simm.s32 $0x1;
	[dreg:$0x11] =	wrdreg s0;
	s0 =	simm.s32 $0x780  }
.LBB2_1:
0x1d: {  	s6 =	rddreg [dreg:$0xa]  }
0x1e: {  	[spmem:s9], [sflag:s7] =	dma.local [hbm:s6], $0x1400  }
0x1f: {  	_ =	swait.ge [sflag:s12], $0x1400  }
0x20: {  	[sflag:s12] =	ssyncset.done $0x0  }
0x21: {  	[sflag:s12] =	ssyncadd.s32 $0xFFFFEC00  }
0x22: {  	[bflag:$0x0] =	sbarrier.arrive $0xFFFF  }
0x23: {  	s10 =	rddreg [dreg:$0xf]  }
0x24: {  	[tilespmem:s3], [sflag:$0x5] =	stream.linear.gather [hbm4b:s10+s3], $0x400, $0x38;
	[tilespmem:$0x1A800] =	vst v63  }
0x25: {  	_ =	swait.ge [sflag:s12], $0x400  }
0x26: {  	[sflag:s12] =	ssyncset.done $0x0  }
0x27: {  	s7 =	rddreg [dreg:$0xe];
	[sflag:s12] =	ssyncadd.s32 $0xFFFFFC00  }
0x28: {  	[tilespmem:s13], [sflag:$0x5] =	stream.linear.gather [hbm4b:s7+s3], $0x400, $0x38;
	[tilespmem:$0x1A800] =	vst v63  }
0x29: {  	_ =	swait.ge [sflag:s12], $0x400  }
0x2a: {  	[sflag:s12] =	ssyncset.done $0x0  }
0x2b: {  	[sflag:s12] =	ssyncadd.s32 $0xFFFFFC00  }
0x2c: {  	[tilespmem:s15], [sflag:$0x1] =	stream.indirect.gather [hbm4b:s4+s14], $0x40, s3, s14, $0xb8;
	[tilespmem:$0x1A800] =	vst v63  }
0x2d: {  	_ = 	snop  }
0x2e: {  	[tilespmem:s16], [sflag:$0x1] =	stream.indirect.gather [hbm4b:s4+s14], $0x40, s14, s14, $0xb8;
	[tilespmem:$0x1A800] =	vst v63  }
0x2f: {  	s9 =	rddreg [dreg:$0x4]  }
0x30: {  	[tilespmem:s17], [sflag:$0x1] =	stream.indirect.gather [hbm4b:s4+s14], $0x40, s9, s14, $0xb8;
	[tilespmem:$0x1A800] =	vst v63  }
0x31: {  	s11 =	rddreg [dreg:$0x5]  }
0x32: {  	[tilespmem:s18], [sflag:$0x1] =	stream.indirect.gather [hbm4b:s4+s14], $0x40, s11, s14, $0xb8;
	[tilespmem:$0x1A800] =	vst v63  }
0x33: {  	_ =	swait.ge [sflag:s19], $0x2000  }
0x34: {  	[sflag:s19] =	ssyncset.done $0x0  }
0x35: {  	[sflag:s19] =	ssyncadd.s32 $0xFFFFE000  }
0x36: {  	_ =	swait.ge [sflag:s19], $0x2000  }
0x37: {  	[sflag:s19] =	ssyncset.done $0x0  }
0x38: {  	[sflag:s19] =	ssyncadd.s32 $0xFFFFE000  }
0x39: {  	_ =	swait.ge [sflag:s19], $0x2000  }
0x3a: {  	[sflag:s19] =	ssyncset.done $0x0  }
0x3b: {  	[sflag:s19] =	ssyncadd.s32 $0xFFFFE000  }
0x3c: {  	_ =	swait.ge [sflag:s19], $0x2000  }
0x3d: {  	[sflag:s19] =	ssyncset.done $0x0  }
0x3e: {  	[sflag:s19] =	ssyncadd.s32 $0xFFFFE000  }
0x3f: {  	[spmem:s2] =	stream.indirect.scatter.add.f32 [tilespmem:s15], [sflag:$0x3], $0x40, s13, s14, $0xb8;
	[tilespmem:$0x1A800] =	vst v63  }
0x40: {  	s9 =	rddreg [dreg:$0x6]  }
0x41: {  	[spmem:s2] =	stream.indirect.scatter.add.f32 [tilespmem:s16], [sflag:$0x3], $0x40, s9, s14, $0xb8;
	[tilespmem:$0x1A800] =	vst v63  }
0x42: {  	s11 =	rddreg [dreg:$0x7]  }
0x43: {  	[spmem:s2] =	stream.indirect.scatter.add.f32 [tilespmem:s17], [sflag:$0x3], $0x40, s11, s14, $0xb8;
	[tilespmem:$0x1A800] =	vst v63  }
0x44: {  	s6 =	rddreg [dreg:$0x8]  }
0x45: {  	[spmem:s2] =	stream.indirect.scatter.add.f32 [tilespmem:s18], [sflag:$0x3], $0x40, s6, s14, $0xb8;
	[tilespmem:$0x1A800] =	vst v63  }
0x46: {  	s11 =	rddreg [dreg:$0x9]  }
0x47: {  	[tilespmem:s20], [sflag:$0x2] =	stream.indirect.gather [hbm4b:s4+s14], $0x40, s11, s14, $0xb8;
	[tilespmem:$0x1A800] =	vst v63  }
0x48: {  	_ = 	snop  }
0x49: {  	[tilespmem:s22], [sflag:$0x2] =	stream.indirect.gather [hbm4b:s4+s14], $0x40, s21, s14, $0xb8;
	[tilespmem:$0x1A800] =	vst v63  }
0x4a: {  	_ = 	snop  }
0x4b: {  	[tilespmem:s25], [sflag:$0x2] =	stream.indirect.gather [hbm4b:s4+s14], $0x40, s24, s14, $0xb8;
	[tilespmem:$0x1A800] =	vst v63  }
0x4c: {  	_ = 	snop  }
0x4d: {  	[tilespmem:s28], [sflag:$0x2] =	stream.indirect.gather [hbm4b:s4+s14], $0x40, s26, s14, $0xb8;
	[tilespmem:$0x1A800] =	vst v63  }
0x4e: {  	_ =	swait.ge [sflag:s29], $0x2000  }
0x4f: {  	[sflag:s29] =	ssyncset.done $0x0  }
0x50: {  	[sflag:s29] =	ssyncadd.s32 $0xFFFFE000  }
0x51: {  	_ =	swait.ge [sflag:s29], $0x2000  }
0x52: {  	[sflag:s29] =	ssyncset.done $0x0  }
0x53: {  	[sflag:s29] =	ssyncadd.s32 $0xFFFFE000  }
0x54: {  	_ =	swait.ge [sflag:s29], $0x2000  }
0x55: {  	[sflag:s29] =	ssyncset.done $0x0  }
0x56: {  	[sflag:s29] =	ssyncadd.s32 $0xFFFFE000  }
0x57: {  	_ =	swait.ge [sflag:s29], $0x2000  }
0x58: {  	[sflag:s29] =	ssyncset.done $0x0  }
0x59: {  	[sflag:s29] =	ssyncadd.s32 $0xFFFFE000  }
0x5a: {  	[spmem:s2] =	stream.indirect.scatter.add.f32 [tilespmem:s20], [sflag:$0x4], $0x40, s30, s14, $0xb8;
	[tilespmem:$0x1A800] =	vst v63  }
0x5b: {  	_ = 	snop  }
0x5c: {  	[spmem:s2] =	stream.indirect.scatter.add.f32 [tilespmem:s22], [sflag:$0x4], $0x40, s31, s14, $0xb8;
	[tilespmem:$0x1A800] =	vst v63  }
0x5d: {  	_ = 	snop  }
0x5e: {  	[spmem:s2] =	stream.indirect.scatter.add.f32 [tilespmem:s25], [sflag:$0x4], $0x40, s1, s14, $0xb8;
	[tilespmem:$0x1A800] =	vst v63  }
0x5f: {  	_ = 	snop  }
0x60: {  	[spmem:s2] =	stream.indirect.scatter.add.f32 [tilespmem:s28], [sflag:$0x4], $0x40, s0, s14, $0xb8;
	[tilespmem:$0x1A800] =	vst v63  }
0x61: {  	_ =	swait.ge [sflag:s5], $0x2000  }
0x62: {  	[sflag:s5] =	ssyncset.done $0x0  }
0x63: {  	[sflag:s5] =	ssyncadd.s32 $0xFFFFE000  }
0x64: {  	_ =	swait.ge [sflag:s5], $0x2000  }
0x65: {  	[sflag:s5] =	ssyncset.done $0x0  }
0x66: {  	[sflag:s5] =	ssyncadd.s32 $0xFFFFE000  }
0x67: {  	_ =	swait.ge [sflag:s5], $0x2000  }
0x68: {  	[sflag:s5] =	ssyncset.done $0x0  }
0x69: {  	[sflag:s5] =	ssyncadd.s32 $0xFFFFE000  }
0x6a: {  	_ =	swait.ge [sflag:s5], $0x2000  }
0x6b: {  	[sflag:s5] =	ssyncset.done $0x0  }
0x6c: {  	[sflag:s5] =	ssyncadd.s32 $0xFFFFE000  }
0x6d: {  	_ =	swait.ge [sflag:s8], $0x2000  }
0x6e: {  	[sflag:s8] =	ssyncset.done $0x0  }
0x6f: {  	[sflag:s8] =	ssyncadd.s32 $0xFFFFE000  }
0x70: {  	_ =	swait.ge [sflag:s8], $0x2000  }
0x71: {  	[sflag:s8] =	ssyncset.done $0x0  }
0x72: {  	[sflag:s8] =	ssyncadd.s32 $0xFFFFE000  }
0x73: {  	_ =	swait.ge [sflag:s8], $0x2000  }
0x74: {  	s11 =	rddreg [dreg:$0xc]  }
0x75: {  	p0 =	sne.s32 s11, $0x1  }
.Ltmp0:
0x76: {  	_ = 	snop;
	(pc) =	sbr.rel @!p0 .LBB2_3-.Ltmp0, $4  }
0x77: {  	[sflag:s8] =	ssyncset.done $0x0  }
0x78: {  	[sflag:s8] =	ssyncadd.s32 $0xFFFFE000  }
0x79: {  	_ =	swait.ge [sflag:s8], $0x2000  }
0x7a: {  	s9 =	smov.u32 s7;
	s6 =	sadd.s32 $0xFFFFFFFF, s11;
	[sflag:s8] =	ssyncset.done $0x0  }
.LBB2_2:
0x7b: {  	[sflag:s8] =	ssyncadd.s32 $0xFFFFE000;
	s10 =	sadd.s32 $0x80, s10  }
0x7c: {  	[tilespmem:s3], [sflag:$0x5] =	stream.linear.gather [hbm4b:s10+s3], $0x400, $0x38;
	[tilespmem:$0x1A800] =	vst v63  }
0x7d: {  	_ =	swait.ge [sflag:s12], $0x400  }
0x7e: {  	[sflag:s12] =	ssyncset.done $0x0  }
0x7f: {  	s9 =	sadd.s32 $0x80, s9;
	[sflag:s12] =	ssyncadd.s32 $0xFFFFFC00  }
0x80: {  	[tilespmem:s13], [sflag:$0x5] =	stream.linear.gather [hbm4b:s9+s3], $0x400, $0x38;
	[tilespmem:$0x1A800] =	vst v63  }
0x81: {  	_ =	swait.ge [sflag:s12], $0x400  }
0x82: {  	[sflag:s12] =	ssyncset.done $0x0  }
0x83: {  	[sflag:s12] =	ssyncadd.s32 $0xFFFFFC00  }
0x84: {  	[tilespmem:s15], [sflag:$0x1] =	stream.indirect.gather [hbm4b:s4+s14], $0x40, s3, s14, $0xb8;
	[tilespmem:$0x1A800] =	vst v63  }
0x85: {  	_ = 	snop  }
0x86: {  	[tilespmem:s16], [sflag:$0x1] =	stream.indirect.gather [hbm4b:s4+s14], $0x40, s14, s14, $0xb8;
	[tilespmem:$0x1A800] =	vst v63  }
0x87: {  	s7 =	rddreg [dreg:$0x4]  }
0x88: {  	[tilespmem:s17], [sflag:$0x1] =	stream.indirect.gather [hbm4b:s4+s14], $0x40, s7, s14, $0xb8;
	[tilespmem:$0x1A800] =	vst v63  }
0x89: {  	s11 =	rddreg [dreg:$0x5]  }
0x8a: {  	[tilespmem:s18], [sflag:$0x1] =	stream.indirect.gather [hbm4b:s4+s14], $0x40, s11, s14, $0xb8;
	[tilespmem:$0x1A800] =	vst v63  }
0x8b: {  	_ =	swait.ge [sflag:s19], $0x2000  }
0x8c: {  	[sflag:s19] =	ssyncset.done $0x0  }
0x8d: {  	[sflag:s19] =	ssyncadd.s32 $0xFFFFE000  }
0x8e: {  	_ =	swait.ge [sflag:s19], $0x2000  }
0x8f: {  	[sflag:s19] =	ssyncset.done $0x0  }
0x90: {  	[sflag:s19] =	ssyncadd.s32 $0xFFFFE000  }
0x91: {  	_ =	swait.ge [sflag:s19], $0x2000  }
0x92: {  	[sflag:s19] =	ssyncset.done $0x0  }
0x93: {  	[sflag:s19] =	ssyncadd.s32 $0xFFFFE000  }
0x94: {  	_ =	swait.ge [sflag:s19], $0x2000  }
0x95: {  	[sflag:s19] =	ssyncset.done $0x0  }
0x96: {  	[sflag:s19] =	ssyncadd.s32 $0xFFFFE000  }
0x97: {  	[spmem:s2] =	stream.indirect.scatter.add.f32 [tilespmem:s15], [sflag:$0x3], $0x40, s13, s14, $0xb8;
	[tilespmem:$0x1A800] =	vst v63  }
0x98: {  	s7 =	rddreg [dreg:$0x6]  }
0x99: {  	[spmem:s2] =	stream.indirect.scatter.add.f32 [tilespmem:s16], [sflag:$0x3], $0x40, s7, s14, $0xb8;
	[tilespmem:$0x1A800] =	vst v63  }
0x9a: {  	s11 =	rddreg [dreg:$0x7]  }
0x9b: {  	[spmem:s2] =	stream.indirect.scatter.add.f32 [tilespmem:s17], [sflag:$0x3], $0x40, s11, s14, $0xb8;
	[tilespmem:$0x1A800] =	vst v63  }
0x9c: {  	s7 =	rddreg [dreg:$0x8]  }
0x9d: {  	[spmem:s2] =	stream.indirect.scatter.add.f32 [tilespmem:s18], [sflag:$0x3], $0x40, s7, s14, $0xb8;
	[tilespmem:$0x1A800] =	vst v63  }
0x9e: {  	s11 =	rddreg [dreg:$0x9]  }
0x9f: {  	[tilespmem:s20], [sflag:$0x2] =	stream.indirect.gather [hbm4b:s4+s14], $0x40, s11, s14, $0xb8;
	[tilespmem:$0x1A800] =	vst v63  }
0xa0: {  	_ = 	snop  }
0xa1: {  	[tilespmem:s22], [sflag:$0x2] =	stream.indirect.gather [hbm4b:s4+s14], $0x40, s21, s14, $0xb8;
	[tilespmem:$0x1A800] =	vst v63  }
0xa2: {  	_ = 	snop  }
0xa3: {  	[tilespmem:s25], [sflag:$0x2] =	stream.indirect.gather [hbm4b:s4+s14], $0x40, s24, s14, $0xb8;
	[tilespmem:$0x1A800] =	vst v63  }
0xa4: {  	_ = 	snop  }
0xa5: {  	[tilespmem:s28], [sflag:$0x2] =	stream.indirect.gather [hbm4b:s4+s14], $0x40, s26, s14, $0xb8;
	[tilespmem:$0x1A800] =	vst v63  }
0xa6: {  	_ =	swait.ge [sflag:s29], $0x2000  }
0xa7: {  	[sflag:s29] =	ssyncset.done $0x0  }
0xa8: {  	[sflag:s29] =	ssyncadd.s32 $0xFFFFE000  }
0xa9: {  	_ =	swait.ge [sflag:s29], $0x2000  }
0xaa: {  	[sflag:s29] =	ssyncset.done $0x0  }
0xab: {  	[sflag:s29] =	ssyncadd.s32 $0xFFFFE000  }
0xac: {  	_ =	swait.ge [sflag:s29], $0x2000  }
0xad: {  	[sflag:s29] =	ssyncset.done $0x0  }
0xae: {  	[sflag:s29] =	ssyncadd.s32 $0xFFFFE000  }
0xaf: {  	_ =	swait.ge [sflag:s29], $0x2000  }
0xb0: {  	[sflag:s29] =	ssyncset.done $0x0  }
0xb1: {  	[sflag:s29] =	ssyncadd.s32 $0xFFFFE000  }
0xb2: {  	[spmem:s2] =	stream.indirect.scatter.add.f32 [tilespmem:s20], [sflag:$0x4], $0x40, s30, s14, $0xb8;
	[tilespmem:$0x1A800] =	vst v63  }
0xb3: {  	_ = 	snop  }
0xb4: {  	[spmem:s2] =	stream.indirect.scatter.add.f32 [tilespmem:s22], [sflag:$0x4], $0x40, s31, s14, $0xb8;
	[tilespmem:$0x1A800] =	vst v63  }
0xb5: {  	_ = 	snop  }
0xb6: {  	[spmem:s2] =	stream.indirect.scatter.add.f32 [tilespmem:s25], [sflag:$0x4], $0x40, s1, s14, $0xb8;
	[tilespmem:$0x1A800] =	vst v63  }
0xb7: {  	_ = 	snop  }
0xb8: {  	[spmem:s2] =	stream.indirect.scatter.add.f32 [tilespmem:s28], [sflag:$0x4], $0x40, s0, s14, $0xb8;
	[tilespmem:$0x1A800] =	vst v63  }
0xb9: {  	_ =	swait.ge [sflag:s5], $0x2000  }
0xba: {  	[sflag:s5] =	ssyncset.done $0x0  }
0xbb: {  	[sflag:s5] =	ssyncadd.s32 $0xFFFFE000  }
0xbc: {  	_ =	swait.ge [sflag:s5], $0x2000  }
0xbd: {  	[sflag:s5] =	ssyncset.done $0x0  }
0xbe: {  	[sflag:s5] =	ssyncadd.s32 $0xFFFFE000  }
0xbf: {  	_ =	swait.ge [sflag:s5], $0x2000  }
0xc0: {  	[sflag:s5] =	ssyncset.done $0x0  }
0xc1: {  	[sflag:s5] =	ssyncadd.s32 $0xFFFFE000  }
0xc2: {  	_ =	swait.ge [sflag:s5], $0x2000  }
0xc3: {  	[sflag:s5] =	ssyncset.done $0x0  }
0xc4: {  	[sflag:s5] =	ssyncadd.s32 $0xFFFFE000  }
0xc5: {  	_ =	swait.ge [sflag:s8], $0x2000  }
0xc6: {  	[sflag:s8] =	ssyncset.done $0x0  }
0xc7: {  	[sflag:s8] =	ssyncadd.s32 $0xFFFFE000  }
0xc8: {  	_ =	swait.ge [sflag:s8], $0x2000  }
0xc9: {  	[sflag:s8] =	ssyncset.done $0x0  }
0xca: {  	p0 =	sne.s32 s6, $0x1;
	[sflag:s8] =	ssyncadd.s32 $0xFFFFE000  }
.Ltmp1:
0xcb: {  	_ =	swait.ge [sflag:s8], $0x2000;
	(pc) =	sbr.rel @p0 .LBB2_2-.Ltmp1, $4  }
0xcc: {  	[sflag:s8] =	ssyncset.done $0x0  }
0xcd: {  	[sflag:s8] =	ssyncadd.s32 $0xFFFFE000  }
0xce: {  	_ =	swait.ge [sflag:s8], $0x2000  }
0xcf: {  	s6 =	sadd.s32 $0xFFFFFFFF, s6;
	[sflag:s8] =	ssyncset.done $0x0  }
.LBB2_3:
0xd0: {  	[sflag:s8] =	ssyncadd.s32 $0xFFFFE000  }
0xd1: {  	[bflag:$0x0] =	sbarrier.arrive $0xFFFF  }
0xd2: {  	s7 =	rddreg [dreg:$0xb]  }
0xd3: {  	s9 =	rddreg [dreg:$0x10]  }
0xd4: {  	s6 =	rddreg [dreg:$0x11]  }
0xd5: {  	[hbm:s6], [sflag:s7] =	dma.local [spmem:s9], $0x1400  }
0xd6: {  	_ =	swait.ge [sflag:s12], $0x1400  }
0xd7: {  	s23 =	sadd.s32 $0x1, s23;
	s11 =	rddreg [dreg:$0xd]  }
0xd8: {  	p0 =	sne.s32 s23, s11  }
.Ltmp2:
0xd9: {  	_ = 	snop;
	(pc) =	sbr.rel @p0 .LBB2_1-.Ltmp2, $3  }
0xda: {  	_ =	sdelay $0x1  }
0xdb: {  	[sflag:s12] =	ssyncset.done $0x0  }
0xdc: {  	[sflag:s12] =	ssyncadd.s32 $0xFFFFEC00  }
0xdd: {  	_ =	sfence.sel $0x180000  }
0xde: {  	[bflag:$0x0] =	sbarrier.arrive $0xFFFF  }
0xdf: {  	_ =	strace $0x9000004D  }
0xe0: {  	s0 =	stileid.u32;
	[bflag:$0x2] =	sbarrier.arrive $0xFFFF  }
0xe1: {  	p0 =	sne.s32 s0, $0x0;
	s0 =	rddreg [dreg:$0x3]  }
0xe2: {  	s0 =	sadd.s32 @!p0 $0x100000, s0  }
0xe3: {  	[sflag:s0] =	ssyncadd.tile.s32 @!p0 $0x1;
	_ =	shalt  }
.Lfunc_end2:
_tile_overlayer_lowered:
.L_overlay_start_2:
0xe4: {  	(tag) =	ssettag $0x2  }
0xe5: {  	s0 =	rddreg [dreg:$0x0];
	s2 =	stileid.u32  }
0xe6: {  	s1 =	rddreg [dreg:$0x1];
	p0 =	sne.s32 s2, $0x0  }
0xe7: {  	s3 =	rddreg [dreg:$0x2];
	[bflag:$0x3] =	sbarrier.arrive $0xFFFF;
	s2 =	simm.s32 @!p0 $0x1C05  }
0xe8: {  	[timem:s3], [sflag:s2] =	dma.local @!p0 [hbm:s0], s1  }
0xe9: {  	s0 =	simm.s32 @!p0 $0x5  }
0xea: {  	_ =	swait.ge @!p0 [sflag:s0], s1  }
0xeb: {  	s1 =	ssub.s32 @!p0 $0x0, s1;
	[sflag:s0] =	ssyncset.done @!p0 $0x0  }
0xec: {  	[sflag:s0] =	ssyncadd.s32 @!p0 s1  }
0xed: {  	[bflag:$0x3] =	sbarrier.arrive $0xFFFF  }
0xee: {  	_ =	shalt  }

// kernel: kernel.8.cloned.1.call-start
scs
__scs_entry_jumppad:
0x0: {  	(pc) =	sbr.rel $0x88, $3  }
0x1: {  	(tag) =	ssettag $0x0;
	lr =	simm.s32 $0x1  }
0x2: {  	[smem:$0x3F96] =	sst lr;
	_ =	strace $0xD0000000  }
0x3: {  	_ = 	snop  }
0x4: {  	_ = 	snop  }
0x5: {  	_ = 	snop  }
0x6: {  	_ = 	snop  }
0x7: {  	_ = 	snop  }
__scs_overlays_trampoline_lowered:
0x8: {  	[smem:$0x3FA5] =	sst s0  }
0x9: {  	[smem:$0x3FA6] =	sst s1  }
0xa: {  	[smem:$0x3FA7] =	sst s2  }
0xb: {  	[smem:$0x3FA8] =	sst s3  }
0xc: {  	[smem:$0x3FA9] =	sst s4  }
0xd: {  	[smem:$0x3FAA] =	sst s5  }
0xe: {  	[smem:$0x3FAB] =	sst s6  }
0xf: {  	[smem:$0x3FAC] =	sst s7  }
0x10: {  	[smem:$0x3FAD] =	sst s8  }
0x11: {  	[smem:$0x3FAE] =	sst s9;
	s0 =	simm.s32 @!p0 $0x0  }
0x12: {  	s1 =	sld [smem:$0x3F94];
	s0 =	simm.s32 @p0 $0x1  }
0x13: {  	[smem:$0x3FAF] =	sst s0;
	s0 =	simm.s32 @!p1 $0x0  }
0x14: {  	s2 =	sld [smem:$0x3F93];
	s0 =	simm.s32 @p1 $0x1  }
0x15: {  	[smem:$0x3FB0] =	sst s0;
	s0 =	simm.s32 @!p2 $0x0  }
0x16: {  	s3 =	sld [smem:$0x3FDB];
	s0 =	simm.s32 @p2 $0x1  }
0x17: {  	s4 =	simm.s32 $0x1BF5;
	[smem:$0x3FB2] =	sst s0  }
0x18: {  	s0 =	sld [smem:$0x3F95];
	_ =	swait.ge [sflag:s4], $0x0  }
0x19: {  	s7 =	sld [smem:$0x3F96]  }
0x1a: {  	s8 =	sadd.s32 $0xFFFFE003, lr  }
0x1b: {  	s9 =	sadd.s32 $0xFFFFFEF7, lr;
	s5 =	simm.s32 $0xFFFFFFFF;
	p2 =	slt.u32 s8, $0xFFFFF086  }
0x1c: {  	p1 =	slt.u32 s9, $0xF7A;
	s5 =	simm.s32 @!p2 $0x0  }
0x1d: {  	s5 =	simm.s32 @p1 $0x1;
	p0 =	seq.s32 s7, s2  }
0x1e: {  	s7 =	smul.u32 @!p0 $0xF7A, s2;
	p2 =	seq.s32 @!p0 s5, $0x0  }
0x1f: {  	s9 =	smul.u32 $0xF7A, s1;
	s8 =	simm.s32 @!p0 $0x1BF5;
	p2 =	por !p2, p0  }
0x20: {  	[sflag:s8] =	ssyncset.s32 @!p0 $0xFFFFF086;
	s6 =	sadd.s32 @!p0 s3, s7;
	s7 =	simm.s32 @!p0 $0x108  }
0x21: {  	s3 =	sadd.s32 s3, s9;
	s6 =	sadd.s32 @!p0 $0x88, s6;
	s7 =	simm.s32 @p2 $0x1082  }
0x22: {  	[simem:s7], [sflag:s8] =	dma.local @!p0 [hbm:s6], $0xF7A  }
0x23: {  	s9 =	sor.u32 $0xD0000000, s2;
	s6 =	simm.s32 $0x108;
	_ =	swait.ge @!p0 [sflag:s8], $0x0  }
0x24: {  	s3 =	sadd.s32 $0x88, s3;
	s6 =	simm.s32 @!p1 $0x1082;
	[sflag:s4] =	ssyncset.s32 $0xFFFFF086  }
0x25: {  	[simem:s6], [sflag:s4] =	dma.local [hbm:s3], $0xF7A  }
0x26: {  	[smem:$0x3F96] =	sst s1;
	(tag) =	ssettag s2;
	_ =	strace s9  }
0x27: {  	s1 =	sld [smem:$0x3FA6]  }
0x28: {  	s2 =	sld [smem:$0x3FA7]  }
0x29: {  	s4 =	sld [smem:$0x3FA9]  }
0x2a: {  	p0 =	seq.s32 s5, $0x0;
	s5 =	sld [smem:$0x3FAA]  }
0x2b: {  	s6 =	sld [smem:$0x3FAB]  }
0x2c: {  	s7 =	sld [smem:$0x3FAC]  }
0x2d: {  	s3 =	simm.s32 $0x108;
	s8 =	sld [smem:$0x3FAD]  }
0x2e: {  	s3 =	simm.s32 @!p0 $0x1082;
	s9 =	sld [smem:$0x3FAE]  }
0x2f: {  	lr =	sadd.s32 s0, s3;
	s0 =	sld [smem:$0x3FA5]  }
0x30: {  	s3 =	sld [smem:$0x3FA8]  }
0x31: {  	[smem:$0x3FB1] =	sst s10  }
0x32: {  	s10 =	sld [smem:$0x3FAF];
	_ =	sdelay $0x3  }
0x33: {  	p0 =	seq.s32 s10, $0x1;
	s10 =	sld [smem:$0x3FB1];
	_ =	sdelay $0x3  }
0x34: {  	[smem:$0x3FB1] =	sst s10  }
0x35: {  	s10 =	sld [smem:$0x3FB0];
	_ =	sdelay $0x3  }
0x36: {  	p1 =	seq.s32 s10, $0x1;
	s10 =	sld [smem:$0x3FB1];
	_ =	sdelay $0x3  }
0x37: {  	[smem:$0x3FB1] =	sst s10  }
0x38: {  	s10 =	sld [smem:$0x3FB2]  }
0x39: {  	_ = 	snop;
	(pc) =	sbr.ind lr, $3  }
0x3a: {  	_ = 	snop  }
0x3b: {  	_ = 	snop  }
0x3c: {  	p2 =	seq.s32 s10, $0x1;
	s10 =	sld [smem:$0x3FB1]  }
0x3d: {  	_ =	shalt  }
0x3e: {  	_ =	shalt  }
0x3f: {  	_ =	shalt  }
0x40: {  	_ =	shalt  }
0x41: {  	_ =	shalt  }
0x42: {  	_ =	shalt  }
0x43: {  	_ =	shalt  }
0x44: {  	_ =	shalt  }
0x45: {  	_ =	shalt  }
0x46: {  	_ =	shalt  }
0x47: {  	_ =	shalt  }
0x48: {  	_ =	shalt  }
0x49: {  	_ =	shalt  }
0x4a: {  	_ =	shalt  }
0x4b: {  	_ =	shalt  }
0x4c: {  	_ =	shalt  }
0x4d: {  	_ =	shalt  }
0x4e: {  	_ =	shalt  }
0x4f: {  	_ =	shalt  }
0x50: {  	_ =	shalt  }
0x51: {  	_ =	shalt  }
0x52: {  	_ =	shalt  }
0x53: {  	_ =	shalt  }
0x54: {  	_ =	shalt  }
0x55: {  	_ =	shalt  }
0x56: {  	_ =	shalt  }
0x57: {  	_ =	shalt  }
0x58: {  	_ =	shalt  }
0x59: {  	_ =	shalt  }
0x5a: {  	_ =	shalt  }
0x5b: {  	_ =	shalt  }
0x5c: {  	_ =	shalt  }
0x5d: {  	_ =	shalt  }
0x5e: {  	_ =	shalt  }
0x5f: {  	_ =	shalt  }
0x60: {  	_ =	shalt  }
0x61: {  	_ =	shalt  }
0x62: {  	_ =	shalt  }
0x63: {  	_ =	shalt  }
0x64: {  	_ =	shalt  }
0x65: {  	_ =	shalt  }
0x66: {  	_ =	shalt  }
0x67: {  	_ =	shalt  }
0x68: {  	_ =	shalt  }
0x69: {  	_ =	shalt  }
0x6a: {  	_ =	shalt  }
0x6b: {  	_ =	shalt  }
0x6c: {  	_ =	shalt  }
0x6d: {  	_ =	shalt  }
0x6e: {  	_ =	shalt  }
0x6f: {  	_ =	shalt  }
0x70: {  	_ =	shalt  }
0x71: {  	_ =	shalt  }
0x72: {  	_ =	shalt  }
0x73: {  	_ =	shalt  }
0x74: {  	_ =	shalt  }
0x75: {  	_ =	shalt  }
0x76: {  	_ =	shalt  }
0x77: {  	_ =	shalt  }
0x78: {  	_ =	shalt  }
0x79: {  	_ =	shalt  }
0x7a: {  	_ =	shalt  }
0x7b: {  	_ =	shalt  }
0x7c: {  	_ =	shalt  }
0x7d: {  	_ =	shalt  }
0x7e: {  	_ =	shalt  }
0x7f: {  	_ =	shalt  }
0x80: {  	_ =	shalt  }
0x81: {  	_ =	shalt  }
0x82: {  	_ =	shalt  }
0x83: {  	_ =	shalt  }
0x84: {  	_ =	shalt  }
0x85: {  	_ =	shalt  }
0x86: {  	_ =	shalt  }
0x87: {  	_ =	shalt  }
.Lfunc_end0:
.L_simem_size_0:
called_computation_lowered:
.L_overlay_start_0:
0x88: {  	s2 =	sld [smem:$0x3FD9]  }
0x89: {  	s3 =	sld [smem:$0x3FFE];
	_ =	sdelay $0x1  }
0x8a: {  	s1 =	srdreg.scid  }
0x8b: {  	s0 =	sand.u32 $0x1, s1  }
0x8c: {  	s15 =	sshll.u32 s0, $0xA;
	s2 =	sadd.s32 s3, s2  }
0x8d: {  	s2 =	sadd.s32 s2, s15  }
0x8e: {  	[smem:$0x3FBD] =	sst s2  }
0x8f: {  	_ = 	snop  }
0x90: {  	s2 =	sld [smem:$0x3FD0];
	_ =	sdelay $0x2  }
0x91: {  	s5 =	simm.s32 $0xB;
	s16 =	simm.s32 $0x10  }
0x92: {  	[smem:s16], [sflag:s5] =	dma.local [hbm:s2], $0x1  }
0x93: {  	_ =	swait.eq [sflag:s5], $0x1  }
0x94: {  	s4 =	sld [smem:$0x10];
	[sflag:s5] =	ssyncset.done $0x0  }
0x95: {  	s17 =	sld [smem:$0x12];
	[sflag:s5] =	ssyncadd.s32 $0xFFFFFFFF  }
0x96: {  	s18 =	sld [smem:$0x14];
	(tm) =	ssettm $0x1  }
0x97: {  	s19 =	sld [smem:$0x3FFB];
	_ =	sdelay $0x3  }
0x98: {  	_ =	strace s19  }
0x99: {  	s2 =	sld [smem:$0x3FFC];
	_ =	sdelay $0x3  }
0x9a: {  	_ =	strace s2  }
0x9b: {  	s2 =	sld [smem:$0x3FFD];
	_ =	sdelay $0x3  }
0x9c: {  	_ =	strace s2  }
0x9d: {  	_ =	strace $0x8FFFFFFF  }
0x9e: {  	s20 =	sld [smem:$0x3FDB];
	_ =	sdelay $0x1  }
0x9f: {  	s6 =	simm.s32 $_scs_section_size  }
0xa0: {  	s7 =	simm.s32 $_size__tile_overlayer_lowered;
	s8 =	simm.s32 $_tile_overlayer_lowered  }
0xa1: {  	s9 =	simm.s32 $0x1BFF;
	s21 =	sshll.u32 s8, $0x1;
	s6 =	sadd.s32 s6, s20  }
0xa2: {  	s22 =	simm.s32 $0x0;
	s7 =	sshll.u32 s7, $0x1;
	s8 =	sadd.s32 s21, s6  }
0xa3: {  	[timem:s22], [sflag:s9] =	dma.local [hbm:s8], s7  }
0xa4: {  	_ =	swait.ge [sflag:s9], s7  }
0xa5: {  	s7 =	ssub.s32 $0x0, s7;
	[sflag:s9] =	ssyncset.done $0x0  }
0xa6: {  	[sflag:s9] =	ssyncadd.s32 s7;
	_ =	sdelay $0x1  }
0xa7: {  	s23 =	simm.s32 $0x1B8B  }
0xa8: {  	_ =	swait.ge [sflag:s23], $0x1  }
0xa9: {  	[sflag:s23] =	ssyncset.done $0x0  }
0xaa: {  	[sflag:s23] =	ssyncadd.s32 $0xFFFFFFFF  }
0xab: {  	s7 =	sld [smem:$0x0]  }
0xac: {  	s8 =	sand.u32 $0xFFFFFFFE, s1  }
0xad: {  	p0 =	sne.s32 s1, s8  }
0xae: {  	s8 =	sshll.u32 @p0 s8, $0xE  }
0xaf: {  	s8 =	sadd.s32 @p0 $0x11B8D, s8;
	s9 =	sshll.u32 @p0 s7, $0x11  }
0xb0: {  	s8 =	sor.u32 @p0 s9, s8  }
0xb1: {  	[sflag:s8] =	ssyncadd.remote.s32 @p0 $0x1;
	_ =	sdelay $0x1  }
0xb2: {  	s8 =	simm.s32 @p0 $0x1B8D  }
0xb3: {  	_ =	swait.eq @p0 [sflag:s8], $0x1  }
0xb4: {  	[sflag:s8] =	ssyncadd.s32 @p0 $0xFFFFFFFF  }
0xb5: {  	s9 =	sshll.u32 @!p0 s1, $0xE  }
0xb6: {  	s9 =	sor.u32 @!p0 $0x4000, s9;
	s8 =	simm.s32 @!p0 $0x1B8D  }
0xb7: {  	s7 =	sshll.u32 @!p0 s7, $0x11;
	s9 =	sadd.s32 @!p0 $0x11B8D, s9;
	_ =	swait.eq @!p0 [sflag:s8], $0x1  }
0xb8: {  	s7 =	sor.u32 @!p0 s7, s9;
	[sflag:s8] =	ssyncadd.s32 @!p0 $0xFFFFFFFF  }
0xb9: {  	s25 =	simm.s32 $0x1B8E;
	s24 =	sld [smem:$0x3FFE];
	[sflag:s7] =	ssyncadd.remote.s32 @!p0 $0x1  }
0xba: {  	s26 =	simm.s32 $execute0_lowered;
	[smem:$0x3FD2] =	sst s25  }
0xbb: {  	s8 =	sshll.u32 s26, $0x1;
	_ =	strace $0x80000049;
	[dreg:$0x1] =	wrdreg $0xFFFFFFFF  }
0xbc: {  	s28 =	simm.s32 $_size_execute0_lowered;
	s6 =	sadd.s32 s6, s8;
	[dreg:$0x0] =	wrdreg $0x0  }
0xbd: {  	s8 =	sshll.u32 s28, $0x1;
	[dreg:$0x2] =	wrdreg s6  }
0xbe: {  	[dreg:$0x3] =	wrdreg s8  }
0xbf: {  	[dreg:$0x4] =	wrdreg $0xC0  }
0xc0: {  	_ =	task [dreg:s22], $0x5FFFF  }
0xc1: {  	[dreg:$0x1] =	wrdreg $0xFFFFFFFF  }
0xc2: {  	[dreg:$0x0] =	wrdreg $0x60  }
0xc3: {  	[dreg:$0x2] =	wrdreg s4  }
0xc4: {  	[dreg:$0x3] =	wrdreg s24  }
0xc5: {  	[dreg:$0x4] =	wrdreg s18  }
0xc6: {  	[dreg:$0x5] =	wrdreg s17  }
0xc7: {  	[dreg:$0x6] =	wrdreg $0x61000  }
0xc8: {  	[dreg:$0x7] =	wrdreg $0x89000  }
0xc9: {  	[dreg:$0x8] =	wrdreg $0x9  }
0xca: {  	_ =	task.clear_ibuf [dreg:s22], $0x9FFFF;
	_ =	strace $0x90000049  }
0xcb: {  	s29 =	simm.s32 $0x9;
	_ =	strace $0x8000004B  }
0xcc: {  	_ =	swait.ge [sflag:s29], $0x1  }
0xcd: {  	[sflag:s29] =	ssyncadd.s32 $0xFFFFFFFF  }
0xce: {  	_ =	strace $0x9000004B  }
0xcf: {  	_ =	sfence  }
0xd0: {  	s30 =	sld [smem:$0x0];
	_ =	sdelay $0x2  }
0xd1: {  	s31 =	sshll.u32 s1, $0xD;
	s1 =	sshrl.u32 s1, $0x2  }
0xd2: {  	s4 =	sand.u32 $0x4000, s31;
	s1 =	sadd.s32 s1, s30  }
0xd3: {  	s0 =	sor.u32 s4, s0;
	s1 =	sshll.u32 s1, $0x11  }
0xd4: {  	s0 =	sor.u32 s1, s0  }
0xd5: {  	s0 =	sadd.s32 $0x8F2B, s0  }
0xd6: {  	[sflag:s0] =	ssyncadd.remote.s32 $0x1  }
0xd7: {  	_ =	sfence.sel $0xFFFF  }
0xd8: {  	[dreg:$0x0] =	wrdreg $0xFFFFFFFF;
	(pc) =	sbr.abs _section_cstart, $3  }
0xd9: {  	[dreg:$0x1] =	wrdreg $0xFFFFFFFF  }
0xda: {  	_ =	task.clear_ibuf [dreg:s22], $0x2FFFF;
	_ =	strace $0x9FFFFFFF  }
0xdb: {  	(tm) =	ssettm $0x7FFFFFFF  }
tec
execute0_lowered:
.L_overlay_start_1:
0x0: {  	(tag) =	ssettag $0x1  }
0x1: {  	s1 =	rddreg [dreg:$0x0]  }
0x2: {  	s7 =	rddreg [dreg:$0x1]  }
0x3: {  	s2 =	rddreg [dreg:$0x2]  }
0x4: {  	s12 =	rddreg [dreg:$0x3]  }
0x5: {  	s10 =	rddreg [dreg:$0x4]  }
0x6: {  	s3 =	rddreg [dreg:$0x5]  }
0x7: {  	s0 =	rddreg [dreg:$0x6]  }
0x8: {  	s5 =	simm.s32 $0x0;
	s6 =	srdreg.scid;
	s4 =	stileid.u32  }
0x9: {  	s16 =	simm.s32 $0x1;
	s17 =	simm.s32 $0x400;
	s18 =	simm.s32 $0x3400  }
0xa: {  	s19 =	simm.s32 $0x5E80;
	s21 =	simm.s32 $0x800;
	s22 =	simm.s32 $0x0  }
0xb: {  	[smem:$0x7FF] =	sst s5;
	s20 =	sand.u32 $0x1, s6;
	s9 =	smul.u32 $0xA000, s4  }
0xc: {  	s6 =	sadd.s32 $0x8EC00, s7;
	s7 =	sadd.s32 $0xD4C00, s7;
	s13 =	smul.u32 $0x280, s4  }
0xd: {  	_ =	strace $0x8000004A;
	s8 =	ssub.s32 $0x2, s20;
	s15 =	sshll.u32 s20, $0x4  }
0xe: {  	p0 =	sne.s32 s20, $0x0;
	s11 =	sshrl.u32 s8, $0x1;
	s9 =	sshrl.u32 s9, $0x2  }
0xf: {  	s20 =	simm.s32 $0x5C00;
	s14 =	ssub.s32 s8, s11;
	s9 =	sadd.s32 s9, s10  }
0x10: {  	s10 =	sadd.s32 s13, s10;
	s11 =	sadd.s32 s13, s3;
	s13 =	sshrl.u32 s13, $0x3  }
0x11: {  	s15 =	sor.u32 s4, s15;
	s8 =	smul.u32 $0x5000, s4;
	s12 =	sadd.s32 s12, s13  }
0x12: {  	v0 =	vimm.f32 $0.0e+00;
	s13 =	smul.u32 $0x2800, s15;
	s14 =	smax.u32 s14, $0x1;
	s15 =	simm.s32 $0xC00  }
.LBB2_1:
0x13: {  	[tilespmem:s15], [sflag:$0x1] =	stream.linear.gather [hbm4b:s2+s5], $0x2800, $0x38;
	[tilespmem:$0x8B80] =	vst v63  }
0x14: {  	_ =	swait.ge [sflag:s16], $0x2800  }
0x15: {  	[sflag:s16] =	ssyncset.done $0x0  }
0x16: {  	s23 =	simm.s32 $0x40;
	s24 =	simm.s32 $0x0;
	[sflag:s16] =	ssyncadd.s32 $0xFFFFD800  }
.LBB2_2:
0x17: {  	p1 =	sne.s32 s23, $0x9FC0;
	[tilespmem:s24+$0x3400] =	vst v0;
	s24 =	smov.u32 s23;
	s23 =	sadd.s32 $0x40, s23  }
.Ltmp0:
0x18: {  	(pc) =	sbr.rel @p1 .LBB2_2-.Ltmp0, $2  }
0x19: {  	_ =	sdelay $0x2  }
0x1a: {  	s24 =	sshra.s32 s24, $0x2  }
0x1b: {  	[tilespmem:s24+$0x3400] =	vst v0;
	s23 =	simm.s32 $0x0;
	s24 =	simm.s32 $0x0  }
.LBB2_4:
0x1c: {  	s25 =	sshll.u32 s24, $0xA  }
0x1d: {  	s25 =	sadd.s32 s8, s25  }
0x1e: {  	s25 =	sshrl.u32 s25, $0x3  }
0x1f: {  	s26 =	sadd.s32 s1, s25  }
0x20: {  	[tilespmem:s23], [sflag:$0x1] =	stream.linear.gather [hbm4b:s26+s23], $0x400, $0x38;
	[tilespmem:$0x8B80] =	vst v63  }
0x21: {  	_ =	swait.ge [sflag:s16], $0x400  }
0x22: {  	[sflag:s16] =	ssyncset.done $0x0  }
0x23: {  	s25 =	sadd.s32 s6, s25;
	[sflag:s16] =	ssyncadd.s32 $0xFFFFFC00  }
0x24: {  	[tilespmem:s17], [sflag:$0x1] =	stream.linear.gather [hbm4b:s25+s23], $0x400, $0x38;
	[tilespmem:$0x8B80] =	vst v63  }
0x25: {  	_ =	swait.ge [sflag:s16], $0x400  }
0x26: {  	[sflag:s16] =	ssyncset.done $0x0  }
0x27: {  	s26 =	simm.s32 $0x0;
	s25 =	simm.s32 $0x40;
	[sflag:s16] =	ssyncadd.s32 $0xFFFFFC00  }
.LBB2_5:
0x28: {  	p1 =	sne.s32 s25, $0xFC0;
	v1 =	vld [tilespmem:s26+$0x0];
	_ =	sdelay $0x5  }
0x29: {  	v2 =	vld [tilespmem:s26+$0x400];
	_ =	sdelay $0x1  }
0x2a: {  	v1 =	vld.idx.msk [tilespmem:v1+s15+$0x0], $0xffff;
	_ =	sdelay $0x1  }
.Ltmp1:
0x2b: {  	(pc) =	sbr.rel @p1 .LBB2_5-.Ltmp1, $2  }
0x2c: {  	_ =	sdelay $0x2  }
0x2d: {  	s26 =	sshra.s32 s25, $0x2;
	s25 =	sadd.s32 $0x40, s25;
	[tilespmem:v2+s18+$0x0] =	vst.idx.add.f32.msk $0xffff, v1  }
0x2e: {  	v1 =	vld [tilespmem:s26+$0x0];
	_ =	sdelay $0x4  }
0x2f: {  	v2 =	vld [tilespmem:s26+$0x400];
	_ =	sdelay $0x1  }
0x30: {  	s24 =	sadd.s32 $0x1, s24  }
0x31: {  	p1 =	sne.s32 s24, $0x14;
	v1 =	vld.idx.msk [tilespmem:v1+s15+$0x0], $0xffff  }
.Ltmp2:
0x32: {  	_ = 	snop;
	(pc) =	sbr.rel @p1 .LBB2_4-.Ltmp2, $2  }
0x33: {  	_ =	sdelay $0x2  }
0x34: {  	[tilespmem:v2+s18+$0x0] =	vst.idx.add.f32.msk $0xffff, v1  }
0x35: {  	[spmem:s9] =	stream.linear.scatter [tilespmem:s18], [sflag:$0x1], $0x2800, $0x38;
	[tilespmem:$0x8B80] =	vst v63  }
0x36: {  	_ =	swait.ge [sflag:s16], $0x2800  }
0x37: {  	[sflag:s16] =	ssyncset.done $0x0  }
0x38: {  	[sflag:s16] =	ssyncadd.s32 $0xFFFFD800  }
0x39: {  	[bflag:$0x0] =	sbarrier.arrive $0xFFFF  }
0x3a: {  	[tilespmem:$0x5C00] =	vst v0  }
0x3b: {  	[tilespmem:$0x5C10] =	vst v0  }
0x3c: {  	[tilespmem:$0x5C20] =	vst v0  }
0x3d: {  	[tilespmem:$0x5C30] =	vst v0  }
0x3e: {  	[tilespmem:$0x5C40] =	vst v0  }
0x3f: {  	[tilespmem:$0x5C50] =	vst v0  }
0x40: {  	[tilespmem:$0x5C60] =	vst v0  }
0x41: {  	[tilespmem:$0x5C70] =	vst v0  }
0x42: {  	[tilespmem:$0x5C80] =	vst v0  }
0x43: {  	[tilespmem:$0x5C90] =	vst v0  }
0x44: {  	[tilespmem:$0x5CA0] =	vst v0  }
0x45: {  	[tilespmem:$0x5CB0] =	vst v0  }
0x46: {  	[tilespmem:$0x5CC0] =	vst v0  }
0x47: {  	[tilespmem:$0x5CD0] =	vst v0  }
0x48: {  	[tilespmem:$0x5CE0] =	vst v0  }
0x49: {  	[tilespmem:$0x5CF0] =	vst v0  }
0x4a: {  	[tilespmem:$0x5D00] =	vst v0  }
0x4b: {  	[tilespmem:$0x5D10] =	vst v0  }
0x4c: {  	[tilespmem:$0x5D20] =	vst v0  }
0x4d: {  	[tilespmem:$0x5D30] =	vst v0  }
0x4e: {  	[tilespmem:$0x5D40] =	vst v0  }
0x4f: {  	[tilespmem:$0x5D50] =	vst v0  }
0x50: {  	[tilespmem:$0x5D60] =	vst v0  }
0x51: {  	[tilespmem:$0x5D70] =	vst v0  }
0x52: {  	[tilespmem:$0x5D80] =	vst v0  }
0x53: {  	[tilespmem:$0x5D90] =	vst v0  }
0x54: {  	[tilespmem:$0x5DA0] =	vst v0  }
0x55: {  	[tilespmem:$0x5DB0] =	vst v0  }
0x56: {  	[tilespmem:$0x5DC0] =	vst v0  }
0x57: {  	[tilespmem:$0x5DD0] =	vst v0  }
0x58: {  	[tilespmem:$0x5DE0] =	vst v0  }
0x59: {  	[tilespmem:$0x5DF0] =	vst v0  }
0x5a: {  	[tilespmem:$0x5E00] =	vst v0  }
0x5b: {  	[tilespmem:$0x5E10] =	vst v0  }
0x5c: {  	[tilespmem:$0x5E20] =	vst v0  }
0x5d: {  	[tilespmem:$0x5E30] =	vst v0  }
0x5e: {  	[tilespmem:$0x5E40] =	vst v0  }
0x5f: {  	[tilespmem:$0x5E50] =	vst v0  }
0x60: {  	[tilespmem:$0x5E60] =	vst v0  }
0x61: {  	s23 =	simm.s32 $0x0;
	[tilespmem:$0x5E70] =	vst v0  }
.LBB2_8:
0x62: {  	s24 =	smul.u32 $0xA000, s23;
	_ =	sdelay $0x1  }
0x63: {  	s24 =	sshra.s32 s24, $0x2  }
0x64: {  	s24 =	sadd.s32 s24, s10  }
0x65: {  	[tilespmem:s19], [sflag:$0x1] =	stream.linear.gather [spmem:s24], $0x280, $0x38;
	[tilespmem:$0x8B80] =	vst v63  }
0x66: {  	_ =	swait.ge [sflag:s16], $0x280  }
0x67: {  	[sflag:s16] =	ssyncset.done $0x0  }
0x68: {  	s24 =	simm.s32 $0x0;
	[sflag:s16] =	ssyncadd.s32 $0xFFFFFD80  }
0x69: {  	s25 =	simm.s32 $0x40;
	v1 =	vld [tilespmem:s24+$0x5E80]  }
.LBB2_9:
0x6a: {  	p1 =	sne.s32 s25, $0x9C0;
	v2 =	vld [tilespmem:s24+$0x5C00];
	_ =	sdelay $0x2  }
.Ltmp3:
0x6b: {  	(pc) =	sbr.rel @p1 .LBB2_9-.Ltmp3, $4  }
0x6c: {  	_ = 	snop  }
0x6d: {  	v2 =	vadd.f32 v1, v2  }
0x6e: {  	s26 =	sshra.s32 s25, $0x2  }
0x6f: {  	s25 =	sadd.s32 $0x40, s25;
	v1 =	vld [tilespmem:s26+$0x5E80];
	[tilespmem:s24+$0x5C00] =	vst v2;
	s24 =	smov.u32 s26  }
0x70: {  	v2 =	vld [tilespmem:s24+$0x5C00]  }
0x71: {  	s23 =	sadd.s32 $0x1, s23  }
0x72: {  	p1 =	sne.s32 s23, $0x10  }
.Ltmp4:
0x73: {  	_ = 	snop;
	(pc) =	sbr.rel @p1 .LBB2_8-.Ltmp4, $3  }
0x74: {  	_ = 	snop  }
0x75: {  	v1 =	vadd.f32 v1, v2;
	_ =	sdelay $0x1  }
0x76: {  	[tilespmem:s24+$0x5C00] =	vst v1  }
0x77: {  	[spmem:s11] =	stream.linear.scatter [tilespmem:s20], [sflag:$0x1], $0x280, $0x38;
	[tilespmem:$0x8B80] =	vst v63  }
0x78: {  	_ =	swait.ge [sflag:s16], $0x280  }
0x79: {  	[sflag:s16] =	ssyncset.done $0x0  }
0x7a: {  	s23 =	simm.s32 @!p0 $0x0;
	s24 =	simm.s32 @!p0 $0x5C00;
	[sflag:s16] =	ssyncadd.s32 $0xFFFFFD80  }
0x7b: {  	[hbm4b:s12+s23] =	stream.linear.scatter @!p0 [tilespmem:s24], [sflag:$0x1], $0x280, $0x38;
	[tilespmem:$0x8B80] =	vst v63  }
0x7c: {  	s23 =	simm.s32 @!p0 $0x1  }
0x7d: {  	_ =	swait.ge @!p0 [sflag:s23], $0x280  }
0x7e: {  	[sflag:s23] =	ssyncset.done @!p0 $0x0  }
0x7f: {  	[sflag:s23] =	ssyncadd.s32 @!p0 $0xFFFFFD80  }
0x80: {  	[bflag:$0x0] =	sbarrier.arrive $0xFFFF  }
0x81: {  	[tilespmem:s18], [sflag:$0x1] =	stream.linear.gather [spmem:s3], $0x2800, $0x38;
	[tilespmem:$0x8B80] =	vst v63  }
0x82: {  	_ =	swait.ge [sflag:s16], $0x2800  }
0x83: {  	[sflag:s16] =	ssyncset.done $0x0  }
0x84: {  	s24 =	simm.s32 $0x0;
	s23 =	simm.s32 $0x0;
	[sflag:s16] =	ssyncadd.s32 $0xFFFFD800  }
.LBB2_12:
0x85: {  	s25 =	sshll.u32 s24, $0xA  }
0x86: {  	s25 =	sadd.s32 s13, s25  }
0x87: {  	s25 =	sshrl.u32 s25, $0x3  }
0x88: {  	s26 =	sadd.s32 s1, s25  }
0x89: {  	[tilespmem:s23], [sflag:$0x1] =	stream.linear.gather [hbm4b:s26+s23], $0x400, $0x38;
	[tilespmem:$0x8B80] =	vst v63  }
0x8a: {  	_ =	swait.ge [sflag:s16], $0x400  }
0x8b: {  	[sflag:s16] =	ssyncset.done $0x0  }
0x8c: {  	s31 =	sadd.s32 s6, s25;
	[sflag:s16] =	ssyncadd.s32 $0xFFFFFC00  }
0x8d: {  	[tilespmem:s17], [sflag:$0x1] =	stream.linear.gather [hbm4b:s31+s23], $0x400, $0x38;
	[tilespmem:$0x8B80] =	vst v63  }
0x8e: {  	_ =	swait.ge [sflag:s16], $0x400  }
0x8f: {  	[sflag:s16] =	ssyncset.done $0x0  }
0x90: {  	s26 =	simm.s32 $0x0;
	[sflag:s16] =	ssyncadd.s32 $0xFFFFFC00  }
0x91: {  	v1 =	vld [tilespmem:s26+$0x400];
	_ =	sdelay $0x7  }
0x92: {  	v1 =	vld.idx.msk [tilespmem:v1+s18+$0x0], $0xffff  }
0x93: {  	v2 =	vld [tilespmem:s26+$0x0];
	_ =	sdelay $0x3  }
0x94: {  	(erf) = vrcp.f32 v1;
	_ =	sdelay $0x3  }
0x95: {  	s29 =	simm.s32 $0x10;
	s28 =	simm.s32 $0x80;
	v1 =	vld.idx.msk [tilespmem:v2+s15+$0x0], $0xffff  }
.LBB2_13:
0x96: {  	p1 =	sne.s32 s28, $0xFC0;
	v2 =	vld [tilespmem:s29+$0x400];
	_ =	sdelay $0x3  }
0x97: {  	v3 =	vpop (erf)  }
0x98: {  	v1 =	vmul.f32 v3, v1;
	_ =	sdelay $0x1  }
0x99: {  	[tilespmem:s26+$0x800] =	vst v1;
	s26 =	smov.u32 s29  }
0x9a: {  	v1 =	vld.idx.msk [tilespmem:v2+s18+$0x0], $0xffff;
	_ =	sdelay $0x1  }
0x9b: {  	v2 =	vld [tilespmem:s26+$0x0];
	_ =	sdelay $0x3  }
.Ltmp5:
0x9c: {  	(erf) = vrcp.f32 v1;
	(pc) =	sbr.rel @p1 .LBB2_13-.Ltmp5, $2  }
0x9d: {  	_ =	sdelay $0x2  }
0x9e: {  	s29 =	sshra.s32 s28, $0x2;
	s28 =	sadd.s32 $0x40, s28;
	v1 =	vld.idx.msk [tilespmem:v2+s15+$0x0], $0xffff  }
0x9f: {  	v2 =	vld [tilespmem:s29+$0x400];
	_ =	sdelay $0x3  }
0xa0: {  	v3 =	vpop (erf)  }
0xa1: {  	v1 =	vmul.f32 v3, v1;
	_ =	sdelay $0x1  }
0xa2: {  	[tilespmem:s26+$0x800] =	vst v1  }
0xa3: {  	v1 =	vld.idx.msk [tilespmem:v2+s18+$0x0], $0xffff;
	_ =	sdelay $0x1  }
0xa4: {  	v2 =	vld [tilespmem:s29+$0x0];
	_ =	sdelay $0x2  }
0xa5: {  	(erf) = vrcp.f32 v1;
	_ =	sdelay $0x4  }
0xa6: {  	v1 =	vld.idx.msk [tilespmem:v2+s15+$0x0], $0xffff;
	_ =	sdelay $0x3  }
0xa7: {  	v2 =	vpop (erf)  }
0xa8: {  	s24 =	sadd.s32 $0x1, s24;
	v1 =	vmul.f32 v2, v1  }
0xa9: {  	p1 =	sne.s32 s24, $0xA  }
.Ltmp6:
0xaa: {  	s25 =	sadd.s32 s7, s25;
	[tilespmem:s29+$0x800] =	vst v1;
	(pc) =	sbr.rel @p1 .LBB2_12-.Ltmp6, $4  }
0xab: {  	[hbm4b:s25+s5] =	stream.linear.scatter [tilespmem:s21], [sflag:$0x1], $0x400, $0x38;
	[tilespmem:$0x8B80] =	vst v63  }
0xac: {  	_ =	swait.ge [sflag:s16], $0x400  }
0xad: {  	[sflag:s16] =	ssyncset.done $0x0  }
0xae: {  	[sflag:s16] =	ssyncadd.s32 $0xFFFFFC00  }
0xaf: {  	s22 =	sadd.s32 $0x1, s22  }
0xb0: {  	p1 =	sne.s32 s22, s14  }
.Ltmp7:
0xb1: {  	_ = 	snop;
	(pc) =	sbr.rel @p1 .LBB2_1-.Ltmp7, $1  }
0xb2: {  	_ =	sdelay $0x3  }
0xb3: {  	_ =	sfence.sel $0x180000  }
0xb4: {  	[bflag:$0x0] =	sbarrier.arrive $0xFFFF  }
0xb5: {  	p0 =	sne.s32 s4, $0x0;
	_ =	strace $0x9000004A  }
0xb6: {  	s0 =	sadd.s32 @!p0 $0x100000, s0;
	[bflag:$0x2] =	sbarrier.arrive $0xFFFF  }
0xb7: {  	[sflag:s0] =	ssyncadd.tile.s32 @!p0 $0x1;
	_ =	shalt  }
.Lfunc_end2:
_tile_overlayer_lowered:
.L_overlay_start_2:
0xb8: {  	(tag) =	ssettag $0x2  }
0xb9: {  	s0 =	rddreg [dreg:$0x0];
	s2 =	stileid.u32  }
0xba: {  	s1 =	rddreg [dreg:$0x1];
	p0 =	sne.s32 s2, $0x0  }
0xbb: {  	s3 =	rddreg [dreg:$0x2];
	[bflag:$0x3] =	sbarrier.arrive $0xFFFF;
	s2 =	simm.s32 @!p0 $0x1C01  }
0xbc: {  	[timem:s3], [sflag:s2] =	dma.local @!p0 [hbm:s0], s1  }
0xbd: {  	s0 =	simm.s32 @!p0 $0x1  }
0xbe: {  	_ =	swait.ge @!p0 [sflag:s0], s1  }
0xbf: {  	s1 =	ssub.s32 @!p0 $0x0, s1;
	[sflag:s0] =	ssyncset.done @!p0 $0x0  }
0xc0: {  	[sflag:s0] =	ssyncadd.s32 @!p0 s1  }
0xc1: {  	[bflag:$0x3] =	sbarrier.arrive $0xFFFF  }
0xc2: {  	_ =	shalt  }

</sc_bundles>
